<compile_context>
chip_gen: v7x
topology: tpu7x:2x2x1
jax: 0.10.2.dev20260603
libtpu: 0.0.44.dev20260713+nightly
codegen_flags: <defaults>
</compile_context>

<pallas_src>
import functools

import jax
import jax.numpy as jnp
from jax import lax
from jax.experimental import pallas as pl
from jax.experimental.pallas import tpu as pltpu
from jax.experimental.pallas import tpu_sc as plsc

N = 10000
E = 160000
LB = 128
CW = 128
NS = 16
CPT = 80
E_PAD = NS * CPT * CW
ACC_ROWS = N + 8
RPT = 624
TAIL = N - NS * RPT

_f32 = jnp.float32



def _make_seg_sum(cb_total):
    my = cb_total // 2
    mesh = plsc.VectorSubcoreMesh(core_axis_name="c", subcore_axis_name="s")

    def body(*refs):
        src1, dst1, zs = refs[0:3]
        h_refs = refs[3:3 + cb_total]
        out_refs = refs[3 + cb_total:3 + 2 * cb_total]
        rest = refs[3 + 2 * cb_total:]
        shared, sidx1, didx1, r0, r1 = rest[0:5]
        rows = (r0, r1)
        gsem = rest[5:7]
        ssem = rest[7:9]
        c = lax.axis_index("c")
        s = lax.axis_index("s")
        rbase = s * RPT
        for cb in range(cb_total):
            @pl.when(c == cb // my)
            def _(cb=cb):
                pltpu.sync_copy(zs.at[pl.ds(0, RPT)],
                                shared.at[pl.ds(rbase, RPT)])

                @pl.when(s == 0)
                def _():
                    pltpu.sync_copy(
                        zs.at[pl.ds(0, ACC_ROWS - NS * RPT)],
                        shared.at[pl.ds(NS * RPT, ACC_ROWS - NS * RPT)])
                plsc.subcore_barrier()

                for half in range(2):
                    ebase = (s * CPT + half * (CPT // 2)) * CW
                    pltpu.sync_copy(src1.at[pl.ds(ebase, CPT // 2 * CW)],
                                    sidx1)
                    pltpu.sync_copy(dst1.at[pl.ds(ebase, CPT // 2 * CW)],
                                    didx1)

                    def chunk(j, carry):
                        off = pl.multiple_of(j * CW, CW)
                        pltpu.async_copy(
                            h_refs[cb].at[sidx1.at[pl.ds(off, CW)]],
                            rows[0], gsem[0]).wait()
                        pltpu.sync_copy(rows[0],
                                        shared.at[didx1.at[pl.ds(off, CW)]],
                                        add=True)
                        return carry

                    lax.fori_loop(0, CPT // 2, chunk, 0)

                plsc.subcore_barrier()
                pltpu.sync_copy(shared.at[pl.ds(rbase, RPT)],
                                out_refs[cb].at[pl.ds(rbase, RPT)])

                @pl.when(s == 0)
                def _():
                    pltpu.sync_copy(shared.at[pl.ds(NS * RPT, TAIL)],
                                    out_refs[cb].at[pl.ds(NS * RPT, TAIL)])

    out_type = tuple(jax.ShapeDtypeStruct((N, LB), _f32)
                     for _ in range(cb_total))
    scratch = (
        [pltpu.VMEM_SHARED((ACC_ROWS, LB), _f32),
         pltpu.VMEM((CPT // 2 * CW,), jnp.int32),
         pltpu.VMEM((CPT // 2 * CW,), jnp.int32),
         pltpu.VMEM((CW, LB), _f32),
         pltpu.VMEM((CW, LB), _f32)] +
        [pltpu.SemaphoreType.DMA] * 4)
    return pl.kernel(body, out_type=out_type, mesh=mesh,
                     scratch_types=scratch)



_ROWS = 1000


def _mlp_layer(cbi):
    ci = cbi * LB
    nout = 512 // LB

    def body(*refs):
        h_refs = refs[0:cbi]
        a_refs = refs[cbi:2 * cbi]
        w1, b1, w2, b2 = refs[2 * cbi:2 * cbi + 4]
        o_refs = refs[2 * cbi + 4:]
        z = jnp.concatenate(
            [h_refs[i][...] + a_refs[i][...] for i in range(cbi)], axis=1)
        t = jnp.maximum(
            jnp.dot(z, w1[...], preferred_element_type=_f32) + b1[...], 0.0)
        y = jnp.maximum(
            jnp.dot(t, w2[...], preferred_element_type=_f32) + b2[...], 0.0)
        for i in range(nout):
            o_refs[i][...] = y[:, LB * i:LB * (i + 1)]

    blk = pl.BlockSpec((_ROWS, LB), lambda i: (i, 0))
    in_specs = (
        [blk] * cbi + [blk] * cbi +
        [pl.BlockSpec((ci, 512), lambda i: (0, 0)),
         pl.BlockSpec((1, 512), lambda i: (0, 0)),
         pl.BlockSpec((512, 512), lambda i: (0, 0)),
         pl.BlockSpec((1, 512), lambda i: (0, 0))])
    out_specs = [blk] * nout
    return pl.pallas_call(
        body,
        grid=(N // _ROWS,),
        in_specs=in_specs,
        out_specs=out_specs,
        out_shape=tuple(jax.ShapeDtypeStruct((N, LB), _f32)
                        for _ in range(nout)),
    )


def _mlp_final():
    nin = 512 // LB

    def body(*refs):
        h_refs = refs[0:nin]
        a_refs = refs[nin:2 * nin]
        w1, b1, w2, b2, lw, lb_, o_ref = refs[2 * nin:]
        z = jnp.concatenate(
            [h_refs[i][...] + a_refs[i][...] for i in range(nin)], axis=1)
        t = jnp.maximum(
            jnp.dot(z, w1[...], preferred_element_type=_f32) + b1[...], 0.0)
        y = jnp.maximum(
            jnp.dot(t, w2[...], preferred_element_type=_f32) + b2[...], 0.0)
        o_ref[...] = jnp.dot(y, lw[...], preferred_element_type=_f32) + lb_[...]

    blk = pl.BlockSpec((_ROWS, LB), lambda i: (i, 0))
    in_specs = (
        [blk] * (2 * nin) +
        [pl.BlockSpec((512, 512), lambda i: (0, 0)),
         pl.BlockSpec((1, 512), lambda i: (0, 0)),
         pl.BlockSpec((512, 512), lambda i: (0, 0)),
         pl.BlockSpec((1, 512), lambda i: (0, 0)),
         pl.BlockSpec((512, 256), lambda i: (0, 0)),
         pl.BlockSpec((1, 256), lambda i: (0, 0))])
    return pl.pallas_call(
        body,
        grid=(N // _ROWS,),
        in_specs=in_specs,
        out_specs=pl.BlockSpec((_ROWS, 256), lambda i: (i, 0)),
        out_shape=jax.ShapeDtypeStruct((N, 256), _f32),
    )



def kernel(x, edge_index, W1_0, b1_0, W2_0, b2_0, W1_1, b1_1, W2_1, b2_1,
           W1_2, b1_2, W2_2, b2_2, lin_W, lin_b):
    src = edge_index[0]
    dst = edge_index[1]
    pad = E_PAD - E
    src = jnp.concatenate([src, jnp.zeros((pad,), jnp.int32)])
    dst = jnp.concatenate([dst, jnp.full((pad,), N, jnp.int32)])
    zeros_rows = jnp.zeros((RPT, LB), _f32)

    nb_in = 256 // LB
    nb_hid = 512 // LB
    seg_in = _make_seg_sum(nb_in)
    seg_hid = _make_seg_sum(nb_hid)
    mlp_in = _mlp_layer(nb_in)
    mlp_hid = _mlp_layer(nb_hid)
    mlpf = _mlp_final()

    h = [x[:, LB * i:LB * (i + 1)] for i in range(nb_in)]
    agg = seg_in(src, dst, zeros_rows, *h)
    h = mlp_in(*h, *agg, W1_0, b1_0.reshape(1, -1), W2_0, b2_0.reshape(1, -1))
    agg = seg_hid(src, dst, zeros_rows, *h)
    h = mlp_hid(*h, *agg, W1_1, b1_1.reshape(1, -1), W2_1, b2_1.reshape(1, -1))
    agg = seg_hid(src, dst, zeros_rows, *h)
    return mlpf(*h, *agg, W1_2, b1_2.reshape(1, -1), W2_2, b2_2.reshape(1, -1),
                lin_W, lin_b.reshape(1, -1))

# --- scband reference (transcript-rebuilt; emitter-appended) ---
"""Pipeline reference for scband-gin-36000415875157 (READ-ONLY COPY).

The authoritative reference and input builder live on the scoring server;
editing this copy changes nothing except your own understanding.
"""

import jax, jax.numpy as jnp
import numpy as np

N = 10000
E = 160000
IN_C = 256
HID = 512
OUT_C = 256

def setup_inputs(seed: int = 0):
    key = jax.random.key(seed)
    ks = jax.random.split(key, 20)
    inp = {}
    inp["x"] = jax.random.normal(ks[0], (N, IN_C), dtype=jnp.float32)
    inp["edge_index"] = jax.random.randint(ks[1], (2, E), 0, N, dtype=jnp.int32)
    dims = [(IN_C, HID), (HID, HID), (HID, HID)]
    for i, (din, dh) in enumerate(dims):
        inp[f"W1_{i}"] = jax.random.normal(ks[2 + 4 * i], (din, dh), dtype=jnp.float32) * (1.0 / np.sqrt(din))
        inp[f"b1_{i}"] = jnp.zeros((dh,), dtype=jnp.float32)
        inp[f"W2_{i}"] = jax.random.normal(ks[3 + 4 * i], (dh, dh), dtype=jnp.float32) * (1.0 / np.sqrt(dh))
        inp[f"b2_{i}"] = jnp.zeros((dh,), dtype=jnp.float32)
    inp["lin_W"] = jax.random.normal(ks[15], (HID, OUT_C), dtype=jnp.float32) * (1.0 / np.sqrt(HID))
    inp["lin_b"] = jnp.zeros((OUT_C,), dtype=jnp.float32)
    return inp

def _gin_conv(x, src, dst, W1, b1, W2, b2):
    # GINConv with eps=0: nn((1+eps)*x + sum_{j in N(i)} x_j)
    agg = jax.ops.segment_sum(x[src], dst, num_segments=N)
    h = x + agg
    h = jnp.maximum(h @ W1 + b1, 0.0)
    return h @ W2 + b2

def reference(x, edge_index, W1_0, b1_0, W2_0, b2_0, W1_1, b1_1, W2_1, b2_1, W1_2, b1_2, W2_2, b2_2, lin_W, lin_b):
    src = edge_index[0]
    dst = edge_index[1]
    params = [(W1_0, b1_0, W2_0, b2_0), (W1_1, b1_1, W2_1, b2_1), (W1_2, b1_2, W2_2, b2_2)]
    h = x
    for (W1, b1, W2, b2) in params:
        h = _gin_conv(h, src, dst, W1, b1, W2, b2)
        h = jnp.maximum(h, 0.0)
    # batch is None -> no global_mean_pool
    return h @ lin_W + lin_b

if __name__ == "__main__":
    import jax
    _d = setup_inputs()
    print(jax.jit(kernel)(*tuple(_d.values())))

</pallas_src>

<mosaic_0001>
#map = affine_map<(d0, d1) -> (0)>
#map1 = affine_map<(d0, d1) -> (0, 0)>
module attributes {stable_mosaic.version = 14 : i64} {
  func.func @body(%arg0: i32, %arg1: i32, %arg2: memref<163840xi32, #tpu.memory_space<hbm>>, %arg3: memref<163840xi32, #tpu.memory_space<hbm>>, %arg4: memref<624x128xf32, #tpu.memory_space<hbm>>, %arg5: memref<10000x128xf32, #tpu.memory_space<hbm>>, %arg6: memref<10000x128xf32, #tpu.memory_space<hbm>>, %arg7: memref<10000x128xf32, #tpu.memory_space<hbm>>, %arg8: memref<10000x128xf32, #tpu.memory_space<hbm>>, %arg9: memref<10008x128xf32, #tpu.memory_space<vmem_shared>>, %arg10: memref<5120xi32, #tpu.memory_space<vmem>>, %arg11: memref<5120xi32, #tpu.memory_space<vmem>>, %arg12: memref<128x128xf32, #tpu.memory_space<vmem>>, %arg13: memref<128x128xf32, #tpu.memory_space<vmem>>, %arg14: memref<!tpu.dma_semaphore, #tpu.memory_space<semaphore_mem>>, %arg15: memref<!tpu.dma_semaphore, #tpu.memory_space<semaphore_mem>>, %arg16: memref<!tpu.dma_semaphore, #tpu.memory_space<semaphore_mem>>, %arg17: memref<!tpu.dma_semaphore, #tpu.memory_space<semaphore_mem>>) attributes {dimension_semantics = [#tpu.dimension_semantics<core_parallel>, #tpu.dimension_semantics<subcore_parallel>], iteration_bounds = array<i64: 2, 16>, scalar_prefetch = 0 : i64, scratch_operands = 9 : i64, tpu.core_type = #tpu.core_type<sc_vector_subcore>, window_params = [{transform_indices = #map}, {transform_indices = #map}, {transform_indices = #map1}, {transform_indices = #map1}, {transform_indices = #map1}, {transform_indices = #map1}, {transform_indices = #map1}]} {
    %mul3A = arith.constant 624 : i32
    %mul3A_0 = arith.muli %arg1, %mul3A : i32
    %eq3A = arith.constant 0 : i32
    %eq3A_1 = arith.cmpi eq, %arg0, %eq3A : i32
    %convert_element_type3A = arith.extui %eq3A_1 : i1 to i32
    %cond3A = arith.constant 0 : i32
    %cond3A_2 = arith.cmpi ne, %convert_element_type3A, %cond3A : i32
    scf.if %cond3A_2 {
      "tpu.region"() ({
        %run_scoped3A = tpu.sem_alloc : memref<!tpu.dma_semaphore, #tpu.memory_space<semaphore_mem>>
        %dma_start3A = arith.constant 0 : i32
        %dma_start3A_41 = tpu.memref_slice %arg9[%mul3A_0, %dma_start3A] : memref<10008x128xf32, #tpu.memory_space<vmem_shared>> -> memref<624x128xf32, #tpu.memory_space<vmem_shared>>
        %dma_start3A_42 = arith.constant 0 : i32
        %dma_start3A_43 = arith.constant 0 : i32
        %dma_start3A_44 = tpu.memref_slice %arg4[%dma_start3A_42, %dma_start3A_43] : memref<624x128xf32, #tpu.memory_space<hbm>> -> memref<624x128xf32, #tpu.memory_space<hbm>>
        tpu.enqueue_dma source(%dma_start3A_44 : memref<624x128xf32, #tpu.memory_space<hbm>>) target(%dma_start3A_41 : memref<624x128xf32, #tpu.memory_space<vmem_shared>>) target_semaphore(%run_scoped3A : memref<!tpu.dma_semaphore, #tpu.memory_space<semaphore_mem>>)
        %dma_wait3A = arith.constant 0 : i32
        %dma_wait3A_45 = tpu.memref_slice %arg9[%mul3A_0, %dma_wait3A] : memref<10008x128xf32, #tpu.memory_space<vmem_shared>> -> memref<624x128xf32, #tpu.memory_space<vmem_shared>>
        %dma_wait3A_46 = arith.constant 0 : i32
        %dma_wait3A_47 = arith.constant 0 : i32
        %dma_wait3A_48 = tpu.memref_slice %arg4[%dma_wait3A_46, %dma_wait3A_47] : memref<624x128xf32, #tpu.memory_space<hbm>> -> memref<624x128xf32, #tpu.memory_space<hbm>>
        tpu.wait_dma2 semaphore(%run_scoped3A : memref<!tpu.dma_semaphore, #tpu.memory_space<semaphore_mem>>) src(%dma_wait3A_48 : memref<624x128xf32, #tpu.memory_space<hbm>>) dst(%dma_wait3A_45 : memref<624x128xf32, #tpu.memory_space<vmem_shared>>)
        tpu.yield
      }) : () -> ()
      %eq3A_8 = arith.constant 0 : i32
      %eq3A_9 = arith.cmpi eq, %arg1, %eq3A_8 : i32
      %convert_element_type3A_10 = arith.extui %eq3A_9 : i1 to i32
      %cond3A_11 = arith.constant 0 : i32
      %cond3A_12 = arith.cmpi ne, %convert_element_type3A_10, %cond3A_11 : i32
      scf.if %cond3A_12 {
        "tpu.region"() ({
          %run_scoped3A = tpu.sem_alloc : memref<!tpu.dma_semaphore, #tpu.memory_space<semaphore_mem>>
          %dma_start3A = arith.constant 9984 : i32
          %dma_start3A_41 = arith.constant 0 : i32
          %dma_start3A_42 = tpu.memref_slice %arg9[%dma_start3A, %dma_start3A_41] : memref<10008x128xf32, #tpu.memory_space<vmem_shared>> -> memref<24x128xf32, #tpu.memory_space<vmem_shared>>
          %dma_start3A_43 = arith.constant 0 : i32
          %dma_start3A_44 = arith.constant 0 : i32
          %dma_start3A_45 = tpu.memref_slice %arg4[%dma_start3A_43, %dma_start3A_44] : memref<624x128xf32, #tpu.memory_space<hbm>> -> memref<24x128xf32, #tpu.memory_space<hbm>>
          tpu.enqueue_dma source(%dma_start3A_45 : memref<24x128xf32, #tpu.memory_space<hbm>>) target(%dma_start3A_42 : memref<24x128xf32, #tpu.memory_space<vmem_shared>>) target_semaphore(%run_scoped3A : memref<!tpu.dma_semaphore, #tpu.memory_space<semaphore_mem>>)
          %dma_wait3A = arith.constant 9984 : i32
          %dma_wait3A_46 = arith.constant 0 : i32
          %dma_wait3A_47 = tpu.memref_slice %arg9[%dma_wait3A, %dma_wait3A_46] : memref<10008x128xf32, #tpu.memory_space<vmem_shared>> -> memref<24x128xf32, #tpu.memory_space<vmem_shared>>
          %dma_wait3A_48 = arith.constant 0 : i32
          %dma_wait3A_49 = arith.constant 0 : i32
          %dma_wait3A_50 = tpu.memref_slice %arg4[%dma_wait3A_48, %dma_wait3A_49] : memref<624x128xf32, #tpu.memory_space<hbm>> -> memref<24x128xf32, #tpu.memory_space<hbm>>
          tpu.wait_dma2 semaphore(%run_scoped3A : memref<!tpu.dma_semaphore, #tpu.memory_space<semaphore_mem>>) src(%dma_wait3A_50 : memref<24x128xf32, #tpu.memory_space<hbm>>) dst(%dma_wait3A_47 : memref<24x128xf32, #tpu.memory_space<vmem_shared>>)
          tpu.yield
        }) : () -> ()
      } else {
      }
      %barrier3A = arith.constant 0 : index
      tpu.barrier barrier_id(%barrier3A)
      %mul3A_13 = arith.constant 80 : i32
      %mul3A_14 = arith.muli %arg1, %mul3A_13 : i32
      %add3A = arith.constant 0 : i32
      %add3A_15 = arith.addi %mul3A_14, %add3A : i32
      %mul3A_16 = arith.constant 128 : i32
      %mul3A_17 = arith.muli %add3A_15, %mul3A_16 : i32
      "tpu.region"() ({
        %run_scoped3A = tpu.sem_alloc : memref<!tpu.dma_semaphore, #tpu.memory_space<semaphore_mem>>
        %dma_start3A = tpu.memref_slice %arg2[%mul3A_17] : memref<163840xi32, #tpu.memory_space<hbm>> -> memref<5120xi32, #tpu.memory_space<hbm>>
        %dma_start3A_41 = tpu.memref_slice %arg2[%mul3A_17] : memref<163840xi32, #tpu.memory_space<hbm>> -> memref<5120xi32, #tpu.memory_space<hbm>>
        tpu.enqueue_dma source(%dma_start3A_41 : memref<5120xi32, #tpu.memory_space<hbm>>) target(%arg10 : memref<5120xi32, #tpu.memory_space<vmem>>) target_semaphore(%run_scoped3A : memref<!tpu.dma_semaphore, #tpu.memory_space<semaphore_mem>>)
        %dma_wait3A = tpu.memref_slice %arg2[%mul3A_17] : memref<163840xi32, #tpu.memory_space<hbm>> -> memref<5120xi32, #tpu.memory_space<hbm>>
        %dma_wait3A_42 = tpu.memref_slice %arg2[%mul3A_17] : memref<163840xi32, #tpu.memory_space<hbm>> -> memref<5120xi32, #tpu.memory_space<hbm>>
        tpu.wait_dma2 semaphore(%run_scoped3A : memref<!tpu.dma_semaphore, #tpu.memory_space<semaphore_mem>>) src(%dma_wait3A_42 : memref<5120xi32, #tpu.memory_space<hbm>>) dst(%arg10 : memref<5120xi32, #tpu.memory_space<vmem>>)
        tpu.yield
      }) : () -> ()
      "tpu.region"() ({
        %run_scoped3A = tpu.sem_alloc : memref<!tpu.dma_semaphore, #tpu.memory_space<semaphore_mem>>
        %dma_start3A = tpu.memref_slice %arg3[%mul3A_17] : memref<163840xi32, #tpu.memory_space<hbm>> -> memref<5120xi32, #tpu.memory_space<hbm>>
        %dma_start3A_41 = tpu.memref_slice %arg3[%mul3A_17] : memref<163840xi32, #tpu.memory_space<hbm>> -> memref<5120xi32, #tpu.memory_space<hbm>>
        tpu.enqueue_dma source(%dma_start3A_41 : memref<5120xi32, #tpu.memory_space<hbm>>) target(%arg11 : memref<5120xi32, #tpu.memory_space<vmem>>) target_semaphore(%run_scoped3A : memref<!tpu.dma_semaphore, #tpu.memory_space<semaphore_mem>>)
        %dma_wait3A = tpu.memref_slice %arg3[%mul3A_17] : memref<163840xi32, #tpu.memory_space<hbm>> -> memref<5120xi32, #tpu.memory_space<hbm>>
        %dma_wait3A_42 = tpu.memref_slice %arg3[%mul3A_17] : memref<163840xi32, #tpu.memory_space<hbm>> -> memref<5120xi32, #tpu.memory_space<hbm>>
        tpu.wait_dma2 semaphore(%run_scoped3A : memref<!tpu.dma_semaphore, #tpu.memory_space<semaphore_mem>>) src(%dma_wait3A_42 : memref<5120xi32, #tpu.memory_space<hbm>>) dst(%arg11 : memref<5120xi32, #tpu.memory_space<vmem>>)
        tpu.yield
      }) : () -> ()
      %scan3A = arith.constant 0 : i32
      %scan3A_18 = arith.constant 0 : i32
      %scan3A_19 = arith.constant 40 : i32
      %scan3A_20 = arith.addi %scan3A_18, %scan3A_19 : i32
      %scan3A_21 = arith.constant 1 : i32
      scf.for %scan3A_41 = %scan3A_18 to %scan3A_20 step %scan3A_21  : i32 {
        %mul3A_42 = arith.constant 128 : i32
        %mul3A_43 = arith.muli %scan3A_41, %mul3A_42 : i32
        %multiple_of3A = tpu.assume_multiple %mul3A_43, 128 : i32
        %dma_start3A = tpu.memref_slice %arg10[%multiple_of3A] : memref<5120xi32, #tpu.memory_space<vmem>> -> memref<128xi32, #tpu.memory_space<vmem>>
        %dma_start3A_44 = arith.constant 0 : i32
        %dma_start3A_45 = arith.constant 0 : i32
        %dma_start3A_46 = tpu.memref_slice %arg5[%dma_start3A_44, %dma_start3A_45] : memref<10000x128xf32, #tpu.memory_space<hbm>> -> memref<10000x128xf32, #tpu.memory_space<hbm>>
        tpu.enqueue_indirect_dma source(%dma_start3A_46 : memref<10000x128xf32, #tpu.memory_space<hbm>>) target(%arg12 : memref<128x128xf32, #tpu.memory_space<vmem>>) offsets(%dma_start3A : memref<128xi32, #tpu.memory_space<vmem>>) semaphore(%arg14 : memref<!tpu.dma_semaphore, #tpu.memory_space<semaphore_mem>>)
        %dma_wait3A = tpu.memref_slice %arg10[%multiple_of3A] : memref<5120xi32, #tpu.memory_space<vmem>> -> memref<128xi32, #tpu.memory_space<vmem>>
        %dma_wait3A_47 = arith.constant 0 : i32
        %dma_wait3A_48 = arith.constant 0 : i32
        %dma_wait3A_49 = tpu.memref_slice %arg5[%dma_wait3A_47, %dma_wait3A_48] : memref<10000x128xf32, #tpu.memory_space<hbm>> -> memref<10000x128xf32, #tpu.memory_space<hbm>>
        tpu.wait_indirect_dma semaphore(%arg14 : memref<!tpu.dma_semaphore, #tpu.memory_space<semaphore_mem>>) src(%dma_wait3A_49 : memref<10000x128xf32, #tpu.memory_space<hbm>>) dst(%arg12 : memref<128x128xf32, #tpu.memory_space<vmem>>)
        "tpu.region"() ({
          %run_scoped3A = tpu.sem_alloc : memref<!tpu.dma_semaphore, #tpu.memory_space<semaphore_mem>>
          %dma_start3A_50 = tpu.memref_slice %arg11[%multiple_of3A] : memref<5120xi32, #tpu.memory_space<vmem>> -> memref<128xi32, #tpu.memory_space<vmem>>
          %dma_start3A_51 = arith.constant 0 : i32
          %dma_start3A_52 = arith.constant 0 : i32
          %dma_start3A_53 = tpu.memref_slice %arg9[%dma_start3A_51, %dma_start3A_52] : memref<10008x128xf32, #tpu.memory_space<vmem_shared>> -> memref<10008x128xf32, #tpu.memory_space<vmem_shared>>
          tpu.enqueue_indirect_dma source(%arg12 : memref<128x128xf32, #tpu.memory_space<vmem>>) target(%dma_start3A_53 : memref<10008x128xf32, #tpu.memory_space<vmem_shared>>) offsets(%dma_start3A_50 : memref<128xi32, #tpu.memory_space<vmem>>) semaphore(%run_scoped3A : memref<!tpu.dma_semaphore, #tpu.memory_space<semaphore_mem>>) {add = true}
          %dma_wait3A_54 = tpu.memref_slice %arg11[%multiple_of3A] : memref<5120xi32, #tpu.memory_space<vmem>> -> memref<128xi32, #tpu.memory_space<vmem>>
          %dma_wait3A_55 = arith.constant 0 : i32
          %dma_wait3A_56 = arith.constant 0 : i32
          %dma_wait3A_57 = tpu.memref_slice %arg9[%dma_wait3A_55, %dma_wait3A_56] : memref<10008x128xf32, #tpu.memory_space<vmem_shared>> -> memref<10008x128xf32, #tpu.memory_space<vmem_shared>>
          tpu.wait_indirect_dma semaphore(%run_scoped3A : memref<!tpu.dma_semaphore, #tpu.memory_space<semaphore_mem>>) src(%arg12 : memref<128x128xf32, #tpu.memory_space<vmem>>) dst(%dma_wait3A_57 : memref<10008x128xf32, #tpu.memory_space<vmem_shared>>)
          tpu.yield
        }) : () -> ()
      }
      %scan3A_22 = arith.constant 40 : i32
      %mul3A_23 = arith.constant 80 : i32
      %mul3A_24 = arith.muli %arg1, %mul3A_23 : i32
      %add3A_25 = arith.constant 40 : i32
      %add3A_26 = arith.addi %mul3A_24, %add3A_25 : i32
      %mul3A_27 = arith.constant 128 : i32
      %mul3A_28 = arith.muli %add3A_26, %mul3A_27 : i32
      "tpu.region"() ({
        %run_scoped3A = tpu.sem_alloc : memref<!tpu.dma_semaphore, #tpu.memory_space<semaphore_mem>>
        %dma_start3A = tpu.memref_slice %arg2[%mul3A_28] : memref<163840xi32, #tpu.memory_space<hbm>> -> memref<5120xi32, #tpu.memory_space<hbm>>
        %dma_start3A_41 = tpu.memref_slice %arg2[%mul3A_28] : memref<163840xi32, #tpu.memory_space<hbm>> -> memref<5120xi32, #tpu.memory_space<hbm>>
        tpu.enqueue_dma source(%dma_start3A_41 : memref<5120xi32, #tpu.memory_space<hbm>>) target(%arg10 : memref<5120xi32, #tpu.memory_space<vmem>>) target_semaphore(%run_scoped3A : memref<!tpu.dma_semaphore, #tpu.memory_space<semaphore_mem>>)
        %dma_wait3A = tpu.memref_slice %arg2[%mul3A_28] : memref<163840xi32, #tpu.memory_space<hbm>> -> memref<5120xi32, #tpu.memory_space<hbm>>
        %dma_wait3A_42 = tpu.memref_slice %arg2[%mul3A_28] : memref<163840xi32, #tpu.memory_space<hbm>> -> memref<5120xi32, #tpu.memory_space<hbm>>
        tpu.wait_dma2 semaphore(%run_scoped3A : memref<!tpu.dma_semaphore, #tpu.memory_space<semaphore_mem>>) src(%dma_wait3A_42 : memref<5120xi32, #tpu.memory_space<hbm>>) dst(%arg10 : memref<5120xi32, #tpu.memory_space<vmem>>)
        tpu.yield
      }) : () -> ()
      "tpu.region"() ({
        %run_scoped3A = tpu.sem_alloc : memref<!tpu.dma_semaphore, #tpu.memory_space<semaphore_mem>>
        %dma_start3A = tpu.memref_slice %arg3[%mul3A_28] : memref<163840xi32, #tpu.memory_space<hbm>> -> memref<5120xi32, #tpu.memory_space<hbm>>
        %dma_start3A_41 = tpu.memref_slice %arg3[%mul3A_28] : memref<163840xi32, #tpu.memory_space<hbm>> -> memref<5120xi32, #tpu.memory_space<hbm>>
        tpu.enqueue_dma source(%dma_start3A_41 : memref<5120xi32, #tpu.memory_space<hbm>>) target(%arg11 : memref<5120xi32, #tpu.memory_space<vmem>>) target_semaphore(%run_scoped3A : memref<!tpu.dma_semaphore, #tpu.memory_space<semaphore_mem>>)
        %dma_wait3A = tpu.memref_slice %arg3[%mul3A_28] : memref<163840xi32, #tpu.memory_space<hbm>> -> memref<5120xi32, #tpu.memory_space<hbm>>
        %dma_wait3A_42 = tpu.memref_slice %arg3[%mul3A_28] : memref<163840xi32, #tpu.memory_space<hbm>> -> memref<5120xi32, #tpu.memory_space<hbm>>
        tpu.wait_dma2 semaphore(%run_scoped3A : memref<!tpu.dma_semaphore, #tpu.memory_space<semaphore_mem>>) src(%dma_wait3A_42 : memref<5120xi32, #tpu.memory_space<hbm>>) dst(%arg11 : memref<5120xi32, #tpu.memory_space<vmem>>)
        tpu.yield
      }) : () -> ()
      %scan3A_29 = arith.constant 0 : i32
      %scan3A_30 = arith.constant 0 : i32
      %scan3A_31 = arith.constant 40 : i32
      %scan3A_32 = arith.addi %scan3A_30, %scan3A_31 : i32
      %scan3A_33 = arith.constant 1 : i32
      scf.for %scan3A_41 = %scan3A_30 to %scan3A_32 step %scan3A_33  : i32 {
        %mul3A_42 = arith.constant 128 : i32
        %mul3A_43 = arith.muli %scan3A_41, %mul3A_42 : i32
        %multiple_of3A = tpu.assume_multiple %mul3A_43, 128 : i32
        %dma_start3A = tpu.memref_slice %arg10[%multiple_of3A] : memref<5120xi32, #tpu.memory_space<vmem>> -> memref<128xi32, #tpu.memory_space<vmem>>
        %dma_start3A_44 = arith.constant 0 : i32
        %dma_start3A_45 = arith.constant 0 : i32
        %dma_start3A_46 = tpu.memref_slice %arg5[%dma_start3A_44, %dma_start3A_45] : memref<10000x128xf32, #tpu.memory_space<hbm>> -> memref<10000x128xf32, #tpu.memory_space<hbm>>
        tpu.enqueue_indirect_dma source(%dma_start3A_46 : memref<10000x128xf32, #tpu.memory_space<hbm>>) target(%arg12 : memref<128x128xf32, #tpu.memory_space<vmem>>) offsets(%dma_start3A : memref<128xi32, #tpu.memory_space<vmem>>) semaphore(%arg14 : memref<!tpu.dma_semaphore, #tpu.memory_space<semaphore_mem>>)
        %dma_wait3A = tpu.memref_slice %arg10[%multiple_of3A] : memref<5120xi32, #tpu.memory_space<vmem>> -> memref<128xi32, #tpu.memory_space<vmem>>
        %dma_wait3A_47 = arith.constant 0 : i32
        %dma_wait3A_48 = arith.constant 0 : i32
        %dma_wait3A_49 = tpu.memref_slice %arg5[%dma_wait3A_47, %dma_wait3A_48] : memref<10000x128xf32, #tpu.memory_space<hbm>> -> memref<10000x128xf32, #tpu.memory_space<hbm>>
        tpu.wait_indirect_dma semaphore(%arg14 : memref<!tpu.dma_semaphore, #tpu.memory_space<semaphore_mem>>) src(%dma_wait3A_49 : memref<10000x128xf32, #tpu.memory_space<hbm>>) dst(%arg12 : memref<128x128xf32, #tpu.memory_space<vmem>>)
        "tpu.region"() ({
          %run_scoped3A = tpu.sem_alloc : memref<!tpu.dma_semaphore, #tpu.memory_space<semaphore_mem>>
          %dma_start3A_50 = tpu.memref_slice %arg11[%multiple_of3A] : memref<5120xi32, #tpu.memory_space<vmem>> -> memref<128xi32, #tpu.memory_space<vmem>>
          %dma_start3A_51 = arith.constant 0 : i32
          %dma_start3A_52 = arith.constant 0 : i32
          %dma_start3A_53 = tpu.memref_slice %arg9[%dma_start3A_51, %dma_start3A_52] : memref<10008x128xf32, #tpu.memory_space<vmem_shared>> -> memref<10008x128xf32, #tpu.memory_space<vmem_shared>>
          tpu.enqueue_indirect_dma source(%arg12 : memref<128x128xf32, #tpu.memory_space<vmem>>) target(%dma_start3A_53 : memref<10008x128xf32, #tpu.memory_space<vmem_shared>>) offsets(%dma_start3A_50 : memref<128xi32, #tpu.memory_space<vmem>>) semaphore(%run_scoped3A : memref<!tpu.dma_semaphore, #tpu.memory_space<semaphore_mem>>) {add = true}
          %dma_wait3A_54 = tpu.memref_slice %arg11[%multiple_of3A] : memref<5120xi32, #tpu.memory_space<vmem>> -> memref<128xi32, #tpu.memory_space<vmem>>
          %dma_wait3A_55 = arith.constant 0 : i32
          %dma_wait3A_56 = arith.constant 0 : i32
          %dma_wait3A_57 = tpu.memref_slice %arg9[%dma_wait3A_55, %dma_wait3A_56] : memref<10008x128xf32, #tpu.memory_space<vmem_shared>> -> memref<10008x128xf32, #tpu.memory_space<vmem_shared>>
          tpu.wait_indirect_dma semaphore(%run_scoped3A : memref<!tpu.dma_semaphore, #tpu.memory_space<semaphore_mem>>) src(%arg12 : memref<128x128xf32, #tpu.memory_space<vmem>>) dst(%dma_wait3A_57 : memref<10008x128xf32, #tpu.memory_space<vmem_shared>>)
          tpu.yield
        }) : () -> ()
      }
      %scan3A_34 = arith.constant 40 : i32
      %barrier3A_35 = arith.constant 0 : index
      tpu.barrier barrier_id(%barrier3A_35)
      "tpu.region"() ({
        %run_scoped3A = tpu.sem_alloc : memref<!tpu.dma_semaphore, #tpu.memory_space<semaphore_mem>>
        %dma_start3A = arith.constant 0 : i32
        %dma_start3A_41 = tpu.memref_slice %arg7[%mul3A_0, %dma_start3A] : memref<10000x128xf32, #tpu.memory_space<hbm>> -> memref<624x128xf32, #tpu.memory_space<hbm>>
        %dma_start3A_42 = arith.constant 0 : i32
        %dma_start3A_43 = tpu.memref_slice %arg9[%mul3A_0, %dma_start3A_42] : memref<10008x128xf32, #tpu.memory_space<vmem_shared>> -> memref<624x128xf32, #tpu.memory_space<vmem_shared>>
        tpu.enqueue_dma source(%dma_start3A_43 : memref<624x128xf32, #tpu.memory_space<vmem_shared>>) target(%dma_start3A_41 : memref<624x128xf32, #tpu.memory_space<hbm>>) target_semaphore(%run_scoped3A : memref<!tpu.dma_semaphore, #tpu.memory_space<semaphore_mem>>)
        %dma_wait3A = arith.constant 0 : i32
        %dma_wait3A_44 = tpu.memref_slice %arg7[%mul3A_0, %dma_wait3A] : memref<10000x128xf32, #tpu.memory_space<hbm>> -> memref<624x128xf32, #tpu.memory_space<hbm>>
        %dma_wait3A_45 = arith.constant 0 : i32
        %dma_wait3A_46 = tpu.memref_slice %arg9[%mul3A_0, %dma_wait3A_45] : memref<10008x128xf32, #tpu.memory_space<vmem_shared>> -> memref<624x128xf32, #tpu.memory_space<vmem_shared>>
        tpu.wait_dma2 semaphore(%run_scoped3A : memref<!tpu.dma_semaphore, #tpu.memory_space<semaphore_mem>>) src(%dma_wait3A_46 : memref<624x128xf32, #tpu.memory_space<vmem_shared>>) dst(%dma_wait3A_44 : memref<624x128xf32, #tpu.memory_space<hbm>>)
        tpu.yield
      }) : () -> ()
      %eq3A_36 = arith.constant 0 : i32
      %eq3A_37 = arith.cmpi eq, %arg1, %eq3A_36 : i32
      %convert_element_type3A_38 = arith.extui %eq3A_37 : i1 to i32
      %cond3A_39 = arith.constant 0 : i32
      %cond3A_40 = arith.cmpi ne, %convert_element_type3A_38, %cond3A_39 : i32
      scf.if %cond3A_40 {
        "tpu.region"() ({
          %run_scoped3A = tpu.sem_alloc : memref<!tpu.dma_semaphore, #tpu.memory_space<semaphore_mem>>
          %dma_start3A = arith.constant 9984 : i32
          %dma_start3A_41 = arith.constant 0 : i32
          %dma_start3A_42 = tpu.memref_slice %arg7[%dma_start3A, %dma_start3A_41] : memref<10000x128xf32, #tpu.memory_space<hbm>> -> memref<16x128xf32, #tpu.memory_space<hbm>>
          %dma_start3A_43 = arith.constant 9984 : i32
          %dma_start3A_44 = arith.constant 0 : i32
          %dma_start3A_45 = tpu.memref_slice %arg9[%dma_start3A_43, %dma_start3A_44] : memref<10008x128xf32, #tpu.memory_space<vmem_shared>> -> memref<16x128xf32, #tpu.memory_space<vmem_shared>>
          tpu.enqueue_dma source(%dma_start3A_45 : memref<16x128xf32, #tpu.memory_space<vmem_shared>>) target(%dma_start3A_42 : memref<16x128xf32, #tpu.memory_space<hbm>>) target_semaphore(%run_scoped3A : memref<!tpu.dma_semaphore, #tpu.memory_space<semaphore_mem>>)
          %dma_wait3A = arith.constant 9984 : i32
          %dma_wait3A_46 = arith.constant 0 : i32
          %dma_wait3A_47 = tpu.memref_slice %arg7[%dma_wait3A, %dma_wait3A_46] : memref<10000x128xf32, #tpu.memory_space<hbm>> -> memref<16x128xf32, #tpu.memory_space<hbm>>
          %dma_wait3A_48 = arith.constant 9984 : i32
          %dma_wait3A_49 = arith.constant 0 : i32
          %dma_wait3A_50 = tpu.memref_slice %arg9[%dma_wait3A_48, %dma_wait3A_49] : memref<10008x128xf32, #tpu.memory_space<vmem_shared>> -> memref<16x128xf32, #tpu.memory_space<vmem_shared>>
          tpu.wait_dma2 semaphore(%run_scoped3A : memref<!tpu.dma_semaphore, #tpu.memory_space<semaphore_mem>>) src(%dma_wait3A_50 : memref<16x128xf32, #tpu.memory_space<vmem_shared>>) dst(%dma_wait3A_47 : memref<16x128xf32, #tpu.memory_space<hbm>>)
          tpu.yield
        }) : () -> ()
      } else {
      }
    } else {
    }
    %eq3A_3 = arith.constant 1 : i32
    %eq3A_4 = arith.cmpi eq, %arg0, %eq3A_3 : i32
    %convert_element_type3A_5 = arith.extui %eq3A_4 : i1 to i32
    %cond3A_6 = arith.constant 0 : i32
    %cond3A_7 = arith.cmpi ne, %convert_element_type3A_5, %cond3A_6 : i32
    scf.if %cond3A_7 {
      "tpu.region"() ({
        %run_scoped3A = tpu.sem_alloc : memref<!tpu.dma_semaphore, #tpu.memory_space<semaphore_mem>>
        %dma_start3A = arith.constant 0 : i32
        %dma_start3A_41 = tpu.memref_slice %arg9[%mul3A_0, %dma_start3A] : memref<10008x128xf32, #tpu.memory_space<vmem_shared>> -> memref<624x128xf32, #tpu.memory_space<vmem_shared>>
        %dma_start3A_42 = arith.constant 0 : i32
        %dma_start3A_43 = arith.constant 0 : i32
        %dma_start3A_44 = tpu.memref_slice %arg4[%dma_start3A_42, %dma_start3A_43] : memref<624x128xf32, #tpu.memory_space<hbm>> -> memref<624x128xf32, #tpu.memory_space<hbm>>
        tpu.enqueue_dma source(%dma_start3A_44 : memref<624x128xf32, #tpu.memory_space<hbm>>) target(%dma_start3A_41 : memref<624x128xf32, #tpu.memory_space<vmem_shared>>) target_semaphore(%run_scoped3A : memref<!tpu.dma_semaphore, #tpu.memory_space<semaphore_mem>>)
        %dma_wait3A = arith.constant 0 : i32
        %dma_wait3A_45 = tpu.memref_slice %arg9[%mul3A_0, %dma_wait3A] : memref<10008x128xf32, #tpu.memory_space<vmem_shared>> -> memref<624x128xf32, #tpu.memory_space<vmem_shared>>
        %dma_wait3A_46 = arith.constant 0 : i32
        %dma_wait3A_47 = arith.constant 0 : i32
        %dma_wait3A_48 = tpu.memref_slice %arg4[%dma_wait3A_46, %dma_wait3A_47] : memref<624x128xf32, #tpu.memory_space<hbm>> -> memref<624x128xf32, #tpu.memory_space<hbm>>
        tpu.wait_dma2 semaphore(%run_scoped3A : memref<!tpu.dma_semaphore, #tpu.memory_space<semaphore_mem>>) src(%dma_wait3A_48 : memref<624x128xf32, #tpu.memory_space<hbm>>) dst(%dma_wait3A_45 : memref<624x128xf32, #tpu.memory_space<vmem_shared>>)
        tpu.yield
      }) : () -> ()
      %eq3A_8 = arith.constant 0 : i32
      %eq3A_9 = arith.cmpi eq, %arg1, %eq3A_8 : i32
      %convert_element_type3A_10 = arith.extui %eq3A_9 : i1 to i32
      %cond3A_11 = arith.constant 0 : i32
      %cond3A_12 = arith.cmpi ne, %convert_element_type3A_10, %cond3A_11 : i32
      scf.if %cond3A_12 {
        "tpu.region"() ({
          %run_scoped3A = tpu.sem_alloc : memref<!tpu.dma_semaphore, #tpu.memory_space<semaphore_mem>>
          %dma_start3A = arith.constant 9984 : i32
          %dma_start3A_41 = arith.constant 0 : i32
          %dma_start3A_42 = tpu.memref_slice %arg9[%dma_start3A, %dma_start3A_41] : memref<10008x128xf32, #tpu.memory_space<vmem_shared>> -> memref<24x128xf32, #tpu.memory_space<vmem_shared>>
          %dma_start3A_43 = arith.constant 0 : i32
          %dma_start3A_44 = arith.constant 0 : i32
          %dma_start3A_45 = tpu.memref_slice %arg4[%dma_start3A_43, %dma_start3A_44] : memref<624x128xf32, #tpu.memory_space<hbm>> -> memref<24x128xf32, #tpu.memory_space<hbm>>
          tpu.enqueue_dma source(%dma_start3A_45 : memref<24x128xf32, #tpu.memory_space<hbm>>) target(%dma_start3A_42 : memref<24x128xf32, #tpu.memory_space<vmem_shared>>) target_semaphore(%run_scoped3A : memref<!tpu.dma_semaphore, #tpu.memory_space<semaphore_mem>>)
          %dma_wait3A = arith.constant 9984 : i32
          %dma_wait3A_46 = arith.constant 0 : i32
          %dma_wait3A_47 = tpu.memref_slice %arg9[%dma_wait3A, %dma_wait3A_46] : memref<10008x128xf32, #tpu.memory_space<vmem_shared>> -> memref<24x128xf32, #tpu.memory_space<vmem_shared>>
          %dma_wait3A_48 = arith.constant 0 : i32
          %dma_wait3A_49 = arith.constant 0 : i32
          %dma_wait3A_50 = tpu.memref_slice %arg4[%dma_wait3A_48, %dma_wait3A_49] : memref<624x128xf32, #tpu.memory_space<hbm>> -> memref<24x128xf32, #tpu.memory_space<hbm>>
          tpu.wait_dma2 semaphore(%run_scoped3A : memref<!tpu.dma_semaphore, #tpu.memory_space<semaphore_mem>>) src(%dma_wait3A_50 : memref<24x128xf32, #tpu.memory_space<hbm>>) dst(%dma_wait3A_47 : memref<24x128xf32, #tpu.memory_space<vmem_shared>>)
          tpu.yield
        }) : () -> ()
      } else {
      }
      %barrier3A = arith.constant 0 : index
      tpu.barrier barrier_id(%barrier3A)
      %mul3A_13 = arith.constant 80 : i32
      %mul3A_14 = arith.muli %arg1, %mul3A_13 : i32
      %add3A = arith.constant 0 : i32
      %add3A_15 = arith.addi %mul3A_14, %add3A : i32
      %mul3A_16 = arith.constant 128 : i32
      %mul3A_17 = arith.muli %add3A_15, %mul3A_16 : i32
      "tpu.region"() ({
        %run_scoped3A = tpu.sem_alloc : memref<!tpu.dma_semaphore, #tpu.memory_space<semaphore_mem>>
        %dma_start3A = tpu.memref_slice %arg2[%mul3A_17] : memref<163840xi32, #tpu.memory_space<hbm>> -> memref<5120xi32, #tpu.memory_space<hbm>>
        %dma_start3A_41 = tpu.memref_slice %arg2[%mul3A_17] : memref<163840xi32, #tpu.memory_space<hbm>> -> memref<5120xi32, #tpu.memory_space<hbm>>
        tpu.enqueue_dma source(%dma_start3A_41 : memref<5120xi32, #tpu.memory_space<hbm>>) target(%arg10 : memref<5120xi32, #tpu.memory_space<vmem>>) target_semaphore(%run_scoped3A : memref<!tpu.dma_semaphore, #tpu.memory_space<semaphore_mem>>)
        %dma_wait3A = tpu.memref_slice %arg2[%mul3A_17] : memref<163840xi32, #tpu.memory_space<hbm>> -> memref<5120xi32, #tpu.memory_space<hbm>>
        %dma_wait3A_42 = tpu.memref_slice %arg2[%mul3A_17] : memref<163840xi32, #tpu.memory_space<hbm>> -> memref<5120xi32, #tpu.memory_space<hbm>>
        tpu.wait_dma2 semaphore(%run_scoped3A : memref<!tpu.dma_semaphore, #tpu.memory_space<semaphore_mem>>) src(%dma_wait3A_42 : memref<5120xi32, #tpu.memory_space<hbm>>) dst(%arg10 : memref<5120xi32, #tpu.memory_space<vmem>>)
        tpu.yield
      }) : () -> ()
      "tpu.region"() ({
        %run_scoped3A = tpu.sem_alloc : memref<!tpu.dma_semaphore, #tpu.memory_space<semaphore_mem>>
        %dma_start3A = tpu.memref_slice %arg3[%mul3A_17] : memref<163840xi32, #tpu.memory_space<hbm>> -> memref<5120xi32, #tpu.memory_space<hbm>>
        %dma_start3A_41 = tpu.memref_slice %arg3[%mul3A_17] : memref<163840xi32, #tpu.memory_space<hbm>> -> memref<5120xi32, #tpu.memory_space<hbm>>
        tpu.enqueue_dma source(%dma_start3A_41 : memref<5120xi32, #tpu.memory_space<hbm>>) target(%arg11 : memref<5120xi32, #tpu.memory_space<vmem>>) target_semaphore(%run_scoped3A : memref<!tpu.dma_semaphore, #tpu.memory_space<semaphore_mem>>)
        %dma_wait3A = tpu.memref_slice %arg3[%mul3A_17] : memref<163840xi32, #tpu.memory_space<hbm>> -> memref<5120xi32, #tpu.memory_space<hbm>>
        %dma_wait3A_42 = tpu.memref_slice %arg3[%mul3A_17] : memref<163840xi32, #tpu.memory_space<hbm>> -> memref<5120xi32, #tpu.memory_space<hbm>>
        tpu.wait_dma2 semaphore(%run_scoped3A : memref<!tpu.dma_semaphore, #tpu.memory_space<semaphore_mem>>) src(%dma_wait3A_42 : memref<5120xi32, #tpu.memory_space<hbm>>) dst(%arg11 : memref<5120xi32, #tpu.memory_space<vmem>>)
        tpu.yield
      }) : () -> ()
      %scan3A = arith.constant 0 : i32
      %scan3A_18 = arith.constant 0 : i32
      %scan3A_19 = arith.constant 40 : i32
      %scan3A_20 = arith.addi %scan3A_18, %scan3A_19 : i32
      %scan3A_21 = arith.constant 1 : i32
      scf.for %scan3A_41 = %scan3A_18 to %scan3A_20 step %scan3A_21  : i32 {
        %mul3A_42 = arith.constant 128 : i32
        %mul3A_43 = arith.muli %scan3A_41, %mul3A_42 : i32
        %multiple_of3A = tpu.assume_multiple %mul3A_43, 128 : i32
        %dma_start3A = tpu.memref_slice %arg10[%multiple_of3A] : memref<5120xi32, #tpu.memory_space<vmem>> -> memref<128xi32, #tpu.memory_space<vmem>>
        %dma_start3A_44 = arith.constant 0 : i32
        %dma_start3A_45 = arith.constant 0 : i32
        %dma_start3A_46 = tpu.memref_slice %arg6[%dma_start3A_44, %dma_start3A_45] : memref<10000x128xf32, #tpu.memory_space<hbm>> -> memref<10000x128xf32, #tpu.memory_space<hbm>>
        tpu.enqueue_indirect_dma source(%dma_start3A_46 : memref<10000x128xf32, #tpu.memory_space<hbm>>) target(%arg12 : memref<128x128xf32, #tpu.memory_space<vmem>>) offsets(%dma_start3A : memref<128xi32, #tpu.memory_space<vmem>>) semaphore(%arg14 : memref<!tpu.dma_semaphore, #tpu.memory_space<semaphore_mem>>)
        %dma_wait3A = tpu.memref_slice %arg10[%multiple_of3A] : memref<5120xi32, #tpu.memory_space<vmem>> -> memref<128xi32, #tpu.memory_space<vmem>>
        %dma_wait3A_47 = arith.constant 0 : i32
        %dma_wait3A_48 = arith.constant 0 : i32
        %dma_wait3A_49 = tpu.memref_slice %arg6[%dma_wait3A_47, %dma_wait3A_48] : memref<10000x128xf32, #tpu.memory_space<hbm>> -> memref<10000x128xf32, #tpu.memory_space<hbm>>
        tpu.wait_indirect_dma semaphore(%arg14 : memref<!tpu.dma_semaphore, #tpu.memory_space<semaphore_mem>>) src(%dma_wait3A_49 : memref<10000x128xf32, #tpu.memory_space<hbm>>) dst(%arg12 : memref<128x128xf32, #tpu.memory_space<vmem>>)
        "tpu.region"() ({
          %run_scoped3A = tpu.sem_alloc : memref<!tpu.dma_semaphore, #tpu.memory_space<semaphore_mem>>
          %dma_start3A_50 = tpu.memref_slice %arg11[%multiple_of3A] : memref<5120xi32, #tpu.memory_space<vmem>> -> memref<128xi32, #tpu.memory_space<vmem>>
          %dma_start3A_51 = arith.constant 0 : i32
          %dma_start3A_52 = arith.constant 0 : i32
          %dma_start3A_53 = tpu.memref_slice %arg9[%dma_start3A_51, %dma_start3A_52] : memref<10008x128xf32, #tpu.memory_space<vmem_shared>> -> memref<10008x128xf32, #tpu.memory_space<vmem_shared>>
          tpu.enqueue_indirect_dma source(%arg12 : memref<128x128xf32, #tpu.memory_space<vmem>>) target(%dma_start3A_53 : memref<10008x128xf32, #tpu.memory_space<vmem_shared>>) offsets(%dma_start3A_50 : memref<128xi32, #tpu.memory_space<vmem>>) semaphore(%run_scoped3A : memref<!tpu.dma_semaphore, #tpu.memory_space<semaphore_mem>>) {add = true}
          %dma_wait3A_54 = tpu.memref_slice %arg11[%multiple_of3A] : memref<5120xi32, #tpu.memory_space<vmem>> -> memref<128xi32, #tpu.memory_space<vmem>>
          %dma_wait3A_55 = arith.constant 0 : i32
          %dma_wait3A_56 = arith.constant 0 : i32
          %dma_wait3A_57 = tpu.memref_slice %arg9[%dma_wait3A_55, %dma_wait3A_56] : memref<10008x128xf32, #tpu.memory_space<vmem_shared>> -> memref<10008x128xf32, #tpu.memory_space<vmem_shared>>
          tpu.wait_indirect_dma semaphore(%run_scoped3A : memref<!tpu.dma_semaphore, #tpu.memory_space<semaphore_mem>>) src(%arg12 : memref<128x128xf32, #tpu.memory_space<vmem>>) dst(%dma_wait3A_57 : memref<10008x128xf32, #tpu.memory_space<vmem_shared>>)
          tpu.yield
        }) : () -> ()
      }
      %scan3A_22 = arith.constant 40 : i32
      %mul3A_23 = arith.constant 80 : i32
      %mul3A_24 = arith.muli %arg1, %mul3A_23 : i32
      %add3A_25 = arith.constant 40 : i32
      %add3A_26 = arith.addi %mul3A_24, %add3A_25 : i32
      %mul3A_27 = arith.constant 128 : i32
      %mul3A_28 = arith.muli %add3A_26, %mul3A_27 : i32
      "tpu.region"() ({
        %run_scoped3A = tpu.sem_alloc : memref<!tpu.dma_semaphore, #tpu.memory_space<semaphore_mem>>
        %dma_start3A = tpu.memref_slice %arg2[%mul3A_28] : memref<163840xi32, #tpu.memory_space<hbm>> -> memref<5120xi32, #tpu.memory_space<hbm>>
        %dma_start3A_41 = tpu.memref_slice %arg2[%mul3A_28] : memref<163840xi32, #tpu.memory_space<hbm>> -> memref<5120xi32, #tpu.memory_space<hbm>>
        tpu.enqueue_dma source(%dma_start3A_41 : memref<5120xi32, #tpu.memory_space<hbm>>) target(%arg10 : memref<5120xi32, #tpu.memory_space<vmem>>) target_semaphore(%run_scoped3A : memref<!tpu.dma_semaphore, #tpu.memory_space<semaphore_mem>>)
        %dma_wait3A = tpu.memref_slice %arg2[%mul3A_28] : memref<163840xi32, #tpu.memory_space<hbm>> -> memref<5120xi32, #tpu.memory_space<hbm>>
        %dma_wait3A_42 = tpu.memref_slice %arg2[%mul3A_28] : memref<163840xi32, #tpu.memory_space<hbm>> -> memref<5120xi32, #tpu.memory_space<hbm>>
        tpu.wait_dma2 semaphore(%run_scoped3A : memref<!tpu.dma_semaphore, #tpu.memory_space<semaphore_mem>>) src(%dma_wait3A_42 : memref<5120xi32, #tpu.memory_space<hbm>>) dst(%arg10 : memref<5120xi32, #tpu.memory_space<vmem>>)
        tpu.yield
      }) : () -> ()
      "tpu.region"() ({
        %run_scoped3A = tpu.sem_alloc : memref<!tpu.dma_semaphore, #tpu.memory_space<semaphore_mem>>
        %dma_start3A = tpu.memref_slice %arg3[%mul3A_28] : memref<163840xi32, #tpu.memory_space<hbm>> -> memref<5120xi32, #tpu.memory_space<hbm>>
        %dma_start3A_41 = tpu.memref_slice %arg3[%mul3A_28] : memref<163840xi32, #tpu.memory_space<hbm>> -> memref<5120xi32, #tpu.memory_space<hbm>>
        tpu.enqueue_dma source(%dma_start3A_41 : memref<5120xi32, #tpu.memory_space<hbm>>) target(%arg11 : memref<5120xi32, #tpu.memory_space<vmem>>) target_semaphore(%run_scoped3A : memref<!tpu.dma_semaphore, #tpu.memory_space<semaphore_mem>>)
        %dma_wait3A = tpu.memref_slice %arg3[%mul3A_28] : memref<163840xi32, #tpu.memory_space<hbm>> -> memref<5120xi32, #tpu.memory_space<hbm>>
        %dma_wait3A_42 = tpu.memref_slice %arg3[%mul3A_28] : memref<163840xi32, #tpu.memory_space<hbm>> -> memref<5120xi32, #tpu.memory_space<hbm>>
        tpu.wait_dma2 semaphore(%run_scoped3A : memref<!tpu.dma_semaphore, #tpu.memory_space<semaphore_mem>>) src(%dma_wait3A_42 : memref<5120xi32, #tpu.memory_space<hbm>>) dst(%arg11 : memref<5120xi32, #tpu.memory_space<vmem>>)
        tpu.yield
      }) : () -> ()
      %scan3A_29 = arith.constant 0 : i32
      %scan3A_30 = arith.constant 0 : i32
      %scan3A_31 = arith.constant 40 : i32
      %scan3A_32 = arith.addi %scan3A_30, %scan3A_31 : i32
      %scan3A_33 = arith.constant 1 : i32
      scf.for %scan3A_41 = %scan3A_30 to %scan3A_32 step %scan3A_33  : i32 {
        %mul3A_42 = arith.constant 128 : i32
        %mul3A_43 = arith.muli %scan3A_41, %mul3A_42 : i32
        %multiple_of3A = tpu.assume_multiple %mul3A_43, 128 : i32
        %dma_start3A = tpu.memref_slice %arg10[%multiple_of3A] : memref<5120xi32, #tpu.memory_space<vmem>> -> memref<128xi32, #tpu.memory_space<vmem>>
        %dma_start3A_44 = arith.constant 0 : i32
        %dma_start3A_45 = arith.constant 0 : i32
        %dma_start3A_46 = tpu.memref_slice %arg6[%dma_start3A_44, %dma_start3A_45] : memref<10000x128xf32, #tpu.memory_space<hbm>> -> memref<10000x128xf32, #tpu.memory_space<hbm>>
        tpu.enqueue_indirect_dma source(%dma_start3A_46 : memref<10000x128xf32, #tpu.memory_space<hbm>>) target(%arg12 : memref<128x128xf32, #tpu.memory_space<vmem>>) offsets(%dma_start3A : memref<128xi32, #tpu.memory_space<vmem>>) semaphore(%arg14 : memref<!tpu.dma_semaphore, #tpu.memory_space<semaphore_mem>>)
        %dma_wait3A = tpu.memref_slice %arg10[%multiple_of3A] : memref<5120xi32, #tpu.memory_space<vmem>> -> memref<128xi32, #tpu.memory_space<vmem>>
        %dma_wait3A_47 = arith.constant 0 : i32
        %dma_wait3A_48 = arith.constant 0 : i32
        %dma_wait3A_49 = tpu.memref_slice %arg6[%dma_wait3A_47, %dma_wait3A_48] : memref<10000x128xf32, #tpu.memory_space<hbm>> -> memref<10000x128xf32, #tpu.memory_space<hbm>>
        tpu.wait_indirect_dma semaphore(%arg14 : memref<!tpu.dma_semaphore, #tpu.memory_space<semaphore_mem>>) src(%dma_wait3A_49 : memref<10000x128xf32, #tpu.memory_space<hbm>>) dst(%arg12 : memref<128x128xf32, #tpu.memory_space<vmem>>)
        "tpu.region"() ({
          %run_scoped3A = tpu.sem_alloc : memref<!tpu.dma_semaphore, #tpu.memory_space<semaphore_mem>>
          %dma_start3A_50 = tpu.memref_slice %arg11[%multiple_of3A] : memref<5120xi32, #tpu.memory_space<vmem>> -> memref<128xi32, #tpu.memory_space<vmem>>
          %dma_start3A_51 = arith.constant 0 : i32
          %dma_start3A_52 = arith.constant 0 : i32
          %dma_start3A_53 = tpu.memref_slice %arg9[%dma_start3A_51, %dma_start3A_52] : memref<10008x128xf32, #tpu.memory_space<vmem_shared>> -> memref<10008x128xf32, #tpu.memory_space<vmem_shared>>
          tpu.enqueue_indirect_dma source(%arg12 : memref<128x128xf32, #tpu.memory_space<vmem>>) target(%dma_start3A_53 : memref<10008x128xf32, #tpu.memory_space<vmem_shared>>) offsets(%dma_start3A_50 : memref<128xi32, #tpu.memory_space<vmem>>) semaphore(%run_scoped3A : memref<!tpu.dma_semaphore, #tpu.memory_space<semaphore_mem>>) {add = true}
          %dma_wait3A_54 = tpu.memref_slice %arg11[%multiple_of3A] : memref<5120xi32, #tpu.memory_space<vmem>> -> memref<128xi32, #tpu.memory_space<vmem>>
          %dma_wait3A_55 = arith.constant 0 : i32
          %dma_wait3A_56 = arith.constant 0 : i32
          %dma_wait3A_57 = tpu.memref_slice %arg9[%dma_wait3A_55, %dma_wait3A_56] : memref<10008x128xf32, #tpu.memory_space<vmem_shared>> -> memref<10008x128xf32, #tpu.memory_space<vmem_shared>>
          tpu.wait_indirect_dma semaphore(%run_scoped3A : memref<!tpu.dma_semaphore, #tpu.memory_space<semaphore_mem>>) src(%arg12 : memref<128x128xf32, #tpu.memory_space<vmem>>) dst(%dma_wait3A_57 : memref<10008x128xf32, #tpu.memory_space<vmem_shared>>)
          tpu.yield
        }) : () -> ()
      }
      %scan3A_34 = arith.constant 40 : i32
      %barrier3A_35 = arith.constant 0 : index
      tpu.barrier barrier_id(%barrier3A_35)
      "tpu.region"() ({
        %run_scoped3A = tpu.sem_alloc : memref<!tpu.dma_semaphore, #tpu.memory_space<semaphore_mem>>
        %dma_start3A = arith.constant 0 : i32
        %dma_start3A_41 = tpu.memref_slice %arg8[%mul3A_0, %dma_start3A] : memref<10000x128xf32, #tpu.memory_space<hbm>> -> memref<624x128xf32, #tpu.memory_space<hbm>>
        %dma_start3A_42 = arith.constant 0 : i32
        %dma_start3A_43 = tpu.memref_slice %arg9[%mul3A_0, %dma_start3A_42] : memref<10008x128xf32, #tpu.memory_space<vmem_shared>> -> memref<624x128xf32, #tpu.memory_space<vmem_shared>>
        tpu.enqueue_dma source(%dma_start3A_43 : memref<624x128xf32, #tpu.memory_space<vmem_shared>>) target(%dma_start3A_41 : memref<624x128xf32, #tpu.memory_space<hbm>>) target_semaphore(%run_scoped3A : memref<!tpu.dma_semaphore, #tpu.memory_space<semaphore_mem>>)
        %dma_wait3A = arith.constant 0 : i32
        %dma_wait3A_44 = tpu.memref_slice %arg8[%mul3A_0, %dma_wait3A] : memref<10000x128xf32, #tpu.memory_space<hbm>> -> memref<624x128xf32, #tpu.memory_space<hbm>>
        %dma_wait3A_45 = arith.constant 0 : i32
        %dma_wait3A_46 = tpu.memref_slice %arg9[%mul3A_0, %dma_wait3A_45] : memref<10008x128xf32, #tpu.memory_space<vmem_shared>> -> memref<624x128xf32, #tpu.memory_space<vmem_shared>>
        tpu.wait_dma2 semaphore(%run_scoped3A : memref<!tpu.dma_semaphore, #tpu.memory_space<semaphore_mem>>) src(%dma_wait3A_46 : memref<624x128xf32, #tpu.memory_space<vmem_shared>>) dst(%dma_wait3A_44 : memref<624x128xf32, #tpu.memory_space<hbm>>)
        tpu.yield
      }) : () -> ()
      %eq3A_36 = arith.constant 0 : i32
      %eq3A_37 = arith.cmpi eq, %arg1, %eq3A_36 : i32
      %convert_element_type3A_38 = arith.extui %eq3A_37 : i1 to i32
      %cond3A_39 = arith.constant 0 : i32
      %cond3A_40 = arith.cmpi ne, %convert_element_type3A_38, %cond3A_39 : i32
      scf.if %cond3A_40 {
        "tpu.region"() ({
          %run_scoped3A = tpu.sem_alloc : memref<!tpu.dma_semaphore, #tpu.memory_space<semaphore_mem>>
          %dma_start3A = arith.constant 9984 : i32
          %dma_start3A_41 = arith.constant 0 : i32
          %dma_start3A_42 = tpu.memref_slice %arg8[%dma_start3A, %dma_start3A_41] : memref<10000x128xf32, #tpu.memory_space<hbm>> -> memref<16x128xf32, #tpu.memory_space<hbm>>
          %dma_start3A_43 = arith.constant 9984 : i32
          %dma_start3A_44 = arith.constant 0 : i32
          %dma_start3A_45 = tpu.memref_slice %arg9[%dma_start3A_43, %dma_start3A_44] : memref<10008x128xf32, #tpu.memory_space<vmem_shared>> -> memref<16x128xf32, #tpu.memory_space<vmem_shared>>
          tpu.enqueue_dma source(%dma_start3A_45 : memref<16x128xf32, #tpu.memory_space<vmem_shared>>) target(%dma_start3A_42 : memref<16x128xf32, #tpu.memory_space<hbm>>) target_semaphore(%run_scoped3A : memref<!tpu.dma_semaphore, #tpu.memory_space<semaphore_mem>>)
          %dma_wait3A = arith.constant 9984 : i32
          %dma_wait3A_46 = arith.constant 0 : i32
          %dma_wait3A_47 = tpu.memref_slice %arg8[%dma_wait3A, %dma_wait3A_46] : memref<10000x128xf32, #tpu.memory_space<hbm>> -> memref<16x128xf32, #tpu.memory_space<hbm>>
          %dma_wait3A_48 = arith.constant 9984 : i32
          %dma_wait3A_49 = arith.constant 0 : i32
          %dma_wait3A_50 = tpu.memref_slice %arg9[%dma_wait3A_48, %dma_wait3A_49] : memref<10008x128xf32, #tpu.memory_space<vmem_shared>> -> memref<16x128xf32, #tpu.memory_space<vmem_shared>>
          tpu.wait_dma2 semaphore(%run_scoped3A : memref<!tpu.dma_semaphore, #tpu.memory_space<semaphore_mem>>) src(%dma_wait3A_50 : memref<16x128xf32, #tpu.memory_space<vmem_shared>>) dst(%dma_wait3A_47 : memref<16x128xf32, #tpu.memory_space<hbm>>)
          tpu.yield
        }) : () -> ()
      } else {
      }
    } else {
    }
    return
  }
}

#map = affine_map<(d0, d1) -> (0)>
#map1 = affine_map<(d0, d1) -> (0, 0)>
module attributes {stable_mosaic.version = 14 : i64} {
  func.func @body(%arg0: i32, %arg1: i32, %arg2: memref<163840xi32, #tpu.memory_space<hbm>>, %arg3: memref<163840xi32, #tpu.memory_space<hbm>>, %arg4: memref<624x128xf32, #tpu.memory_space<hbm>>, %arg5: memref<10000x128xf32, #tpu.memory_space<hbm>>, %arg6: memref<10000x128xf32, #tpu.memory_space<hbm>>, %arg7: memref<10000x128xf32, #tpu.memory_space<hbm>>, %arg8: memref<10000x128xf32, #tpu.memory_space<hbm>>, %arg9: memref<10000x128xf32, #tpu.memory_space<hbm>>, %arg10: memref<10000x128xf32, #tpu.memory_space<hbm>>, %arg11: memref<10000x128xf32, #tpu.memory_space<hbm>>, %arg12: memref<10000x128xf32, #tpu.memory_space<hbm>>, %arg13: memref<10008x128xf32, #tpu.memory_space<vmem_shared>>, %arg14: memref<5120xi32, #tpu.memory_space<vmem>>, %arg15: memref<5120xi32, #tpu.memory_space<vmem>>, %arg16: memref<128x128xf32, #tpu.memory_space<vmem>>, %arg17: memref<128x128xf32, #tpu.memory_space<vmem>>, %arg18: memref<!tpu.dma_semaphore, #tpu.memory_space<semaphore_mem>>, %arg19: memref<!tpu.dma_semaphore, #tpu.memory_space<semaphore_mem>>, %arg20: memref<!tpu.dma_semaphore, #tpu.memory_space<semaphore_mem>>, %arg21: memref<!tpu.dma_semaphore, #tpu.memory_space<semaphore_mem>>) attributes {dimension_semantics = [#tpu.dimension_semantics<core_parallel>, #tpu.dimension_semantics<subcore_parallel>], iteration_bounds = array<i64: 2, 16>, scalar_prefetch = 0 : i64, scratch_operands = 9 : i64, tpu.core_type = #tpu.core_type<sc_vector_subcore>, window_params = [{transform_indices = #map}, {transform_indices = #map}, {transform_indices = #map1}, {transform_indices = #map1}, {transform_indices = #map1}, {transform_indices = #map1}, {transform_indices = #map1}, {transform_indices = #map1}, {transform_indices = #map1}, {transform_indices = #map1}, {transform_indices = #map1}]} {
    %mul3A = arith.constant 624 : i32
    %mul3A_0 = arith.muli %arg1, %mul3A : i32
    %eq3A = arith.constant 0 : i32
    %eq3A_1 = arith.cmpi eq, %arg0, %eq3A : i32
    %convert_element_type3A = arith.extui %eq3A_1 : i1 to i32
    %cond3A = arith.constant 0 : i32
    %cond3A_2 = arith.cmpi ne, %convert_element_type3A, %cond3A : i32
    scf.if %cond3A_2 {
      "tpu.region"() ({
        %run_scoped3A = tpu.sem_alloc : memref<!tpu.dma_semaphore, #tpu.memory_space<semaphore_mem>>
        %dma_start3A = arith.constant 0 : i32
        %dma_start3A_51 = tpu.memref_slice %arg13[%mul3A_0, %dma_start3A] : memref<10008x128xf32, #tpu.memory_space<vmem_shared>> -> memref<624x128xf32, #tpu.memory_space<vmem_shared>>
        %dma_start3A_52 = arith.constant 0 : i32
        %dma_start3A_53 = arith.constant 0 : i32
        %dma_start3A_54 = tpu.memref_slice %arg4[%dma_start3A_52, %dma_start3A_53] : memref<624x128xf32, #tpu.memory_space<hbm>> -> memref<624x128xf32, #tpu.memory_space<hbm>>
        tpu.enqueue_dma source(%dma_start3A_54 : memref<624x128xf32, #tpu.memory_space<hbm>>) target(%dma_start3A_51 : memref<624x128xf32, #tpu.memory_space<vmem_shared>>) target_semaphore(%run_scoped3A : memref<!tpu.dma_semaphore, #tpu.memory_space<semaphore_mem>>)
        %dma_wait3A = arith.constant 0 : i32
        %dma_wait3A_55 = tpu.memref_slice %arg13[%mul3A_0, %dma_wait3A] : memref<10008x128xf32, #tpu.memory_space<vmem_shared>> -> memref<624x128xf32, #tpu.memory_space<vmem_shared>>
        %dma_wait3A_56 = arith.constant 0 : i32
        %dma_wait3A_57 = arith.constant 0 : i32
        %dma_wait3A_58 = tpu.memref_slice %arg4[%dma_wait3A_56, %dma_wait3A_57] : memref<624x128xf32, #tpu.memory_space<hbm>> -> memref<624x128xf32, #tpu.memory_space<hbm>>
        tpu.wait_dma2 semaphore(%run_scoped3A : memref<!tpu.dma_semaphore, #tpu.memory_space<semaphore_mem>>) src(%dma_wait3A_58 : memref<624x128xf32, #tpu.memory_space<hbm>>) dst(%dma_wait3A_55 : memref<624x128xf32, #tpu.memory_space<vmem_shared>>)
        tpu.yield
      }) : () -> ()
      %eq3A_18 = arith.constant 0 : i32
      %eq3A_19 = arith.cmpi eq, %arg1, %eq3A_18 : i32
      %convert_element_type3A_20 = arith.extui %eq3A_19 : i1 to i32
      %cond3A_21 = arith.constant 0 : i32
      %cond3A_22 = arith.cmpi ne, %convert_element_type3A_20, %cond3A_21 : i32
      scf.if %cond3A_22 {
        "tpu.region"() ({
          %run_scoped3A = tpu.sem_alloc : memref<!tpu.dma_semaphore, #tpu.memory_space<semaphore_mem>>
          %dma_start3A = arith.constant 9984 : i32
          %dma_start3A_51 = arith.constant 0 : i32
          %dma_start3A_52 = tpu.memref_slice %arg13[%dma_start3A, %dma_start3A_51] : memref<10008x128xf32, #tpu.memory_space<vmem_shared>> -> memref<24x128xf32, #tpu.memory_space<vmem_shared>>
          %dma_start3A_53 = arith.constant 0 : i32
          %dma_start3A_54 = arith.constant 0 : i32
          %dma_start3A_55 = tpu.memref_slice %arg4[%dma_start3A_53, %dma_start3A_54] : memref<624x128xf32, #tpu.memory_space<hbm>> -> memref<24x128xf32, #tpu.memory_space<hbm>>
          tpu.enqueue_dma source(%dma_start3A_55 : memref<24x128xf32, #tpu.memory_space<hbm>>) target(%dma_start3A_52 : memref<24x128xf32, #tpu.memory_space<vmem_shared>>) target_semaphore(%run_scoped3A : memref<!tpu.dma_semaphore, #tpu.memory_space<semaphore_mem>>)
          %dma_wait3A = arith.constant 9984 : i32
          %dma_wait3A_56 = arith.constant 0 : i32
          %dma_wait3A_57 = tpu.memref_slice %arg13[%dma_wait3A, %dma_wait3A_56] : memref<10008x128xf32, #tpu.memory_space<vmem_shared>> -> memref<24x128xf32, #tpu.memory_space<vmem_shared>>
          %dma_wait3A_58 = arith.constant 0 : i32
          %dma_wait3A_59 = arith.constant 0 : i32
          %dma_wait3A_60 = tpu.memref_slice %arg4[%dma_wait3A_58, %dma_wait3A_59] : memref<624x128xf32, #tpu.memory_space<hbm>> -> memref<24x128xf32, #tpu.memory_space<hbm>>
          tpu.wait_dma2 semaphore(%run_scoped3A : memref<!tpu.dma_semaphore, #tpu.memory_space<semaphore_mem>>) src(%dma_wait3A_60 : memref<24x128xf32, #tpu.memory_space<hbm>>) dst(%dma_wait3A_57 : memref<24x128xf32, #tpu.memory_space<vmem_shared>>)
          tpu.yield
        }) : () -> ()
      } else {
      }
      %barrier3A = arith.constant 0 : index
      tpu.barrier barrier_id(%barrier3A)
      %mul3A_23 = arith.constant 80 : i32
      %mul3A_24 = arith.muli %arg1, %mul3A_23 : i32
      %add3A = arith.constant 0 : i32
      %add3A_25 = arith.addi %mul3A_24, %add3A : i32
      %mul3A_26 = arith.constant 128 : i32
      %mul3A_27 = arith.muli %add3A_25, %mul3A_26 : i32
      "tpu.region"() ({
        %run_scoped3A = tpu.sem_alloc : memref<!tpu.dma_semaphore, #tpu.memory_space<semaphore_mem>>
        %dma_start3A = tpu.memref_slice %arg2[%mul3A_27] : memref<163840xi32, #tpu.memory_space<hbm>> -> memref<5120xi32, #tpu.memory_space<hbm>>
        %dma_start3A_51 = tpu.memref_slice %arg2[%mul3A_27] : memref<163840xi32, #tpu.memory_space<hbm>> -> memref<5120xi32, #tpu.memory_space<hbm>>
        tpu.enqueue_dma source(%dma_start3A_51 : memref<5120xi32, #tpu.memory_space<hbm>>) target(%arg14 : memref<5120xi32, #tpu.memory_space<vmem>>) target_semaphore(%run_scoped3A : memref<!tpu.dma_semaphore, #tpu.memory_space<semaphore_mem>>)
        %dma_wait3A = tpu.memref_slice %arg2[%mul3A_27] : memref<163840xi32, #tpu.memory_space<hbm>> -> memref<5120xi32, #tpu.memory_space<hbm>>
        %dma_wait3A_52 = tpu.memref_slice %arg2[%mul3A_27] : memref<163840xi32, #tpu.memory_space<hbm>> -> memref<5120xi32, #tpu.memory_space<hbm>>
        tpu.wait_dma2 semaphore(%run_scoped3A : memref<!tpu.dma_semaphore, #tpu.memory_space<semaphore_mem>>) src(%dma_wait3A_52 : memref<5120xi32, #tpu.memory_space<hbm>>) dst(%arg14 : memref<5120xi32, #tpu.memory_space<vmem>>)
        tpu.yield
      }) : () -> ()
      "tpu.region"() ({
        %run_scoped3A = tpu.sem_alloc : memref<!tpu.dma_semaphore, #tpu.memory_space<semaphore_mem>>
        %dma_start3A = tpu.memref_slice %arg3[%mul3A_27] : memref<163840xi32, #tpu.memory_space<hbm>> -> memref<5120xi32, #tpu.memory_space<hbm>>
        %dma_start3A_51 = tpu.memref_slice %arg3[%mul3A_27] : memref<163840xi32, #tpu.memory_space<hbm>> -> memref<5120xi32, #tpu.memory_space<hbm>>
        tpu.enqueue_dma source(%dma_start3A_51 : memref<5120xi32, #tpu.memory_space<hbm>>) target(%arg15 : memref<5120xi32, #tpu.memory_space<vmem>>) target_semaphore(%run_scoped3A : memref<!tpu.dma_semaphore, #tpu.memory_space<semaphore_mem>>)
        %dma_wait3A = tpu.memref_slice %arg3[%mul3A_27] : memref<163840xi32, #tpu.memory_space<hbm>> -> memref<5120xi32, #tpu.memory_space<hbm>>
        %dma_wait3A_52 = tpu.memref_slice %arg3[%mul3A_27] : memref<163840xi32, #tpu.memory_space<hbm>> -> memref<5120xi32, #tpu.memory_space<hbm>>
        tpu.wait_dma2 semaphore(%run_scoped3A : memref<!tpu.dma_semaphore, #tpu.memory_space<semaphore_mem>>) src(%dma_wait3A_52 : memref<5120xi32, #tpu.memory_space<hbm>>) dst(%arg15 : memref<5120xi32, #tpu.memory_space<vmem>>)
        tpu.yield
      }) : () -> ()
      %scan3A = arith.constant 0 : i32
      %scan3A_28 = arith.constant 0 : i32
      %scan3A_29 = arith.constant 40 : i32
      %scan3A_30 = arith.addi %scan3A_28, %scan3A_29 : i32
      %scan3A_31 = arith.constant 1 : i32
      scf.for %scan3A_51 = %scan3A_28 to %scan3A_30 step %scan3A_31  : i32 {
        %mul3A_52 = arith.constant 128 : i32
        %mul3A_53 = arith.muli %scan3A_51, %mul3A_52 : i32
        %multiple_of3A = tpu.assume_multiple %mul3A_53, 128 : i32
        %dma_start3A = tpu.memref_slice %arg14[%multiple_of3A] : memref<5120xi32, #tpu.memory_space<vmem>> -> memref<128xi32, #tpu.memory_space<vmem>>
        %dma_start3A_54 = arith.constant 0 : i32
        %dma_start3A_55 = arith.constant 0 : i32
        %dma_start3A_56 = tpu.memref_slice %arg5[%dma_start3A_54, %dma_start3A_55] : memref<10000x128xf32, #tpu.memory_space<hbm>> -> memref<10000x128xf32, #tpu.memory_space<hbm>>
        tpu.enqueue_indirect_dma source(%dma_start3A_56 : memref<10000x128xf32, #tpu.memory_space<hbm>>) target(%arg16 : memref<128x128xf32, #tpu.memory_space<vmem>>) offsets(%dma_start3A : memref<128xi32, #tpu.memory_space<vmem>>) semaphore(%arg18 : memref<!tpu.dma_semaphore, #tpu.memory_space<semaphore_mem>>)
        %dma_wait3A = tpu.memref_slice %arg14[%multiple_of3A] : memref<5120xi32, #tpu.memory_space<vmem>> -> memref<128xi32, #tpu.memory_space<vmem>>
        %dma_wait3A_57 = arith.constant 0 : i32
        %dma_wait3A_58 = arith.constant 0 : i32
        %dma_wait3A_59 = tpu.memref_slice %arg5[%dma_wait3A_57, %dma_wait3A_58] : memref<10000x128xf32, #tpu.memory_space<hbm>> -> memref<10000x128xf32, #tpu.memory_space<hbm>>
        tpu.wait_indirect_dma semaphore(%arg18 : memref<!tpu.dma_semaphore, #tpu.memory_space<semaphore_mem>>) src(%dma_wait3A_59 : memref<10000x128xf32, #tpu.memory_space<hbm>>) dst(%arg16 : memref<128x128xf32, #tpu.memory_space<vmem>>)
        "tpu.region"() ({
          %run_scoped3A = tpu.sem_alloc : memref<!tpu.dma_semaphore, #tpu.memory_space<semaphore_mem>>
          %dma_start3A_60 = tpu.memref_slice %arg15[%multiple_of3A] : memref<5120xi32, #tpu.memory_space<vmem>> -> memref<128xi32, #tpu.memory_space<vmem>>
          %dma_start3A_61 = arith.constant 0 : i32
          %dma_start3A_62 = arith.constant 0 : i32
          %dma_start3A_63 = tpu.memref_slice %arg13[%dma_start3A_61, %dma_start3A_62] : memref<10008x128xf32, #tpu.memory_space<vmem_shared>> -> memref<10008x128xf32, #tpu.memory_space<vmem_shared>>
          tpu.enqueue_indirect_dma source(%arg16 : memref<128x128xf32, #tpu.memory_space<vmem>>) target(%dma_start3A_63 : memref<10008x128xf32, #tpu.memory_space<vmem_shared>>) offsets(%dma_start3A_60 : memref<128xi32, #tpu.memory_space<vmem>>) semaphore(%run_scoped3A : memref<!tpu.dma_semaphore, #tpu.memory_space<semaphore_mem>>) {add = true}
          %dma_wait3A_64 = tpu.memref_slice %arg15[%multiple_of3A] : memref<5120xi32, #tpu.memory_space<vmem>> -> memref<128xi32, #tpu.memory_space<vmem>>
          %dma_wait3A_65 = arith.constant 0 : i32
          %dma_wait3A_66 = arith.constant 0 : i32
          %dma_wait3A_67 = tpu.memref_slice %arg13[%dma_wait3A_65, %dma_wait3A_66] : memref<10008x128xf32, #tpu.memory_space<vmem_shared>> -> memref<10008x128xf32, #tpu.memory_space<vmem_shared>>
          tpu.wait_indirect_dma semaphore(%run_scoped3A : memref<!tpu.dma_semaphore, #tpu.memory_space<semaphore_mem>>) src(%arg16 : memref<128x128xf32, #tpu.memory_space<vmem>>) dst(%dma_wait3A_67 : memref<10008x128xf32, #tpu.memory_space<vmem_shared>>)
          tpu.yield
        }) : () -> ()
      }
      %scan3A_32 = arith.constant 40 : i32
      %mul3A_33 = arith.constant 80 : i32
      %mul3A_34 = arith.muli %arg1, %mul3A_33 : i32
      %add3A_35 = arith.constant 40 : i32
      %add3A_36 = arith.addi %mul3A_34, %add3A_35 : i32
      %mul3A_37 = arith.constant 128 : i32
      %mul3A_38 = arith.muli %add3A_36, %mul3A_37 : i32
      "tpu.region"() ({
        %run_scoped3A = tpu.sem_alloc : memref<!tpu.dma_semaphore, #tpu.memory_space<semaphore_mem>>
        %dma_start3A = tpu.memref_slice %arg2[%mul3A_38] : memref<163840xi32, #tpu.memory_space<hbm>> -> memref<5120xi32, #tpu.memory_space<hbm>>
        %dma_start3A_51 = tpu.memref_slice %arg2[%mul3A_38] : memref<163840xi32, #tpu.memory_space<hbm>> -> memref<5120xi32, #tpu.memory_space<hbm>>
        tpu.enqueue_dma source(%dma_start3A_51 : memref<5120xi32, #tpu.memory_space<hbm>>) target(%arg14 : memref<5120xi32, #tpu.memory_space<vmem>>) target_semaphore(%run_scoped3A : memref<!tpu.dma_semaphore, #tpu.memory_space<semaphore_mem>>)
        %dma_wait3A = tpu.memref_slice %arg2[%mul3A_38] : memref<163840xi32, #tpu.memory_space<hbm>> -> memref<5120xi32, #tpu.memory_space<hbm>>
        %dma_wait3A_52 = tpu.memref_slice %arg2[%mul3A_38] : memref<163840xi32, #tpu.memory_space<hbm>> -> memref<5120xi32, #tpu.memory_space<hbm>>
        tpu.wait_dma2 semaphore(%run_scoped3A : memref<!tpu.dma_semaphore, #tpu.memory_space<semaphore_mem>>) src(%dma_wait3A_52 : memref<5120xi32, #tpu.memory_space<hbm>>) dst(%arg14 : memref<5120xi32, #tpu.memory_space<vmem>>)
        tpu.yield
      }) : () -> ()
      "tpu.region"() ({
        %run_scoped3A = tpu.sem_alloc : memref<!tpu.dma_semaphore, #tpu.memory_space<semaphore_mem>>
        %dma_start3A = tpu.memref_slice %arg3[%mul3A_38] : memref<163840xi32, #tpu.memory_space<hbm>> -> memref<5120xi32, #tpu.memory_space<hbm>>
        %dma_start3A_51 = tpu.memref_slice %arg3[%mul3A_38] : memref<163840xi32, #tpu.memory_space<hbm>> -> memref<5120xi32, #tpu.memory_space<hbm>>
        tpu.enqueue_dma source(%dma_start3A_51 : memref<5120xi32, #tpu.memory_space<hbm>>) target(%arg15 : memref<5120xi32, #tpu.memory_space<vmem>>) target_semaphore(%run_scoped3A : memref<!tpu.dma_semaphore, #tpu.memory_space<semaphore_mem>>)
        %dma_wait3A = tpu.memref_slice %arg3[%mul3A_38] : memref<163840xi32, #tpu.memory_space<hbm>> -> memref<5120xi32, #tpu.memory_space<hbm>>
        %dma_wait3A_52 = tpu.memref_slice %arg3[%mul3A_38] : memref<163840xi32, #tpu.memory_space<hbm>> -> memref<5120xi32, #tpu.memory_space<hbm>>
        tpu.wait_dma2 semaphore(%run_scoped3A : memref<!tpu.dma_semaphore, #tpu.memory_space<semaphore_mem>>) src(%dma_wait3A_52 : memref<5120xi32, #tpu.memory_space<hbm>>) dst(%arg15 : memref<5120xi32, #tpu.memory_space<vmem>>)
        tpu.yield
      }) : () -> ()
      %scan3A_39 = arith.constant 0 : i32
      %scan3A_40 = arith.constant 0 : i32
      %scan3A_41 = arith.constant 40 : i32
      %scan3A_42 = arith.addi %scan3A_40, %scan3A_41 : i32
      %scan3A_43 = arith.constant 1 : i32
      scf.for %scan3A_51 = %scan3A_40 to %scan3A_42 step %scan3A_43  : i32 {
        %mul3A_52 = arith.constant 128 : i32
        %mul3A_53 = arith.muli %scan3A_51, %mul3A_52 : i32
        %multiple_of3A = tpu.assume_multiple %mul3A_53, 128 : i32
        %dma_start3A = tpu.memref_slice %arg14[%multiple_of3A] : memref<5120xi32, #tpu.memory_space<vmem>> -> memref<128xi32, #tpu.memory_space<vmem>>
        %dma_start3A_54 = arith.constant 0 : i32
        %dma_start3A_55 = arith.constant 0 : i32
        %dma_start3A_56 = tpu.memref_slice %arg5[%dma_start3A_54, %dma_start3A_55] : memref<10000x128xf32, #tpu.memory_space<hbm>> -> memref<10000x128xf32, #tpu.memory_space<hbm>>
        tpu.enqueue_indirect_dma source(%dma_start3A_56 : memref<10000x128xf32, #tpu.memory_space<hbm>>) target(%arg16 : memref<128x128xf32, #tpu.memory_space<vmem>>) offsets(%dma_start3A : memref<128xi32, #tpu.memory_space<vmem>>) semaphore(%arg18 : memref<!tpu.dma_semaphore, #tpu.memory_space<semaphore_mem>>)
        %dma_wait3A = tpu.memref_slice %arg14[%multiple_of3A] : memref<5120xi32, #tpu.memory_space<vmem>> -> memref<128xi32, #tpu.memory_space<vmem>>
        %dma_wait3A_57 = arith.constant 0 : i32
        %dma_wait3A_58 = arith.constant 0 : i32
        %dma_wait3A_59 = tpu.memref_slice %arg5[%dma_wait3A_57, %dma_wait3A_58] : memref<10000x128xf32, #tpu.memory_space<hbm>> -> memref<10000x128xf32, #tpu.memory_space<hbm>>
        tpu.wait_indirect_dma semaphore(%arg18 : memref<!tpu.dma_semaphore, #tpu.memory_space<semaphore_mem>>) src(%dma_wait3A_59 : memref<10000x128xf32, #tpu.memory_space<hbm>>) dst(%arg16 : memref<128x128xf32, #tpu.memory_space<vmem>>)
        "tpu.region"() ({
          %run_scoped3A = tpu.sem_alloc : memref<!tpu.dma_semaphore, #tpu.memory_space<semaphore_mem>>
          %dma_start3A_60 = tpu.memref_slice %arg15[%multiple_of3A] : memref<5120xi32, #tpu.memory_space<vmem>> -> memref<128xi32, #tpu.memory_space<vmem>>
          %dma_start3A_61 = arith.constant 0 : i32
          %dma_start3A_62 = arith.constant 0 : i32
          %dma_start3A_63 = tpu.memref_slice %arg13[%dma_start3A_61, %dma_start3A_62] : memref<10008x128xf32, #tpu.memory_space<vmem_shared>> -> memref<10008x128xf32, #tpu.memory_space<vmem_shared>>
          tpu.enqueue_indirect_dma source(%arg16 : memref<128x128xf32, #tpu.memory_space<vmem>>) target(%dma_start3A_63 : memref<10008x128xf32, #tpu.memory_space<vmem_shared>>) offsets(%dma_start3A_60 : memref<128xi32, #tpu.memory_space<vmem>>) semaphore(%run_scoped3A : memref<!tpu.dma_semaphore, #tpu.memory_space<semaphore_mem>>) {add = true}
          %dma_wait3A_64 = tpu.memref_slice %arg15[%multiple_of3A] : memref<5120xi32, #tpu.memory_space<vmem>> -> memref<128xi32, #tpu.memory_space<vmem>>
          %dma_wait3A_65 = arith.constant 0 : i32
          %dma_wait3A_66 = arith.constant 0 : i32
          %dma_wait3A_67 = tpu.memref_slice %arg13[%dma_wait3A_65, %dma_wait3A_66] : memref<10008x128xf32, #tpu.memory_space<vmem_shared>> -> memref<10008x128xf32, #tpu.memory_space<vmem_shared>>
          tpu.wait_indirect_dma semaphore(%run_scoped3A : memref<!tpu.dma_semaphore, #tpu.memory_space<semaphore_mem>>) src(%arg16 : memref<128x128xf32, #tpu.memory_space<vmem>>) dst(%dma_wait3A_67 : memref<10008x128xf32, #tpu.memory_space<vmem_shared>>)
          tpu.yield
        }) : () -> ()
      }
      %scan3A_44 = arith.constant 40 : i32
      %barrier3A_45 = arith.constant 0 : index
      tpu.barrier barrier_id(%barrier3A_45)
      "tpu.region"() ({
        %run_scoped3A = tpu.sem_alloc : memref<!tpu.dma_semaphore, #tpu.memory_space<semaphore_mem>>
        %dma_start3A = arith.constant 0 : i32
        %dma_start3A_51 = tpu.memref_slice %arg9[%mul3A_0, %dma_start3A] : memref<10000x128xf32, #tpu.memory_space<hbm>> -> memref<624x128xf32, #tpu.memory_space<hbm>>
        %dma_start3A_52 = arith.constant 0 : i32
        %dma_start3A_53 = tpu.memref_slice %arg13[%mul3A_0, %dma_start3A_52] : memref<10008x128xf32, #tpu.memory_space<vmem_shared>> -> memref<624x128xf32, #tpu.memory_space<vmem_shared>>
        tpu.enqueue_dma source(%dma_start3A_53 : memref<624x128xf32, #tpu.memory_space<vmem_shared>>) target(%dma_start3A_51 : memref<624x128xf32, #tpu.memory_space<hbm>>) target_semaphore(%run_scoped3A : memref<!tpu.dma_semaphore, #tpu.memory_space<semaphore_mem>>)
        %dma_wait3A = arith.constant 0 : i32
        %dma_wait3A_54 = tpu.memref_slice %arg9[%mul3A_0, %dma_wait3A] : memref<10000x128xf32, #tpu.memory_space<hbm>> -> memref<624x128xf32, #tpu.memory_space<hbm>>
        %dma_wait3A_55 = arith.constant 0 : i32
        %dma_wait3A_56 = tpu.memref_slice %arg13[%mul3A_0, %dma_wait3A_55] : memref<10008x128xf32, #tpu.memory_space<vmem_shared>> -> memref<624x128xf32, #tpu.memory_space<vmem_shared>>
        tpu.wait_dma2 semaphore(%run_scoped3A : memref<!tpu.dma_semaphore, #tpu.memory_space<semaphore_mem>>) src(%dma_wait3A_56 : memref<624x128xf32, #tpu.memory_space<vmem_shared>>) dst(%dma_wait3A_54 : memref<624x128xf32, #tpu.memory_space<hbm>>)
        tpu.yield
      }) : () -> ()
      %eq3A_46 = arith.constant 0 : i32
      %eq3A_47 = arith.cmpi eq, %arg1, %eq3A_46 : i32
      %convert_element_type3A_48 = arith.extui %eq3A_47 : i1 to i32
      %cond3A_49 = arith.constant 0 : i32
      %cond3A_50 = arith.cmpi ne, %convert_element_type3A_48, %cond3A_49 : i32
      scf.if %cond3A_50 {
        "tpu.region"() ({
          %run_scoped3A = tpu.sem_alloc : memref<!tpu.dma_semaphore, #tpu.memory_space<semaphore_mem>>
          %dma_start3A = arith.constant 9984 : i32
          %dma_start3A_51 = arith.constant 0 : i32
          %dma_start3A_52 = tpu.memref_slice %arg9[%dma_start3A, %dma_start3A_51] : memref<10000x128xf32, #tpu.memory_space<hbm>> -> memref<16x128xf32, #tpu.memory_space<hbm>>
          %dma_start3A_53 = arith.constant 9984 : i32
          %dma_start3A_54 = arith.constant 0 : i32
          %dma_start3A_55 = tpu.memref_slice %arg13[%dma_start3A_53, %dma_start3A_54] : memref<10008x128xf32, #tpu.memory_space<vmem_shared>> -> memref<16x128xf32, #tpu.memory_space<vmem_shared>>
          tpu.enqueue_dma source(%dma_start3A_55 : memref<16x128xf32, #tpu.memory_space<vmem_shared>>) target(%dma_start3A_52 : memref<16x128xf32, #tpu.memory_space<hbm>>) target_semaphore(%run_scoped3A : memref<!tpu.dma_semaphore, #tpu.memory_space<semaphore_mem>>)
          %dma_wait3A = arith.constant 9984 : i32
          %dma_wait3A_56 = arith.constant 0 : i32
          %dma_wait3A_57 = tpu.memref_slice %arg9[%dma_wait3A, %dma_wait3A_56] : memref<10000x128xf32, #tpu.memory_space<hbm>> -> memref<16x128xf32, #tpu.memory_space<hbm>>
          %dma_wait3A_58 = arith.constant 9984 : i32
          %dma_wait3A_59 = arith.constant 0 : i32
          %dma_wait3A_60 = tpu.memref_slice %arg13[%dma_wait3A_58, %dma_wait3A_59] : memref<10008x128xf32, #tpu.memory_space<vmem_shared>> -> memref<16x128xf32, #tpu.memory_space<vmem_shared>>
          tpu.wait_dma2 semaphore(%run_scoped3A : memref<!tpu.dma_semaphore, #tpu.memory_space<semaphore_mem>>) src(%dma_wait3A_60 : memref<16x128xf32, #tpu.memory_space<vmem_shared>>) dst(%dma_wait3A_57 : memref<16x128xf32, #tpu.memory_space<hbm>>)
          tpu.yield
        }) : () -> ()
      } else {
      }
    } else {
    }
    %eq3A_3 = arith.constant 0 : i32
    %eq3A_4 = arith.cmpi eq, %arg0, %eq3A_3 : i32
    %convert_element_type3A_5 = arith.extui %eq3A_4 : i1 to i32
    %cond3A_6 = arith.constant 0 : i32
    %cond3A_7 = arith.cmpi ne, %convert_element_type3A_5, %cond3A_6 : i32
    scf.if %cond3A_7 {
      "tpu.region"() ({
        %run_scoped3A = tpu.sem_alloc : memref<!tpu.dma_semaphore, #tpu.memory_space<semaphore_mem>>
        %dma_start3A = arith.constant 0 : i32
        %dma_start3A_51 = tpu.memref_slice %arg13[%mul3A_0, %dma_start3A] : memref<10008x128xf32, #tpu.memory_space<vmem_shared>> -> memref<624x128xf32, #tpu.memory_space<vmem_shared>>
        %dma_start3A_52 = arith.constant 0 : i32
        %dma_start3A_53 = arith.constant 0 : i32
        %dma_start3A_54 = tpu.memref_slice %arg4[%dma_start3A_52, %dma_start3A_53] : memref<624x128xf32, #tpu.memory_space<hbm>> -> memref<624x128xf32, #tpu.memory_space<hbm>>
        tpu.enqueue_dma source(%dma_start3A_54 : memref<624x128xf32, #tpu.memory_space<hbm>>) target(%dma_start3A_51 : memref<624x128xf32, #tpu.memory_space<vmem_shared>>) target_semaphore(%run_scoped3A : memref<!tpu.dma_semaphore, #tpu.memory_space<semaphore_mem>>)
        %dma_wait3A = arith.constant 0 : i32
        %dma_wait3A_55 = tpu.memref_slice %arg13[%mul3A_0, %dma_wait3A] : memref<10008x128xf32, #tpu.memory_space<vmem_shared>> -> memref<624x128xf32, #tpu.memory_space<vmem_shared>>
        %dma_wait3A_56 = arith.constant 0 : i32
        %dma_wait3A_57 = arith.constant 0 : i32
        %dma_wait3A_58 = tpu.memref_slice %arg4[%dma_wait3A_56, %dma_wait3A_57] : memref<624x128xf32, #tpu.memory_space<hbm>> -> memref<624x128xf32, #tpu.memory_space<hbm>>
        tpu.wait_dma2 semaphore(%run_scoped3A : memref<!tpu.dma_semaphore, #tpu.memory_space<semaphore_mem>>) src(%dma_wait3A_58 : memref<624x128xf32, #tpu.memory_space<hbm>>) dst(%dma_wait3A_55 : memref<624x128xf32, #tpu.memory_space<vmem_shared>>)
        tpu.yield
      }) : () -> ()
      %eq3A_18 = arith.constant 0 : i32
      %eq3A_19 = arith.cmpi eq, %arg1, %eq3A_18 : i32
      %convert_element_type3A_20 = arith.extui %eq3A_19 : i1 to i32
      %cond3A_21 = arith.constant 0 : i32
      %cond3A_22 = arith.cmpi ne, %convert_element_type3A_20, %cond3A_21 : i32
      scf.if %cond3A_22 {
        "tpu.region"() ({
          %run_scoped3A = tpu.sem_alloc : memref<!tpu.dma_semaphore, #tpu.memory_space<semaphore_mem>>
          %dma_start3A = arith.constant 9984 : i32
          %dma_start3A_51 = arith.constant 0 : i32
          %dma_start3A_52 = tpu.memref_slice %arg13[%dma_start3A, %dma_start3A_51] : memref<10008x128xf32, #tpu.memory_space<vmem_shared>> -> memref<24x128xf32, #tpu.memory_space<vmem_shared>>
          %dma_start3A_53 = arith.constant 0 : i32
          %dma_start3A_54 = arith.constant 0 : i32
          %dma_start3A_55 = tpu.memref_slice %arg4[%dma_start3A_53, %dma_start3A_54] : memref<624x128xf32, #tpu.memory_space<hbm>> -> memref<24x128xf32, #tpu.memory_space<hbm>>
          tpu.enqueue_dma source(%dma_start3A_55 : memref<24x128xf32, #tpu.memory_space<hbm>>) target(%dma_start3A_52 : memref<24x128xf32, #tpu.memory_space<vmem_shared>>) target_semaphore(%run_scoped3A : memref<!tpu.dma_semaphore, #tpu.memory_space<semaphore_mem>>)
          %dma_wait3A = arith.constant 9984 : i32
          %dma_wait3A_56 = arith.constant 0 : i32
          %dma_wait3A_57 = tpu.memref_slice %arg13[%dma_wait3A, %dma_wait3A_56] : memref<10008x128xf32, #tpu.memory_space<vmem_shared>> -> memref<24x128xf32, #tpu.memory_space<vmem_shared>>
          %dma_wait3A_58 = arith.constant 0 : i32
          %dma_wait3A_59 = arith.constant 0 : i32
          %dma_wait3A_60 = tpu.memref_slice %arg4[%dma_wait3A_58, %dma_wait3A_59] : memref<624x128xf32, #tpu.memory_space<hbm>> -> memref<24x128xf32, #tpu.memory_space<hbm>>
          tpu.wait_dma2 semaphore(%run_scoped3A : memref<!tpu.dma_semaphore, #tpu.memory_space<semaphore_mem>>) src(%dma_wait3A_60 : memref<24x128xf32, #tpu.memory_space<hbm>>) dst(%dma_wait3A_57 : memref<24x128xf32, #tpu.memory_space<vmem_shared>>)
          tpu.yield
        }) : () -> ()
      } else {
      }
      %barrier3A = arith.constant 0 : index
      tpu.barrier barrier_id(%barrier3A)
      %mul3A_23 = arith.constant 80 : i32
      %mul3A_24 = arith.muli %arg1, %mul3A_23 : i32
      %add3A = arith.constant 0 : i32
      %add3A_25 = arith.addi %mul3A_24, %add3A : i32
      %mul3A_26 = arith.constant 128 : i32
      %mul3A_27 = arith.muli %add3A_25, %mul3A_26 : i32
      "tpu.region"() ({
        %run_scoped3A = tpu.sem_alloc : memref<!tpu.dma_semaphore, #tpu.memory_space<semaphore_mem>>
        %dma_start3A = tpu.memref_slice %arg2[%mul3A_27] : memref<163840xi32, #tpu.memory_space<hbm>> -> memref<5120xi32, #tpu.memory_space<hbm>>
        %dma_start3A_51 = tpu.memref_slice %arg2[%mul3A_27] : memref<163840xi32, #tpu.memory_space<hbm>> -> memref<5120xi32, #tpu.memory_space<hbm>>
        tpu.enqueue_dma source(%dma_start3A_51 : memref<5120xi32, #tpu.memory_space<hbm>>) target(%arg14 : memref<5120xi32, #tpu.memory_space<vmem>>) target_semaphore(%run_scoped3A : memref<!tpu.dma_semaphore, #tpu.memory_space<semaphore_mem>>)
        %dma_wait3A = tpu.memref_slice %arg2[%mul3A_27] : memref<163840xi32, #tpu.memory_space<hbm>> -> memref<5120xi32, #tpu.memory_space<hbm>>
        %dma_wait3A_52 = tpu.memref_slice %arg2[%mul3A_27] : memref<163840xi32, #tpu.memory_space<hbm>> -> memref<5120xi32, #tpu.memory_space<hbm>>
        tpu.wait_dma2 semaphore(%run_scoped3A : memref<!tpu.dma_semaphore, #tpu.memory_space<semaphore_mem>>) src(%dma_wait3A_52 : memref<5120xi32, #tpu.memory_space<hbm>>) dst(%arg14 : memref<5120xi32, #tpu.memory_space<vmem>>)
        tpu.yield
      }) : () -> ()
      "tpu.region"() ({
        %run_scoped3A = tpu.sem_alloc : memref<!tpu.dma_semaphore, #tpu.memory_space<semaphore_mem>>
        %dma_start3A = tpu.memref_slice %arg3[%mul3A_27] : memref<163840xi32, #tpu.memory_space<hbm>> -> memref<5120xi32, #tpu.memory_space<hbm>>
        %dma_start3A_51 = tpu.memref_slice %arg3[%mul3A_27] : memref<163840xi32, #tpu.memory_space<hbm>> -> memref<5120xi32, #tpu.memory_space<hbm>>
        tpu.enqueue_dma source(%dma_start3A_51 : memref<5120xi32, #tpu.memory_space<hbm>>) target(%arg15 : memref<5120xi32, #tpu.memory_space<vmem>>) target_semaphore(%run_scoped3A : memref<!tpu.dma_semaphore, #tpu.memory_space<semaphore_mem>>)
        %dma_wait3A = tpu.memref_slice %arg3[%mul3A_27] : memref<163840xi32, #tpu.memory_space<hbm>> -> memref<5120xi32, #tpu.memory_space<hbm>>
        %dma_wait3A_52 = tpu.memref_slice %arg3[%mul3A_27] : memref<163840xi32, #tpu.memory_space<hbm>> -> memref<5120xi32, #tpu.memory_space<hbm>>
        tpu.wait_dma2 semaphore(%run_scoped3A : memref<!tpu.dma_semaphore, #tpu.memory_space<semaphore_mem>>) src(%dma_wait3A_52 : memref<5120xi32, #tpu.memory_space<hbm>>) dst(%arg15 : memref<5120xi32, #tpu.memory_space<vmem>>)
        tpu.yield
      }) : () -> ()
      %scan3A = arith.constant 0 : i32
      %scan3A_28 = arith.constant 0 : i32
      %scan3A_29 = arith.constant 40 : i32
      %scan3A_30 = arith.addi %scan3A_28, %scan3A_29 : i32
      %scan3A_31 = arith.constant 1 : i32
      scf.for %scan3A_51 = %scan3A_28 to %scan3A_30 step %scan3A_31  : i32 {
        %mul3A_52 = arith.constant 128 : i32
        %mul3A_53 = arith.muli %scan3A_51, %mul3A_52 : i32
        %multiple_of3A = tpu.assume_multiple %mul3A_53, 128 : i32
        %dma_start3A = tpu.memref_slice %arg14[%multiple_of3A] : memref<5120xi32, #tpu.memory_space<vmem>> -> memref<128xi32, #tpu.memory_space<vmem>>
        %dma_start3A_54 = arith.constant 0 : i32
        %dma_start3A_55 = arith.constant 0 : i32
        %dma_start3A_56 = tpu.memref_slice %arg6[%dma_start3A_54, %dma_start3A_55] : memref<10000x128xf32, #tpu.memory_space<hbm>> -> memref<10000x128xf32, #tpu.memory_space<hbm>>
        tpu.enqueue_indirect_dma source(%dma_start3A_56 : memref<10000x128xf32, #tpu.memory_space<hbm>>) target(%arg16 : memref<128x128xf32, #tpu.memory_space<vmem>>) offsets(%dma_start3A : memref<128xi32, #tpu.memory_space<vmem>>) semaphore(%arg18 : memref<!tpu.dma_semaphore, #tpu.memory_space<semaphore_mem>>)
        %dma_wait3A = tpu.memref_slice %arg14[%multiple_of3A] : memref<5120xi32, #tpu.memory_space<vmem>> -> memref<128xi32, #tpu.memory_space<vmem>>
        %dma_wait3A_57 = arith.constant 0 : i32
        %dma_wait3A_58 = arith.constant 0 : i32
        %dma_wait3A_59 = tpu.memref_slice %arg6[%dma_wait3A_57, %dma_wait3A_58] : memref<10000x128xf32, #tpu.memory_space<hbm>> -> memref<10000x128xf32, #tpu.memory_space<hbm>>
        tpu.wait_indirect_dma semaphore(%arg18 : memref<!tpu.dma_semaphore, #tpu.memory_space<semaphore_mem>>) src(%dma_wait3A_59 : memref<10000x128xf32, #tpu.memory_space<hbm>>) dst(%arg16 : memref<128x128xf32, #tpu.memory_space<vmem>>)
        "tpu.region"() ({
          %run_scoped3A = tpu.sem_alloc : memref<!tpu.dma_semaphore, #tpu.memory_space<semaphore_mem>>
          %dma_start3A_60 = tpu.memref_slice %arg15[%multiple_of3A] : memref<5120xi32, #tpu.memory_space<vmem>> -> memref<128xi32, #tpu.memory_space<vmem>>
          %dma_start3A_61 = arith.constant 0 : i32
          %dma_start3A_62 = arith.constant 0 : i32
          %dma_start3A_63 = tpu.memref_slice %arg13[%dma_start3A_61, %dma_start3A_62] : memref<10008x128xf32, #tpu.memory_space<vmem_shared>> -> memref<10008x128xf32, #tpu.memory_space<vmem_shared>>
          tpu.enqueue_indirect_dma source(%arg16 : memref<128x128xf32, #tpu.memory_space<vmem>>) target(%dma_start3A_63 : memref<10008x128xf32, #tpu.memory_space<vmem_shared>>) offsets(%dma_start3A_60 : memref<128xi32, #tpu.memory_space<vmem>>) semaphore(%run_scoped3A : memref<!tpu.dma_semaphore, #tpu.memory_space<semaphore_mem>>) {add = true}
          %dma_wait3A_64 = tpu.memref_slice %arg15[%multiple_of3A] : memref<5120xi32, #tpu.memory_space<vmem>> -> memref<128xi32, #tpu.memory_space<vmem>>
          %dma_wait3A_65 = arith.constant 0 : i32
          %dma_wait3A_66 = arith.constant 0 : i32
          %dma_wait3A_67 = tpu.memref_slice %arg13[%dma_wait3A_65, %dma_wait3A_66] : memref<10008x128xf32, #tpu.memory_space<vmem_shared>> -> memref<10008x128xf32, #tpu.memory_space<vmem_shared>>
          tpu.wait_indirect_dma semaphore(%run_scoped3A : memref<!tpu.dma_semaphore, #tpu.memory_space<semaphore_mem>>) src(%arg16 : memref<128x128xf32, #tpu.memory_space<vmem>>) dst(%dma_wait3A_67 : memref<10008x128xf32, #tpu.memory_space<vmem_shared>>)
          tpu.yield
        }) : () -> ()
      }
      %scan3A_32 = arith.constant 40 : i32
      %mul3A_33 = arith.constant 80 : i32
      %mul3A_34 = arith.muli %arg1, %mul3A_33 : i32
      %add3A_35 = arith.constant 40 : i32
      %add3A_36 = arith.addi %mul3A_34, %add3A_35 : i32
      %mul3A_37 = arith.constant 128 : i32
      %mul3A_38 = arith.muli %add3A_36, %mul3A_37 : i32
      "tpu.region"() ({
        %run_scoped3A = tpu.sem_alloc : memref<!tpu.dma_semaphore, #tpu.memory_space<semaphore_mem>>
        %dma_start3A = tpu.memref_slice %arg2[%mul3A_38] : memref<163840xi32, #tpu.memory_space<hbm>> -> memref<5120xi32, #tpu.memory_space<hbm>>
        %dma_start3A_51 = tpu.memref_slice %arg2[%mul3A_38] : memref<163840xi32, #tpu.memory_space<hbm>> -> memref<5120xi32, #tpu.memory_space<hbm>>
        tpu.enqueue_dma source(%dma_start3A_51 : memref<5120xi32, #tpu.memory_space<hbm>>) target(%arg14 : memref<5120xi32, #tpu.memory_space<vmem>>) target_semaphore(%run_scoped3A : memref<!tpu.dma_semaphore, #tpu.memory_space<semaphore_mem>>)
        %dma_wait3A = tpu.memref_slice %arg2[%mul3A_38] : memref<163840xi32, #tpu.memory_space<hbm>> -> memref<5120xi32, #tpu.memory_space<hbm>>
        %dma_wait3A_52 = tpu.memref_slice %arg2[%mul3A_38] : memref<163840xi32, #tpu.memory_space<hbm>> -> memref<5120xi32, #tpu.memory_space<hbm>>
        tpu.wait_dma2 semaphore(%run_scoped3A : memref<!tpu.dma_semaphore, #tpu.memory_space<semaphore_mem>>) src(%dma_wait3A_52 : memref<5120xi32, #tpu.memory_space<hbm>>) dst(%arg14 : memref<5120xi32, #tpu.memory_space<vmem>>)
        tpu.yield
      }) : () -> ()
      "tpu.region"() ({
        %run_scoped3A = tpu.sem_alloc : memref<!tpu.dma_semaphore, #tpu.memory_space<semaphore_mem>>
        %dma_start3A = tpu.memref_slice %arg3[%mul3A_38] : memref<163840xi32, #tpu.memory_space<hbm>> -> memref<5120xi32, #tpu.memory_space<hbm>>
        %dma_start3A_51 = tpu.memref_slice %arg3[%mul3A_38] : memref<163840xi32, #tpu.memory_space<hbm>> -> memref<5120xi32, #tpu.memory_space<hbm>>
        tpu.enqueue_dma source(%dma_start3A_51 : memref<5120xi32, #tpu.memory_space<hbm>>) target(%arg15 : memref<5120xi32, #tpu.memory_space<vmem>>) target_semaphore(%run_scoped3A : memref<!tpu.dma_semaphore, #tpu.memory_space<semaphore_mem>>)
        %dma_wait3A = tpu.memref_slice %arg3[%mul3A_38] : memref<163840xi32, #tpu.memory_space<hbm>> -> memref<5120xi32, #tpu.memory_space<hbm>>
        %dma_wait3A_52 = tpu.memref_slice %arg3[%mul3A_38] : memref<163840xi32, #tpu.memory_space<hbm>> -> memref<5120xi32, #tpu.memory_space<hbm>>
        tpu.wait_dma2 semaphore(%run_scoped3A : memref<!tpu.dma_semaphore, #tpu.memory_space<semaphore_mem>>) src(%dma_wait3A_52 : memref<5120xi32, #tpu.memory_space<hbm>>) dst(%arg15 : memref<5120xi32, #tpu.memory_space<vmem>>)
        tpu.yield
      }) : () -> ()
      %scan3A_39 = arith.constant 0 : i32
      %scan3A_40 = arith.constant 0 : i32
      %scan3A_41 = arith.constant 40 : i32
      %scan3A_42 = arith.addi %scan3A_40, %scan3A_41 : i32
      %scan3A_43 = arith.constant 1 : i32
      scf.for %scan3A_51 = %scan3A_40 to %scan3A_42 step %scan3A_43  : i32 {
        %mul3A_52 = arith.constant 128 : i32
        %mul3A_53 = arith.muli %scan3A_51, %mul3A_52 : i32
        %multiple_of3A = tpu.assume_multiple %mul3A_53, 128 : i32
        %dma_start3A = tpu.memref_slice %arg14[%multiple_of3A] : memref<5120xi32, #tpu.memory_space<vmem>> -> memref<128xi32, #tpu.memory_space<vmem>>
        %dma_start3A_54 = arith.constant 0 : i32
        %dma_start3A_55 = arith.constant 0 : i32
        %dma_start3A_56 = tpu.memref_slice %arg6[%dma_start3A_54, %dma_start3A_55] : memref<10000x128xf32, #tpu.memory_space<hbm>> -> memref<10000x128xf32, #tpu.memory_space<hbm>>
        tpu.enqueue_indirect_dma source(%dma_start3A_56 : memref<10000x128xf32, #tpu.memory_space<hbm>>) target(%arg16 : memref<128x128xf32, #tpu.memory_space<vmem>>) offsets(%dma_start3A : memref<128xi32, #tpu.memory_space<vmem>>) semaphore(%arg18 : memref<!tpu.dma_semaphore, #tpu.memory_space<semaphore_mem>>)
        %dma_wait3A = tpu.memref_slice %arg14[%multiple_of3A] : memref<5120xi32, #tpu.memory_space<vmem>> -> memref<128xi32, #tpu.memory_space<vmem>>
        %dma_wait3A_57 = arith.constant 0 : i32
        %dma_wait3A_58 = arith.constant 0 : i32
        %dma_wait3A_59 = tpu.memref_slice %arg6[%dma_wait3A_57, %dma_wait3A_58] : memref<10000x128xf32, #tpu.memory_space<hbm>> -> memref<10000x128xf32, #tpu.memory_space<hbm>>
        tpu.wait_indirect_dma semaphore(%arg18 : memref<!tpu.dma_semaphore, #tpu.memory_space<semaphore_mem>>) src(%dma_wait3A_59 : memref<10000x128xf32, #tpu.memory_space<hbm>>) dst(%arg16 : memref<128x128xf32, #tpu.memory_space<vmem>>)
        "tpu.region"() ({
          %run_scoped3A = tpu.sem_alloc : memref<!tpu.dma_semaphore, #tpu.memory_space<semaphore_mem>>
          %dma_start3A_60 = tpu.memref_slice %arg15[%multiple_of3A] : memref<5120xi32, #tpu.memory_space<vmem>> -> memref<128xi32, #tpu.memory_space<vmem>>
          %dma_start3A_61 = arith.constant 0 : i32
          %dma_start3A_62 = arith.constant 0 : i32
          %dma_start3A_63 = tpu.memref_slice %arg13[%dma_start3A_61, %dma_start3A_62] : memref<10008x128xf32, #tpu.memory_space<vmem_shared>> -> memref<10008x128xf32, #tpu.memory_space<vmem_shared>>
          tpu.enqueue_indirect_dma source(%arg16 : memref<128x128xf32, #tpu.memory_space<vmem>>) target(%dma_start3A_63 : memref<10008x128xf32, #tpu.memory_space<vmem_shared>>) offsets(%dma_start3A_60 : memref<128xi32, #tpu.memory_space<vmem>>) semaphore(%run_scoped3A : memref<!tpu.dma_semaphore, #tpu.memory_space<semaphore_mem>>) {add = true}
          %dma_wait3A_64 = tpu.memref_slice %arg15[%multiple_of3A] : memref<5120xi32, #tpu.memory_space<vmem>> -> memref<128xi32, #tpu.memory_space<vmem>>
          %dma_wait3A_65 = arith.constant 0 : i32
          %dma_wait3A_66 = arith.constant 0 : i32
          %dma_wait3A_67 = tpu.memref_slice %arg13[%dma_wait3A_65, %dma_wait3A_66] : memref<10008x128xf32, #tpu.memory_space<vmem_shared>> -> memref<10008x128xf32, #tpu.memory_space<vmem_shared>>
          tpu.wait_indirect_dma semaphore(%run_scoped3A : memref<!tpu.dma_semaphore, #tpu.memory_space<semaphore_mem>>) src(%arg16 : memref<128x128xf32, #tpu.memory_space<vmem>>) dst(%dma_wait3A_67 : memref<10008x128xf32, #tpu.memory_space<vmem_shared>>)
          tpu.yield
        }) : () -> ()
      }
      %scan3A_44 = arith.constant 40 : i32
      %barrier3A_45 = arith.constant 0 : index
      tpu.barrier barrier_id(%barrier3A_45)
      "tpu.region"() ({
        %run_scoped3A = tpu.sem_alloc : memref<!tpu.dma_semaphore, #tpu.memory_space<semaphore_mem>>
        %dma_start3A = arith.constant 0 : i32
        %dma_start3A_51 = tpu.memref_slice %arg10[%mul3A_0, %dma_start3A] : memref<10000x128xf32, #tpu.memory_space<hbm>> -> memref<624x128xf32, #tpu.memory_space<hbm>>
        %dma_start3A_52 = arith.constant 0 : i32
        %dma_start3A_53 = tpu.memref_slice %arg13[%mul3A_0, %dma_start3A_52] : memref<10008x128xf32, #tpu.memory_space<vmem_shared>> -> memref<624x128xf32, #tpu.memory_space<vmem_shared>>
        tpu.enqueue_dma source(%dma_start3A_53 : memref<624x128xf32, #tpu.memory_space<vmem_shared>>) target(%dma_start3A_51 : memref<624x128xf32, #tpu.memory_space<hbm>>) target_semaphore(%run_scoped3A : memref<!tpu.dma_semaphore, #tpu.memory_space<semaphore_mem>>)
        %dma_wait3A = arith.constant 0 : i32
        %dma_wait3A_54 = tpu.memref_slice %arg10[%mul3A_0, %dma_wait3A] : memref<10000x128xf32, #tpu.memory_space<hbm>> -> memref<624x128xf32, #tpu.memory_space<hbm>>
        %dma_wait3A_55 = arith.constant 0 : i32
        %dma_wait3A_56 = tpu.memref_slice %arg13[%mul3A_0, %dma_wait3A_55] : memref<10008x128xf32, #tpu.memory_space<vmem_shared>> -> memref<624x128xf32, #tpu.memory_space<vmem_shared>>
        tpu.wait_dma2 semaphore(%run_scoped3A : memref<!tpu.dma_semaphore, #tpu.memory_space<semaphore_mem>>) src(%dma_wait3A_56 : memref<624x128xf32, #tpu.memory_space<vmem_shared>>) dst(%dma_wait3A_54 : memref<624x128xf32, #tpu.memory_space<hbm>>)
        tpu.yield
      }) : () -> ()
      %eq3A_46 = arith.constant 0 : i32
      %eq3A_47 = arith.cmpi eq, %arg1, %eq3A_46 : i32
      %convert_element_type3A_48 = arith.extui %eq3A_47 : i1 to i32
      %cond3A_49 = arith.constant 0 : i32
      %cond3A_50 = arith.cmpi ne, %convert_element_type3A_48, %cond3A_49 : i32
      scf.if %cond3A_50 {
        "tpu.region"() ({
          %run_scoped3A = tpu.sem_alloc : memref<!tpu.dma_semaphore, #tpu.memory_space<semaphore_mem>>
          %dma_start3A = arith.constant 9984 : i32
          %dma_start3A_51 = arith.constant 0 : i32
          %dma_start3A_52 = tpu.memref_slice %arg10[%dma_start3A, %dma_start3A_51] : memref<10000x128xf32, #tpu.memory_space<hbm>> -> memref<16x128xf32, #tpu.memory_space<hbm>>
          %dma_start3A_53 = arith.constant 9984 : i32
          %dma_start3A_54 = arith.constant 0 : i32
          %dma_start3A_55 = tpu.memref_slice %arg13[%dma_start3A_53, %dma_start3A_54] : memref<10008x128xf32, #tpu.memory_space<vmem_shared>> -> memref<16x128xf32, #tpu.memory_space<vmem_shared>>
          tpu.enqueue_dma source(%dma_start3A_55 : memref<16x128xf32, #tpu.memory_space<vmem_shared>>) target(%dma_start3A_52 : memref<16x128xf32, #tpu.memory_space<hbm>>) target_semaphore(%run_scoped3A : memref<!tpu.dma_semaphore, #tpu.memory_space<semaphore_mem>>)
          %dma_wait3A = arith.constant 9984 : i32
          %dma_wait3A_56 = arith.constant 0 : i32
          %dma_wait3A_57 = tpu.memref_slice %arg10[%dma_wait3A, %dma_wait3A_56] : memref<10000x128xf32, #tpu.memory_space<hbm>> -> memref<16x128xf32, #tpu.memory_space<hbm>>
          %dma_wait3A_58 = arith.constant 9984 : i32
          %dma_wait3A_59 = arith.constant 0 : i32
          %dma_wait3A_60 = tpu.memref_slice %arg13[%dma_wait3A_58, %dma_wait3A_59] : memref<10008x128xf32, #tpu.memory_space<vmem_shared>> -> memref<16x128xf32, #tpu.memory_space<vmem_shared>>
          tpu.wait_dma2 semaphore(%run_scoped3A : memref<!tpu.dma_semaphore, #tpu.memory_space<semaphore_mem>>) src(%dma_wait3A_60 : memref<16x128xf32, #tpu.memory_space<vmem_shared>>) dst(%dma_wait3A_57 : memref<16x128xf32, #tpu.memory_space<hbm>>)
          tpu.yield
        }) : () -> ()
      } else {
      }
    } else {
    }
    %eq3A_8 = arith.constant 1 : i32
    %eq3A_9 = arith.cmpi eq, %arg0, %eq3A_8 : i32
    %convert_element_type3A_10 = arith.extui %eq3A_9 : i1 to i32
    %cond3A_11 = arith.constant 0 : i32
    %cond3A_12 = arith.cmpi ne, %convert_element_type3A_10, %cond3A_11 : i32
    scf.if %cond3A_12 {
      "tpu.region"() ({
        %run_scoped3A = tpu.sem_alloc : memref<!tpu.dma_semaphore, #tpu.memory_space<semaphore_mem>>
        %dma_start3A = arith.constant 0 : i32
        %dma_start3A_51 = tpu.memref_slice %arg13[%mul3A_0, %dma_start3A] : memref<10008x128xf32, #tpu.memory_space<vmem_shared>> -> memref<624x128xf32, #tpu.memory_space<vmem_shared>>
        %dma_start3A_52 = arith.constant 0 : i32
        %dma_start3A_53 = arith.constant 0 : i32
        %dma_start3A_54 = tpu.memref_slice %arg4[%dma_start3A_52, %dma_start3A_53] : memref<624x128xf32, #tpu.memory_space<hbm>> -> memref<624x128xf32, #tpu.memory_space<hbm>>
        tpu.enqueue_dma source(%dma_start3A_54 : memref<624x128xf32, #tpu.memory_space<hbm>>) target(%dma_start3A_51 : memref<624x128xf32, #tpu.memory_space<vmem_shared>>) target_semaphore(%run_scoped3A : memref<!tpu.dma_semaphore, #tpu.memory_space<semaphore_mem>>)
        %dma_wait3A = arith.constant 0 : i32
        %dma_wait3A_55 = tpu.memref_slice %arg13[%mul3A_0, %dma_wait3A] : memref<10008x128xf32, #tpu.memory_space<vmem_shared>> -> memref<624x128xf32, #tpu.memory_space<vmem_shared>>
        %dma_wait3A_56 = arith.constant 0 : i32
        %dma_wait3A_57 = arith.constant 0 : i32
        %dma_wait3A_58 = tpu.memref_slice %arg4[%dma_wait3A_56, %dma_wait3A_57] : memref<624x128xf32, #tpu.memory_space<hbm>> -> memref<624x128xf32, #tpu.memory_space<hbm>>
        tpu.wait_dma2 semaphore(%run_scoped3A : memref<!tpu.dma_semaphore, #tpu.memory_space<semaphore_mem>>) src(%dma_wait3A_58 : memref<624x128xf32, #tpu.memory_space<hbm>>) dst(%dma_wait3A_55 : memref<624x128xf32, #tpu.memory_space<vmem_shared>>)
        tpu.yield
      }) : () -> ()
      %eq3A_18 = arith.constant 0 : i32
      %eq3A_19 = arith.cmpi eq, %arg1, %eq3A_18 : i32
      %convert_element_type3A_20 = arith.extui %eq3A_19 : i1 to i32
      %cond3A_21 = arith.constant 0 : i32
      %cond3A_22 = arith.cmpi ne, %convert_element_type3A_20, %cond3A_21 : i32
      scf.if %cond3A_22 {
        "tpu.region"() ({
          %run_scoped3A = tpu.sem_alloc : memref<!tpu.dma_semaphore, #tpu.memory_space<semaphore_mem>>
          %dma_start3A = arith.constant 9984 : i32
          %dma_start3A_51 = arith.constant 0 : i32
          %dma_start3A_52 = tpu.memref_slice %arg13[%dma_start3A, %dma_start3A_51] : memref<10008x128xf32, #tpu.memory_space<vmem_shared>> -> memref<24x128xf32, #tpu.memory_space<vmem_shared>>
          %dma_start3A_53 = arith.constant 0 : i32
          %dma_start3A_54 = arith.constant 0 : i32
          %dma_start3A_55 = tpu.memref_slice %arg4[%dma_start3A_53, %dma_start3A_54] : memref<624x128xf32, #tpu.memory_space<hbm>> -> memref<24x128xf32, #tpu.memory_space<hbm>>
          tpu.enqueue_dma source(%dma_start3A_55 : memref<24x128xf32, #tpu.memory_space<hbm>>) target(%dma_start3A_52 : memref<24x128xf32, #tpu.memory_space<vmem_shared>>) target_semaphore(%run_scoped3A : memref<!tpu.dma_semaphore, #tpu.memory_space<semaphore_mem>>)
          %dma_wait3A = arith.constant 9984 : i32
          %dma_wait3A_56 = arith.constant 0 : i32
          %dma_wait3A_57 = tpu.memref_slice %arg13[%dma_wait3A, %dma_wait3A_56] : memref<10008x128xf32, #tpu.memory_space<vmem_shared>> -> memref<24x128xf32, #tpu.memory_space<vmem_shared>>
          %dma_wait3A_58 = arith.constant 0 : i32
          %dma_wait3A_59 = arith.constant 0 : i32
          %dma_wait3A_60 = tpu.memref_slice %arg4[%dma_wait3A_58, %dma_wait3A_59] : memref<624x128xf32, #tpu.memory_space<hbm>> -> memref<24x128xf32, #tpu.memory_space<hbm>>
          tpu.wait_dma2 semaphore(%run_scoped3A : memref<!tpu.dma_semaphore, #tpu.memory_space<semaphore_mem>>) src(%dma_wait3A_60 : memref<24x128xf32, #tpu.memory_space<hbm>>) dst(%dma_wait3A_57 : memref<24x128xf32, #tpu.memory_space<vmem_shared>>)
          tpu.yield
        }) : () -> ()
      } else {
      }
      %barrier3A = arith.constant 0 : index
      tpu.barrier barrier_id(%barrier3A)
      %mul3A_23 = arith.constant 80 : i32
      %mul3A_24 = arith.muli %arg1, %mul3A_23 : i32
      %add3A = arith.constant 0 : i32
      %add3A_25 = arith.addi %mul3A_24, %add3A : i32
      %mul3A_26 = arith.constant 128 : i32
      %mul3A_27 = arith.muli %add3A_25, %mul3A_26 : i32
      "tpu.region"() ({
        %run_scoped3A = tpu.sem_alloc : memref<!tpu.dma_semaphore, #tpu.memory_space<semaphore_mem>>
        %dma_start3A = tpu.memref_slice %arg2[%mul3A_27] : memref<163840xi32, #tpu.memory_space<hbm>> -> memref<5120xi32, #tpu.memory_space<hbm>>
        %dma_start3A_51 = tpu.memref_slice %arg2[%mul3A_27] : memref<163840xi32, #tpu.memory_space<hbm>> -> memref<5120xi32, #tpu.memory_space<hbm>>
        tpu.enqueue_dma source(%dma_start3A_51 : memref<5120xi32, #tpu.memory_space<hbm>>) target(%arg14 : memref<5120xi32, #tpu.memory_space<vmem>>) target_semaphore(%run_scoped3A : memref<!tpu.dma_semaphore, #tpu.memory_space<semaphore_mem>>)
        %dma_wait3A = tpu.memref_slice %arg2[%mul3A_27] : memref<163840xi32, #tpu.memory_space<hbm>> -> memref<5120xi32, #tpu.memory_space<hbm>>
        %dma_wait3A_52 = tpu.memref_slice %arg2[%mul3A_27] : memref<163840xi32, #tpu.memory_space<hbm>> -> memref<5120xi32, #tpu.memory_space<hbm>>
        tpu.wait_dma2 semaphore(%run_scoped3A : memref<!tpu.dma_semaphore, #tpu.memory_space<semaphore_mem>>) src(%dma_wait3A_52 : memref<5120xi32, #tpu.memory_space<hbm>>) dst(%arg14 : memref<5120xi32, #tpu.memory_space<vmem>>)
        tpu.yield
      }) : () -> ()
      "tpu.region"() ({
        %run_scoped3A = tpu.sem_alloc : memref<!tpu.dma_semaphore, #tpu.memory_space<semaphore_mem>>
        %dma_start3A = tpu.memref_slice %arg3[%mul3A_27] : memref<163840xi32, #tpu.memory_space<hbm>> -> memref<5120xi32, #tpu.memory_space<hbm>>
        %dma_start3A_51 = tpu.memref_slice %arg3[%mul3A_27] : memref<163840xi32, #tpu.memory_space<hbm>> -> memref<5120xi32, #tpu.memory_space<hbm>>
        tpu.enqueue_dma source(%dma_start3A_51 : memref<5120xi32, #tpu.memory_space<hbm>>) target(%arg15 : memref<5120xi32, #tpu.memory_space<vmem>>) target_semaphore(%run_scoped3A : memref<!tpu.dma_semaphore, #tpu.memory_space<semaphore_mem>>)
        %dma_wait3A = tpu.memref_slice %arg3[%mul3A_27] : memref<163840xi32, #tpu.memory_space<hbm>> -> memref<5120xi32, #tpu.memory_space<hbm>>
        %dma_wait3A_52 = tpu.memref_slice %arg3[%mul3A_27] : memref<163840xi32, #tpu.memory_space<hbm>> -> memref<5120xi32, #tpu.memory_space<hbm>>
        tpu.wait_dma2 semaphore(%run_scoped3A : memref<!tpu.dma_semaphore, #tpu.memory_space<semaphore_mem>>) src(%dma_wait3A_52 : memref<5120xi32, #tpu.memory_space<hbm>>) dst(%arg15 : memref<5120xi32, #tpu.memory_space<vmem>>)
        tpu.yield
      }) : () -> ()
      %scan3A = arith.constant 0 : i32
      %scan3A_28 = arith.constant 0 : i32
      %scan3A_29 = arith.constant 40 : i32
      %scan3A_30 = arith.addi %scan3A_28, %scan3A_29 : i32
      %scan3A_31 = arith.constant 1 : i32
      scf.for %scan3A_51 = %scan3A_28 to %scan3A_30 step %scan3A_31  : i32 {
        %mul3A_52 = arith.constant 128 : i32
        %mul3A_53 = arith.muli %scan3A_51, %mul3A_52 : i32
        %multiple_of3A = tpu.assume_multiple %mul3A_53, 128 : i32
        %dma_start3A = tpu.memref_slice %arg14[%multiple_of3A] : memref<5120xi32, #tpu.memory_space<vmem>> -> memref<128xi32, #tpu.memory_space<vmem>>
        %dma_start3A_54 = arith.constant 0 : i32
        %dma_start3A_55 = arith.constant 0 : i32
        %dma_start3A_56 = tpu.memref_slice %arg7[%dma_start3A_54, %dma_start3A_55] : memref<10000x128xf32, #tpu.memory_space<hbm>> -> memref<10000x128xf32, #tpu.memory_space<hbm>>
        tpu.enqueue_indirect_dma source(%dma_start3A_56 : memref<10000x128xf32, #tpu.memory_space<hbm>>) target(%arg16 : memref<128x128xf32, #tpu.memory_space<vmem>>) offsets(%dma_start3A : memref<128xi32, #tpu.memory_space<vmem>>) semaphore(%arg18 : memref<!tpu.dma_semaphore, #tpu.memory_space<semaphore_mem>>)
        %dma_wait3A = tpu.memref_slice %arg14[%multiple_of3A] : memref<5120xi32, #tpu.memory_space<vmem>> -> memref<128xi32, #tpu.memory_space<vmem>>
        %dma_wait3A_57 = arith.constant 0 : i32
        %dma_wait3A_58 = arith.constant 0 : i32
        %dma_wait3A_59 = tpu.memref_slice %arg7[%dma_wait3A_57, %dma_wait3A_58] : memref<10000x128xf32, #tpu.memory_space<hbm>> -> memref<10000x128xf32, #tpu.memory_space<hbm>>
        tpu.wait_indirect_dma semaphore(%arg18 : memref<!tpu.dma_semaphore, #tpu.memory_space<semaphore_mem>>) src(%dma_wait3A_59 : memref<10000x128xf32, #tpu.memory_space<hbm>>) dst(%arg16 : memref<128x128xf32, #tpu.memory_space<vmem>>)
        "tpu.region"() ({
          %run_scoped3A = tpu.sem_alloc : memref<!tpu.dma_semaphore, #tpu.memory_space<semaphore_mem>>
          %dma_start3A_60 = tpu.memref_slice %arg15[%multiple_of3A] : memref<5120xi32, #tpu.memory_space<vmem>> -> memref<128xi32, #tpu.memory_space<vmem>>
          %dma_start3A_61 = arith.constant 0 : i32
          %dma_start3A_62 = arith.constant 0 : i32
          %dma_start3A_63 = tpu.memref_slice %arg13[%dma_start3A_61, %dma_start3A_62] : memref<10008x128xf32, #tpu.memory_space<vmem_shared>> -> memref<10008x128xf32, #tpu.memory_space<vmem_shared>>
          tpu.enqueue_indirect_dma source(%arg16 : memref<128x128xf32, #tpu.memory_space<vmem>>) target(%dma_start3A_63 : memref<10008x128xf32, #tpu.memory_space<vmem_shared>>) offsets(%dma_start3A_60 : memref<128xi32, #tpu.memory_space<vmem>>) semaphore(%run_scoped3A : memref<!tpu.dma_semaphore, #tpu.memory_space<semaphore_mem>>) {add = true}
          %dma_wait3A_64 = tpu.memref_slice %arg15[%multiple_of3A] : memref<5120xi32, #tpu.memory_space<vmem>> -> memref<128xi32, #tpu.memory_space<vmem>>
          %dma_wait3A_65 = arith.constant 0 : i32
          %dma_wait3A_66 = arith.constant 0 : i32
          %dma_wait3A_67 = tpu.memref_slice %arg13[%dma_wait3A_65, %dma_wait3A_66] : memref<10008x128xf32, #tpu.memory_space<vmem_shared>> -> memref<10008x128xf32, #tpu.memory_space<vmem_shared>>
          tpu.wait_indirect_dma semaphore(%run_scoped3A : memref<!tpu.dma_semaphore, #tpu.memory_space<semaphore_mem>>) src(%arg16 : memref<128x128xf32, #tpu.memory_space<vmem>>) dst(%dma_wait3A_67 : memref<10008x128xf32, #tpu.memory_space<vmem_shared>>)
          tpu.yield
        }) : () -> ()
      }
      %scan3A_32 = arith.constant 40 : i32
      %mul3A_33 = arith.constant 80 : i32
      %mul3A_34 = arith.muli %arg1, %mul3A_33 : i32
      %add3A_35 = arith.constant 40 : i32
      %add3A_36 = arith.addi %mul3A_34, %add3A_35 : i32
      %mul3A_37 = arith.constant 128 : i32
      %mul3A_38 = arith.muli %add3A_36, %mul3A_37 : i32
      "tpu.region"() ({
        %run_scoped3A = tpu.sem_alloc : memref<!tpu.dma_semaphore, #tpu.memory_space<semaphore_mem>>
        %dma_start3A = tpu.memref_slice %arg2[%mul3A_38] : memref<163840xi32, #tpu.memory_space<hbm>> -> memref<5120xi32, #tpu.memory_space<hbm>>
        %dma_start3A_51 = tpu.memref_slice %arg2[%mul3A_38] : memref<163840xi32, #tpu.memory_space<hbm>> -> memref<5120xi32, #tpu.memory_space<hbm>>
        tpu.enqueue_dma source(%dma_start3A_51 : memref<5120xi32, #tpu.memory_space<hbm>>) target(%arg14 : memref<5120xi32, #tpu.memory_space<vmem>>) target_semaphore(%run_scoped3A : memref<!tpu.dma_semaphore, #tpu.memory_space<semaphore_mem>>)
        %dma_wait3A = tpu.memref_slice %arg2[%mul3A_38] : memref<163840xi32, #tpu.memory_space<hbm>> -> memref<5120xi32, #tpu.memory_space<hbm>>
        %dma_wait3A_52 = tpu.memref_slice %arg2[%mul3A_38] : memref<163840xi32, #tpu.memory_space<hbm>> -> memref<5120xi32, #tpu.memory_space<hbm>>
        tpu.wait_dma2 semaphore(%run_scoped3A : memref<!tpu.dma_semaphore, #tpu.memory_space<semaphore_mem>>) src(%dma_wait3A_52 : memref<5120xi32, #tpu.memory_space<hbm>>) dst(%arg14 : memref<5120xi32, #tpu.memory_space<vmem>>)
        tpu.yield
      }) : () -> ()
      "tpu.region"() ({
        %run_scoped3A = tpu.sem_alloc : memref<!tpu.dma_semaphore, #tpu.memory_space<semaphore_mem>>
        %dma_start3A = tpu.memref_slice %arg3[%mul3A_38] : memref<163840xi32, #tpu.memory_space<hbm>> -> memref<5120xi32, #tpu.memory_space<hbm>>
        %dma_start3A_51 = tpu.memref_slice %arg3[%mul3A_38] : memref<163840xi32, #tpu.memory_space<hbm>> -> memref<5120xi32, #tpu.memory_space<hbm>>
        tpu.enqueue_dma source(%dma_start3A_51 : memref<5120xi32, #tpu.memory_space<hbm>>) target(%arg15 : memref<5120xi32, #tpu.memory_space<vmem>>) target_semaphore(%run_scoped3A : memref<!tpu.dma_semaphore, #tpu.memory_space<semaphore_mem>>)
        %dma_wait3A = tpu.memref_slice %arg3[%mul3A_38] : memref<163840xi32, #tpu.memory_space<hbm>> -> memref<5120xi32, #tpu.memory_space<hbm>>
        %dma_wait3A_52 = tpu.memref_slice %arg3[%mul3A_38] : memref<163840xi32, #tpu.memory_space<hbm>> -> memref<5120xi32, #tpu.memory_space<hbm>>
        tpu.wait_dma2 semaphore(%run_scoped3A : memref<!tpu.dma_semaphore, #tpu.memory_space<semaphore_mem>>) src(%dma_wait3A_52 : memref<5120xi32, #tpu.memory_space<hbm>>) dst(%arg15 : memref<5120xi32, #tpu.memory_space<vmem>>)
        tpu.yield
      }) : () -> ()
      %scan3A_39 = arith.constant 0 : i32
      %scan3A_40 = arith.constant 0 : i32
      %scan3A_41 = arith.constant 40 : i32
      %scan3A_42 = arith.addi %scan3A_40, %scan3A_41 : i32
      %scan3A_43 = arith.constant 1 : i32
      scf.for %scan3A_51 = %scan3A_40 to %scan3A_42 step %scan3A_43  : i32 {
        %mul3A_52 = arith.constant 128 : i32
        %mul3A_53 = arith.muli %scan3A_51, %mul3A_52 : i32
        %multiple_of3A = tpu.assume_multiple %mul3A_53, 128 : i32
        %dma_start3A = tpu.memref_slice %arg14[%multiple_of3A] : memref<5120xi32, #tpu.memory_space<vmem>> -> memref<128xi32, #tpu.memory_space<vmem>>
        %dma_start3A_54 = arith.constant 0 : i32
        %dma_start3A_55 = arith.constant 0 : i32
        %dma_start3A_56 = tpu.memref_slice %arg7[%dma_start3A_54, %dma_start3A_55] : memref<10000x128xf32, #tpu.memory_space<hbm>> -> memref<10000x128xf32, #tpu.memory_space<hbm>>
        tpu.enqueue_indirect_dma source(%dma_start3A_56 : memref<10000x128xf32, #tpu.memory_space<hbm>>) target(%arg16 : memref<128x128xf32, #tpu.memory_space<vmem>>) offsets(%dma_start3A : memref<128xi32, #tpu.memory_space<vmem>>) semaphore(%arg18 : memref<!tpu.dma_semaphore, #tpu.memory_space<semaphore_mem>>)
        %dma_wait3A = tpu.memref_slice %arg14[%multiple_of3A] : memref<5120xi32, #tpu.memory_space<vmem>> -> memref<128xi32, #tpu.memory_space<vmem>>
        %dma_wait3A_57 = arith.constant 0 : i32
        %dma_wait3A_58 = arith.constant 0 : i32
        %dma_wait3A_59 = tpu.memref_slice %arg7[%dma_wait3A_57, %dma_wait3A_58] : memref<10000x128xf32, #tpu.memory_space<hbm>> -> memref<10000x128xf32, #tpu.memory_space<hbm>>
        tpu.wait_indirect_dma semaphore(%arg18 : memref<!tpu.dma_semaphore, #tpu.memory_space<semaphore_mem>>) src(%dma_wait3A_59 : memref<10000x128xf32, #tpu.memory_space<hbm>>) dst(%arg16 : memref<128x128xf32, #tpu.memory_space<vmem>>)
        "tpu.region"() ({
          %run_scoped3A = tpu.sem_alloc : memref<!tpu.dma_semaphore, #tpu.memory_space<semaphore_mem>>
          %dma_start3A_60 = tpu.memref_slice %arg15[%multiple_of3A] : memref<5120xi32, #tpu.memory_space<vmem>> -> memref<128xi32, #tpu.memory_space<vmem>>
          %dma_start3A_61 = arith.constant 0 : i32
          %dma_start3A_62 = arith.constant 0 : i32
          %dma_start3A_63 = tpu.memref_slice %arg13[%dma_start3A_61, %dma_start3A_62] : memref<10008x128xf32, #tpu.memory_space<vmem_shared>> -> memref<10008x128xf32, #tpu.memory_space<vmem_shared>>
          tpu.enqueue_indirect_dma source(%arg16 : memref<128x128xf32, #tpu.memory_space<vmem>>) target(%dma_start3A_63 : memref<10008x128xf32, #tpu.memory_space<vmem_shared>>) offsets(%dma_start3A_60 : memref<128xi32, #tpu.memory_space<vmem>>) semaphore(%run_scoped3A : memref<!tpu.dma_semaphore, #tpu.memory_space<semaphore_mem>>) {add = true}
          %dma_wait3A_64 = tpu.memref_slice %arg15[%multiple_of3A] : memref<5120xi32, #tpu.memory_space<vmem>> -> memref<128xi32, #tpu.memory_space<vmem>>
          %dma_wait3A_65 = arith.constant 0 : i32
          %dma_wait3A_66 = arith.constant 0 : i32
          %dma_wait3A_67 = tpu.memref_slice %arg13[%dma_wait3A_65, %dma_wait3A_66] : memref<10008x128xf32, #tpu.memory_space<vmem_shared>> -> memref<10008x128xf32, #tpu.memory_space<vmem_shared>>
          tpu.wait_indirect_dma semaphore(%run_scoped3A : memref<!tpu.dma_semaphore, #tpu.memory_space<semaphore_mem>>) src(%arg16 : memref<128x128xf32, #tpu.memory_space<vmem>>) dst(%dma_wait3A_67 : memref<10008x128xf32, #tpu.memory_space<vmem_shared>>)
          tpu.yield
        }) : () -> ()
      }
      %scan3A_44 = arith.constant 40 : i32
      %barrier3A_45 = arith.constant 0 : index
      tpu.barrier barrier_id(%barrier3A_45)
      "tpu.region"() ({
        %run_scoped3A = tpu.sem_alloc : memref<!tpu.dma_semaphore, #tpu.memory_space<semaphore_mem>>
        %dma_start3A = arith.constant 0 : i32
        %dma_start3A_51 = tpu.memref_slice %arg11[%mul3A_0, %dma_start3A] : memref<10000x128xf32, #tpu.memory_space<hbm>> -> memref<624x128xf32, #tpu.memory_space<hbm>>
        %dma_start3A_52 = arith.constant 0 : i32
        %dma_start3A_53 = tpu.memref_slice %arg13[%mul3A_0, %dma_start3A_52] : memref<10008x128xf32, #tpu.memory_space<vmem_shared>> -> memref<624x128xf32, #tpu.memory_space<vmem_shared>>
        tpu.enqueue_dma source(%dma_start3A_53 : memref<624x128xf32, #tpu.memory_space<vmem_shared>>) target(%dma_start3A_51 : memref<624x128xf32, #tpu.memory_space<hbm>>) target_semaphore(%run_scoped3A : memref<!tpu.dma_semaphore, #tpu.memory_space<semaphore_mem>>)
        %dma_wait3A = arith.constant 0 : i32
        %dma_wait3A_54 = tpu.memref_slice %arg11[%mul3A_0, %dma_wait3A] : memref<10000x128xf32, #tpu.memory_space<hbm>> -> memref<624x128xf32, #tpu.memory_space<hbm>>
        %dma_wait3A_55 = arith.constant 0 : i32
        %dma_wait3A_56 = tpu.memref_slice %arg13[%mul3A_0, %dma_wait3A_55] : memref<10008x128xf32, #tpu.memory_space<vmem_shared>> -> memref<624x128xf32, #tpu.memory_space<vmem_shared>>
        tpu.wait_dma2 semaphore(%run_scoped3A : memref<!tpu.dma_semaphore, #tpu.memory_space<semaphore_mem>>) src(%dma_wait3A_56 : memref<624x128xf32, #tpu.memory_space<vmem_shared>>) dst(%dma_wait3A_54 : memref<624x128xf32, #tpu.memory_space<hbm>>)
        tpu.yield
      }) : () -> ()
      %eq3A_46 = arith.constant 0 : i32
      %eq3A_47 = arith.cmpi eq, %arg1, %eq3A_46 : i32
      %convert_element_type3A_48 = arith.extui %eq3A_47 : i1 to i32
      %cond3A_49 = arith.constant 0 : i32
      %cond3A_50 = arith.cmpi ne, %convert_element_type3A_48, %cond3A_49 : i32
      scf.if %cond3A_50 {
        "tpu.region"() ({
          %run_scoped3A = tpu.sem_alloc : memref<!tpu.dma_semaphore, #tpu.memory_space<semaphore_mem>>
          %dma_start3A = arith.constant 9984 : i32
          %dma_start3A_51 = arith.constant 0 : i32
          %dma_start3A_52 = tpu.memref_slice %arg11[%dma_start3A, %dma_start3A_51] : memref<10000x128xf32, #tpu.memory_space<hbm>> -> memref<16x128xf32, #tpu.memory_space<hbm>>
          %dma_start3A_53 = arith.constant 9984 : i32
          %dma_start3A_54 = arith.constant 0 : i32
          %dma_start3A_55 = tpu.memref_slice %arg13[%dma_start3A_53, %dma_start3A_54] : memref<10008x128xf32, #tpu.memory_space<vmem_shared>> -> memref<16x128xf32, #tpu.memory_space<vmem_shared>>
          tpu.enqueue_dma source(%dma_start3A_55 : memref<16x128xf32, #tpu.memory_space<vmem_shared>>) target(%dma_start3A_52 : memref<16x128xf32, #tpu.memory_space<hbm>>) target_semaphore(%run_scoped3A : memref<!tpu.dma_semaphore, #tpu.memory_space<semaphore_mem>>)
          %dma_wait3A = arith.constant 9984 : i32
          %dma_wait3A_56 = arith.constant 0 : i32
          %dma_wait3A_57 = tpu.memref_slice %arg11[%dma_wait3A, %dma_wait3A_56] : memref<10000x128xf32, #tpu.memory_space<hbm>> -> memref<16x128xf32, #tpu.memory_space<hbm>>
          %dma_wait3A_58 = arith.constant 9984 : i32
          %dma_wait3A_59 = arith.constant 0 : i32
          %dma_wait3A_60 = tpu.memref_slice %arg13[%dma_wait3A_58, %dma_wait3A_59] : memref<10008x128xf32, #tpu.memory_space<vmem_shared>> -> memref<16x128xf32, #tpu.memory_space<vmem_shared>>
          tpu.wait_dma2 semaphore(%run_scoped3A : memref<!tpu.dma_semaphore, #tpu.memory_space<semaphore_mem>>) src(%dma_wait3A_60 : memref<16x128xf32, #tpu.memory_space<vmem_shared>>) dst(%dma_wait3A_57 : memref<16x128xf32, #tpu.memory_space<hbm>>)
          tpu.yield
        }) : () -> ()
      } else {
      }
    } else {
    }
    %eq3A_13 = arith.constant 1 : i32
    %eq3A_14 = arith.cmpi eq, %arg0, %eq3A_13 : i32
    %convert_element_type3A_15 = arith.extui %eq3A_14 : i1 to i32
    %cond3A_16 = arith.constant 0 : i32
    %cond3A_17 = arith.cmpi ne, %convert_element_type3A_15, %cond3A_16 : i32
    scf.if %cond3A_17 {
      "tpu.region"() ({
        %run_scoped3A = tpu.sem_alloc : memref<!tpu.dma_semaphore, #tpu.memory_space<semaphore_mem>>
        %dma_start3A = arith.constant 0 : i32
        %dma_start3A_51 = tpu.memref_slice %arg13[%mul3A_0, %dma_start3A] : memref<10008x128xf32, #tpu.memory_space<vmem_shared>> -> memref<624x128xf32, #tpu.memory_space<vmem_shared>>
        %dma_start3A_52 = arith.constant 0 : i32
        %dma_start3A_53 = arith.constant 0 : i32
        %dma_start3A_54 = tpu.memref_slice %arg4[%dma_start3A_52, %dma_start3A_53] : memref<624x128xf32, #tpu.memory_space<hbm>> -> memref<624x128xf32, #tpu.memory_space<hbm>>
        tpu.enqueue_dma source(%dma_start3A_54 : memref<624x128xf32, #tpu.memory_space<hbm>>) target(%dma_start3A_51 : memref<624x128xf32, #tpu.memory_space<vmem_shared>>) target_semaphore(%run_scoped3A : memref<!tpu.dma_semaphore, #tpu.memory_space<semaphore_mem>>)
        %dma_wait3A = arith.constant 0 : i32
        %dma_wait3A_55 = tpu.memref_slice %arg13[%mul3A_0, %dma_wait3A] : memref<10008x128xf32, #tpu.memory_space<vmem_shared>> -> memref<624x128xf32, #tpu.memory_space<vmem_shared>>
        %dma_wait3A_56 = arith.constant 0 : i32
        %dma_wait3A_57 = arith.constant 0 : i32
        %dma_wait3A_58 = tpu.memref_slice %arg4[%dma_wait3A_56, %dma_wait3A_57] : memref<624x128xf32, #tpu.memory_space<hbm>> -> memref<624x128xf32, #tpu.memory_space<hbm>>
        tpu.wait_dma2 semaphore(%run_scoped3A : memref<!tpu.dma_semaphore, #tpu.memory_space<semaphore_mem>>) src(%dma_wait3A_58 : memref<624x128xf32, #tpu.memory_space<hbm>>) dst(%dma_wait3A_55 : memref<624x128xf32, #tpu.memory_space<vmem_shared>>)
        tpu.yield
      }) : () -> ()
      %eq3A_18 = arith.constant 0 : i32
      %eq3A_19 = arith.cmpi eq, %arg1, %eq3A_18 : i32
      %convert_element_type3A_20 = arith.extui %eq3A_19 : i1 to i32
      %cond3A_21 = arith.constant 0 : i32
      %cond3A_22 = arith.cmpi ne, %convert_element_type3A_20, %cond3A_21 : i32
      scf.if %cond3A_22 {
        "tpu.region"() ({
          %run_scoped3A = tpu.sem_alloc : memref<!tpu.dma_semaphore, #tpu.memory_space<semaphore_mem>>
          %dma_start3A = arith.constant 9984 : i32
          %dma_start3A_51 = arith.constant 0 : i32
          %dma_start3A_52 = tpu.memref_slice %arg13[%dma_start3A, %dma_start3A_51] : memref<10008x128xf32, #tpu.memory_space<vmem_shared>> -> memref<24x128xf32, #tpu.memory_space<vmem_shared>>
          %dma_start3A_53 = arith.constant 0 : i32
          %dma_start3A_54 = arith.constant 0 : i32
          %dma_start3A_55 = tpu.memref_slice %arg4[%dma_start3A_53, %dma_start3A_54] : memref<624x128xf32, #tpu.memory_space<hbm>> -> memref<24x128xf32, #tpu.memory_space<hbm>>
          tpu.enqueue_dma source(%dma_start3A_55 : memref<24x128xf32, #tpu.memory_space<hbm>>) target(%dma_start3A_52 : memref<24x128xf32, #tpu.memory_space<vmem_shared>>) target_semaphore(%run_scoped3A : memref<!tpu.dma_semaphore, #tpu.memory_space<semaphore_mem>>)
          %dma_wait3A = arith.constant 9984 : i32
          %dma_wait3A_56 = arith.constant 0 : i32
          %dma_wait3A_57 = tpu.memref_slice %arg13[%dma_wait3A, %dma_wait3A_56] : memref<10008x128xf32, #tpu.memory_space<vmem_shared>> -> memref<24x128xf32, #tpu.memory_space<vmem_shared>>
          %dma_wait3A_58 = arith.constant 0 : i32
          %dma_wait3A_59 = arith.constant 0 : i32
          %dma_wait3A_60 = tpu.memref_slice %arg4[%dma_wait3A_58, %dma_wait3A_59] : memref<624x128xf32, #tpu.memory_space<hbm>> -> memref<24x128xf32, #tpu.memory_space<hbm>>
          tpu.wait_dma2 semaphore(%run_scoped3A : memref<!tpu.dma_semaphore, #tpu.memory_space<semaphore_mem>>) src(%dma_wait3A_60 : memref<24x128xf32, #tpu.memory_space<hbm>>) dst(%dma_wait3A_57 : memref<24x128xf32, #tpu.memory_space<vmem_shared>>)
          tpu.yield
        }) : () -> ()
      } else {
      }
      %barrier3A = arith.constant 0 : index
      tpu.barrier barrier_id(%barrier3A)
      %mul3A_23 = arith.constant 80 : i32
      %mul3A_24 = arith.muli %arg1, %mul3A_23 : i32
      %add3A = arith.constant 0 : i32
      %add3A_25 = arith.addi %mul3A_24, %add3A : i32
      %mul3A_26 = arith.constant 128 : i32
      %mul3A_27 = arith.muli %add3A_25, %mul3A_26 : i32
      "tpu.region"() ({
        %run_scoped3A = tpu.sem_alloc : memref<!tpu.dma_semaphore, #tpu.memory_space<semaphore_mem>>
        %dma_start3A = tpu.memref_slice %arg2[%mul3A_27] : memref<163840xi32, #tpu.memory_space<hbm>> -> memref<5120xi32, #tpu.memory_space<hbm>>
        %dma_start3A_51 = tpu.memref_slice %arg2[%mul3A_27] : memref<163840xi32, #tpu.memory_space<hbm>> -> memref<5120xi32, #tpu.memory_space<hbm>>
        tpu.enqueue_dma source(%dma_start3A_51 : memref<5120xi32, #tpu.memory_space<hbm>>) target(%arg14 : memref<5120xi32, #tpu.memory_space<vmem>>) target_semaphore(%run_scoped3A : memref<!tpu.dma_semaphore, #tpu.memory_space<semaphore_mem>>)
        %dma_wait3A = tpu.memref_slice %arg2[%mul3A_27] : memref<163840xi32, #tpu.memory_space<hbm>> -> memref<5120xi32, #tpu.memory_space<hbm>>
        %dma_wait3A_52 = tpu.memref_slice %arg2[%mul3A_27] : memref<163840xi32, #tpu.memory_space<hbm>> -> memref<5120xi32, #tpu.memory_space<hbm>>
        tpu.wait_dma2 semaphore(%run_scoped3A : memref<!tpu.dma_semaphore, #tpu.memory_space<semaphore_mem>>) src(%dma_wait3A_52 : memref<5120xi32, #tpu.memory_space<hbm>>) dst(%arg14 : memref<5120xi32, #tpu.memory_space<vmem>>)
        tpu.yield
      }) : () -> ()
      "tpu.region"() ({
        %run_scoped3A = tpu.sem_alloc : memref<!tpu.dma_semaphore, #tpu.memory_space<semaphore_mem>>
        %dma_start3A = tpu.memref_slice %arg3[%mul3A_27] : memref<163840xi32, #tpu.memory_space<hbm>> -> memref<5120xi32, #tpu.memory_space<hbm>>
        %dma_start3A_51 = tpu.memref_slice %arg3[%mul3A_27] : memref<163840xi32, #tpu.memory_space<hbm>> -> memref<5120xi32, #tpu.memory_space<hbm>>
        tpu.enqueue_dma source(%dma_start3A_51 : memref<5120xi32, #tpu.memory_space<hbm>>) target(%arg15 : memref<5120xi32, #tpu.memory_space<vmem>>) target_semaphore(%run_scoped3A : memref<!tpu.dma_semaphore, #tpu.memory_space<semaphore_mem>>)
        %dma_wait3A = tpu.memref_slice %arg3[%mul3A_27] : memref<163840xi32, #tpu.memory_space<hbm>> -> memref<5120xi32, #tpu.memory_space<hbm>>
        %dma_wait3A_52 = tpu.memref_slice %arg3[%mul3A_27] : memref<163840xi32, #tpu.memory_space<hbm>> -> memref<5120xi32, #tpu.memory_space<hbm>>
        tpu.wait_dma2 semaphore(%run_scoped3A : memref<!tpu.dma_semaphore, #tpu.memory_space<semaphore_mem>>) src(%dma_wait3A_52 : memref<5120xi32, #tpu.memory_space<hbm>>) dst(%arg15 : memref<5120xi32, #tpu.memory_space<vmem>>)
        tpu.yield
      }) : () -> ()
      %scan3A = arith.constant 0 : i32
      %scan3A_28 = arith.constant 0 : i32
      %scan3A_29 = arith.constant 40 : i32
      %scan3A_30 = arith.addi %scan3A_28, %scan3A_29 : i32
      %scan3A_31 = arith.constant 1 : i32
      scf.for %scan3A_51 = %scan3A_28 to %scan3A_30 step %scan3A_31  : i32 {
        %mul3A_52 = arith.constant 128 : i32
        %mul3A_53 = arith.muli %scan3A_51, %mul3A_52 : i32
        %multiple_of3A = tpu.assume_multiple %mul3A_53, 128 : i32
        %dma_start3A = tpu.memref_slice %arg14[%multiple_of3A] : memref<5120xi32, #tpu.memory_space<vmem>> -> memref<128xi32, #tpu.memory_space<vmem>>
        %dma_start3A_54 = arith.constant 0 : i32
        %dma_start3A_55 = arith.constant 0 : i32
        %dma_start3A_56 = tpu.memref_slice %arg8[%dma_start3A_54, %dma_start3A_55] : memref<10000x128xf32, #tpu.memory_space<hbm>> -> memref<10000x128xf32, #tpu.memory_space<hbm>>
        tpu.enqueue_indirect_dma source(%dma_start3A_56 : memref<10000x128xf32, #tpu.memory_space<hbm>>) target(%arg16 : memref<128x128xf32, #tpu.memory_space<vmem>>) offsets(%dma_start3A : memref<128xi32, #tpu.memory_space<vmem>>) semaphore(%arg18 : memref<!tpu.dma_semaphore, #tpu.memory_space<semaphore_mem>>)
        %dma_wait3A = tpu.memref_slice %arg14[%multiple_of3A] : memref<5120xi32, #tpu.memory_space<vmem>> -> memref<128xi32, #tpu.memory_space<vmem>>
        %dma_wait3A_57 = arith.constant 0 : i32
        %dma_wait3A_58 = arith.constant 0 : i32
        %dma_wait3A_59 = tpu.memref_slice %arg8[%dma_wait3A_57, %dma_wait3A_58] : memref<10000x128xf32, #tpu.memory_space<hbm>> -> memref<10000x128xf32, #tpu.memory_space<hbm>>
        tpu.wait_indirect_dma semaphore(%arg18 : memref<!tpu.dma_semaphore, #tpu.memory_space<semaphore_mem>>) src(%dma_wait3A_59 : memref<10000x128xf32, #tpu.memory_space<hbm>>) dst(%arg16 : memref<128x128xf32, #tpu.memory_space<vmem>>)
        "tpu.region"() ({
          %run_scoped3A = tpu.sem_alloc : memref<!tpu.dma_semaphore, #tpu.memory_space<semaphore_mem>>
          %dma_start3A_60 = tpu.memref_slice %arg15[%multiple_of3A] : memref<5120xi32, #tpu.memory_space<vmem>> -> memref<128xi32, #tpu.memory_space<vmem>>
          %dma_start3A_61 = arith.constant 0 : i32
          %dma_start3A_62 = arith.constant 0 : i32
          %dma_start3A_63 = tpu.memref_slice %arg13[%dma_start3A_61, %dma_start3A_62] : memref<10008x128xf32, #tpu.memory_space<vmem_shared>> -> memref<10008x128xf32, #tpu.memory_space<vmem_shared>>
          tpu.enqueue_indirect_dma source(%arg16 : memref<128x128xf32, #tpu.memory_space<vmem>>) target(%dma_start3A_63 : memref<10008x128xf32, #tpu.memory_space<vmem_shared>>) offsets(%dma_start3A_60 : memref<128xi32, #tpu.memory_space<vmem>>) semaphore(%run_scoped3A : memref<!tpu.dma_semaphore, #tpu.memory_space<semaphore_mem>>) {add = true}
          %dma_wait3A_64 = tpu.memref_slice %arg15[%multiple_of3A] : memref<5120xi32, #tpu.memory_space<vmem>> -> memref<128xi32, #tpu.memory_space<vmem>>
          %dma_wait3A_65 = arith.constant 0 : i32
          %dma_wait3A_66 = arith.constant 0 : i32
          %dma_wait3A_67 = tpu.memref_slice %arg13[%dma_wait3A_65, %dma_wait3A_66] : memref<10008x128xf32, #tpu.memory_space<vmem_shared>> -> memref<10008x128xf32, #tpu.memory_space<vmem_shared>>
          tpu.wait_indirect_dma semaphore(%run_scoped3A : memref<!tpu.dma_semaphore, #tpu.memory_space<semaphore_mem>>) src(%arg16 : memref<128x128xf32, #tpu.memory_space<vmem>>) dst(%dma_wait3A_67 : memref<10008x128xf32, #tpu.memory_space<vmem_shared>>)
          tpu.yield
        }) : () -> ()
      }
      %scan3A_32 = arith.constant 40 : i32
      %mul3A_33 = arith.constant 80 : i32
      %mul3A_34 = arith.muli %arg1, %mul3A_33 : i32
      %add3A_35 = arith.constant 40 : i32
      %add3A_36 = arith.addi %mul3A_34, %add3A_35 : i32
      %mul3A_37 = arith.constant 128 : i32
      %mul3A_38 = arith.muli %add3A_36, %mul3A_37 : i32
      "tpu.region"() ({
        %run_scoped3A = tpu.sem_alloc : memref<!tpu.dma_semaphore, #tpu.memory_space<semaphore_mem>>
        %dma_start3A = tpu.memref_slice %arg2[%mul3A_38] : memref<163840xi32, #tpu.memory_space<hbm>> -> memref<5120xi32, #tpu.memory_space<hbm>>
        %dma_start3A_51 = tpu.memref_slice %arg2[%mul3A_38] : memref<163840xi32, #tpu.memory_space<hbm>> -> memref<5120xi32, #tpu.memory_space<hbm>>
        tpu.enqueue_dma source(%dma_start3A_51 : memref<5120xi32, #tpu.memory_space<hbm>>) target(%arg14 : memref<5120xi32, #tpu.memory_space<vmem>>) target_semaphore(%run_scoped3A : memref<!tpu.dma_semaphore, #tpu.memory_space<semaphore_mem>>)
        %dma_wait3A = tpu.memref_slice %arg2[%mul3A_38] : memref<163840xi32, #tpu.memory_space<hbm>> -> memref<5120xi32, #tpu.memory_space<hbm>>
        %dma_wait3A_52 = tpu.memref_slice %arg2[%mul3A_38] : memref<163840xi32, #tpu.memory_space<hbm>> -> memref<5120xi32, #tpu.memory_space<hbm>>
        tpu.wait_dma2 semaphore(%run_scoped3A : memref<!tpu.dma_semaphore, #tpu.memory_space<semaphore_mem>>) src(%dma_wait3A_52 : memref<5120xi32, #tpu.memory_space<hbm>>) dst(%arg14 : memref<5120xi32, #tpu.memory_space<vmem>>)
        tpu.yield
      }) : () -> ()
      "tpu.region"() ({
        %run_scoped3A = tpu.sem_alloc : memref<!tpu.dma_semaphore, #tpu.memory_space<semaphore_mem>>
        %dma_start3A = tpu.memref_slice %arg3[%mul3A_38] : memref<163840xi32, #tpu.memory_space<hbm>> -> memref<5120xi32, #tpu.memory_space<hbm>>
        %dma_start3A_51 = tpu.memref_slice %arg3[%mul3A_38] : memref<163840xi32, #tpu.memory_space<hbm>> -> memref<5120xi32, #tpu.memory_space<hbm>>
        tpu.enqueue_dma source(%dma_start3A_51 : memref<5120xi32, #tpu.memory_space<hbm>>) target(%arg15 : memref<5120xi32, #tpu.memory_space<vmem>>) target_semaphore(%run_scoped3A : memref<!tpu.dma_semaphore, #tpu.memory_space<semaphore_mem>>)
        %dma_wait3A = tpu.memref_slice %arg3[%mul3A_38] : memref<163840xi32, #tpu.memory_space<hbm>> -> memref<5120xi32, #tpu.memory_space<hbm>>
        %dma_wait3A_52 = tpu.memref_slice %arg3[%mul3A_38] : memref<163840xi32, #tpu.memory_space<hbm>> -> memref<5120xi32, #tpu.memory_space<hbm>>
        tpu.wait_dma2 semaphore(%run_scoped3A : memref<!tpu.dma_semaphore, #tpu.memory_space<semaphore_mem>>) src(%dma_wait3A_52 : memref<5120xi32, #tpu.memory_space<hbm>>) dst(%arg15 : memref<5120xi32, #tpu.memory_space<vmem>>)
        tpu.yield
      }) : () -> ()
      %scan3A_39 = arith.constant 0 : i32
      %scan3A_40 = arith.constant 0 : i32
      %scan3A_41 = arith.constant 40 : i32
      %scan3A_42 = arith.addi %scan3A_40, %scan3A_41 : i32
      %scan3A_43 = arith.constant 1 : i32
      scf.for %scan3A_51 = %scan3A_40 to %scan3A_42 step %scan3A_43  : i32 {
        %mul3A_52 = arith.constant 128 : i32
        %mul3A_53 = arith.muli %scan3A_51, %mul3A_52 : i32
        %multiple_of3A = tpu.assume_multiple %mul3A_53, 128 : i32
        %dma_start3A = tpu.memref_slice %arg14[%multiple_of3A] : memref<5120xi32, #tpu.memory_space<vmem>> -> memref<128xi32, #tpu.memory_space<vmem>>
        %dma_start3A_54 = arith.constant 0 : i32
        %dma_start3A_55 = arith.constant 0 : i32
        %dma_start3A_56 = tpu.memref_slice %arg8[%dma_start3A_54, %dma_start3A_55] : memref<10000x128xf32, #tpu.memory_space<hbm>> -> memref<10000x128xf32, #tpu.memory_space<hbm>>
        tpu.enqueue_indirect_dma source(%dma_start3A_56 : memref<10000x128xf32, #tpu.memory_space<hbm>>) target(%arg16 : memref<128x128xf32, #tpu.memory_space<vmem>>) offsets(%dma_start3A : memref<128xi32, #tpu.memory_space<vmem>>) semaphore(%arg18 : memref<!tpu.dma_semaphore, #tpu.memory_space<semaphore_mem>>)
        %dma_wait3A = tpu.memref_slice %arg14[%multiple_of3A] : memref<5120xi32, #tpu.memory_space<vmem>> -> memref<128xi32, #tpu.memory_space<vmem>>
        %dma_wait3A_57 = arith.constant 0 : i32
        %dma_wait3A_58 = arith.constant 0 : i32
        %dma_wait3A_59 = tpu.memref_slice %arg8[%dma_wait3A_57, %dma_wait3A_58] : memref<10000x128xf32, #tpu.memory_space<hbm>> -> memref<10000x128xf32, #tpu.memory_space<hbm>>
        tpu.wait_indirect_dma semaphore(%arg18 : memref<!tpu.dma_semaphore, #tpu.memory_space<semaphore_mem>>) src(%dma_wait3A_59 : memref<10000x128xf32, #tpu.memory_space<hbm>>) dst(%arg16 : memref<128x128xf32, #tpu.memory_space<vmem>>)
        "tpu.region"() ({
          %run_scoped3A = tpu.sem_alloc : memref<!tpu.dma_semaphore, #tpu.memory_space<semaphore_mem>>
          %dma_start3A_60 = tpu.memref_slice %arg15[%multiple_of3A] : memref<5120xi32, #tpu.memory_space<vmem>> -> memref<128xi32, #tpu.memory_space<vmem>>
          %dma_start3A_61 = arith.constant 0 : i32
          %dma_start3A_62 = arith.constant 0 : i32
          %dma_start3A_63 = tpu.memref_slice %arg13[%dma_start3A_61, %dma_start3A_62] : memref<10008x128xf32, #tpu.memory_space<vmem_shared>> -> memref<10008x128xf32, #tpu.memory_space<vmem_shared>>
          tpu.enqueue_indirect_dma source(%arg16 : memref<128x128xf32, #tpu.memory_space<vmem>>) target(%dma_start3A_63 : memref<10008x128xf32, #tpu.memory_space<vmem_shared>>) offsets(%dma_start3A_60 : memref<128xi32, #tpu.memory_space<vmem>>) semaphore(%run_scoped3A : memref<!tpu.dma_semaphore, #tpu.memory_space<semaphore_mem>>) {add = true}
          %dma_wait3A_64 = tpu.memref_slice %arg15[%multiple_of3A] : memref<5120xi32, #tpu.memory_space<vmem>> -> memref<128xi32, #tpu.memory_space<vmem>>
          %dma_wait3A_65 = arith.constant 0 : i32
          %dma_wait3A_66 = arith.constant 0 : i32
          %dma_wait3A_67 = tpu.memref_slice %arg13[%dma_wait3A_65, %dma_wait3A_66] : memref<10008x128xf32, #tpu.memory_space<vmem_shared>> -> memref<10008x128xf32, #tpu.memory_space<vmem_shared>>
          tpu.wait_indirect_dma semaphore(%run_scoped3A : memref<!tpu.dma_semaphore, #tpu.memory_space<semaphore_mem>>) src(%arg16 : memref<128x128xf32, #tpu.memory_space<vmem>>) dst(%dma_wait3A_67 : memref<10008x128xf32, #tpu.memory_space<vmem_shared>>)
          tpu.yield
        }) : () -> ()
      }
      %scan3A_44 = arith.constant 40 : i32
      %barrier3A_45 = arith.constant 0 : index
      tpu.barrier barrier_id(%barrier3A_45)
      "tpu.region"() ({
        %run_scoped3A = tpu.sem_alloc : memref<!tpu.dma_semaphore, #tpu.memory_space<semaphore_mem>>
        %dma_start3A = arith.constant 0 : i32
        %dma_start3A_51 = tpu.memref_slice %arg12[%mul3A_0, %dma_start3A] : memref<10000x128xf32, #tpu.memory_space<hbm>> -> memref<624x128xf32, #tpu.memory_space<hbm>>
        %dma_start3A_52 = arith.constant 0 : i32
        %dma_start3A_53 = tpu.memref_slice %arg13[%mul3A_0, %dma_start3A_52] : memref<10008x128xf32, #tpu.memory_space<vmem_shared>> -> memref<624x128xf32, #tpu.memory_space<vmem_shared>>
        tpu.enqueue_dma source(%dma_start3A_53 : memref<624x128xf32, #tpu.memory_space<vmem_shared>>) target(%dma_start3A_51 : memref<624x128xf32, #tpu.memory_space<hbm>>) target_semaphore(%run_scoped3A : memref<!tpu.dma_semaphore, #tpu.memory_space<semaphore_mem>>)
        %dma_wait3A = arith.constant 0 : i32
        %dma_wait3A_54 = tpu.memref_slice %arg12[%mul3A_0, %dma_wait3A] : memref<10000x128xf32, #tpu.memory_space<hbm>> -> memref<624x128xf32, #tpu.memory_space<hbm>>
        %dma_wait3A_55 = arith.constant 0 : i32
        %dma_wait3A_56 = tpu.memref_slice %arg13[%mul3A_0, %dma_wait3A_55] : memref<10008x128xf32, #tpu.memory_space<vmem_shared>> -> memref<624x128xf32, #tpu.memory_space<vmem_shared>>
        tpu.wait_dma2 semaphore(%run_scoped3A : memref<!tpu.dma_semaphore, #tpu.memory_space<semaphore_mem>>) src(%dma_wait3A_56 : memref<624x128xf32, #tpu.memory_space<vmem_shared>>) dst(%dma_wait3A_54 : memref<624x128xf32, #tpu.memory_space<hbm>>)
        tpu.yield
      }) : () -> ()
      %eq3A_46 = arith.constant 0 : i32
      %eq3A_47 = arith.cmpi eq, %arg1, %eq3A_46 : i32
      %convert_element_type3A_48 = arith.extui %eq3A_47 : i1 to i32
      %cond3A_49 = arith.constant 0 : i32
      %cond3A_50 = arith.cmpi ne, %convert_element_type3A_48, %cond3A_49 : i32
      scf.if %cond3A_50 {
        "tpu.region"() ({
          %run_scoped3A = tpu.sem_alloc : memref<!tpu.dma_semaphore, #tpu.memory_space<semaphore_mem>>
          %dma_start3A = arith.constant 9984 : i32
          %dma_start3A_51 = arith.constant 0 : i32
          %dma_start3A_52 = tpu.memref_slice %arg12[%dma_start3A, %dma_start3A_51] : memref<10000x128xf32, #tpu.memory_space<hbm>> -> memref<16x128xf32, #tpu.memory_space<hbm>>
          %dma_start3A_53 = arith.constant 9984 : i32
          %dma_start3A_54 = arith.constant 0 : i32
          %dma_start3A_55 = tpu.memref_slice %arg13[%dma_start3A_53, %dma_start3A_54] : memref<10008x128xf32, #tpu.memory_space<vmem_shared>> -> memref<16x128xf32, #tpu.memory_space<vmem_shared>>
          tpu.enqueue_dma source(%dma_start3A_55 : memref<16x128xf32, #tpu.memory_space<vmem_shared>>) target(%dma_start3A_52 : memref<16x128xf32, #tpu.memory_space<hbm>>) target_semaphore(%run_scoped3A : memref<!tpu.dma_semaphore, #tpu.memory_space<semaphore_mem>>)
          %dma_wait3A = arith.constant 9984 : i32
          %dma_wait3A_56 = arith.constant 0 : i32
          %dma_wait3A_57 = tpu.memref_slice %arg12[%dma_wait3A, %dma_wait3A_56] : memref<10000x128xf32, #tpu.memory_space<hbm>> -> memref<16x128xf32, #tpu.memory_space<hbm>>
          %dma_wait3A_58 = arith.constant 9984 : i32
          %dma_wait3A_59 = arith.constant 0 : i32
          %dma_wait3A_60 = tpu.memref_slice %arg13[%dma_wait3A_58, %dma_wait3A_59] : memref<10008x128xf32, #tpu.memory_space<vmem_shared>> -> memref<16x128xf32, #tpu.memory_space<vmem_shared>>
          tpu.wait_dma2 semaphore(%run_scoped3A : memref<!tpu.dma_semaphore, #tpu.memory_space<semaphore_mem>>) src(%dma_wait3A_60 : memref<16x128xf32, #tpu.memory_space<vmem_shared>>) dst(%dma_wait3A_57 : memref<16x128xf32, #tpu.memory_space<hbm>>)
          tpu.yield
        }) : () -> ()
      } else {
      }
    } else {
    }
    return
  }
}

#map = affine_map<(d0, d1) -> (0)>
#map1 = affine_map<(d0, d1) -> (0, 0)>
module attributes {stable_mosaic.version = 14 : i64} {
  func.func @body(%arg0: i32, %arg1: i32, %arg2: memref<163840xi32, #tpu.memory_space<hbm>>, %arg3: memref<163840xi32, #tpu.memory_space<hbm>>, %arg4: memref<624x128xf32, #tpu.memory_space<hbm>>, %arg5: memref<10000x128xf32, #tpu.memory_space<hbm>>, %arg6: memref<10000x128xf32, #tpu.memory_space<hbm>>, %arg7: memref<10000x128xf32, #tpu.memory_space<hbm>>, %arg8: memref<10000x128xf32, #tpu.memory_space<hbm>>, %arg9: memref<10000x128xf32, #tpu.memory_space<hbm>>, %arg10: memref<10000x128xf32, #tpu.memory_space<hbm>>, %arg11: memref<10000x128xf32, #tpu.memory_space<hbm>>, %arg12: memref<10000x128xf32, #tpu.memory_space<hbm>>, %arg13: memref<10008x128xf32, #tpu.memory_space<vmem_shared>>, %arg14: memref<5120xi32, #tpu.memory_space<vmem>>, %arg15: memref<5120xi32, #tpu.memory_space<vmem>>, %arg16: memref<128x128xf32, #tpu.memory_space<vmem>>, %arg17: memref<128x128xf32, #tpu.memory_space<vmem>>, %arg18: memref<!tpu.dma_semaphore, #tpu.memory_space<semaphore_mem>>, %arg19: memref<!tpu.dma_semaphore, #tpu.memory_space<semaphore_mem>>, %arg20: memref<!tpu.dma_semaphore, #tpu.memory_space<semaphore_mem>>, %arg21: memref<!tpu.dma_semaphore, #tpu.memory_space<semaphore_mem>>) attributes {dimension_semantics = [#tpu.dimension_semantics<core_parallel>, #tpu.dimension_semantics<subcore_parallel>], iteration_bounds = array<i64: 2, 16>, scalar_prefetch = 0 : i64, scratch_operands = 9 : i64, tpu.core_type = #tpu.core_type<sc_vector_subcore>, window_params = [{transform_indices = #map}, {transform_indices = #map}, {transform_indices = #map1}, {transform_indices = #map1}, {transform_indices = #map1}, {transform_indices = #map1}, {transform_indices = #map1}, {transform_indices = #map1}, {transform_indices = #map1}, {transform_indices = #map1}, {transform_indices = #map1}]} {
    %mul3A = arith.constant 624 : i32
    %mul3A_0 = arith.muli %arg1, %mul3A : i32
    %eq3A = arith.constant 0 : i32
    %eq3A_1 = arith.cmpi eq, %arg0, %eq3A : i32
    %convert_element_type3A = arith.extui %eq3A_1 : i1 to i32
    %cond3A = arith.constant 0 : i32
    %cond3A_2 = arith.cmpi ne, %convert_element_type3A, %cond3A : i32
    scf.if %cond3A_2 {
      "tpu.region"() ({
        %run_scoped3A = tpu.sem_alloc : memref<!tpu.dma_semaphore, #tpu.memory_space<semaphore_mem>>
        %dma_start3A = arith.constant 0 : i32
        %dma_start3A_51 = tpu.memref_slice %arg13[%mul3A_0, %dma_start3A] : memref<10008x128xf32, #tpu.memory_space<vmem_shared>> -> memref<624x128xf32, #tpu.memory_space<vmem_shared>>
        %dma_start3A_52 = arith.constant 0 : i32
        %dma_start3A_53 = arith.constant 0 : i32
        %dma_start3A_54 = tpu.memref_slice %arg4[%dma_start3A_52, %dma_start3A_53] : memref<624x128xf32, #tpu.memory_space<hbm>> -> memref<624x128xf32, #tpu.memory_space<hbm>>
        tpu.enqueue_dma source(%dma_start3A_54 : memref<624x128xf32, #tpu.memory_space<hbm>>) target(%dma_start3A_51 : memref<624x128xf32, #tpu.memory_space<vmem_shared>>) target_semaphore(%run_scoped3A : memref<!tpu.dma_semaphore, #tpu.memory_space<semaphore_mem>>)
        %dma_wait3A = arith.constant 0 : i32
        %dma_wait3A_55 = tpu.memref_slice %arg13[%mul3A_0, %dma_wait3A] : memref<10008x128xf32, #tpu.memory_space<vmem_shared>> -> memref<624x128xf32, #tpu.memory_space<vmem_shared>>
        %dma_wait3A_56 = arith.constant 0 : i32
        %dma_wait3A_57 = arith.constant 0 : i32
        %dma_wait3A_58 = tpu.memref_slice %arg4[%dma_wait3A_56, %dma_wait3A_57] : memref<624x128xf32, #tpu.memory_space<hbm>> -> memref<624x128xf32, #tpu.memory_space<hbm>>
        tpu.wait_dma2 semaphore(%run_scoped3A : memref<!tpu.dma_semaphore, #tpu.memory_space<semaphore_mem>>) src(%dma_wait3A_58 : memref<624x128xf32, #tpu.memory_space<hbm>>) dst(%dma_wait3A_55 : memref<624x128xf32, #tpu.memory_space<vmem_shared>>)
        tpu.yield
      }) : () -> ()
      %eq3A_18 = arith.constant 0 : i32
      %eq3A_19 = arith.cmpi eq, %arg1, %eq3A_18 : i32
      %convert_element_type3A_20 = arith.extui %eq3A_19 : i1 to i32
      %cond3A_21 = arith.constant 0 : i32
      %cond3A_22 = arith.cmpi ne, %convert_element_type3A_20, %cond3A_21 : i32
      scf.if %cond3A_22 {
        "tpu.region"() ({
          %run_scoped3A = tpu.sem_alloc : memref<!tpu.dma_semaphore, #tpu.memory_space<semaphore_mem>>
          %dma_start3A = arith.constant 9984 : i32
          %dma_start3A_51 = arith.constant 0 : i32
          %dma_start3A_52 = tpu.memref_slice %arg13[%dma_start3A, %dma_start3A_51] : memref<10008x128xf32, #tpu.memory_space<vmem_shared>> -> memref<24x128xf32, #tpu.memory_space<vmem_shared>>
          %dma_start3A_53 = arith.constant 0 : i32
          %dma_start3A_54 = arith.constant 0 : i32
          %dma_start3A_55 = tpu.memref_slice %arg4[%dma_start3A_53, %dma_start3A_54] : memref<624x128xf32, #tpu.memory_space<hbm>> -> memref<24x128xf32, #tpu.memory_space<hbm>>
          tpu.enqueue_dma source(%dma_start3A_55 : memref<24x128xf32, #tpu.memory_space<hbm>>) target(%dma_start3A_52 : memref<24x128xf32, #tpu.memory_space<vmem_shared>>) target_semaphore(%run_scoped3A : memref<!tpu.dma_semaphore, #tpu.memory_space<semaphore_mem>>)
          %dma_wait3A = arith.constant 9984 : i32
          %dma_wait3A_56 = arith.constant 0 : i32
          %dma_wait3A_57 = tpu.memref_slice %arg13[%dma_wait3A, %dma_wait3A_56] : memref<10008x128xf32, #tpu.memory_space<vmem_shared>> -> memref<24x128xf32, #tpu.memory_space<vmem_shared>>
          %dma_wait3A_58 = arith.constant 0 : i32
          %dma_wait3A_59 = arith.constant 0 : i32
          %dma_wait3A_60 = tpu.memref_slice %arg4[%dma_wait3A_58, %dma_wait3A_59] : memref<624x128xf32, #tpu.memory_space<hbm>> -> memref<24x128xf32, #tpu.memory_space<hbm>>
          tpu.wait_dma2 semaphore(%run_scoped3A : memref<!tpu.dma_semaphore, #tpu.memory_space<semaphore_mem>>) src(%dma_wait3A_60 : memref<24x128xf32, #tpu.memory_space<hbm>>) dst(%dma_wait3A_57 : memref<24x128xf32, #tpu.memory_space<vmem_shared>>)
          tpu.yield
        }) : () -> ()
      } else {
      }
      %barrier3A = arith.constant 0 : index
      tpu.barrier barrier_id(%barrier3A)
      %mul3A_23 = arith.constant 80 : i32
      %mul3A_24 = arith.muli %arg1, %mul3A_23 : i32
      %add3A = arith.constant 0 : i32
      %add3A_25 = arith.addi %mul3A_24, %add3A : i32
      %mul3A_26 = arith.constant 128 : i32
      %mul3A_27 = arith.muli %add3A_25, %mul3A_26 : i32
      "tpu.region"() ({
        %run_scoped3A = tpu.sem_alloc : memref<!tpu.dma_semaphore, #tpu.memory_space<semaphore_mem>>
        %dma_start3A = tpu.memref_slice %arg2[%mul3A_27] : memref<163840xi32, #tpu.memory_space<hbm>> -> memref<5120xi32, #tpu.memory_space<hbm>>
        %dma_start3A_51 = tpu.memref_slice %arg2[%mul3A_27] : memref<163840xi32, #tpu.memory_space<hbm>> -> memref<5120xi32, #tpu.memory_space<hbm>>
        tpu.enqueue_dma source(%dma_start3A_51 : memref<5120xi32, #tpu.memory_space<hbm>>) target(%arg14 : memref<5120xi32, #tpu.memory_space<vmem>>) target_semaphore(%run_scoped3A : memref<!tpu.dma_semaphore, #tpu.memory_space<semaphore_mem>>)
        %dma_wait3A = tpu.memref_slice %arg2[%mul3A_27] : memref<163840xi32, #tpu.memory_space<hbm>> -> memref<5120xi32, #tpu.memory_space<hbm>>
        %dma_wait3A_52 = tpu.memref_slice %arg2[%mul3A_27] : memref<163840xi32, #tpu.memory_space<hbm>> -> memref<5120xi32, #tpu.memory_space<hbm>>
        tpu.wait_dma2 semaphore(%run_scoped3A : memref<!tpu.dma_semaphore, #tpu.memory_space<semaphore_mem>>) src(%dma_wait3A_52 : memref<5120xi32, #tpu.memory_space<hbm>>) dst(%arg14 : memref<5120xi32, #tpu.memory_space<vmem>>)
        tpu.yield
      }) : () -> ()
      "tpu.region"() ({
        %run_scoped3A = tpu.sem_alloc : memref<!tpu.dma_semaphore, #tpu.memory_space<semaphore_mem>>
        %dma_start3A = tpu.memref_slice %arg3[%mul3A_27] : memref<163840xi32, #tpu.memory_space<hbm>> -> memref<5120xi32, #tpu.memory_space<hbm>>
        %dma_start3A_51 = tpu.memref_slice %arg3[%mul3A_27] : memref<163840xi32, #tpu.memory_space<hbm>> -> memref<5120xi32, #tpu.memory_space<hbm>>
        tpu.enqueue_dma source(%dma_start3A_51 : memref<5120xi32, #tpu.memory_space<hbm>>) target(%arg15 : memref<5120xi32, #tpu.memory_space<vmem>>) target_semaphore(%run_scoped3A : memref<!tpu.dma_semaphore, #tpu.memory_space<semaphore_mem>>)
        %dma_wait3A = tpu.memref_slice %arg3[%mul3A_27] : memref<163840xi32, #tpu.memory_space<hbm>> -> memref<5120xi32, #tpu.memory_space<hbm>>
        %dma_wait3A_52 = tpu.memref_slice %arg3[%mul3A_27] : memref<163840xi32, #tpu.memory_space<hbm>> -> memref<5120xi32, #tpu.memory_space<hbm>>
        tpu.wait_dma2 semaphore(%run_scoped3A : memref<!tpu.dma_semaphore, #tpu.memory_space<semaphore_mem>>) src(%dma_wait3A_52 : memref<5120xi32, #tpu.memory_space<hbm>>) dst(%arg15 : memref<5120xi32, #tpu.memory_space<vmem>>)
        tpu.yield
      }) : () -> ()
      %scan3A = arith.constant 0 : i32
      %scan3A_28 = arith.constant 0 : i32
      %scan3A_29 = arith.constant 40 : i32
      %scan3A_30 = arith.addi %scan3A_28, %scan3A_29 : i32
      %scan3A_31 = arith.constant 1 : i32
      scf.for %scan3A_51 = %scan3A_28 to %scan3A_30 step %scan3A_31  : i32 {
        %mul3A_52 = arith.constant 128 : i32
        %mul3A_53 = arith.muli %scan3A_51, %mul3A_52 : i32
        %multiple_of3A = tpu.assume_multiple %mul3A_53, 128 : i32
        %dma_start3A = tpu.memref_slice %arg14[%multiple_of3A] : memref<5120xi32, #tpu.memory_space<vmem>> -> memref<128xi32, #tpu.memory_space<vmem>>
        %dma_start3A_54 = arith.constant 0 : i32
        %dma_start3A_55 = arith.constant 0 : i32
        %dma_start3A_56 = tpu.memref_slice %arg5[%dma_start3A_54, %dma_start3A_55] : memref<10000x128xf32, #tpu.memory_space<hbm>> -> memref<10000x128xf32, #tpu.memory_space<hbm>>
        tpu.enqueue_indirect_dma source(%dma_start3A_56 : memref<10000x128xf32, #tpu.memory_space<hbm>>) target(%arg16 : memref<128x128xf32, #tpu.memory_space<vmem>>) offsets(%dma_start3A : memref<128xi32, #tpu.memory_space<vmem>>) semaphore(%arg18 : memref<!tpu.dma_semaphore, #tpu.memory_space<semaphore_mem>>)
        %dma_wait3A = tpu.memref_slice %arg14[%multiple_of3A] : memref<5120xi32, #tpu.memory_space<vmem>> -> memref<128xi32, #tpu.memory_space<vmem>>
        %dma_wait3A_57 = arith.constant 0 : i32
        %dma_wait3A_58 = arith.constant 0 : i32
        %dma_wait3A_59 = tpu.memref_slice %arg5[%dma_wait3A_57, %dma_wait3A_58] : memref<10000x128xf32, #tpu.memory_space<hbm>> -> memref<10000x128xf32, #tpu.memory_space<hbm>>
        tpu.wait_indirect_dma semaphore(%arg18 : memref<!tpu.dma_semaphore, #tpu.memory_space<semaphore_mem>>) src(%dma_wait3A_59 : memref<10000x128xf32, #tpu.memory_space<hbm>>) dst(%arg16 : memref<128x128xf32, #tpu.memory_space<vmem>>)
        "tpu.region"() ({
          %run_scoped3A = tpu.sem_alloc : memref<!tpu.dma_semaphore, #tpu.memory_space<semaphore_mem>>
          %dma_start3A_60 = tpu.memref_slice %arg15[%multiple_of3A] : memref<5120xi32, #tpu.memory_space<vmem>> -> memref<128xi32, #tpu.memory_space<vmem>>
          %dma_start3A_61 = arith.constant 0 : i32
          %dma_start3A_62 = arith.constant 0 : i32
          %dma_start3A_63 = tpu.memref_slice %arg13[%dma_start3A_61, %dma_start3A_62] : memref<10008x128xf32, #tpu.memory_space<vmem_shared>> -> memref<10008x128xf32, #tpu.memory_space<vmem_shared>>
          tpu.enqueue_indirect_dma source(%arg16 : memref<128x128xf32, #tpu.memory_space<vmem>>) target(%dma_start3A_63 : memref<10008x128xf32, #tpu.memory_space<vmem_shared>>) offsets(%dma_start3A_60 : memref<128xi32, #tpu.memory_space<vmem>>) semaphore(%run_scoped3A : memref<!tpu.dma_semaphore, #tpu.memory_space<semaphore_mem>>) {add = true}
          %dma_wait3A_64 = tpu.memref_slice %arg15[%multiple_of3A] : memref<5120xi32, #tpu.memory_space<vmem>> -> memref<128xi32, #tpu.memory_space<vmem>>
          %dma_wait3A_65 = arith.constant 0 : i32
          %dma_wait3A_66 = arith.constant 0 : i32
          %dma_wait3A_67 = tpu.memref_slice %arg13[%dma_wait3A_65, %dma_wait3A_66] : memref<10008x128xf32, #tpu.memory_space<vmem_shared>> -> memref<10008x128xf32, #tpu.memory_space<vmem_shared>>
          tpu.wait_indirect_dma semaphore(%run_scoped3A : memref<!tpu.dma_semaphore, #tpu.memory_space<semaphore_mem>>) src(%arg16 : memref<128x128xf32, #tpu.memory_space<vmem>>) dst(%dma_wait3A_67 : memref<10008x128xf32, #tpu.memory_space<vmem_shared>>)
          tpu.yield
        }) : () -> ()
      }
      %scan3A_32 = arith.constant 40 : i32
      %mul3A_33 = arith.constant 80 : i32
      %mul3A_34 = arith.muli %arg1, %mul3A_33 : i32
      %add3A_35 = arith.constant 40 : i32
      %add3A_36 = arith.addi %mul3A_34, %add3A_35 : i32
      %mul3A_37 = arith.constant 128 : i32
      %mul3A_38 = arith.muli %add3A_36, %mul3A_37 : i32
      "tpu.region"() ({
        %run_scoped3A = tpu.sem_alloc : memref<!tpu.dma_semaphore, #tpu.memory_space<semaphore_mem>>
        %dma_start3A = tpu.memref_slice %arg2[%mul3A_38] : memref<163840xi32, #tpu.memory_space<hbm>> -> memref<5120xi32, #tpu.memory_space<hbm>>
        %dma_start3A_51 = tpu.memref_slice %arg2[%mul3A_38] : memref<163840xi32, #tpu.memory_space<hbm>> -> memref<5120xi32, #tpu.memory_space<hbm>>
        tpu.enqueue_dma source(%dma_start3A_51 : memref<5120xi32, #tpu.memory_space<hbm>>) target(%arg14 : memref<5120xi32, #tpu.memory_space<vmem>>) target_semaphore(%run_scoped3A : memref<!tpu.dma_semaphore, #tpu.memory_space<semaphore_mem>>)
        %dma_wait3A = tpu.memref_slice %arg2[%mul3A_38] : memref<163840xi32, #tpu.memory_space<hbm>> -> memref<5120xi32, #tpu.memory_space<hbm>>
        %dma_wait3A_52 = tpu.memref_slice %arg2[%mul3A_38] : memref<163840xi32, #tpu.memory_space<hbm>> -> memref<5120xi32, #tpu.memory_space<hbm>>
        tpu.wait_dma2 semaphore(%run_scoped3A : memref<!tpu.dma_semaphore, #tpu.memory_space<semaphore_mem>>) src(%dma_wait3A_52 : memref<5120xi32, #tpu.memory_space<hbm>>) dst(%arg14 : memref<5120xi32, #tpu.memory_space<vmem>>)
        tpu.yield
      }) : () -> ()
      "tpu.region"() ({
        %run_scoped3A = tpu.sem_alloc : memref<!tpu.dma_semaphore, #tpu.memory_space<semaphore_mem>>
        %dma_start3A = tpu.memref_slice %arg3[%mul3A_38] : memref<163840xi32, #tpu.memory_space<hbm>> -> memref<5120xi32, #tpu.memory_space<hbm>>
        %dma_start3A_51 = tpu.memref_slice %arg3[%mul3A_38] : memref<163840xi32, #tpu.memory_space<hbm>> -> memref<5120xi32, #tpu.memory_space<hbm>>
        tpu.enqueue_dma source(%dma_start3A_51 : memref<5120xi32, #tpu.memory_space<hbm>>) target(%arg15 : memref<5120xi32, #tpu.memory_space<vmem>>) target_semaphore(%run_scoped3A : memref<!tpu.dma_semaphore, #tpu.memory_space<semaphore_mem>>)
        %dma_wait3A = tpu.memref_slice %arg3[%mul3A_38] : memref<163840xi32, #tpu.memory_space<hbm>> -> memref<5120xi32, #tpu.memory_space<hbm>>
        %dma_wait3A_52 = tpu.memref_slice %arg3[%mul3A_38] : memref<163840xi32, #tpu.memory_space<hbm>> -> memref<5120xi32, #tpu.memory_space<hbm>>
        tpu.wait_dma2 semaphore(%run_scoped3A : memref<!tpu.dma_semaphore, #tpu.memory_space<semaphore_mem>>) src(%dma_wait3A_52 : memref<5120xi32, #tpu.memory_space<hbm>>) dst(%arg15 : memref<5120xi32, #tpu.memory_space<vmem>>)
        tpu.yield
      }) : () -> ()
      %scan3A_39 = arith.constant 0 : i32
      %scan3A_40 = arith.constant 0 : i32
      %scan3A_41 = arith.constant 40 : i32
      %scan3A_42 = arith.addi %scan3A_40, %scan3A_41 : i32
      %scan3A_43 = arith.constant 1 : i32
      scf.for %scan3A_51 = %scan3A_40 to %scan3A_42 step %scan3A_43  : i32 {
        %mul3A_52 = arith.constant 128 : i32
        %mul3A_53 = arith.muli %scan3A_51, %mul3A_52 : i32
        %multiple_of3A = tpu.assume_multiple %mul3A_53, 128 : i32
        %dma_start3A = tpu.memref_slice %arg14[%multiple_of3A] : memref<5120xi32, #tpu.memory_space<vmem>> -> memref<128xi32, #tpu.memory_space<vmem>>
        %dma_start3A_54 = arith.constant 0 : i32
        %dma_start3A_55 = arith.constant 0 : i32
        %dma_start3A_56 = tpu.memref_slice %arg5[%dma_start3A_54, %dma_start3A_55] : memref<10000x128xf32, #tpu.memory_space<hbm>> -> memref<10000x128xf32, #tpu.memory_space<hbm>>
        tpu.enqueue_indirect_dma source(%dma_start3A_56 : memref<10000x128xf32, #tpu.memory_space<hbm>>) target(%arg16 : memref<128x128xf32, #tpu.memory_space<vmem>>) offsets(%dma_start3A : memref<128xi32, #tpu.memory_space<vmem>>) semaphore(%arg18 : memref<!tpu.dma_semaphore, #tpu.memory_space<semaphore_mem>>)
        %dma_wait3A = tpu.memref_slice %arg14[%multiple_of3A] : memref<5120xi32, #tpu.memory_space<vmem>> -> memref<128xi32, #tpu.memory_space<vmem>>
        %dma_wait3A_57 = arith.constant 0 : i32
        %dma_wait3A_58 = arith.constant 0 : i32
        %dma_wait3A_59 = tpu.memref_slice %arg5[%dma_wait3A_57, %dma_wait3A_58] : memref<10000x128xf32, #tpu.memory_space<hbm>> -> memref<10000x128xf32, #tpu.memory_space<hbm>>
        tpu.wait_indirect_dma semaphore(%arg18 : memref<!tpu.dma_semaphore, #tpu.memory_space<semaphore_mem>>) src(%dma_wait3A_59 : memref<10000x128xf32, #tpu.memory_space<hbm>>) dst(%arg16 : memref<128x128xf32, #tpu.memory_space<vmem>>)
        "tpu.region"() ({
          %run_scoped3A = tpu.sem_alloc : memref<!tpu.dma_semaphore, #tpu.memory_space<semaphore_mem>>
          %dma_start3A_60 = tpu.memref_slice %arg15[%multiple_of3A] : memref<5120xi32, #tpu.memory_space<vmem>> -> memref<128xi32, #tpu.memory_space<vmem>>
          %dma_start3A_61 = arith.constant 0 : i32
          %dma_start3A_62 = arith.constant 0 : i32
          %dma_start3A_63 = tpu.memref_slice %arg13[%dma_start3A_61, %dma_start3A_62] : memref<10008x128xf32, #tpu.memory_space<vmem_shared>> -> memref<10008x128xf32, #tpu.memory_space<vmem_shared>>
          tpu.enqueue_indirect_dma source(%arg16 : memref<128x128xf32, #tpu.memory_space<vmem>>) target(%dma_start3A_63 : memref<10008x128xf32, #tpu.memory_space<vmem_shared>>) offsets(%dma_start3A_60 : memref<128xi32, #tpu.memory_space<vmem>>) semaphore(%run_scoped3A : memref<!tpu.dma_semaphore, #tpu.memory_space<semaphore_mem>>) {add = true}
          %dma_wait3A_64 = tpu.memref_slice %arg15[%multiple_of3A] : memref<5120xi32, #tpu.memory_space<vmem>> -> memref<128xi32, #tpu.memory_space<vmem>>
          %dma_wait3A_65 = arith.constant 0 : i32
          %dma_wait3A_66 = arith.constant 0 : i32
          %dma_wait3A_67 = tpu.memref_slice %arg13[%dma_wait3A_65, %dma_wait3A_66] : memref<10008x128xf32, #tpu.memory_space<vmem_shared>> -> memref<10008x128xf32, #tpu.memory_space<vmem_shared>>
          tpu.wait_indirect_dma semaphore(%run_scoped3A : memref<!tpu.dma_semaphore, #tpu.memory_space<semaphore_mem>>) src(%arg16 : memref<128x128xf32, #tpu.memory_space<vmem>>) dst(%dma_wait3A_67 : memref<10008x128xf32, #tpu.memory_space<vmem_shared>>)
          tpu.yield
        }) : () -> ()
      }
      %scan3A_44 = arith.constant 40 : i32
      %barrier3A_45 = arith.constant 0 : index
      tpu.barrier barrier_id(%barrier3A_45)
      "tpu.region"() ({
        %run_scoped3A = tpu.sem_alloc : memref<!tpu.dma_semaphore, #tpu.memory_space<semaphore_mem>>
        %dma_start3A = arith.constant 0 : i32
        %dma_start3A_51 = tpu.memref_slice %arg9[%mul3A_0, %dma_start3A] : memref<10000x128xf32, #tpu.memory_space<hbm>> -> memref<624x128xf32, #tpu.memory_space<hbm>>
        %dma_start3A_52 = arith.constant 0 : i32
        %dma_start3A_53 = tpu.memref_slice %arg13[%mul3A_0, %dma_start3A_52] : memref<10008x128xf32, #tpu.memory_space<vmem_shared>> -> memref<624x128xf32, #tpu.memory_space<vmem_shared>>
        tpu.enqueue_dma source(%dma_start3A_53 : memref<624x128xf32, #tpu.memory_space<vmem_shared>>) target(%dma_start3A_51 : memref<624x128xf32, #tpu.memory_space<hbm>>) target_semaphore(%run_scoped3A : memref<!tpu.dma_semaphore, #tpu.memory_space<semaphore_mem>>)
        %dma_wait3A = arith.constant 0 : i32
        %dma_wait3A_54 = tpu.memref_slice %arg9[%mul3A_0, %dma_wait3A] : memref<10000x128xf32, #tpu.memory_space<hbm>> -> memref<624x128xf32, #tpu.memory_space<hbm>>
        %dma_wait3A_55 = arith.constant 0 : i32
        %dma_wait3A_56 = tpu.memref_slice %arg13[%mul3A_0, %dma_wait3A_55] : memref<10008x128xf32, #tpu.memory_space<vmem_shared>> -> memref<624x128xf32, #tpu.memory_space<vmem_shared>>
        tpu.wait_dma2 semaphore(%run_scoped3A : memref<!tpu.dma_semaphore, #tpu.memory_space<semaphore_mem>>) src(%dma_wait3A_56 : memref<624x128xf32, #tpu.memory_space<vmem_shared>>) dst(%dma_wait3A_54 : memref<624x128xf32, #tpu.memory_space<hbm>>)
        tpu.yield
      }) : () -> ()
      %eq3A_46 = arith.constant 0 : i32
      %eq3A_47 = arith.cmpi eq, %arg1, %eq3A_46 : i32
      %convert_element_type3A_48 = arith.extui %eq3A_47 : i1 to i32
      %cond3A_49 = arith.constant 0 : i32
      %cond3A_50 = arith.cmpi ne, %convert_element_type3A_48, %cond3A_49 : i32
      scf.if %cond3A_50 {
        "tpu.region"() ({
          %run_scoped3A = tpu.sem_alloc : memref<!tpu.dma_semaphore, #tpu.memory_space<semaphore_mem>>
          %dma_start3A = arith.constant 9984 : i32
          %dma_start3A_51 = arith.constant 0 : i32
          %dma_start3A_52 = tpu.memref_slice %arg9[%dma_start3A, %dma_start3A_51] : memref<10000x128xf32, #tpu.memory_space<hbm>> -> memref<16x128xf32, #tpu.memory_space<hbm>>
          %dma_start3A_53 = arith.constant 9984 : i32
          %dma_start3A_54 = arith.constant 0 : i32
          %dma_start3A_55 = tpu.memref_slice %arg13[%dma_start3A_53, %dma_start3A_54] : memref<10008x128xf32, #tpu.memory_space<vmem_shared>> -> memref<16x128xf32, #tpu.memory_space<vmem_shared>>
          tpu.enqueue_dma source(%dma_start3A_55 : memref<16x128xf32, #tpu.memory_space<vmem_shared>>) target(%dma_start3A_52 : memref<16x128xf32, #tpu.memory_space<hbm>>) target_semaphore(%run_scoped3A : memref<!tpu.dma_semaphore, #tpu.memory_space<semaphore_mem>>)
          %dma_wait3A = arith.constant 9984 : i32
          %dma_wait3A_56 = arith.constant 0 : i32
          %dma_wait3A_57 = tpu.memref_slice %arg9[%dma_wait3A, %dma_wait3A_56] : memref<10000x128xf32, #tpu.memory_space<hbm>> -> memref<16x128xf32, #tpu.memory_space<hbm>>
          %dma_wait3A_58 = arith.constant 9984 : i32
          %dma_wait3A_59 = arith.constant 0 : i32
          %dma_wait3A_60 = tpu.memref_slice %arg13[%dma_wait3A_58, %dma_wait3A_59] : memref<10008x128xf32, #tpu.memory_space<vmem_shared>> -> memref<16x128xf32, #tpu.memory_space<vmem_shared>>
          tpu.wait_dma2 semaphore(%run_scoped3A : memref<!tpu.dma_semaphore, #tpu.memory_space<semaphore_mem>>) src(%dma_wait3A_60 : memref<16x128xf32, #tpu.memory_space<vmem_shared>>) dst(%dma_wait3A_57 : memref<16x128xf32, #tpu.memory_space<hbm>>)
          tpu.yield
        }) : () -> ()
      } else {
      }
    } else {
    }
    %eq3A_3 = arith.constant 0 : i32
    %eq3A_4 = arith.cmpi eq, %arg0, %eq3A_3 : i32
    %convert_element_type3A_5 = arith.extui %eq3A_4 : i1 to i32
    %cond3A_6 = arith.constant 0 : i32
    %cond3A_7 = arith.cmpi ne, %convert_element_type3A_5, %cond3A_6 : i32
    scf.if %cond3A_7 {
      "tpu.region"() ({
        %run_scoped3A = tpu.sem_alloc : memref<!tpu.dma_semaphore, #tpu.memory_space<semaphore_mem>>
        %dma_start3A = arith.constant 0 : i32
        %dma_start3A_51 = tpu.memref_slice %arg13[%mul3A_0, %dma_start3A] : memref<10008x128xf32, #tpu.memory_space<vmem_shared>> -> memref<624x128xf32, #tpu.memory_space<vmem_shared>>
        %dma_start3A_52 = arith.constant 0 : i32
        %dma_start3A_53 = arith.constant 0 : i32
        %dma_start3A_54 = tpu.memref_slice %arg4[%dma_start3A_52, %dma_start3A_53] : memref<624x128xf32, #tpu.memory_space<hbm>> -> memref<624x128xf32, #tpu.memory_space<hbm>>
        tpu.enqueue_dma source(%dma_start3A_54 : memref<624x128xf32, #tpu.memory_space<hbm>>) target(%dma_start3A_51 : memref<624x128xf32, #tpu.memory_space<vmem_shared>>) target_semaphore(%run_scoped3A : memref<!tpu.dma_semaphore, #tpu.memory_space<semaphore_mem>>)
        %dma_wait3A = arith.constant 0 : i32
        %dma_wait3A_55 = tpu.memref_slice %arg13[%mul3A_0, %dma_wait3A] : memref<10008x128xf32, #tpu.memory_space<vmem_shared>> -> memref<624x128xf32, #tpu.memory_space<vmem_shared>>
        %dma_wait3A_56 = arith.constant 0 : i32
        %dma_wait3A_57 = arith.constant 0 : i32
        %dma_wait3A_58 = tpu.memref_slice %arg4[%dma_wait3A_56, %dma_wait3A_57] : memref<624x128xf32, #tpu.memory_space<hbm>> -> memref<624x128xf32, #tpu.memory_space<hbm>>
        tpu.wait_dma2 semaphore(%run_scoped3A : memref<!tpu.dma_semaphore, #tpu.memory_space<semaphore_mem>>) src(%dma_wait3A_58 : memref<624x128xf32, #tpu.memory_space<hbm>>) dst(%dma_wait3A_55 : memref<624x128xf32, #tpu.memory_space<vmem_shared>>)
        tpu.yield
      }) : () -> ()
      %eq3A_18 = arith.constant 0 : i32
      %eq3A_19 = arith.cmpi eq, %arg1, %eq3A_18 : i32
      %convert_element_type3A_20 = arith.extui %eq3A_19 : i1 to i32
      %cond3A_21 = arith.constant 0 : i32
      %cond3A_22 = arith.cmpi ne, %convert_element_type3A_20, %cond3A_21 : i32
      scf.if %cond3A_22 {
        "tpu.region"() ({
          %run_scoped3A = tpu.sem_alloc : memref<!tpu.dma_semaphore, #tpu.memory_space<semaphore_mem>>
          %dma_start3A = arith.constant 9984 : i32
          %dma_start3A_51 = arith.constant 0 : i32
          %dma_start3A_52 = tpu.memref_slice %arg13[%dma_start3A, %dma_start3A_51] : memref<10008x128xf32, #tpu.memory_space<vmem_shared>> -> memref<24x128xf32, #tpu.memory_space<vmem_shared>>
          %dma_start3A_53 = arith.constant 0 : i32
          %dma_start3A_54 = arith.constant 0 : i32
          %dma_start3A_55 = tpu.memref_slice %arg4[%dma_start3A_53, %dma_start3A_54] : memref<624x128xf32, #tpu.memory_space<hbm>> -> memref<24x128xf32, #tpu.memory_space<hbm>>
          tpu.enqueue_dma source(%dma_start3A_55 : memref<24x128xf32, #tpu.memory_space<hbm>>) target(%dma_start3A_52 : memref<24x128xf32, #tpu.memory_space<vmem_shared>>) target_semaphore(%run_scoped3A : memref<!tpu.dma_semaphore, #tpu.memory_space<semaphore_mem>>)
          %dma_wait3A = arith.constant 9984 : i32
          %dma_wait3A_56 = arith.constant 0 : i32
          %dma_wait3A_57 = tpu.memref_slice %arg13[%dma_wait3A, %dma_wait3A_56] : memref<10008x128xf32, #tpu.memory_space<vmem_shared>> -> memref<24x128xf32, #tpu.memory_space<vmem_shared>>
          %dma_wait3A_58 = arith.constant 0 : i32
          %dma_wait3A_59 = arith.constant 0 : i32
          %dma_wait3A_60 = tpu.memref_slice %arg4[%dma_wait3A_58, %dma_wait3A_59] : memref<624x128xf32, #tpu.memory_space<hbm>> -> memref<24x128xf32, #tpu.memory_space<hbm>>
          tpu.wait_dma2 semaphore(%run_scoped3A : memref<!tpu.dma_semaphore, #tpu.memory_space<semaphore_mem>>) src(%dma_wait3A_60 : memref<24x128xf32, #tpu.memory_space<hbm>>) dst(%dma_wait3A_57 : memref<24x128xf32, #tpu.memory_space<vmem_shared>>)
          tpu.yield
        }) : () -> ()
      } else {
      }
      %barrier3A = arith.constant 0 : index
      tpu.barrier barrier_id(%barrier3A)
      %mul3A_23 = arith.constant 80 : i32
      %mul3A_24 = arith.muli %arg1, %mul3A_23 : i32
      %add3A = arith.constant 0 : i32
      %add3A_25 = arith.addi %mul3A_24, %add3A : i32
      %mul3A_26 = arith.constant 128 : i32
      %mul3A_27 = arith.muli %add3A_25, %mul3A_26 : i32
      "tpu.region"() ({
        %run_scoped3A = tpu.sem_alloc : memref<!tpu.dma_semaphore, #tpu.memory_space<semaphore_mem>>
        %dma_start3A = tpu.memref_slice %arg2[%mul3A_27] : memref<163840xi32, #tpu.memory_space<hbm>> -> memref<5120xi32, #tpu.memory_space<hbm>>
        %dma_start3A_51 = tpu.memref_slice %arg2[%mul3A_27] : memref<163840xi32, #tpu.memory_space<hbm>> -> memref<5120xi32, #tpu.memory_space<hbm>>
        tpu.enqueue_dma source(%dma_start3A_51 : memref<5120xi32, #tpu.memory_space<hbm>>) target(%arg14 : memref<5120xi32, #tpu.memory_space<vmem>>) target_semaphore(%run_scoped3A : memref<!tpu.dma_semaphore, #tpu.memory_space<semaphore_mem>>)
        %dma_wait3A = tpu.memref_slice %arg2[%mul3A_27] : memref<163840xi32, #tpu.memory_space<hbm>> -> memref<5120xi32, #tpu.memory_space<hbm>>
        %dma_wait3A_52 = tpu.memref_slice %arg2[%mul3A_27] : memref<163840xi32, #tpu.memory_space<hbm>> -> memref<5120xi32, #tpu.memory_space<hbm>>
        tpu.wait_dma2 semaphore(%run_scoped3A : memref<!tpu.dma_semaphore, #tpu.memory_space<semaphore_mem>>) src(%dma_wait3A_52 : memref<5120xi32, #tpu.memory_space<hbm>>) dst(%arg14 : memref<5120xi32, #tpu.memory_space<vmem>>)
        tpu.yield
      }) : () -> ()
      "tpu.region"() ({
        %run_scoped3A = tpu.sem_alloc : memref<!tpu.dma_semaphore, #tpu.memory_space<semaphore_mem>>
        %dma_start3A = tpu.memref_slice %arg3[%mul3A_27] : memref<163840xi32, #tpu.memory_space<hbm>> -> memref<5120xi32, #tpu.memory_space<hbm>>
        %dma_start3A_51 = tpu.memref_slice %arg3[%mul3A_27] : memref<163840xi32, #tpu.memory_space<hbm>> -> memref<5120xi32, #tpu.memory_space<hbm>>
        tpu.enqueue_dma source(%dma_start3A_51 : memref<5120xi32, #tpu.memory_space<hbm>>) target(%arg15 : memref<5120xi32, #tpu.memory_space<vmem>>) target_semaphore(%run_scoped3A : memref<!tpu.dma_semaphore, #tpu.memory_space<semaphore_mem>>)
        %dma_wait3A = tpu.memref_slice %arg3[%mul3A_27] : memref<163840xi32, #tpu.memory_space<hbm>> -> memref<5120xi32, #tpu.memory_space<hbm>>
        %dma_wait3A_52 = tpu.memref_slice %arg3[%mul3A_27] : memref<163840xi32, #tpu.memory_space<hbm>> -> memref<5120xi32, #tpu.memory_space<hbm>>
        tpu.wait_dma2 semaphore(%run_scoped3A : memref<!tpu.dma_semaphore, #tpu.memory_space<semaphore_mem>>) src(%dma_wait3A_52 : memref<5120xi32, #tpu.memory_space<hbm>>) dst(%arg15 : memref<5120xi32, #tpu.memory_space<vmem>>)
        tpu.yield
      }) : () -> ()
      %scan3A = arith.constant 0 : i32
      %scan3A_28 = arith.constant 0 : i32
      %scan3A_29 = arith.constant 40 : i32
      %scan3A_30 = arith.addi %scan3A_28, %scan3A_29 : i32
      %scan3A_31 = arith.constant 1 : i32
      scf.for %scan3A_51 = %scan3A_28 to %scan3A_30 step %scan3A_31  : i32 {
        %mul3A_52 = arith.constant 128 : i32
        %mul3A_53 = arith.muli %scan3A_51, %mul3A_52 : i32
        %multiple_of3A = tpu.assume_multiple %mul3A_53, 128 : i32
        %dma_start3A = tpu.memref_slice %arg14[%multiple_of3A] : memref<5120xi32, #tpu.memory_space<vmem>> -> memref<128xi32, #tpu.memory_space<vmem>>
        %dma_start3A_54 = arith.constant 0 : i32
        %dma_start3A_55 = arith.constant 0 : i32
        %dma_start3A_56 = tpu.memref_slice %arg6[%dma_start3A_54, %dma_start3A_55] : memref<10000x128xf32, #tpu.memory_space<hbm>> -> memref<10000x128xf32, #tpu.memory_space<hbm>>
        tpu.enqueue_indirect_dma source(%dma_start3A_56 : memref<10000x128xf32, #tpu.memory_space<hbm>>) target(%arg16 : memref<128x128xf32, #tpu.memory_space<vmem>>) offsets(%dma_start3A : memref<128xi32, #tpu.memory_space<vmem>>) semaphore(%arg18 : memref<!tpu.dma_semaphore, #tpu.memory_space<semaphore_mem>>)
        %dma_wait3A = tpu.memref_slice %arg14[%multiple_of3A] : memref<5120xi32, #tpu.memory_space<vmem>> -> memref<128xi32, #tpu.memory_space<vmem>>
        %dma_wait3A_57 = arith.constant 0 : i32
        %dma_wait3A_58 = arith.constant 0 : i32
        %dma_wait3A_59 = tpu.memref_slice %arg6[%dma_wait3A_57, %dma_wait3A_58] : memref<10000x128xf32, #tpu.memory_space<hbm>> -> memref<10000x128xf32, #tpu.memory_space<hbm>>
        tpu.wait_indirect_dma semaphore(%arg18 : memref<!tpu.dma_semaphore, #tpu.memory_space<semaphore_mem>>) src(%dma_wait3A_59 : memref<10000x128xf32, #tpu.memory_space<hbm>>) dst(%arg16 : memref<128x128xf32, #tpu.memory_space<vmem>>)
        "tpu.region"() ({
          %run_scoped3A = tpu.sem_alloc : memref<!tpu.dma_semaphore, #tpu.memory_space<semaphore_mem>>
          %dma_start3A_60 = tpu.memref_slice %arg15[%multiple_of3A] : memref<5120xi32, #tpu.memory_space<vmem>> -> memref<128xi32, #tpu.memory_space<vmem>>
          %dma_start3A_61 = arith.constant 0 : i32
          %dma_start3A_62 = arith.constant 0 : i32
          %dma_start3A_63 = tpu.memref_slice %arg13[%dma_start3A_61, %dma_start3A_62] : memref<10008x128xf32, #tpu.memory_space<vmem_shared>> -> memref<10008x128xf32, #tpu.memory_space<vmem_shared>>
          tpu.enqueue_indirect_dma source(%arg16 : memref<128x128xf32, #tpu.memory_space<vmem>>) target(%dma_start3A_63 : memref<10008x128xf32, #tpu.memory_space<vmem_shared>>) offsets(%dma_start3A_60 : memref<128xi32, #tpu.memory_space<vmem>>) semaphore(%run_scoped3A : memref<!tpu.dma_semaphore, #tpu.memory_space<semaphore_mem>>) {add = true}
          %dma_wait3A_64 = tpu.memref_slice %arg15[%multiple_of3A] : memref<5120xi32, #tpu.memory_space<vmem>> -> memref<128xi32, #tpu.memory_space<vmem>>
          %dma_wait3A_65 = arith.constant 0 : i32
          %dma_wait3A_66 = arith.constant 0 : i32
          %dma_wait3A_67 = tpu.memref_slice %arg13[%dma_wait3A_65, %dma_wait3A_66] : memref<10008x128xf32, #tpu.memory_space<vmem_shared>> -> memref<10008x128xf32, #tpu.memory_space<vmem_shared>>
          tpu.wait_indirect_dma semaphore(%run_scoped3A : memref<!tpu.dma_semaphore, #tpu.memory_space<semaphore_mem>>) src(%arg16 : memref<128x128xf32, #tpu.memory_space<vmem>>) dst(%dma_wait3A_67 : memref<10008x128xf32, #tpu.memory_space<vmem_shared>>)
          tpu.yield
        }) : () -> ()
      }
      %scan3A_32 = arith.constant 40 : i32
      %mul3A_33 = arith.constant 80 : i32
      %mul3A_34 = arith.muli %arg1, %mul3A_33 : i32
      %add3A_35 = arith.constant 40 : i32
      %add3A_36 = arith.addi %mul3A_34, %add3A_35 : i32
      %mul3A_37 = arith.constant 128 : i32
      %mul3A_38 = arith.muli %add3A_36, %mul3A_37 : i32
      "tpu.region"() ({
        %run_scoped3A = tpu.sem_alloc : memref<!tpu.dma_semaphore, #tpu.memory_space<semaphore_mem>>
        %dma_start3A = tpu.memref_slice %arg2[%mul3A_38] : memref<163840xi32, #tpu.memory_space<hbm>> -> memref<5120xi32, #tpu.memory_space<hbm>>
        %dma_start3A_51 = tpu.memref_slice %arg2[%mul3A_38] : memref<163840xi32, #tpu.memory_space<hbm>> -> memref<5120xi32, #tpu.memory_space<hbm>>
        tpu.enqueue_dma source(%dma_start3A_51 : memref<5120xi32, #tpu.memory_space<hbm>>) target(%arg14 : memref<5120xi32, #tpu.memory_space<vmem>>) target_semaphore(%run_scoped3A : memref<!tpu.dma_semaphore, #tpu.memory_space<semaphore_mem>>)
        %dma_wait3A = tpu.memref_slice %arg2[%mul3A_38] : memref<163840xi32, #tpu.memory_space<hbm>> -> memref<5120xi32, #tpu.memory_space<hbm>>
        %dma_wait3A_52 = tpu.memref_slice %arg2[%mul3A_38] : memref<163840xi32, #tpu.memory_space<hbm>> -> memref<5120xi32, #tpu.memory_space<hbm>>
        tpu.wait_dma2 semaphore(%run_scoped3A : memref<!tpu.dma_semaphore, #tpu.memory_space<semaphore_mem>>) src(%dma_wait3A_52 : memref<5120xi32, #tpu.memory_space<hbm>>) dst(%arg14 : memref<5120xi32, #tpu.memory_space<vmem>>)
        tpu.yield
      }) : () -> ()
      "tpu.region"() ({
        %run_scoped3A = tpu.sem_alloc : memref<!tpu.dma_semaphore, #tpu.memory_space<semaphore_mem>>
        %dma_start3A = tpu.memref_slice %arg3[%mul3A_38] : memref<163840xi32, #tpu.memory_space<hbm>> -> memref<5120xi32, #tpu.memory_space<hbm>>
        %dma_start3A_51 = tpu.memref_slice %arg3[%mul3A_38] : memref<163840xi32, #tpu.memory_space<hbm>> -> memref<5120xi32, #tpu.memory_space<hbm>>
        tpu.enqueue_dma source(%dma_start3A_51 : memref<5120xi32, #tpu.memory_space<hbm>>) target(%arg15 : memref<5120xi32, #tpu.memory_space<vmem>>) target_semaphore(%run_scoped3A : memref<!tpu.dma_semaphore, #tpu.memory_space<semaphore_mem>>)
        %dma_wait3A = tpu.memref_slice %arg3[%mul3A_38] : memref<163840xi32, #tpu.memory_space<hbm>> -> memref<5120xi32, #tpu.memory_space<hbm>>
        %dma_wait3A_52 = tpu.memref_slice %arg3[%mul3A_38] : memref<163840xi32, #tpu.memory_space<hbm>> -> memref<5120xi32, #tpu.memory_space<hbm>>
        tpu.wait_dma2 semaphore(%run_scoped3A : memref<!tpu.dma_semaphore, #tpu.memory_space<semaphore_mem>>) src(%dma_wait3A_52 : memref<5120xi32, #tpu.memory_space<hbm>>) dst(%arg15 : memref<5120xi32, #tpu.memory_space<vmem>>)
        tpu.yield
      }) : () -> ()
      %scan3A_39 = arith.constant 0 : i32
      %scan3A_40 = arith.constant 0 : i32
      %scan3A_41 = arith.constant 40 : i32
      %scan3A_42 = arith.addi %scan3A_40, %scan3A_41 : i32
      %scan3A_43 = arith.constant 1 : i32
      scf.for %scan3A_51 = %scan3A_40 to %scan3A_42 step %scan3A_43  : i32 {
        %mul3A_52 = arith.constant 128 : i32
        %mul3A_53 = arith.muli %scan3A_51, %mul3A_52 : i32
        %multiple_of3A = tpu.assume_multiple %mul3A_53, 128 : i32
        %dma_start3A = tpu.memref_slice %arg14[%multiple_of3A] : memref<5120xi32, #tpu.memory_space<vmem>> -> memref<128xi32, #tpu.memory_space<vmem>>
        %dma_start3A_54 = arith.constant 0 : i32
        %dma_start3A_55 = arith.constant 0 : i32
        %dma_start3A_56 = tpu.memref_slice %arg6[%dma_start3A_54, %dma_start3A_55] : memref<10000x128xf32, #tpu.memory_space<hbm>> -> memref<10000x128xf32, #tpu.memory_space<hbm>>
        tpu.enqueue_indirect_dma source(%dma_start3A_56 : memref<10000x128xf32, #tpu.memory_space<hbm>>) target(%arg16 : memref<128x128xf32, #tpu.memory_space<vmem>>) offsets(%dma_start3A : memref<128xi32, #tpu.memory_space<vmem>>) semaphore(%arg18 : memref<!tpu.dma_semaphore, #tpu.memory_space<semaphore_mem>>)
        %dma_wait3A = tpu.memref_slice %arg14[%multiple_of3A] : memref<5120xi32, #tpu.memory_space<vmem>> -> memref<128xi32, #tpu.memory_space<vmem>>
        %dma_wait3A_57 = arith.constant 0 : i32
        %dma_wait3A_58 = arith.constant 0 : i32
        %dma_wait3A_59 = tpu.memref_slice %arg6[%dma_wait3A_57, %dma_wait3A_58] : memref<10000x128xf32, #tpu.memory_space<hbm>> -> memref<10000x128xf32, #tpu.memory_space<hbm>>
        tpu.wait_indirect_dma semaphore(%arg18 : memref<!tpu.dma_semaphore, #tpu.memory_space<semaphore_mem>>) src(%dma_wait3A_59 : memref<10000x128xf32, #tpu.memory_space<hbm>>) dst(%arg16 : memref<128x128xf32, #tpu.memory_space<vmem>>)
        "tpu.region"() ({
          %run_scoped3A = tpu.sem_alloc : memref<!tpu.dma_semaphore, #tpu.memory_space<semaphore_mem>>
          %dma_start3A_60 = tpu.memref_slice %arg15[%multiple_of3A] : memref<5120xi32, #tpu.memory_space<vmem>> -> memref<128xi32, #tpu.memory_space<vmem>>
          %dma_start3A_61 = arith.constant 0 : i32
          %dma_start3A_62 = arith.constant 0 : i32
          %dma_start3A_63 = tpu.memref_slice %arg13[%dma_start3A_61, %dma_start3A_62] : memref<10008x128xf32, #tpu.memory_space<vmem_shared>> -> memref<10008x128xf32, #tpu.memory_space<vmem_shared>>
          tpu.enqueue_indirect_dma source(%arg16 : memref<128x128xf32, #tpu.memory_space<vmem>>) target(%dma_start3A_63 : memref<10008x128xf32, #tpu.memory_space<vmem_shared>>) offsets(%dma_start3A_60 : memref<128xi32, #tpu.memory_space<vmem>>) semaphore(%run_scoped3A : memref<!tpu.dma_semaphore, #tpu.memory_space<semaphore_mem>>) {add = true}
          %dma_wait3A_64 = tpu.memref_slice %arg15[%multiple_of3A] : memref<5120xi32, #tpu.memory_space<vmem>> -> memref<128xi32, #tpu.memory_space<vmem>>
          %dma_wait3A_65 = arith.constant 0 : i32
          %dma_wait3A_66 = arith.constant 0 : i32
          %dma_wait3A_67 = tpu.memref_slice %arg13[%dma_wait3A_65, %dma_wait3A_66] : memref<10008x128xf32, #tpu.memory_space<vmem_shared>> -> memref<10008x128xf32, #tpu.memory_space<vmem_shared>>
          tpu.wait_indirect_dma semaphore(%run_scoped3A : memref<!tpu.dma_semaphore, #tpu.memory_space<semaphore_mem>>) src(%arg16 : memref<128x128xf32, #tpu.memory_space<vmem>>) dst(%dma_wait3A_67 : memref<10008x128xf32, #tpu.memory_space<vmem_shared>>)
          tpu.yield
        }) : () -> ()
      }
      %scan3A_44 = arith.constant 40 : i32
      %barrier3A_45 = arith.constant 0 : index
      tpu.barrier barrier_id(%barrier3A_45)
      "tpu.region"() ({
        %run_scoped3A = tpu.sem_alloc : memref<!tpu.dma_semaphore, #tpu.memory_space<semaphore_mem>>
        %dma_start3A = arith.constant 0 : i32
        %dma_start3A_51 = tpu.memref_slice %arg10[%mul3A_0, %dma_start3A] : memref<10000x128xf32, #tpu.memory_space<hbm>> -> memref<624x128xf32, #tpu.memory_space<hbm>>
        %dma_start3A_52 = arith.constant 0 : i32
        %dma_start3A_53 = tpu.memref_slice %arg13[%mul3A_0, %dma_start3A_52] : memref<10008x128xf32, #tpu.memory_space<vmem_shared>> -> memref<624x128xf32, #tpu.memory_space<vmem_shared>>
        tpu.enqueue_dma source(%dma_start3A_53 : memref<624x128xf32, #tpu.memory_space<vmem_shared>>) target(%dma_start3A_51 : memref<624x128xf32, #tpu.memory_space<hbm>>) target_semaphore(%run_scoped3A : memref<!tpu.dma_semaphore, #tpu.memory_space<semaphore_mem>>)
        %dma_wait3A = arith.constant 0 : i32
        %dma_wait3A_54 = tpu.memref_slice %arg10[%mul3A_0, %dma_wait3A] : memref<10000x128xf32, #tpu.memory_space<hbm>> -> memref<624x128xf32, #tpu.memory_space<hbm>>
        %dma_wait3A_55 = arith.constant 0 : i32
        %dma_wait3A_56 = tpu.memref_slice %arg13[%mul3A_0, %dma_wait3A_55] : memref<10008x128xf32, #tpu.memory_space<vmem_shared>> -> memref<624x128xf32, #tpu.memory_space<vmem_shared>>
        tpu.wait_dma2 semaphore(%run_scoped3A : memref<!tpu.dma_semaphore, #tpu.memory_space<semaphore_mem>>) src(%dma_wait3A_56 : memref<624x128xf32, #tpu.memory_space<vmem_shared>>) dst(%dma_wait3A_54 : memref<624x128xf32, #tpu.memory_space<hbm>>)
        tpu.yield
      }) : () -> ()
      %eq3A_46 = arith.constant 0 : i32
      %eq3A_47 = arith.cmpi eq, %arg1, %eq3A_46 : i32
      %convert_element_type3A_48 = arith.extui %eq3A_47 : i1 to i32
      %cond3A_49 = arith.constant 0 : i32
      %cond3A_50 = arith.cmpi ne, %convert_element_type3A_48, %cond3A_49 : i32
      scf.if %cond3A_50 {
        "tpu.region"() ({
          %run_scoped3A = tpu.sem_alloc : memref<!tpu.dma_semaphore, #tpu.memory_space<semaphore_mem>>
          %dma_start3A = arith.constant 9984 : i32
          %dma_start3A_51 = arith.constant 0 : i32
          %dma_start3A_52 = tpu.memref_slice %arg10[%dma_start3A, %dma_start3A_51] : memref<10000x128xf32, #tpu.memory_space<hbm>> -> memref<16x128xf32, #tpu.memory_space<hbm>>
          %dma_start3A_53 = arith.constant 9984 : i32
          %dma_start3A_54 = arith.constant 0 : i32
          %dma_start3A_55 = tpu.memref_slice %arg13[%dma_start3A_53, %dma_start3A_54] : memref<10008x128xf32, #tpu.memory_space<vmem_shared>> -> memref<16x128xf32, #tpu.memory_space<vmem_shared>>
          tpu.enqueue_dma source(%dma_start3A_55 : memref<16x128xf32, #tpu.memory_space<vmem_shared>>) target(%dma_start3A_52 : memref<16x128xf32, #tpu.memory_space<hbm>>) target_semaphore(%run_scoped3A : memref<!tpu.dma_semaphore, #tpu.memory_space<semaphore_mem>>)
          %dma_wait3A = arith.constant 9984 : i32
          %dma_wait3A_56 = arith.constant 0 : i32
          %dma_wait3A_57 = tpu.memref_slice %arg10[%dma_wait3A, %dma_wait3A_56] : memref<10000x128xf32, #tpu.memory_space<hbm>> -> memref<16x128xf32, #tpu.memory_space<hbm>>
          %dma_wait3A_58 = arith.constant 9984 : i32
          %dma_wait3A_59 = arith.constant 0 : i32
          %dma_wait3A_60 = tpu.memref_slice %arg13[%dma_wait3A_58, %dma_wait3A_59] : memref<10008x128xf32, #tpu.memory_space<vmem_shared>> -> memref<16x128xf32, #tpu.memory_space<vmem_shared>>
          tpu.wait_dma2 semaphore(%run_scoped3A : memref<!tpu.dma_semaphore, #tpu.memory_space<semaphore_mem>>) src(%dma_wait3A_60 : memref<16x128xf32, #tpu.memory_space<vmem_shared>>) dst(%dma_wait3A_57 : memref<16x128xf32, #tpu.memory_space<hbm>>)
          tpu.yield
        }) : () -> ()
      } else {
      }
    } else {
    }
    %eq3A_8 = arith.constant 1 : i32
    %eq3A_9 = arith.cmpi eq, %arg0, %eq3A_8 : i32
    %convert_element_type3A_10 = arith.extui %eq3A_9 : i1 to i32
    %cond3A_11 = arith.constant 0 : i32
    %cond3A_12 = arith.cmpi ne, %convert_element_type3A_10, %cond3A_11 : i32
    scf.if %cond3A_12 {
      "tpu.region"() ({
        %run_scoped3A = tpu.sem_alloc : memref<!tpu.dma_semaphore, #tpu.memory_space<semaphore_mem>>
        %dma_start3A = arith.constant 0 : i32
        %dma_start3A_51 = tpu.memref_slice %arg13[%mul3A_0, %dma_start3A] : memref<10008x128xf32, #tpu.memory_space<vmem_shared>> -> memref<624x128xf32, #tpu.memory_space<vmem_shared>>
        %dma_start3A_52 = arith.constant 0 : i32
        %dma_start3A_53 = arith.constant 0 : i32
        %dma_start3A_54 = tpu.memref_slice %arg4[%dma_start3A_52, %dma_start3A_53] : memref<624x128xf32, #tpu.memory_space<hbm>> -> memref<624x128xf32, #tpu.memory_space<hbm>>
        tpu.enqueue_dma source(%dma_start3A_54 : memref<624x128xf32, #tpu.memory_space<hbm>>) target(%dma_start3A_51 : memref<624x128xf32, #tpu.memory_space<vmem_shared>>) target_semaphore(%run_scoped3A : memref<!tpu.dma_semaphore, #tpu.memory_space<semaphore_mem>>)
        %dma_wait3A = arith.constant 0 : i32
        %dma_wait3A_55 = tpu.memref_slice %arg13[%mul3A_0, %dma_wait3A] : memref<10008x128xf32, #tpu.memory_space<vmem_shared>> -> memref<624x128xf32, #tpu.memory_space<vmem_shared>>
        %dma_wait3A_56 = arith.constant 0 : i32
        %dma_wait3A_57 = arith.constant 0 : i32
        %dma_wait3A_58 = tpu.memref_slice %arg4[%dma_wait3A_56, %dma_wait3A_57] : memref<624x128xf32, #tpu.memory_space<hbm>> -> memref<624x128xf32, #tpu.memory_space<hbm>>
        tpu.wait_dma2 semaphore(%run_scoped3A : memref<!tpu.dma_semaphore, #tpu.memory_space<semaphore_mem>>) src(%dma_wait3A_58 : memref<624x128xf32, #tpu.memory_space<hbm>>) dst(%dma_wait3A_55 : memref<624x128xf32, #tpu.memory_space<vmem_shared>>)
        tpu.yield
      }) : () -> ()
      %eq3A_18 = arith.constant 0 : i32
      %eq3A_19 = arith.cmpi eq, %arg1, %eq3A_18 : i32
      %convert_element_type3A_20 = arith.extui %eq3A_19 : i1 to i32
      %cond3A_21 = arith.constant 0 : i32
      %cond3A_22 = arith.cmpi ne, %convert_element_type3A_20, %cond3A_21 : i32
      scf.if %cond3A_22 {
        "tpu.region"() ({
          %run_scoped3A = tpu.sem_alloc : memref<!tpu.dma_semaphore, #tpu.memory_space<semaphore_mem>>
          %dma_start3A = arith.constant 9984 : i32
          %dma_start3A_51 = arith.constant 0 : i32
          %dma_start3A_52 = tpu.memref_slice %arg13[%dma_start3A, %dma_start3A_51] : memref<10008x128xf32, #tpu.memory_space<vmem_shared>> -> memref<24x128xf32, #tpu.memory_space<vmem_shared>>
          %dma_start3A_53 = arith.constant 0 : i32
          %dma_start3A_54 = arith.constant 0 : i32
          %dma_start3A_55 = tpu.memref_slice %arg4[%dma_start3A_53, %dma_start3A_54] : memref<624x128xf32, #tpu.memory_space<hbm>> -> memref<24x128xf32, #tpu.memory_space<hbm>>
          tpu.enqueue_dma source(%dma_start3A_55 : memref<24x128xf32, #tpu.memory_space<hbm>>) target(%dma_start3A_52 : memref<24x128xf32, #tpu.memory_space<vmem_shared>>) target_semaphore(%run_scoped3A : memref<!tpu.dma_semaphore, #tpu.memory_space<semaphore_mem>>)
          %dma_wait3A = arith.constant 9984 : i32
          %dma_wait3A_56 = arith.constant 0 : i32
          %dma_wait3A_57 = tpu.memref_slice %arg13[%dma_wait3A, %dma_wait3A_56] : memref<10008x128xf32, #tpu.memory_space<vmem_shared>> -> memref<24x128xf32, #tpu.memory_space<vmem_shared>>
          %dma_wait3A_58 = arith.constant 0 : i32
          %dma_wait3A_59 = arith.constant 0 : i32
          %dma_wait3A_60 = tpu.memref_slice %arg4[%dma_wait3A_58, %dma_wait3A_59] : memref<624x128xf32, #tpu.memory_space<hbm>> -> memref<24x128xf32, #tpu.memory_space<hbm>>
          tpu.wait_dma2 semaphore(%run_scoped3A : memref<!tpu.dma_semaphore, #tpu.memory_space<semaphore_mem>>) src(%dma_wait3A_60 : memref<24x128xf32, #tpu.memory_space<hbm>>) dst(%dma_wait3A_57 : memref<24x128xf32, #tpu.memory_space<vmem_shared>>)
          tpu.yield
        }) : () -> ()
      } else {
      }
      %barrier3A = arith.constant 0 : index
      tpu.barrier barrier_id(%barrier3A)
      %mul3A_23 = arith.constant 80 : i32
      %mul3A_24 = arith.muli %arg1, %mul3A_23 : i32
      %add3A = arith.constant 0 : i32
      %add3A_25 = arith.addi %mul3A_24, %add3A : i32
      %mul3A_26 = arith.constant 128 : i32
      %mul3A_27 = arith.muli %add3A_25, %mul3A_26 : i32
      "tpu.region"() ({
        %run_scoped3A = tpu.sem_alloc : memref<!tpu.dma_semaphore, #tpu.memory_space<semaphore_mem>>
        %dma_start3A = tpu.memref_slice %arg2[%mul3A_27] : memref<163840xi32, #tpu.memory_space<hbm>> -> memref<5120xi32, #tpu.memory_space<hbm>>
        %dma_start3A_51 = tpu.memref_slice %arg2[%mul3A_27] : memref<163840xi32, #tpu.memory_space<hbm>> -> memref<5120xi32, #tpu.memory_space<hbm>>
        tpu.enqueue_dma source(%dma_start3A_51 : memref<5120xi32, #tpu.memory_space<hbm>>) target(%arg14 : memref<5120xi32, #tpu.memory_space<vmem>>) target_semaphore(%run_scoped3A : memref<!tpu.dma_semaphore, #tpu.memory_space<semaphore_mem>>)
        %dma_wait3A = tpu.memref_slice %arg2[%mul3A_27] : memref<163840xi32, #tpu.memory_space<hbm>> -> memref<5120xi32, #tpu.memory_space<hbm>>
        %dma_wait3A_52 = tpu.memref_slice %arg2[%mul3A_27] : memref<163840xi32, #tpu.memory_space<hbm>> -> memref<5120xi32, #tpu.memory_space<hbm>>
        tpu.wait_dma2 semaphore(%run_scoped3A : memref<!tpu.dma_semaphore, #tpu.memory_space<semaphore_mem>>) src(%dma_wait3A_52 : memref<5120xi32, #tpu.memory_space<hbm>>) dst(%arg14 : memref<5120xi32, #tpu.memory_space<vmem>>)
        tpu.yield
      }) : () -> ()
      "tpu.region"() ({
        %run_scoped3A = tpu.sem_alloc : memref<!tpu.dma_semaphore, #tpu.memory_space<semaphore_mem>>
        %dma_start3A = tpu.memref_slice %arg3[%mul3A_27] : memref<163840xi32, #tpu.memory_space<hbm>> -> memref<5120xi32, #tpu.memory_space<hbm>>
        %dma_start3A_51 = tpu.memref_slice %arg3[%mul3A_27] : memref<163840xi32, #tpu.memory_space<hbm>> -> memref<5120xi32, #tpu.memory_space<hbm>>
        tpu.enqueue_dma source(%dma_start3A_51 : memref<5120xi32, #tpu.memory_space<hbm>>) target(%arg15 : memref<5120xi32, #tpu.memory_space<vmem>>) target_semaphore(%run_scoped3A : memref<!tpu.dma_semaphore, #tpu.memory_space<semaphore_mem>>)
        %dma_wait3A = tpu.memref_slice %arg3[%mul3A_27] : memref<163840xi32, #tpu.memory_space<hbm>> -> memref<5120xi32, #tpu.memory_space<hbm>>
        %dma_wait3A_52 = tpu.memref_slice %arg3[%mul3A_27] : memref<163840xi32, #tpu.memory_space<hbm>> -> memref<5120xi32, #tpu.memory_space<hbm>>
        tpu.wait_dma2 semaphore(%run_scoped3A : memref<!tpu.dma_semaphore, #tpu.memory_space<semaphore_mem>>) src(%dma_wait3A_52 : memref<5120xi32, #tpu.memory_space<hbm>>) dst(%arg15 : memref<5120xi32, #tpu.memory_space<vmem>>)
        tpu.yield
      }) : () -> ()
      %scan3A = arith.constant 0 : i32
      %scan3A_28 = arith.constant 0 : i32
      %scan3A_29 = arith.constant 40 : i32
      %scan3A_30 = arith.addi %scan3A_28, %scan3A_29 : i32
      %scan3A_31 = arith.constant 1 : i32
      scf.for %scan3A_51 = %scan3A_28 to %scan3A_30 step %scan3A_31  : i32 {
        %mul3A_52 = arith.constant 128 : i32
        %mul3A_53 = arith.muli %scan3A_51, %mul3A_52 : i32
        %multiple_of3A = tpu.assume_multiple %mul3A_53, 128 : i32
        %dma_start3A = tpu.memref_slice %arg14[%multiple_of3A] : memref<5120xi32, #tpu.memory_space<vmem>> -> memref<128xi32, #tpu.memory_space<vmem>>
        %dma_start3A_54 = arith.constant 0 : i32
        %dma_start3A_55 = arith.constant 0 : i32
        %dma_start3A_56 = tpu.memref_slice %arg7[%dma_start3A_54, %dma_start3A_55] : memref<10000x128xf32, #tpu.memory_space<hbm>> -> memref<10000x128xf32, #tpu.memory_space<hbm>>
        tpu.enqueue_indirect_dma source(%dma_start3A_56 : memref<10000x128xf32, #tpu.memory_space<hbm>>) target(%arg16 : memref<128x128xf32, #tpu.memory_space<vmem>>) offsets(%dma_start3A : memref<128xi32, #tpu.memory_space<vmem>>) semaphore(%arg18 : memref<!tpu.dma_semaphore, #tpu.memory_space<semaphore_mem>>)
        %dma_wait3A = tpu.memref_slice %arg14[%multiple_of3A] : memref<5120xi32, #tpu.memory_space<vmem>> -> memref<128xi32, #tpu.memory_space<vmem>>
        %dma_wait3A_57 = arith.constant 0 : i32
        %dma_wait3A_58 = arith.constant 0 : i32
        %dma_wait3A_59 = tpu.memref_slice %arg7[%dma_wait3A_57, %dma_wait3A_58] : memref<10000x128xf32, #tpu.memory_space<hbm>> -> memref<10000x128xf32, #tpu.memory_space<hbm>>
        tpu.wait_indirect_dma semaphore(%arg18 : memref<!tpu.dma_semaphore, #tpu.memory_space<semaphore_mem>>) src(%dma_wait3A_59 : memref<10000x128xf32, #tpu.memory_space<hbm>>) dst(%arg16 : memref<128x128xf32, #tpu.memory_space<vmem>>)
        "tpu.region"() ({
          %run_scoped3A = tpu.sem_alloc : memref<!tpu.dma_semaphore, #tpu.memory_space<semaphore_mem>>
          %dma_start3A_60 = tpu.memref_slice %arg15[%multiple_of3A] : memref<5120xi32, #tpu.memory_space<vmem>> -> memref<128xi32, #tpu.memory_space<vmem>>
          %dma_start3A_61 = arith.constant 0 : i32
          %dma_start3A_62 = arith.constant 0 : i32
          %dma_start3A_63 = tpu.memref_slice %arg13[%dma_start3A_61, %dma_start3A_62] : memref<10008x128xf32, #tpu.memory_space<vmem_shared>> -> memref<10008x128xf32, #tpu.memory_space<vmem_shared>>
          tpu.enqueue_indirect_dma source(%arg16 : memref<128x128xf32, #tpu.memory_space<vmem>>) target(%dma_start3A_63 : memref<10008x128xf32, #tpu.memory_space<vmem_shared>>) offsets(%dma_start3A_60 : memref<128xi32, #tpu.memory_space<vmem>>) semaphore(%run_scoped3A : memref<!tpu.dma_semaphore, #tpu.memory_space<semaphore_mem>>) {add = true}
          %dma_wait3A_64 = tpu.memref_slice %arg15[%multiple_of3A] : memref<5120xi32, #tpu.memory_space<vmem>> -> memref<128xi32, #tpu.memory_space<vmem>>
          %dma_wait3A_65 = arith.constant 0 : i32
          %dma_wait3A_66 = arith.constant 0 : i32
          %dma_wait3A_67 = tpu.memref_slice %arg13[%dma_wait3A_65, %dma_wait3A_66] : memref<10008x128xf32, #tpu.memory_space<vmem_shared>> -> memref<10008x128xf32, #tpu.memory_space<vmem_shared>>
          tpu.wait_indirect_dma semaphore(%run_scoped3A : memref<!tpu.dma_semaphore, #tpu.memory_space<semaphore_mem>>) src(%arg16 : memref<128x128xf32, #tpu.memory_space<vmem>>) dst(%dma_wait3A_67 : memref<10008x128xf32, #tpu.memory_space<vmem_shared>>)
          tpu.yield
        }) : () -> ()
      }
      %scan3A_32 = arith.constant 40 : i32
      %mul3A_33 = arith.constant 80 : i32
      %mul3A_34 = arith.muli %arg1, %mul3A_33 : i32
      %add3A_35 = arith.constant 40 : i32
      %add3A_36 = arith.addi %mul3A_34, %add3A_35 : i32
      %mul3A_37 = arith.constant 128 : i32
      %mul3A_38 = arith.muli %add3A_36, %mul3A_37 : i32
      "tpu.region"() ({
        %run_scoped3A = tpu.sem_alloc : memref<!tpu.dma_semaphore, #tpu.memory_space<semaphore_mem>>
        %dma_start3A = tpu.memref_slice %arg2[%mul3A_38] : memref<163840xi32, #tpu.memory_space<hbm>> -> memref<5120xi32, #tpu.memory_space<hbm>>
        %dma_start3A_51 = tpu.memref_slice %arg2[%mul3A_38] : memref<163840xi32, #tpu.memory_space<hbm>> -> memref<5120xi32, #tpu.memory_space<hbm>>
        tpu.enqueue_dma source(%dma_start3A_51 : memref<5120xi32, #tpu.memory_space<hbm>>) target(%arg14 : memref<5120xi32, #tpu.memory_space<vmem>>) target_semaphore(%run_scoped3A : memref<!tpu.dma_semaphore, #tpu.memory_space<semaphore_mem>>)
        %dma_wait3A = tpu.memref_slice %arg2[%mul3A_38] : memref<163840xi32, #tpu.memory_space<hbm>> -> memref<5120xi32, #tpu.memory_space<hbm>>
        %dma_wait3A_52 = tpu.memref_slice %arg2[%mul3A_38] : memref<163840xi32, #tpu.memory_space<hbm>> -> memref<5120xi32, #tpu.memory_space<hbm>>
        tpu.wait_dma2 semaphore(%run_scoped3A : memref<!tpu.dma_semaphore, #tpu.memory_space<semaphore_mem>>) src(%dma_wait3A_52 : memref<5120xi32, #tpu.memory_space<hbm>>) dst(%arg14 : memref<5120xi32, #tpu.memory_space<vmem>>)
        tpu.yield
      }) : () -> ()
      "tpu.region"() ({
        %run_scoped3A = tpu.sem_alloc : memref<!tpu.dma_semaphore, #tpu.memory_space<semaphore_mem>>
        %dma_start3A = tpu.memref_slice %arg3[%mul3A_38] : memref<163840xi32, #tpu.memory_space<hbm>> -> memref<5120xi32, #tpu.memory_space<hbm>>
        %dma_start3A_51 = tpu.memref_slice %arg3[%mul3A_38] : memref<163840xi32, #tpu.memory_space<hbm>> -> memref<5120xi32, #tpu.memory_space<hbm>>
        tpu.enqueue_dma source(%dma_start3A_51 : memref<5120xi32, #tpu.memory_space<hbm>>) target(%arg15 : memref<5120xi32, #tpu.memory_space<vmem>>) target_semaphore(%run_scoped3A : memref<!tpu.dma_semaphore, #tpu.memory_space<semaphore_mem>>)
        %dma_wait3A = tpu.memref_slice %arg3[%mul3A_38] : memref<163840xi32, #tpu.memory_space<hbm>> -> memref<5120xi32, #tpu.memory_space<hbm>>
        %dma_wait3A_52 = tpu.memref_slice %arg3[%mul3A_38] : memref<163840xi32, #tpu.memory_space<hbm>> -> memref<5120xi32, #tpu.memory_space<hbm>>
        tpu.wait_dma2 semaphore(%run_scoped3A : memref<!tpu.dma_semaphore, #tpu.memory_space<semaphore_mem>>) src(%dma_wait3A_52 : memref<5120xi32, #tpu.memory_space<hbm>>) dst(%arg15 : memref<5120xi32, #tpu.memory_space<vmem>>)
        tpu.yield
      }) : () -> ()
      %scan3A_39 = arith.constant 0 : i32
      %scan3A_40 = arith.constant 0 : i32
      %scan3A_41 = arith.constant 40 : i32
      %scan3A_42 = arith.addi %scan3A_40, %scan3A_41 : i32
      %scan3A_43 = arith.constant 1 : i32
      scf.for %scan3A_51 = %scan3A_40 to %scan3A_42 step %scan3A_43  : i32 {
        %mul3A_52 = arith.constant 128 : i32
        %mul3A_53 = arith.muli %scan3A_51, %mul3A_52 : i32
        %multiple_of3A = tpu.assume_multiple %mul3A_53, 128 : i32
        %dma_start3A = tpu.memref_slice %arg14[%multiple_of3A] : memref<5120xi32, #tpu.memory_space<vmem>> -> memref<128xi32, #tpu.memory_space<vmem>>
        %dma_start3A_54 = arith.constant 0 : i32
        %dma_start3A_55 = arith.constant 0 : i32
        %dma_start3A_56 = tpu.memref_slice %arg7[%dma_start3A_54, %dma_start3A_55] : memref<10000x128xf32, #tpu.memory_space<hbm>> -> memref<10000x128xf32, #tpu.memory_space<hbm>>
        tpu.enqueue_indirect_dma source(%dma_start3A_56 : memref<10000x128xf32, #tpu.memory_space<hbm>>) target(%arg16 : memref<128x128xf32, #tpu.memory_space<vmem>>) offsets(%dma_start3A : memref<128xi32, #tpu.memory_space<vmem>>) semaphore(%arg18 : memref<!tpu.dma_semaphore, #tpu.memory_space<semaphore_mem>>)
        %dma_wait3A = tpu.memref_slice %arg14[%multiple_of3A] : memref<5120xi32, #tpu.memory_space<vmem>> -> memref<128xi32, #tpu.memory_space<vmem>>
        %dma_wait3A_57 = arith.constant 0 : i32
        %dma_wait3A_58 = arith.constant 0 : i32
        %dma_wait3A_59 = tpu.memref_slice %arg7[%dma_wait3A_57, %dma_wait3A_58] : memref<10000x128xf32, #tpu.memory_space<hbm>> -> memref<10000x128xf32, #tpu.memory_space<hbm>>
        tpu.wait_indirect_dma semaphore(%arg18 : memref<!tpu.dma_semaphore, #tpu.memory_space<semaphore_mem>>) src(%dma_wait3A_59 : memref<10000x128xf32, #tpu.memory_space<hbm>>) dst(%arg16 : memref<128x128xf32, #tpu.memory_space<vmem>>)
        "tpu.region"() ({
          %run_scoped3A = tpu.sem_alloc : memref<!tpu.dma_semaphore, #tpu.memory_space<semaphore_mem>>
          %dma_start3A_60 = tpu.memref_slice %arg15[%multiple_of3A] : memref<5120xi32, #tpu.memory_space<vmem>> -> memref<128xi32, #tpu.memory_space<vmem>>
          %dma_start3A_61 = arith.constant 0 : i32
          %dma_start3A_62 = arith.constant 0 : i32
          %dma_start3A_63 = tpu.memref_slice %arg13[%dma_start3A_61, %dma_start3A_62] : memref<10008x128xf32, #tpu.memory_space<vmem_shared>> -> memref<10008x128xf32, #tpu.memory_space<vmem_shared>>
          tpu.enqueue_indirect_dma source(%arg16 : memref<128x128xf32, #tpu.memory_space<vmem>>) target(%dma_start3A_63 : memref<10008x128xf32, #tpu.memory_space<vmem_shared>>) offsets(%dma_start3A_60 : memref<128xi32, #tpu.memory_space<vmem>>) semaphore(%run_scoped3A : memref<!tpu.dma_semaphore, #tpu.memory_space<semaphore_mem>>) {add = true}
          %dma_wait3A_64 = tpu.memref_slice %arg15[%multiple_of3A] : memref<5120xi32, #tpu.memory_space<vmem>> -> memref<128xi32, #tpu.memory_space<vmem>>
          %dma_wait3A_65 = arith.constant 0 : i32
          %dma_wait3A_66 = arith.constant 0 : i32
          %dma_wait3A_67 = tpu.memref_slice %arg13[%dma_wait3A_65, %dma_wait3A_66] : memref<10008x128xf32, #tpu.memory_space<vmem_shared>> -> memref<10008x128xf32, #tpu.memory_space<vmem_shared>>
          tpu.wait_indirect_dma semaphore(%run_scoped3A : memref<!tpu.dma_semaphore, #tpu.memory_space<semaphore_mem>>) src(%arg16 : memref<128x128xf32, #tpu.memory_space<vmem>>) dst(%dma_wait3A_67 : memref<10008x128xf32, #tpu.memory_space<vmem_shared>>)
          tpu.yield
        }) : () -> ()
      }
      %scan3A_44 = arith.constant 40 : i32
      %barrier3A_45 = arith.constant 0 : index
      tpu.barrier barrier_id(%barrier3A_45)
      "tpu.region"() ({
        %run_scoped3A = tpu.sem_alloc : memref<!tpu.dma_semaphore, #tpu.memory_space<semaphore_mem>>
        %dma_start3A = arith.constant 0 : i32
        %dma_start3A_51 = tpu.memref_slice %arg11[%mul3A_0, %dma_start3A] : memref<10000x128xf32, #tpu.memory_space<hbm>> -> memref<624x128xf32, #tpu.memory_space<hbm>>
        %dma_start3A_52 = arith.constant 0 : i32
        %dma_start3A_53 = tpu.memref_slice %arg13[%mul3A_0, %dma_start3A_52] : memref<10008x128xf32, #tpu.memory_space<vmem_shared>> -> memref<624x128xf32, #tpu.memory_space<vmem_shared>>
        tpu.enqueue_dma source(%dma_start3A_53 : memref<624x128xf32, #tpu.memory_space<vmem_shared>>) target(%dma_start3A_51 : memref<624x128xf32, #tpu.memory_space<hbm>>) target_semaphore(%run_scoped3A : memref<!tpu.dma_semaphore, #tpu.memory_space<semaphore_mem>>)
        %dma_wait3A = arith.constant 0 : i32
        %dma_wait3A_54 = tpu.memref_slice %arg11[%mul3A_0, %dma_wait3A] : memref<10000x128xf32, #tpu.memory_space<hbm>> -> memref<624x128xf32, #tpu.memory_space<hbm>>
        %dma_wait3A_55 = arith.constant 0 : i32
        %dma_wait3A_56 = tpu.memref_slice %arg13[%mul3A_0, %dma_wait3A_55] : memref<10008x128xf32, #tpu.memory_space<vmem_shared>> -> memref<624x128xf32, #tpu.memory_space<vmem_shared>>
        tpu.wait_dma2 semaphore(%run_scoped3A : memref<!tpu.dma_semaphore, #tpu.memory_space<semaphore_mem>>) src(%dma_wait3A_56 : memref<624x128xf32, #tpu.memory_space<vmem_shared>>) dst(%dma_wait3A_54 : memref<624x128xf32, #tpu.memory_space<hbm>>)
        tpu.yield
      }) : () -> ()
      %eq3A_46 = arith.constant 0 : i32
      %eq3A_47 = arith.cmpi eq, %arg1, %eq3A_46 : i32
      %convert_element_type3A_48 = arith.extui %eq3A_47 : i1 to i32
      %cond3A_49 = arith.constant 0 : i32
      %cond3A_50 = arith.cmpi ne, %convert_element_type3A_48, %cond3A_49 : i32
      scf.if %cond3A_50 {
        "tpu.region"() ({
          %run_scoped3A = tpu.sem_alloc : memref<!tpu.dma_semaphore, #tpu.memory_space<semaphore_mem>>
          %dma_start3A = arith.constant 9984 : i32
          %dma_start3A_51 = arith.constant 0 : i32
          %dma_start3A_52 = tpu.memref_slice %arg11[%dma_start3A, %dma_start3A_51] : memref<10000x128xf32, #tpu.memory_space<hbm>> -> memref<16x128xf32, #tpu.memory_space<hbm>>
          %dma_start3A_53 = arith.constant 9984 : i32
          %dma_start3A_54 = arith.constant 0 : i32
          %dma_start3A_55 = tpu.memref_slice %arg13[%dma_start3A_53, %dma_start3A_54] : memref<10008x128xf32, #tpu.memory_space<vmem_shared>> -> memref<16x128xf32, #tpu.memory_space<vmem_shared>>
          tpu.enqueue_dma source(%dma_start3A_55 : memref<16x128xf32, #tpu.memory_space<vmem_shared>>) target(%dma_start3A_52 : memref<16x128xf32, #tpu.memory_space<hbm>>) target_semaphore(%run_scoped3A : memref<!tpu.dma_semaphore, #tpu.memory_space<semaphore_mem>>)
          %dma_wait3A = arith.constant 9984 : i32
          %dma_wait3A_56 = arith.constant 0 : i32
          %dma_wait3A_57 = tpu.memref_slice %arg11[%dma_wait3A, %dma_wait3A_56] : memref<10000x128xf32, #tpu.memory_space<hbm>> -> memref<16x128xf32, #tpu.memory_space<hbm>>
          %dma_wait3A_58 = arith.constant 9984 : i32
          %dma_wait3A_59 = arith.constant 0 : i32
          %dma_wait3A_60 = tpu.memref_slice %arg13[%dma_wait3A_58, %dma_wait3A_59] : memref<10008x128xf32, #tpu.memory_space<vmem_shared>> -> memref<16x128xf32, #tpu.memory_space<vmem_shared>>
          tpu.wait_dma2 semaphore(%run_scoped3A : memref<!tpu.dma_semaphore, #tpu.memory_space<semaphore_mem>>) src(%dma_wait3A_60 : memref<16x128xf32, #tpu.memory_space<vmem_shared>>) dst(%dma_wait3A_57 : memref<16x128xf32, #tpu.memory_space<hbm>>)
          tpu.yield
        }) : () -> ()
      } else {
      }
    } else {
    }
    %eq3A_13 = arith.constant 1 : i32
    %eq3A_14 = arith.cmpi eq, %arg0, %eq3A_13 : i32
    %convert_element_type3A_15 = arith.extui %eq3A_14 : i1 to i32
    %cond3A_16 = arith.constant 0 : i32
    %cond3A_17 = arith.cmpi ne, %convert_element_type3A_15, %cond3A_16 : i32
    scf.if %cond3A_17 {
      "tpu.region"() ({
        %run_scoped3A = tpu.sem_alloc : memref<!tpu.dma_semaphore, #tpu.memory_space<semaphore_mem>>
        %dma_start3A = arith.constant 0 : i32
        %dma_start3A_51 = tpu.memref_slice %arg13[%mul3A_0, %dma_start3A] : memref<10008x128xf32, #tpu.memory_space<vmem_shared>> -> memref<624x128xf32, #tpu.memory_space<vmem_shared>>
        %dma_start3A_52 = arith.constant 0 : i32
        %dma_start3A_53 = arith.constant 0 : i32
        %dma_start3A_54 = tpu.memref_slice %arg4[%dma_start3A_52, %dma_start3A_53] : memref<624x128xf32, #tpu.memory_space<hbm>> -> memref<624x128xf32, #tpu.memory_space<hbm>>
        tpu.enqueue_dma source(%dma_start3A_54 : memref<624x128xf32, #tpu.memory_space<hbm>>) target(%dma_start3A_51 : memref<624x128xf32, #tpu.memory_space<vmem_shared>>) target_semaphore(%run_scoped3A : memref<!tpu.dma_semaphore, #tpu.memory_space<semaphore_mem>>)
        %dma_wait3A = arith.constant 0 : i32
        %dma_wait3A_55 = tpu.memref_slice %arg13[%mul3A_0, %dma_wait3A] : memref<10008x128xf32, #tpu.memory_space<vmem_shared>> -> memref<624x128xf32, #tpu.memory_space<vmem_shared>>
        %dma_wait3A_56 = arith.constant 0 : i32
        %dma_wait3A_57 = arith.constant 0 : i32
        %dma_wait3A_58 = tpu.memref_slice %arg4[%dma_wait3A_56, %dma_wait3A_57] : memref<624x128xf32, #tpu.memory_space<hbm>> -> memref<624x128xf32, #tpu.memory_space<hbm>>
        tpu.wait_dma2 semaphore(%run_scoped3A : memref<!tpu.dma_semaphore, #tpu.memory_space<semaphore_mem>>) src(%dma_wait3A_58 : memref<624x128xf32, #tpu.memory_space<hbm>>) dst(%dma_wait3A_55 : memref<624x128xf32, #tpu.memory_space<vmem_shared>>)
        tpu.yield
      }) : () -> ()
      %eq3A_18 = arith.constant 0 : i32
      %eq3A_19 = arith.cmpi eq, %arg1, %eq3A_18 : i32
      %convert_element_type3A_20 = arith.extui %eq3A_19 : i1 to i32
      %cond3A_21 = arith.constant 0 : i32
      %cond3A_22 = arith.cmpi ne, %convert_element_type3A_20, %cond3A_21 : i32
      scf.if %cond3A_22 {
        "tpu.region"() ({
          %run_scoped3A = tpu.sem_alloc : memref<!tpu.dma_semaphore, #tpu.memory_space<semaphore_mem>>
          %dma_start3A = arith.constant 9984 : i32
          %dma_start3A_51 = arith.constant 0 : i32
          %dma_start3A_52 = tpu.memref_slice %arg13[%dma_start3A, %dma_start3A_51] : memref<10008x128xf32, #tpu.memory_space<vmem_shared>> -> memref<24x128xf32, #tpu.memory_space<vmem_shared>>
          %dma_start3A_53 = arith.constant 0 : i32
          %dma_start3A_54 = arith.constant 0 : i32
          %dma_start3A_55 = tpu.memref_slice %arg4[%dma_start3A_53, %dma_start3A_54] : memref<624x128xf32, #tpu.memory_space<hbm>> -> memref<24x128xf32, #tpu.memory_space<hbm>>
          tpu.enqueue_dma source(%dma_start3A_55 : memref<24x128xf32, #tpu.memory_space<hbm>>) target(%dma_start3A_52 : memref<24x128xf32, #tpu.memory_space<vmem_shared>>) target_semaphore(%run_scoped3A : memref<!tpu.dma_semaphore, #tpu.memory_space<semaphore_mem>>)
          %dma_wait3A = arith.constant 9984 : i32
          %dma_wait3A_56 = arith.constant 0 : i32
          %dma_wait3A_57 = tpu.memref_slice %arg13[%dma_wait3A, %dma_wait3A_56] : memref<10008x128xf32, #tpu.memory_space<vmem_shared>> -> memref<24x128xf32, #tpu.memory_space<vmem_shared>>
          %dma_wait3A_58 = arith.constant 0 : i32
          %dma_wait3A_59 = arith.constant 0 : i32
          %dma_wait3A_60 = tpu.memref_slice %arg4[%dma_wait3A_58, %dma_wait3A_59] : memref<624x128xf32, #tpu.memory_space<hbm>> -> memref<24x128xf32, #tpu.memory_space<hbm>>
          tpu.wait_dma2 semaphore(%run_scoped3A : memref<!tpu.dma_semaphore, #tpu.memory_space<semaphore_mem>>) src(%dma_wait3A_60 : memref<24x128xf32, #tpu.memory_space<hbm>>) dst(%dma_wait3A_57 : memref<24x128xf32, #tpu.memory_space<vmem_shared>>)
          tpu.yield
        }) : () -> ()
      } else {
      }
      %barrier3A = arith.constant 0 : index
      tpu.barrier barrier_id(%barrier3A)
      %mul3A_23 = arith.constant 80 : i32
      %mul3A_24 = arith.muli %arg1, %mul3A_23 : i32
      %add3A = arith.constant 0 : i32
      %add3A_25 = arith.addi %mul3A_24, %add3A : i32
      %mul3A_26 = arith.constant 128 : i32
      %mul3A_27 = arith.muli %add3A_25, %mul3A_26 : i32
      "tpu.region"() ({
        %run_scoped3A = tpu.sem_alloc : memref<!tpu.dma_semaphore, #tpu.memory_space<semaphore_mem>>
        %dma_start3A = tpu.memref_slice %arg2[%mul3A_27] : memref<163840xi32, #tpu.memory_space<hbm>> -> memref<5120xi32, #tpu.memory_space<hbm>>
        %dma_start3A_51 = tpu.memref_slice %arg2[%mul3A_27] : memref<163840xi32, #tpu.memory_space<hbm>> -> memref<5120xi32, #tpu.memory_space<hbm>>
        tpu.enqueue_dma source(%dma_start3A_51 : memref<5120xi32, #tpu.memory_space<hbm>>) target(%arg14 : memref<5120xi32, #tpu.memory_space<vmem>>) target_semaphore(%run_scoped3A : memref<!tpu.dma_semaphore, #tpu.memory_space<semaphore_mem>>)
        %dma_wait3A = tpu.memref_slice %arg2[%mul3A_27] : memref<163840xi32, #tpu.memory_space<hbm>> -> memref<5120xi32, #tpu.memory_space<hbm>>
        %dma_wait3A_52 = tpu.memref_slice %arg2[%mul3A_27] : memref<163840xi32, #tpu.memory_space<hbm>> -> memref<5120xi32, #tpu.memory_space<hbm>>
        tpu.wait_dma2 semaphore(%run_scoped3A : memref<!tpu.dma_semaphore, #tpu.memory_space<semaphore_mem>>) src(%dma_wait3A_52 : memref<5120xi32, #tpu.memory_space<hbm>>) dst(%arg14 : memref<5120xi32, #tpu.memory_space<vmem>>)
        tpu.yield
      }) : () -> ()
      "tpu.region"() ({
        %run_scoped3A = tpu.sem_alloc : memref<!tpu.dma_semaphore, #tpu.memory_space<semaphore_mem>>
        %dma_start3A = tpu.memref_slice %arg3[%mul3A_27] : memref<163840xi32, #tpu.memory_space<hbm>> -> memref<5120xi32, #tpu.memory_space<hbm>>
        %dma_start3A_51 = tpu.memref_slice %arg3[%mul3A_27] : memref<163840xi32, #tpu.memory_space<hbm>> -> memref<5120xi32, #tpu.memory_space<hbm>>
        tpu.enqueue_dma source(%dma_start3A_51 : memref<5120xi32, #tpu.memory_space<hbm>>) target(%arg15 : memref<5120xi32, #tpu.memory_space<vmem>>) target_semaphore(%run_scoped3A : memref<!tpu.dma_semaphore, #tpu.memory_space<semaphore_mem>>)
        %dma_wait3A = tpu.memref_slice %arg3[%mul3A_27] : memref<163840xi32, #tpu.memory_space<hbm>> -> memref<5120xi32, #tpu.memory_space<hbm>>
        %dma_wait3A_52 = tpu.memref_slice %arg3[%mul3A_27] : memref<163840xi32, #tpu.memory_space<hbm>> -> memref<5120xi32, #tpu.memory_space<hbm>>
        tpu.wait_dma2 semaphore(%run_scoped3A : memref<!tpu.dma_semaphore, #tpu.memory_space<semaphore_mem>>) src(%dma_wait3A_52 : memref<5120xi32, #tpu.memory_space<hbm>>) dst(%arg15 : memref<5120xi32, #tpu.memory_space<vmem>>)
        tpu.yield
      }) : () -> ()
      %scan3A = arith.constant 0 : i32
      %scan3A_28 = arith.constant 0 : i32
      %scan3A_29 = arith.constant 40 : i32
      %scan3A_30 = arith.addi %scan3A_28, %scan3A_29 : i32
      %scan3A_31 = arith.constant 1 : i32
      scf.for %scan3A_51 = %scan3A_28 to %scan3A_30 step %scan3A_31  : i32 {
        %mul3A_52 = arith.constant 128 : i32
        %mul3A_53 = arith.muli %scan3A_51, %mul3A_52 : i32
        %multiple_of3A = tpu.assume_multiple %mul3A_53, 128 : i32
        %dma_start3A = tpu.memref_slice %arg14[%multiple_of3A] : memref<5120xi32, #tpu.memory_space<vmem>> -> memref<128xi32, #tpu.memory_space<vmem>>
        %dma_start3A_54 = arith.constant 0 : i32
        %dma_start3A_55 = arith.constant 0 : i32
        %dma_start3A_56 = tpu.memref_slice %arg8[%dma_start3A_54, %dma_start3A_55] : memref<10000x128xf32, #tpu.memory_space<hbm>> -> memref<10000x128xf32, #tpu.memory_space<hbm>>
        tpu.enqueue_indirect_dma source(%dma_start3A_56 : memref<10000x128xf32, #tpu.memory_space<hbm>>) target(%arg16 : memref<128x128xf32, #tpu.memory_space<vmem>>) offsets(%dma_start3A : memref<128xi32, #tpu.memory_space<vmem>>) semaphore(%arg18 : memref<!tpu.dma_semaphore, #tpu.memory_space<semaphore_mem>>)
        %dma_wait3A = tpu.memref_slice %arg14[%multiple_of3A] : memref<5120xi32, #tpu.memory_space<vmem>> -> memref<128xi32, #tpu.memory_space<vmem>>
        %dma_wait3A_57 = arith.constant 0 : i32
        %dma_wait3A_58 = arith.constant 0 : i32
        %dma_wait3A_59 = tpu.memref_slice %arg8[%dma_wait3A_57, %dma_wait3A_58] : memref<10000x128xf32, #tpu.memory_space<hbm>> -> memref<10000x128xf32, #tpu.memory_space<hbm>>
        tpu.wait_indirect_dma semaphore(%arg18 : memref<!tpu.dma_semaphore, #tpu.memory_space<semaphore_mem>>) src(%dma_wait3A_59 : memref<10000x128xf32, #tpu.memory_space<hbm>>) dst(%arg16 : memref<128x128xf32, #tpu.memory_space<vmem>>)
        "tpu.region"() ({
          %run_scoped3A = tpu.sem_alloc : memref<!tpu.dma_semaphore, #tpu.memory_space<semaphore_mem>>
          %dma_start3A_60 = tpu.memref_slice %arg15[%multiple_of3A] : memref<5120xi32, #tpu.memory_space<vmem>> -> memref<128xi32, #tpu.memory_space<vmem>>
          %dma_start3A_61 = arith.constant 0 : i32
          %dma_start3A_62 = arith.constant 0 : i32
          %dma_start3A_63 = tpu.memref_slice %arg13[%dma_start3A_61, %dma_start3A_62] : memref<10008x128xf32, #tpu.memory_space<vmem_shared>> -> memref<10008x128xf32, #tpu.memory_space<vmem_shared>>
          tpu.enqueue_indirect_dma source(%arg16 : memref<128x128xf32, #tpu.memory_space<vmem>>) target(%dma_start3A_63 : memref<10008x128xf32, #tpu.memory_space<vmem_shared>>) offsets(%dma_start3A_60 : memref<128xi32, #tpu.memory_space<vmem>>) semaphore(%run_scoped3A : memref<!tpu.dma_semaphore, #tpu.memory_space<semaphore_mem>>) {add = true}
          %dma_wait3A_64 = tpu.memref_slice %arg15[%multiple_of3A] : memref<5120xi32, #tpu.memory_space<vmem>> -> memref<128xi32, #tpu.memory_space<vmem>>
          %dma_wait3A_65 = arith.constant 0 : i32
          %dma_wait3A_66 = arith.constant 0 : i32
          %dma_wait3A_67 = tpu.memref_slice %arg13[%dma_wait3A_65, %dma_wait3A_66] : memref<10008x128xf32, #tpu.memory_space<vmem_shared>> -> memref<10008x128xf32, #tpu.memory_space<vmem_shared>>
          tpu.wait_indirect_dma semaphore(%run_scoped3A : memref<!tpu.dma_semaphore, #tpu.memory_space<semaphore_mem>>) src(%arg16 : memref<128x128xf32, #tpu.memory_space<vmem>>) dst(%dma_wait3A_67 : memref<10008x128xf32, #tpu.memory_space<vmem_shared>>)
          tpu.yield
        }) : () -> ()
      }
      %scan3A_32 = arith.constant 40 : i32
      %mul3A_33 = arith.constant 80 : i32
      %mul3A_34 = arith.muli %arg1, %mul3A_33 : i32
      %add3A_35 = arith.constant 40 : i32
      %add3A_36 = arith.addi %mul3A_34, %add3A_35 : i32
      %mul3A_37 = arith.constant 128 : i32
      %mul3A_38 = arith.muli %add3A_36, %mul3A_37 : i32
      "tpu.region"() ({
        %run_scoped3A = tpu.sem_alloc : memref<!tpu.dma_semaphore, #tpu.memory_space<semaphore_mem>>
        %dma_start3A = tpu.memref_slice %arg2[%mul3A_38] : memref<163840xi32, #tpu.memory_space<hbm>> -> memref<5120xi32, #tpu.memory_space<hbm>>
        %dma_start3A_51 = tpu.memref_slice %arg2[%mul3A_38] : memref<163840xi32, #tpu.memory_space<hbm>> -> memref<5120xi32, #tpu.memory_space<hbm>>
        tpu.enqueue_dma source(%dma_start3A_51 : memref<5120xi32, #tpu.memory_space<hbm>>) target(%arg14 : memref<5120xi32, #tpu.memory_space<vmem>>) target_semaphore(%run_scoped3A : memref<!tpu.dma_semaphore, #tpu.memory_space<semaphore_mem>>)
        %dma_wait3A = tpu.memref_slice %arg2[%mul3A_38] : memref<163840xi32, #tpu.memory_space<hbm>> -> memref<5120xi32, #tpu.memory_space<hbm>>
        %dma_wait3A_52 = tpu.memref_slice %arg2[%mul3A_38] : memref<163840xi32, #tpu.memory_space<hbm>> -> memref<5120xi32, #tpu.memory_space<hbm>>
        tpu.wait_dma2 semaphore(%run_scoped3A : memref<!tpu.dma_semaphore, #tpu.memory_space<semaphore_mem>>) src(%dma_wait3A_52 : memref<5120xi32, #tpu.memory_space<hbm>>) dst(%arg14 : memref<5120xi32, #tpu.memory_space<vmem>>)
        tpu.yield
      }) : () -> ()
      "tpu.region"() ({
        %run_scoped3A = tpu.sem_alloc : memref<!tpu.dma_semaphore, #tpu.memory_space<semaphore_mem>>
        %dma_start3A = tpu.memref_slice %arg3[%mul3A_38] : memref<163840xi32, #tpu.memory_space<hbm>> -> memref<5120xi32, #tpu.memory_space<hbm>>
        %dma_start3A_51 = tpu.memref_slice %arg3[%mul3A_38] : memref<163840xi32, #tpu.memory_space<hbm>> -> memref<5120xi32, #tpu.memory_space<hbm>>
        tpu.enqueue_dma source(%dma_start3A_51 : memref<5120xi32, #tpu.memory_space<hbm>>) target(%arg15 : memref<5120xi32, #tpu.memory_space<vmem>>) target_semaphore(%run_scoped3A : memref<!tpu.dma_semaphore, #tpu.memory_space<semaphore_mem>>)
        %dma_wait3A = tpu.memref_slice %arg3[%mul3A_38] : memref<163840xi32, #tpu.memory_space<hbm>> -> memref<5120xi32, #tpu.memory_space<hbm>>
        %dma_wait3A_52 = tpu.memref_slice %arg3[%mul3A_38] : memref<163840xi32, #tpu.memory_space<hbm>> -> memref<5120xi32, #tpu.memory_space<hbm>>
        tpu.wait_dma2 semaphore(%run_scoped3A : memref<!tpu.dma_semaphore, #tpu.memory_space<semaphore_mem>>) src(%dma_wait3A_52 : memref<5120xi32, #tpu.memory_space<hbm>>) dst(%arg15 : memref<5120xi32, #tpu.memory_space<vmem>>)
        tpu.yield
      }) : () -> ()
      %scan3A_39 = arith.constant 0 : i32
      %scan3A_40 = arith.constant 0 : i32
      %scan3A_41 = arith.constant 40 : i32
      %scan3A_42 = arith.addi %scan3A_40, %scan3A_41 : i32
      %scan3A_43 = arith.constant 1 : i32
      scf.for %scan3A_51 = %scan3A_40 to %scan3A_42 step %scan3A_43  : i32 {
        %mul3A_52 = arith.constant 128 : i32
        %mul3A_53 = arith.muli %scan3A_51, %mul3A_52 : i32
        %multiple_of3A = tpu.assume_multiple %mul3A_53, 128 : i32
        %dma_start3A = tpu.memref_slice %arg14[%multiple_of3A] : memref<5120xi32, #tpu.memory_space<vmem>> -> memref<128xi32, #tpu.memory_space<vmem>>
        %dma_start3A_54 = arith.constant 0 : i32
        %dma_start3A_55 = arith.constant 0 : i32
        %dma_start3A_56 = tpu.memref_slice %arg8[%dma_start3A_54, %dma_start3A_55] : memref<10000x128xf32, #tpu.memory_space<hbm>> -> memref<10000x128xf32, #tpu.memory_space<hbm>>
        tpu.enqueue_indirect_dma source(%dma_start3A_56 : memref<10000x128xf32, #tpu.memory_space<hbm>>) target(%arg16 : memref<128x128xf32, #tpu.memory_space<vmem>>) offsets(%dma_start3A : memref<128xi32, #tpu.memory_space<vmem>>) semaphore(%arg18 : memref<!tpu.dma_semaphore, #tpu.memory_space<semaphore_mem>>)
        %dma_wait3A = tpu.memref_slice %arg14[%multiple_of3A] : memref<5120xi32, #tpu.memory_space<vmem>> -> memref<128xi32, #tpu.memory_space<vmem>>
        %dma_wait3A_57 = arith.constant 0 : i32
        %dma_wait3A_58 = arith.constant 0 : i32
        %dma_wait3A_59 = tpu.memref_slice %arg8[%dma_wait3A_57, %dma_wait3A_58] : memref<10000x128xf32, #tpu.memory_space<hbm>> -> memref<10000x128xf32, #tpu.memory_space<hbm>>
        tpu.wait_indirect_dma semaphore(%arg18 : memref<!tpu.dma_semaphore, #tpu.memory_space<semaphore_mem>>) src(%dma_wait3A_59 : memref<10000x128xf32, #tpu.memory_space<hbm>>) dst(%arg16 : memref<128x128xf32, #tpu.memory_space<vmem>>)
        "tpu.region"() ({
          %run_scoped3A = tpu.sem_alloc : memref<!tpu.dma_semaphore, #tpu.memory_space<semaphore_mem>>
          %dma_start3A_60 = tpu.memref_slice %arg15[%multiple_of3A] : memref<5120xi32, #tpu.memory_space<vmem>> -> memref<128xi32, #tpu.memory_space<vmem>>
          %dma_start3A_61 = arith.constant 0 : i32
          %dma_start3A_62 = arith.constant 0 : i32
          %dma_start3A_63 = tpu.memref_slice %arg13[%dma_start3A_61, %dma_start3A_62] : memref<10008x128xf32, #tpu.memory_space<vmem_shared>> -> memref<10008x128xf32, #tpu.memory_space<vmem_shared>>
          tpu.enqueue_indirect_dma source(%arg16 : memref<128x128xf32, #tpu.memory_space<vmem>>) target(%dma_start3A_63 : memref<10008x128xf32, #tpu.memory_space<vmem_shared>>) offsets(%dma_start3A_60 : memref<128xi32, #tpu.memory_space<vmem>>) semaphore(%run_scoped3A : memref<!tpu.dma_semaphore, #tpu.memory_space<semaphore_mem>>) {add = true}
          %dma_wait3A_64 = tpu.memref_slice %arg15[%multiple_of3A] : memref<5120xi32, #tpu.memory_space<vmem>> -> memref<128xi32, #tpu.memory_space<vmem>>
          %dma_wait3A_65 = arith.constant 0 : i32
          %dma_wait3A_66 = arith.constant 0 : i32
          %dma_wait3A_67 = tpu.memref_slice %arg13[%dma_wait3A_65, %dma_wait3A_66] : memref<10008x128xf32, #tpu.memory_space<vmem_shared>> -> memref<10008x128xf32, #tpu.memory_space<vmem_shared>>
          tpu.wait_indirect_dma semaphore(%run_scoped3A : memref<!tpu.dma_semaphore, #tpu.memory_space<semaphore_mem>>) src(%arg16 : memref<128x128xf32, #tpu.memory_space<vmem>>) dst(%dma_wait3A_67 : memref<10008x128xf32, #tpu.memory_space<vmem_shared>>)
          tpu.yield
        }) : () -> ()
      }
      %scan3A_44 = arith.constant 40 : i32
      %barrier3A_45 = arith.constant 0 : index
      tpu.barrier barrier_id(%barrier3A_45)
      "tpu.region"() ({
        %run_scoped3A = tpu.sem_alloc : memref<!tpu.dma_semaphore, #tpu.memory_space<semaphore_mem>>
        %dma_start3A = arith.constant 0 : i32
        %dma_start3A_51 = tpu.memref_slice %arg12[%mul3A_0, %dma_start3A] : memref<10000x128xf32, #tpu.memory_space<hbm>> -> memref<624x128xf32, #tpu.memory_space<hbm>>
        %dma_start3A_52 = arith.constant 0 : i32
        %dma_start3A_53 = tpu.memref_slice %arg13[%mul3A_0, %dma_start3A_52] : memref<10008x128xf32, #tpu.memory_space<vmem_shared>> -> memref<624x128xf32, #tpu.memory_space<vmem_shared>>
        tpu.enqueue_dma source(%dma_start3A_53 : memref<624x128xf32, #tpu.memory_space<vmem_shared>>) target(%dma_start3A_51 : memref<624x128xf32, #tpu.memory_space<hbm>>) target_semaphore(%run_scoped3A : memref<!tpu.dma_semaphore, #tpu.memory_space<semaphore_mem>>)
        %dma_wait3A = arith.constant 0 : i32
        %dma_wait3A_54 = tpu.memref_slice %arg12[%mul3A_0, %dma_wait3A] : memref<10000x128xf32, #tpu.memory_space<hbm>> -> memref<624x128xf32, #tpu.memory_space<hbm>>
        %dma_wait3A_55 = arith.constant 0 : i32
        %dma_wait3A_56 = tpu.memref_slice %arg13[%mul3A_0, %dma_wait3A_55] : memref<10008x128xf32, #tpu.memory_space<vmem_shared>> -> memref<624x128xf32, #tpu.memory_space<vmem_shared>>
        tpu.wait_dma2 semaphore(%run_scoped3A : memref<!tpu.dma_semaphore, #tpu.memory_space<semaphore_mem>>) src(%dma_wait3A_56 : memref<624x128xf32, #tpu.memory_space<vmem_shared>>) dst(%dma_wait3A_54 : memref<624x128xf32, #tpu.memory_space<hbm>>)
        tpu.yield
      }) : () -> ()
      %eq3A_46 = arith.constant 0 : i32
      %eq3A_47 = arith.cmpi eq, %arg1, %eq3A_46 : i32
      %convert_element_type3A_48 = arith.extui %eq3A_47 : i1 to i32
      %cond3A_49 = arith.constant 0 : i32
      %cond3A_50 = arith.cmpi ne, %convert_element_type3A_48, %cond3A_49 : i32
      scf.if %cond3A_50 {
        "tpu.region"() ({
          %run_scoped3A = tpu.sem_alloc : memref<!tpu.dma_semaphore, #tpu.memory_space<semaphore_mem>>
          %dma_start3A = arith.constant 9984 : i32
          %dma_start3A_51 = arith.constant 0 : i32
          %dma_start3A_52 = tpu.memref_slice %arg12[%dma_start3A, %dma_start3A_51] : memref<10000x128xf32, #tpu.memory_space<hbm>> -> memref<16x128xf32, #tpu.memory_space<hbm>>
          %dma_start3A_53 = arith.constant 9984 : i32
          %dma_start3A_54 = arith.constant 0 : i32
          %dma_start3A_55 = tpu.memref_slice %arg13[%dma_start3A_53, %dma_start3A_54] : memref<10008x128xf32, #tpu.memory_space<vmem_shared>> -> memref<16x128xf32, #tpu.memory_space<vmem_shared>>
          tpu.enqueue_dma source(%dma_start3A_55 : memref<16x128xf32, #tpu.memory_space<vmem_shared>>) target(%dma_start3A_52 : memref<16x128xf32, #tpu.memory_space<hbm>>) target_semaphore(%run_scoped3A : memref<!tpu.dma_semaphore, #tpu.memory_space<semaphore_mem>>)
          %dma_wait3A = arith.constant 9984 : i32
          %dma_wait3A_56 = arith.constant 0 : i32
          %dma_wait3A_57 = tpu.memref_slice %arg12[%dma_wait3A, %dma_wait3A_56] : memref<10000x128xf32, #tpu.memory_space<hbm>> -> memref<16x128xf32, #tpu.memory_space<hbm>>
          %dma_wait3A_58 = arith.constant 9984 : i32
          %dma_wait3A_59 = arith.constant 0 : i32
          %dma_wait3A_60 = tpu.memref_slice %arg13[%dma_wait3A_58, %dma_wait3A_59] : memref<10008x128xf32, #tpu.memory_space<vmem_shared>> -> memref<16x128xf32, #tpu.memory_space<vmem_shared>>
          tpu.wait_dma2 semaphore(%run_scoped3A : memref<!tpu.dma_semaphore, #tpu.memory_space<semaphore_mem>>) src(%dma_wait3A_60 : memref<16x128xf32, #tpu.memory_space<vmem_shared>>) dst(%dma_wait3A_57 : memref<16x128xf32, #tpu.memory_space<hbm>>)
          tpu.yield
        }) : () -> ()
      } else {
      }
    } else {
    }
    return
  }
}

module attributes {stable_mosaic.version = 14 : i64} {
  func.func @body(%arg0: i32, %arg1: memref<1000x128xf32, #tpu.memory_space<vmem>>, %arg2: memref<1000x128xf32, #tpu.memory_space<vmem>>, %arg3: memref<1000x128xf32, #tpu.memory_space<vmem>>, %arg4: memref<1000x128xf32, #tpu.memory_space<vmem>>, %arg5: memref<256x512xf32, #tpu.memory_space<vmem>>, %arg6: memref<1x512xf32, #tpu.memory_space<vmem>>, %arg7: memref<512x512xf32, #tpu.memory_space<vmem>>, %arg8: memref<1x512xf32, #tpu.memory_space<vmem>>, %arg9: memref<1000x128xf32, #tpu.memory_space<vmem>>, %arg10: memref<1000x128xf32, #tpu.memory_space<vmem>>, %arg11: memref<1000x128xf32, #tpu.memory_space<vmem>>, %arg12: memref<1000x128xf32, #tpu.memory_space<vmem>>) attributes {dimension_semantics = [#tpu.dimension_semantics<arbitrary>], iteration_bounds = array<i64: 10>, scalar_prefetch = 0 : i64, scratch_operands = 0 : i64, tpu.core_type = #tpu.core_type<tc>, window_params = [{transform_indices = @transform_0, window_bounds = array<i64: 1000, 128>}, {transform_indices = @transform_1, window_bounds = array<i64: 1000, 128>}, {transform_indices = @transform_2, window_bounds = array<i64: 1000, 128>}, {transform_indices = @transform_3, window_bounds = array<i64: 1000, 128>}, {pipeline_mode = #tpu.pipeline_mode<synchronous>, transform_indices = @transform_4, window_bounds = array<i64: 256, 512>}, {pipeline_mode = #tpu.pipeline_mode<synchronous>, transform_indices = @transform_5, window_bounds = array<i64: 1, 512>}, {pipeline_mode = #tpu.pipeline_mode<synchronous>, transform_indices = @transform_6, window_bounds = array<i64: 512, 512>}, {pipeline_mode = #tpu.pipeline_mode<synchronous>, transform_indices = @transform_7, window_bounds = array<i64: 1, 512>}, {transform_indices = @transform_8, window_bounds = array<i64: 1000, 128>}, {transform_indices = @transform_9, window_bounds = array<i64: 1000, 128>}, {transform_indices = @transform_10, window_bounds = array<i64: 1000, 128>}, {transform_indices = @transform_11, window_bounds = array<i64: 1000, 128>}]} {
    %get3A = arith.constant 0 : index
    %get3A_0 = arith.constant 0 : index
    %get3A_1 = vector.load %arg1[%get3A, %get3A_0] : memref<1000x128xf32, #tpu.memory_space<vmem>>, vector<1000x128xf32>
    %get3A_2 = arith.constant 0 : index
    %get3A_3 = arith.constant 0 : index
    %get3A_4 = vector.load %arg3[%get3A_2, %get3A_3] : memref<1000x128xf32, #tpu.memory_space<vmem>>, vector<1000x128xf32>
    %add3A = arith.addf %get3A_1, %get3A_4 : vector<1000x128xf32>
    %get3A_5 = arith.constant 0 : index
    %get3A_6 = arith.constant 0 : index
    %get3A_7 = vector.load %arg2[%get3A_5, %get3A_6] : memref<1000x128xf32, #tpu.memory_space<vmem>>, vector<1000x128xf32>
    %get3A_8 = arith.constant 0 : index
    %get3A_9 = arith.constant 0 : index
    %get3A_10 = vector.load %arg4[%get3A_8, %get3A_9] : memref<1000x128xf32, #tpu.memory_space<vmem>>, vector<1000x128xf32>
    %add3A_11 = arith.addf %get3A_7, %get3A_10 : vector<1000x128xf32>
    %concatenate3A = tpu.concatenate %add3A, %add3A_11 in 1 : vector<1000x128xf32>, vector<1000x128xf32> -> vector<1000x256xf32>
    %get3A_12 = arith.constant 0 : index
    %get3A_13 = arith.constant 0 : index
    %get3A_14 = vector.load %arg5[%get3A_12, %get3A_13] : memref<256x512xf32, #tpu.memory_space<vmem>>, vector<256x512xf32>
    %dot_general3A = arith.constant dense<0.000000e+00> : vector<1000x512xf32>
    %dot_general3A_15 = tpu.matmul %concatenate3A, %get3A_14, %dot_general3A {dimension_numbers = #tpu.dot_dimension_numbers<[1], [0], [0], [1], [0, 0, 1, 1], [], []>, transpose_lhs_hint = false} : vector<1000x256xf32>, vector<256x512xf32>, vector<1000x512xf32> -> vector<1000x512xf32>
    %get3A_16 = arith.constant 0 : index
    %get3A_17 = arith.constant 0 : index
    %get3A_18 = vector.load %arg6[%get3A_16, %get3A_17] : memref<1x512xf32, #tpu.memory_space<vmem>>, vector<1x512xf32>
    %add3A_19 = vector.broadcast %get3A_18 : vector<1x512xf32> to vector<1000x512xf32>
    %add3A_20 = arith.addf %dot_general3A_15, %add3A_19 : vector<1000x512xf32>
    %max3A = arith.constant 0.000000e+00 : f32
    %max3A_21 = vector.broadcast %max3A : f32 to vector<1000x512xf32>
    %max3A_22 = arith.maximumf %add3A_20, %max3A_21 : vector<1000x512xf32>
    %get3A_23 = arith.constant 0 : index
    %get3A_24 = arith.constant 0 : index
    %get3A_25 = vector.load %arg7[%get3A_23, %get3A_24] : memref<512x512xf32, #tpu.memory_space<vmem>>, vector<512x512xf32>
    %dot_general3A_26 = arith.constant dense<0.000000e+00> : vector<1000x512xf32>
    %dot_general3A_27 = tpu.matmul %max3A_22, %get3A_25, %dot_general3A_26 {dimension_numbers = #tpu.dot_dimension_numbers<[1], [0], [0], [1], [0, 0, 1, 1], [], []>, transpose_lhs_hint = false} : vector<1000x512xf32>, vector<512x512xf32>, vector<1000x512xf32> -> vector<1000x512xf32>
    %get3A_28 = arith.constant 0 : index
    %get3A_29 = arith.constant 0 : index
    %get3A_30 = vector.load %arg8[%get3A_28, %get3A_29] : memref<1x512xf32, #tpu.memory_space<vmem>>, vector<1x512xf32>
    %add3A_31 = vector.broadcast %get3A_30 : vector<1x512xf32> to vector<1000x512xf32>
    %add3A_32 = arith.addf %dot_general3A_27, %add3A_31 : vector<1000x512xf32>
    %max3A_33 = arith.constant 0.000000e+00 : f32
    %max3A_34 = vector.broadcast %max3A_33 : f32 to vector<1000x512xf32>
    %max3A_35 = arith.maximumf %add3A_32, %max3A_34 : vector<1000x512xf32>
    %slice3A = vector.extract_strided_slice %max3A_35 {offsets = [0, 0], sizes = [1000, 128], strides = [1, 1]} : vector<1000x512xf32> to vector<1000x128xf32>
    %swap3A = arith.constant 0 : index
    %swap3A_36 = arith.constant 0 : index
    %swap3A_37 = vector.load %arg9[%swap3A, %swap3A_36] : memref<1000x128xf32, #tpu.memory_space<vmem>>, vector<1000x128xf32>
    tpu.vector_store %arg9[%swap3A, %swap3A_36], %slice3A {strides = array<i32>} : memref<1000x128xf32, #tpu.memory_space<vmem>>, vector<1000x128xf32>,
    %slice3A_38 = vector.extract_strided_slice %max3A_35 {offsets = [0, 128], sizes = [1000, 128], strides = [1, 1]} : vector<1000x512xf32> to vector<1000x128xf32>
    %swap3A_39 = arith.constant 0 : index
    %swap3A_40 = arith.constant 0 : index
    %swap3A_41 = vector.load %arg10[%swap3A_39, %swap3A_40] : memref<1000x128xf32, #tpu.memory_space<vmem>>, vector<1000x128xf32>
    tpu.vector_store %arg10[%swap3A_39, %swap3A_40], %slice3A_38 {strides = array<i32>} : memref<1000x128xf32, #tpu.memory_space<vmem>>, vector<1000x128xf32>,
    %slice3A_42 = vector.extract_strided_slice %max3A_35 {offsets = [0, 256], sizes = [1000, 128], strides = [1, 1]} : vector<1000x512xf32> to vector<1000x128xf32>
    %swap3A_43 = arith.constant 0 : index
    %swap3A_44 = arith.constant 0 : index
    %swap3A_45 = vector.load %arg11[%swap3A_43, %swap3A_44] : memref<1000x128xf32, #tpu.memory_space<vmem>>, vector<1000x128xf32>
    tpu.vector_store %arg11[%swap3A_43, %swap3A_44], %slice3A_42 {strides = array<i32>} : memref<1000x128xf32, #tpu.memory_space<vmem>>, vector<1000x128xf32>,
    %slice3A_46 = vector.extract_strided_slice %max3A_35 {offsets = [0, 384], sizes = [1000, 128], strides = [1, 1]} : vector<1000x512xf32> to vector<1000x128xf32>
    %swap3A_47 = arith.constant 0 : index
    %swap3A_48 = arith.constant 0 : index
    %swap3A_49 = vector.load %arg12[%swap3A_47, %swap3A_48] : memref<1000x128xf32, #tpu.memory_space<vmem>>, vector<1000x128xf32>
    tpu.vector_store %arg12[%swap3A_47, %swap3A_48], %slice3A_46 {strides = array<i32>} : memref<1000x128xf32, #tpu.memory_space<vmem>>, vector<1000x128xf32>,
    return
  }
  func.func @transform_0(%arg0: i32) -> (i32, i32) {
    %c0_i32 = arith.constant 0 : i32
    %c0_i32_0 = arith.constant 0 : i32
    return %arg0, %c0_i32 : i32, i32
  }
  func.func @transform_1(%arg0: i32) -> (i32, i32) {
    %c0_i32 = arith.constant 0 : i32
    %c0_i32_0 = arith.constant 0 : i32
    return %arg0, %c0_i32 : i32, i32
  }
  func.func @transform_2(%arg0: i32) -> (i32, i32) {
    %c0_i32 = arith.constant 0 : i32
    %c0_i32_0 = arith.constant 0 : i32
    return %arg0, %c0_i32 : i32, i32
  }
  func.func @transform_3(%arg0: i32) -> (i32, i32) {
    %c0_i32 = arith.constant 0 : i32
    %c0_i32_0 = arith.constant 0 : i32
    return %arg0, %c0_i32 : i32, i32
  }
  func.func @transform_4(%arg0: i32) -> (i32, i32) {
    %c0_i32 = arith.constant 0 : i32
    %c0_i32_0 = arith.constant 0 : i32
    %c0_i32_1 = arith.constant 0 : i32
    return %c0_i32, %c0_i32_0 : i32, i32
  }
  func.func @transform_5(%arg0: i32) -> (i32, i32) {
    %c0_i32 = arith.constant 0 : i32
    %c0_i32_0 = arith.constant 0 : i32
    %c0_i32_1 = arith.constant 0 : i32
    return %c0_i32, %c0_i32_0 : i32, i32
  }
  func.func @transform_6(%arg0: i32) -> (i32, i32) {
    %c0_i32 = arith.constant 0 : i32
    %c0_i32_0 = arith.constant 0 : i32
    %c0_i32_1 = arith.constant 0 : i32
    return %c0_i32, %c0_i32_0 : i32, i32
  }
  func.func @transform_7(%arg0: i32) -> (i32, i32) {
    %c0_i32 = arith.constant 0 : i32
    %c0_i32_0 = arith.constant 0 : i32
    %c0_i32_1 = arith.constant 0 : i32
    return %c0_i32, %c0_i32_0 : i32, i32
  }
  func.func @transform_8(%arg0: i32) -> (i32, i32) {
    %c0_i32 = arith.constant 0 : i32
    %c0_i32_0 = arith.constant 0 : i32
    return %arg0, %c0_i32 : i32, i32
  }
  func.func @transform_9(%arg0: i32) -> (i32, i32) {
    %c0_i32 = arith.constant 0 : i32
    %c0_i32_0 = arith.constant 0 : i32
    return %arg0, %c0_i32 : i32, i32
  }
  func.func @transform_10(%arg0: i32) -> (i32, i32) {
    %c0_i32 = arith.constant 0 : i32
    %c0_i32_0 = arith.constant 0 : i32
    return %arg0, %c0_i32 : i32, i32
  }
  func.func @transform_11(%arg0: i32) -> (i32, i32) {
    %c0_i32 = arith.constant 0 : i32
    %c0_i32_0 = arith.constant 0 : i32
    return %arg0, %c0_i32 : i32, i32
  }
}

module attributes {stable_mosaic.version = 14 : i64} {
  func.func @body(%arg0: i32, %arg1: memref<1000x128xf32, #tpu.memory_space<vmem>>, %arg2: memref<1000x128xf32, #tpu.memory_space<vmem>>, %arg3: memref<1000x128xf32, #tpu.memory_space<vmem>>, %arg4: memref<1000x128xf32, #tpu.memory_space<vmem>>, %arg5: memref<1000x128xf32, #tpu.memory_space<vmem>>, %arg6: memref<1000x128xf32, #tpu.memory_space<vmem>>, %arg7: memref<1000x128xf32, #tpu.memory_space<vmem>>, %arg8: memref<1000x128xf32, #tpu.memory_space<vmem>>, %arg9: memref<512x512xf32, #tpu.memory_space<vmem>>, %arg10: memref<1x512xf32, #tpu.memory_space<vmem>>, %arg11: memref<512x512xf32, #tpu.memory_space<vmem>>, %arg12: memref<1x512xf32, #tpu.memory_space<vmem>>, %arg13: memref<1000x128xf32, #tpu.memory_space<vmem>>, %arg14: memref<1000x128xf32, #tpu.memory_space<vmem>>, %arg15: memref<1000x128xf32, #tpu.memory_space<vmem>>, %arg16: memref<1000x128xf32, #tpu.memory_space<vmem>>) attributes {dimension_semantics = [#tpu.dimension_semantics<arbitrary>], iteration_bounds = array<i64: 10>, scalar_prefetch = 0 : i64, scratch_operands = 0 : i64, tpu.core_type = #tpu.core_type<tc>, window_params = [{transform_indices = @transform_0, window_bounds = array<i64: 1000, 128>}, {transform_indices = @transform_1, window_bounds = array<i64: 1000, 128>}, {transform_indices = @transform_2, window_bounds = array<i64: 1000, 128>}, {transform_indices = @transform_3, window_bounds = array<i64: 1000, 128>}, {transform_indices = @transform_4, window_bounds = array<i64: 1000, 128>}, {transform_indices = @transform_5, window_bounds = array<i64: 1000, 128>}, {transform_indices = @transform_6, window_bounds = array<i64: 1000, 128>}, {transform_indices = @transform_7, window_bounds = array<i64: 1000, 128>}, {pipeline_mode = #tpu.pipeline_mode<synchronous>, transform_indices = @transform_8, window_bounds = array<i64: 512, 512>}, {pipeline_mode = #tpu.pipeline_mode<synchronous>, transform_indices = @transform_9, window_bounds = array<i64: 1, 512>}, {pipeline_mode = #tpu.pipeline_mode<synchronous>, transform_indices = @transform_10, window_bounds = array<i64: 512, 512>}, {pipeline_mode = #tpu.pipeline_mode<synchronous>, transform_indices = @transform_11, window_bounds = array<i64: 1, 512>}, {transform_indices = @transform_12, window_bounds = array<i64: 1000, 128>}, {transform_indices = @transform_13, window_bounds = array<i64: 1000, 128>}, {transform_indices = @transform_14, window_bounds = array<i64: 1000, 128>}, {transform_indices = @transform_15, window_bounds = array<i64: 1000, 128>}]} {
    %get3A = arith.constant 0 : index
    %get3A_0 = arith.constant 0 : index
    %get3A_1 = vector.load %arg1[%get3A, %get3A_0] : memref<1000x128xf32, #tpu.memory_space<vmem>>, vector<1000x128xf32>
    %get3A_2 = arith.constant 0 : index
    %get3A_3 = arith.constant 0 : index
    %get3A_4 = vector.load %arg5[%get3A_2, %get3A_3] : memref<1000x128xf32, #tpu.memory_space<vmem>>, vector<1000x128xf32>
    %add3A = arith.addf %get3A_1, %get3A_4 : vector<1000x128xf32>
    %get3A_5 = arith.constant 0 : index
    %get3A_6 = arith.constant 0 : index
    %get3A_7 = vector.load %arg2[%get3A_5, %get3A_6] : memref<1000x128xf32, #tpu.memory_space<vmem>>, vector<1000x128xf32>
    %get3A_8 = arith.constant 0 : index
    %get3A_9 = arith.constant 0 : index
    %get3A_10 = vector.load %arg6[%get3A_8, %get3A_9] : memref<1000x128xf32, #tpu.memory_space<vmem>>, vector<1000x128xf32>
    %add3A_11 = arith.addf %get3A_7, %get3A_10 : vector<1000x128xf32>
    %get3A_12 = arith.constant 0 : index
    %get3A_13 = arith.constant 0 : index
    %get3A_14 = vector.load %arg3[%get3A_12, %get3A_13] : memref<1000x128xf32, #tpu.memory_space<vmem>>, vector<1000x128xf32>
    %get3A_15 = arith.constant 0 : index
    %get3A_16 = arith.constant 0 : index
    %get3A_17 = vector.load %arg7[%get3A_15, %get3A_16] : memref<1000x128xf32, #tpu.memory_space<vmem>>, vector<1000x128xf32>
    %add3A_18 = arith.addf %get3A_14, %get3A_17 : vector<1000x128xf32>
    %get3A_19 = arith.constant 0 : index
    %get3A_20 = arith.constant 0 : index
    %get3A_21 = vector.load %arg4[%get3A_19, %get3A_20] : memref<1000x128xf32, #tpu.memory_space<vmem>>, vector<1000x128xf32>
    %get3A_22 = arith.constant 0 : index
    %get3A_23 = arith.constant 0 : index
    %get3A_24 = vector.load %arg8[%get3A_22, %get3A_23] : memref<1000x128xf32, #tpu.memory_space<vmem>>, vector<1000x128xf32>
    %add3A_25 = arith.addf %get3A_21, %get3A_24 : vector<1000x128xf32>
    %concatenate3A = tpu.concatenate %add3A, %add3A_11, %add3A_18, %add3A_25 in 1 : vector<1000x128xf32>, vector<1000x128xf32>, vector<1000x128xf32>, vector<1000x128xf32> -> vector<1000x512xf32>
    %get3A_26 = arith.constant 0 : index
    %get3A_27 = arith.constant 0 : index
    %get3A_28 = vector.load %arg9[%get3A_26, %get3A_27] : memref<512x512xf32, #tpu.memory_space<vmem>>, vector<512x512xf32>
    %dot_general3A = arith.constant dense<0.000000e+00> : vector<1000x512xf32>
    %dot_general3A_29 = tpu.matmul %concatenate3A, %get3A_28, %dot_general3A {dimension_numbers = #tpu.dot_dimension_numbers<[1], [0], [0], [1], [0, 0, 1, 1], [], []>, transpose_lhs_hint = false} : vector<1000x512xf32>, vector<512x512xf32>, vector<1000x512xf32> -> vector<1000x512xf32>
    %get3A_30 = arith.constant 0 : index
    %get3A_31 = arith.constant 0 : index
    %get3A_32 = vector.load %arg10[%get3A_30, %get3A_31] : memref<1x512xf32, #tpu.memory_space<vmem>>, vector<1x512xf32>
    %add3A_33 = vector.broadcast %get3A_32 : vector<1x512xf32> to vector<1000x512xf32>
    %add3A_34 = arith.addf %dot_general3A_29, %add3A_33 : vector<1000x512xf32>
    %max3A = arith.constant 0.000000e+00 : f32
    %max3A_35 = vector.broadcast %max3A : f32 to vector<1000x512xf32>
    %max3A_36 = arith.maximumf %add3A_34, %max3A_35 : vector<1000x512xf32>
    %get3A_37 = arith.constant 0 : index
    %get3A_38 = arith.constant 0 : index
    %get3A_39 = vector.load %arg11[%get3A_37, %get3A_38] : memref<512x512xf32, #tpu.memory_space<vmem>>, vector<512x512xf32>
    %dot_general3A_40 = arith.constant dense<0.000000e+00> : vector<1000x512xf32>
    %dot_general3A_41 = tpu.matmul %max3A_36, %get3A_39, %dot_general3A_40 {dimension_numbers = #tpu.dot_dimension_numbers<[1], [0], [0], [1], [0, 0, 1, 1], [], []>, transpose_lhs_hint = false} : vector<1000x512xf32>, vector<512x512xf32>, vector<1000x512xf32> -> vector<1000x512xf32>
    %get3A_42 = arith.constant 0 : index
    %get3A_43 = arith.constant 0 : index
    %get3A_44 = vector.load %arg12[%get3A_42, %get3A_43] : memref<1x512xf32, #tpu.memory_space<vmem>>, vector<1x512xf32>
    %add3A_45 = vector.broadcast %get3A_44 : vector<1x512xf32> to vector<1000x512xf32>
    %add3A_46 = arith.addf %dot_general3A_41, %add3A_45 : vector<1000x512xf32>
    %max3A_47 = arith.constant 0.000000e+00 : f32
    %max3A_48 = vector.broadcast %max3A_47 : f32 to vector<1000x512xf32>
    %max3A_49 = arith.maximumf %add3A_46, %max3A_48 : vector<1000x512xf32>
    %slice3A = vector.extract_strided_slice %max3A_49 {offsets = [0, 0], sizes = [1000, 128], strides = [1, 1]} : vector<1000x512xf32> to vector<1000x128xf32>
    %swap3A = arith.constant 0 : index
    %swap3A_50 = arith.constant 0 : index
    %swap3A_51 = vector.load %arg13[%swap3A, %swap3A_50] : memref<1000x128xf32, #tpu.memory_space<vmem>>, vector<1000x128xf32>
    tpu.vector_store %arg13[%swap3A, %swap3A_50], %slice3A {strides = array<i32>} : memref<1000x128xf32, #tpu.memory_space<vmem>>, vector<1000x128xf32>,
    %slice3A_52 = vector.extract_strided_slice %max3A_49 {offsets = [0, 128], sizes = [1000, 128], strides = [1, 1]} : vector<1000x512xf32> to vector<1000x128xf32>
    %swap3A_53 = arith.constant 0 : index
    %swap3A_54 = arith.constant 0 : index
    %swap3A_55 = vector.load %arg14[%swap3A_53, %swap3A_54] : memref<1000x128xf32, #tpu.memory_space<vmem>>, vector<1000x128xf32>
    tpu.vector_store %arg14[%swap3A_53, %swap3A_54], %slice3A_52 {strides = array<i32>} : memref<1000x128xf32, #tpu.memory_space<vmem>>, vector<1000x128xf32>,
    %slice3A_56 = vector.extract_strided_slice %max3A_49 {offsets = [0, 256], sizes = [1000, 128], strides = [1, 1]} : vector<1000x512xf32> to vector<1000x128xf32>
    %swap3A_57 = arith.constant 0 : index
    %swap3A_58 = arith.constant 0 : index
    %swap3A_59 = vector.load %arg15[%swap3A_57, %swap3A_58] : memref<1000x128xf32, #tpu.memory_space<vmem>>, vector<1000x128xf32>
    tpu.vector_store %arg15[%swap3A_57, %swap3A_58], %slice3A_56 {strides = array<i32>} : memref<1000x128xf32, #tpu.memory_space<vmem>>, vector<1000x128xf32>,
    %slice3A_60 = vector.extract_strided_slice %max3A_49 {offsets = [0, 384], sizes = [1000, 128], strides = [1, 1]} : vector<1000x512xf32> to vector<1000x128xf32>
    %swap3A_61 = arith.constant 0 : index
    %swap3A_62 = arith.constant 0 : index
    %swap3A_63 = vector.load %arg16[%swap3A_61, %swap3A_62] : memref<1000x128xf32, #tpu.memory_space<vmem>>, vector<1000x128xf32>
    tpu.vector_store %arg16[%swap3A_61, %swap3A_62], %slice3A_60 {strides = array<i32>} : memref<1000x128xf32, #tpu.memory_space<vmem>>, vector<1000x128xf32>,
    return
  }
  func.func @transform_0(%arg0: i32) -> (i32, i32) {
    %c0_i32 = arith.constant 0 : i32
    %c0_i32_0 = arith.constant 0 : i32
    return %arg0, %c0_i32 : i32, i32
  }
  func.func @transform_1(%arg0: i32) -> (i32, i32) {
    %c0_i32 = arith.constant 0 : i32
    %c0_i32_0 = arith.constant 0 : i32
    return %arg0, %c0_i32 : i32, i32
  }
  func.func @transform_2(%arg0: i32) -> (i32, i32) {
    %c0_i32 = arith.constant 0 : i32
    %c0_i32_0 = arith.constant 0 : i32
    return %arg0, %c0_i32 : i32, i32
  }
  func.func @transform_3(%arg0: i32) -> (i32, i32) {
    %c0_i32 = arith.constant 0 : i32
    %c0_i32_0 = arith.constant 0 : i32
    return %arg0, %c0_i32 : i32, i32
  }
  func.func @transform_4(%arg0: i32) -> (i32, i32) {
    %c0_i32 = arith.constant 0 : i32
    %c0_i32_0 = arith.constant 0 : i32
    return %arg0, %c0_i32 : i32, i32
  }
  func.func @transform_5(%arg0: i32) -> (i32, i32) {
    %c0_i32 = arith.constant 0 : i32
    %c0_i32_0 = arith.constant 0 : i32
    return %arg0, %c0_i32 : i32, i32
  }
  func.func @transform_6(%arg0: i32) -> (i32, i32) {
    %c0_i32 = arith.constant 0 : i32
    %c0_i32_0 = arith.constant 0 : i32
    return %arg0, %c0_i32 : i32, i32
  }
  func.func @transform_7(%arg0: i32) -> (i32, i32) {
    %c0_i32 = arith.constant 0 : i32
    %c0_i32_0 = arith.constant 0 : i32
    return %arg0, %c0_i32 : i32, i32
  }
  func.func @transform_8(%arg0: i32) -> (i32, i32) {
    %c0_i32 = arith.constant 0 : i32
    %c0_i32_0 = arith.constant 0 : i32
    %c0_i32_1 = arith.constant 0 : i32
    return %c0_i32, %c0_i32_0 : i32, i32
  }
  func.func @transform_9(%arg0: i32) -> (i32, i32) {
    %c0_i32 = arith.constant 0 : i32
    %c0_i32_0 = arith.constant 0 : i32
    %c0_i32_1 = arith.constant 0 : i32
    return %c0_i32, %c0_i32_0 : i32, i32
  }
  func.func @transform_10(%arg0: i32) -> (i32, i32) {
    %c0_i32 = arith.constant 0 : i32
    %c0_i32_0 = arith.constant 0 : i32
    %c0_i32_1 = arith.constant 0 : i32
    return %c0_i32, %c0_i32_0 : i32, i32
  }
  func.func @transform_11(%arg0: i32) -> (i32, i32) {
    %c0_i32 = arith.constant 0 : i32
    %c0_i32_0 = arith.constant 0 : i32
    %c0_i32_1 = arith.constant 0 : i32
    return %c0_i32, %c0_i32_0 : i32, i32
  }
  func.func @transform_12(%arg0: i32) -> (i32, i32) {
    %c0_i32 = arith.constant 0 : i32
    %c0_i32_0 = arith.constant 0 : i32
    return %arg0, %c0_i32 : i32, i32
  }
  func.func @transform_13(%arg0: i32) -> (i32, i32) {
    %c0_i32 = arith.constant 0 : i32
    %c0_i32_0 = arith.constant 0 : i32
    return %arg0, %c0_i32 : i32, i32
  }
  func.func @transform_14(%arg0: i32) -> (i32, i32) {
    %c0_i32 = arith.constant 0 : i32
    %c0_i32_0 = arith.constant 0 : i32
    return %arg0, %c0_i32 : i32, i32
  }
  func.func @transform_15(%arg0: i32) -> (i32, i32) {
    %c0_i32 = arith.constant 0 : i32
    %c0_i32_0 = arith.constant 0 : i32
    return %arg0, %c0_i32 : i32, i32
  }
}

module attributes {stable_mosaic.version = 14 : i64} {
  func.func @body(%arg0: i32, %arg1: memref<1000x128xf32, #tpu.memory_space<vmem>>, %arg2: memref<1000x128xf32, #tpu.memory_space<vmem>>, %arg3: memref<1000x128xf32, #tpu.memory_space<vmem>>, %arg4: memref<1000x128xf32, #tpu.memory_space<vmem>>, %arg5: memref<1000x128xf32, #tpu.memory_space<vmem>>, %arg6: memref<1000x128xf32, #tpu.memory_space<vmem>>, %arg7: memref<1000x128xf32, #tpu.memory_space<vmem>>, %arg8: memref<1000x128xf32, #tpu.memory_space<vmem>>, %arg9: memref<512x512xf32, #tpu.memory_space<vmem>>, %arg10: memref<1x512xf32, #tpu.memory_space<vmem>>, %arg11: memref<512x512xf32, #tpu.memory_space<vmem>>, %arg12: memref<1x512xf32, #tpu.memory_space<vmem>>, %arg13: memref<512x256xf32, #tpu.memory_space<vmem>>, %arg14: memref<1x256xf32, #tpu.memory_space<vmem>>, %arg15: memref<1000x256xf32, #tpu.memory_space<vmem>>) attributes {dimension_semantics = [#tpu.dimension_semantics<arbitrary>], iteration_bounds = array<i64: 10>, scalar_prefetch = 0 : i64, scratch_operands = 0 : i64, tpu.core_type = #tpu.core_type<tc>, window_params = [{transform_indices = @transform_0, window_bounds = array<i64: 1000, 128>}, {transform_indices = @transform_1, window_bounds = array<i64: 1000, 128>}, {transform_indices = @transform_2, window_bounds = array<i64: 1000, 128>}, {transform_indices = @transform_3, window_bounds = array<i64: 1000, 128>}, {transform_indices = @transform_4, window_bounds = array<i64: 1000, 128>}, {transform_indices = @transform_5, window_bounds = array<i64: 1000, 128>}, {transform_indices = @transform_6, window_bounds = array<i64: 1000, 128>}, {transform_indices = @transform_7, window_bounds = array<i64: 1000, 128>}, {pipeline_mode = #tpu.pipeline_mode<synchronous>, transform_indices = @transform_8, window_bounds = array<i64: 512, 512>}, {pipeline_mode = #tpu.pipeline_mode<synchronous>, transform_indices = @transform_9, window_bounds = array<i64: 1, 512>}, {pipeline_mode = #tpu.pipeline_mode<synchronous>, transform_indices = @transform_10, window_bounds = array<i64: 512, 512>}, {pipeline_mode = #tpu.pipeline_mode<synchronous>, transform_indices = @transform_11, window_bounds = array<i64: 1, 512>}, {pipeline_mode = #tpu.pipeline_mode<synchronous>, transform_indices = @transform_12, window_bounds = array<i64: 512, 256>}, {pipeline_mode = #tpu.pipeline_mode<synchronous>, transform_indices = @transform_13, window_bounds = array<i64: 1, 256>}, {transform_indices = @transform_14, window_bounds = array<i64: 1000, 256>}]} {
    %get3A = arith.constant 0 : index
    %get3A_0 = arith.constant 0 : index
    %get3A_1 = vector.load %arg1[%get3A, %get3A_0] : memref<1000x128xf32, #tpu.memory_space<vmem>>, vector<1000x128xf32>
    %get3A_2 = arith.constant 0 : index
    %get3A_3 = arith.constant 0 : index
    %get3A_4 = vector.load %arg5[%get3A_2, %get3A_3] : memref<1000x128xf32, #tpu.memory_space<vmem>>, vector<1000x128xf32>
    %add3A = arith.addf %get3A_1, %get3A_4 : vector<1000x128xf32>
    %get3A_5 = arith.constant 0 : index
    %get3A_6 = arith.constant 0 : index
    %get3A_7 = vector.load %arg2[%get3A_5, %get3A_6] : memref<1000x128xf32, #tpu.memory_space<vmem>>, vector<1000x128xf32>
    %get3A_8 = arith.constant 0 : index
    %get3A_9 = arith.constant 0 : index
    %get3A_10 = vector.load %arg6[%get3A_8, %get3A_9] : memref<1000x128xf32, #tpu.memory_space<vmem>>, vector<1000x128xf32>
    %add3A_11 = arith.addf %get3A_7, %get3A_10 : vector<1000x128xf32>
    %get3A_12 = arith.constant 0 : index
    %get3A_13 = arith.constant 0 : index
    %get3A_14 = vector.load %arg3[%get3A_12, %get3A_13] : memref<1000x128xf32, #tpu.memory_space<vmem>>, vector<1000x128xf32>
    %get3A_15 = arith.constant 0 : index
    %get3A_16 = arith.constant 0 : index
    %get3A_17 = vector.load %arg7[%get3A_15, %get3A_16] : memref<1000x128xf32, #tpu.memory_space<vmem>>, vector<1000x128xf32>
    %add3A_18 = arith.addf %get3A_14, %get3A_17 : vector<1000x128xf32>
    %get3A_19 = arith.constant 0 : index
    %get3A_20 = arith.constant 0 : index
    %get3A_21 = vector.load %arg4[%get3A_19, %get3A_20] : memref<1000x128xf32, #tpu.memory_space<vmem>>, vector<1000x128xf32>
    %get3A_22 = arith.constant 0 : index
    %get3A_23 = arith.constant 0 : index
    %get3A_24 = vector.load %arg8[%get3A_22, %get3A_23] : memref<1000x128xf32, #tpu.memory_space<vmem>>, vector<1000x128xf32>
    %add3A_25 = arith.addf %get3A_21, %get3A_24 : vector<1000x128xf32>
    %concatenate3A = tpu.concatenate %add3A, %add3A_11, %add3A_18, %add3A_25 in 1 : vector<1000x128xf32>, vector<1000x128xf32>, vector<1000x128xf32>, vector<1000x128xf32> -> vector<1000x512xf32>
    %get3A_26 = arith.constant 0 : index
    %get3A_27 = arith.constant 0 : index
    %get3A_28 = vector.load %arg9[%get3A_26, %get3A_27] : memref<512x512xf32, #tpu.memory_space<vmem>>, vector<512x512xf32>
    %dot_general3A = arith.constant dense<0.000000e+00> : vector<1000x512xf32>
    %dot_general3A_29 = tpu.matmul %concatenate3A, %get3A_28, %dot_general3A {dimension_numbers = #tpu.dot_dimension_numbers<[1], [0], [0], [1], [0, 0, 1, 1], [], []>, transpose_lhs_hint = false} : vector<1000x512xf32>, vector<512x512xf32>, vector<1000x512xf32> -> vector<1000x512xf32>
    %get3A_30 = arith.constant 0 : index
    %get3A_31 = arith.constant 0 : index
    %get3A_32 = vector.load %arg10[%get3A_30, %get3A_31] : memref<1x512xf32, #tpu.memory_space<vmem>>, vector<1x512xf32>
    %add3A_33 = vector.broadcast %get3A_32 : vector<1x512xf32> to vector<1000x512xf32>
    %add3A_34 = arith.addf %dot_general3A_29, %add3A_33 : vector<1000x512xf32>
    %max3A = arith.constant 0.000000e+00 : f32
    %max3A_35 = vector.broadcast %max3A : f32 to vector<1000x512xf32>
    %max3A_36 = arith.maximumf %add3A_34, %max3A_35 : vector<1000x512xf32>
    %get3A_37 = arith.constant 0 : index
    %get3A_38 = arith.constant 0 : index
    %get3A_39 = vector.load %arg11[%get3A_37, %get3A_38] : memref<512x512xf32, #tpu.memory_space<vmem>>, vector<512x512xf32>
    %dot_general3A_40 = arith.constant dense<0.000000e+00> : vector<1000x512xf32>
    %dot_general3A_41 = tpu.matmul %max3A_36, %get3A_39, %dot_general3A_40 {dimension_numbers = #tpu.dot_dimension_numbers<[1], [0], [0], [1], [0, 0, 1, 1], [], []>, transpose_lhs_hint = false} : vector<1000x512xf32>, vector<512x512xf32>, vector<1000x512xf32> -> vector<1000x512xf32>
    %get3A_42 = arith.constant 0 : index
    %get3A_43 = arith.constant 0 : index
    %get3A_44 = vector.load %arg12[%get3A_42, %get3A_43] : memref<1x512xf32, #tpu.memory_space<vmem>>, vector<1x512xf32>
    %add3A_45 = vector.broadcast %get3A_44 : vector<1x512xf32> to vector<1000x512xf32>
    %add3A_46 = arith.addf %dot_general3A_41, %add3A_45 : vector<1000x512xf32>
    %max3A_47 = arith.constant 0.000000e+00 : f32
    %max3A_48 = vector.broadcast %max3A_47 : f32 to vector<1000x512xf32>
    %max3A_49 = arith.maximumf %add3A_46, %max3A_48 : vector<1000x512xf32>
    %get3A_50 = arith.constant 0 : index
    %get3A_51 = arith.constant 0 : index
    %get3A_52 = vector.load %arg13[%get3A_50, %get3A_51] : memref<512x256xf32, #tpu.memory_space<vmem>>, vector<512x256xf32>
    %dot_general3A_53 = arith.constant dense<0.000000e+00> : vector<1000x256xf32>
    %dot_general3A_54 = tpu.matmul %max3A_49, %get3A_52, %dot_general3A_53 {dimension_numbers = #tpu.dot_dimension_numbers<[1], [0], [0], [1], [0, 0, 1, 1], [], []>, transpose_lhs_hint = false} : vector<1000x512xf32>, vector<512x256xf32>, vector<1000x256xf32> -> vector<1000x256xf32>
    %get3A_55 = arith.constant 0 : index
    %get3A_56 = arith.constant 0 : index
    %get3A_57 = vector.load %arg14[%get3A_55, %get3A_56] : memref<1x256xf32, #tpu.memory_space<vmem>>, vector<1x256xf32>
    %add3A_58 = vector.broadcast %get3A_57 : vector<1x256xf32> to vector<1000x256xf32>
    %add3A_59 = arith.addf %dot_general3A_54, %add3A_58 : vector<1000x256xf32>
    %swap3A = arith.constant 0 : index
    %swap3A_60 = arith.constant 0 : index
    %swap3A_61 = vector.load %arg15[%swap3A, %swap3A_60] : memref<1000x256xf32, #tpu.memory_space<vmem>>, vector<1000x256xf32>
    tpu.vector_store %arg15[%swap3A, %swap3A_60], %add3A_59 {strides = array<i32>} : memref<1000x256xf32, #tpu.memory_space<vmem>>, vector<1000x256xf32>,
    return
  }
  func.func @transform_0(%arg0: i32) -> (i32, i32) {
    %c0_i32 = arith.constant 0 : i32
    %c0_i32_0 = arith.constant 0 : i32
    return %arg0, %c0_i32 : i32, i32
  }
  func.func @transform_1(%arg0: i32) -> (i32, i32) {
    %c0_i32 = arith.constant 0 : i32
    %c0_i32_0 = arith.constant 0 : i32
    return %arg0, %c0_i32 : i32, i32
  }
  func.func @transform_2(%arg0: i32) -> (i32, i32) {
    %c0_i32 = arith.constant 0 : i32
    %c0_i32_0 = arith.constant 0 : i32
    return %arg0, %c0_i32 : i32, i32
  }
  func.func @transform_3(%arg0: i32) -> (i32, i32) {
    %c0_i32 = arith.constant 0 : i32
    %c0_i32_0 = arith.constant 0 : i32
    return %arg0, %c0_i32 : i32, i32
  }
  func.func @transform_4(%arg0: i32) -> (i32, i32) {
    %c0_i32 = arith.constant 0 : i32
    %c0_i32_0 = arith.constant 0 : i32
    return %arg0, %c0_i32 : i32, i32
  }
  func.func @transform_5(%arg0: i32) -> (i32, i32) {
    %c0_i32 = arith.constant 0 : i32
    %c0_i32_0 = arith.constant 0 : i32
    return %arg0, %c0_i32 : i32, i32
  }
  func.func @transform_6(%arg0: i32) -> (i32, i32) {
    %c0_i32 = arith.constant 0 : i32
    %c0_i32_0 = arith.constant 0 : i32
    return %arg0, %c0_i32 : i32, i32
  }
  func.func @transform_7(%arg0: i32) -> (i32, i32) {
    %c0_i32 = arith.constant 0 : i32
    %c0_i32_0 = arith.constant 0 : i32
    return %arg0, %c0_i32 : i32, i32
  }
  func.func @transform_8(%arg0: i32) -> (i32, i32) {
    %c0_i32 = arith.constant 0 : i32
    %c0_i32_0 = arith.constant 0 : i32
    %c0_i32_1 = arith.constant 0 : i32
    return %c0_i32, %c0_i32_0 : i32, i32
  }
  func.func @transform_9(%arg0: i32) -> (i32, i32) {
    %c0_i32 = arith.constant 0 : i32
    %c0_i32_0 = arith.constant 0 : i32
    %c0_i32_1 = arith.constant 0 : i32
    return %c0_i32, %c0_i32_0 : i32, i32
  }
  func.func @transform_10(%arg0: i32) -> (i32, i32) {
    %c0_i32 = arith.constant 0 : i32
    %c0_i32_0 = arith.constant 0 : i32
    %c0_i32_1 = arith.constant 0 : i32
    return %c0_i32, %c0_i32_0 : i32, i32
  }
  func.func @transform_11(%arg0: i32) -> (i32, i32) {
    %c0_i32 = arith.constant 0 : i32
    %c0_i32_0 = arith.constant 0 : i32
    %c0_i32_1 = arith.constant 0 : i32
    return %c0_i32, %c0_i32_0 : i32, i32
  }
  func.func @transform_12(%arg0: i32) -> (i32, i32) {
    %c0_i32 = arith.constant 0 : i32
    %c0_i32_0 = arith.constant 0 : i32
    %c0_i32_1 = arith.constant 0 : i32
    return %c0_i32, %c0_i32_0 : i32, i32
  }
  func.func @transform_13(%arg0: i32) -> (i32, i32) {
    %c0_i32 = arith.constant 0 : i32
    %c0_i32_0 = arith.constant 0 : i32
    %c0_i32_1 = arith.constant 0 : i32
    return %c0_i32, %c0_i32_0 : i32, i32
  }
  func.func @transform_14(%arg0: i32) -> (i32, i32) {
    %c0_i32 = arith.constant 0 : i32
    %c0_i32_0 = arith.constant 0 : i32
    return %arg0, %c0_i32 : i32, i32
  }
}

</mosaic_0001>

<sc_bundles>
// kernel: kernel.11.cloned.1.call-start
scs
__scs_entry_jumppad:
0x0: {  	(pc) =	sbr.rel $0x88, $3  }
0x1: {  	(tag) =	ssettag $0x0;
	lr =	simm.s32 $0x1  }
0x2: {  	[smem:$0x3F91] =	sst lr;
	_ =	strace $0xD0000000  }
0x3: {  	_ = 	snop  }
0x4: {  	_ = 	snop  }
0x5: {  	_ = 	snop  }
0x6: {  	_ = 	snop  }
0x7: {  	_ = 	snop  }
__scs_overlays_trampoline_lowered:
0x8: {  	[smem:$0x3FA0] =	sst s0  }
0x9: {  	[smem:$0x3FA1] =	sst s1  }
0xa: {  	[smem:$0x3FA2] =	sst s2  }
0xb: {  	[smem:$0x3FA3] =	sst s3  }
0xc: {  	[smem:$0x3FA4] =	sst s4  }
0xd: {  	[smem:$0x3FA5] =	sst s5  }
0xe: {  	[smem:$0x3FA6] =	sst s6  }
0xf: {  	[smem:$0x3FA7] =	sst s7  }
0x10: {  	[smem:$0x3FA8] =	sst s8  }
0x11: {  	[smem:$0x3FA9] =	sst s9;
	s0 =	simm.s32 @!p0 $0x0  }
0x12: {  	s1 =	sld [smem:$0x3F8F];
	s0 =	simm.s32 @p0 $0x1  }
0x13: {  	[smem:$0x3FAA] =	sst s0;
	s0 =	simm.s32 @!p1 $0x0  }
0x14: {  	s2 =	sld [smem:$0x3F8E];
	s0 =	simm.s32 @p1 $0x1  }
0x15: {  	[smem:$0x3FAB] =	sst s0;
	s0 =	simm.s32 @!p2 $0x0  }
0x16: {  	s3 =	sld [smem:$0x3FDB];
	s0 =	simm.s32 @p2 $0x1  }
0x17: {  	s4 =	simm.s32 $0x1BF5;
	[smem:$0x3FAD] =	sst s0  }
0x18: {  	s0 =	sld [smem:$0x3F90];
	_ =	swait.ge [sflag:s4], $0x0  }
0x19: {  	s7 =	sld [smem:$0x3F91]  }
0x1a: {  	s8 =	sadd.s32 $0xFFFFE003, lr  }
0x1b: {  	s9 =	sadd.s32 $0xFFFFFEF7, lr;
	s5 =	simm.s32 $0xFFFFFFFF;
	p2 =	slt.u32 s8, $0xFFFFF086  }
0x1c: {  	p1 =	slt.u32 s9, $0xF7A;
	s5 =	simm.s32 @!p2 $0x0  }
0x1d: {  	s5 =	simm.s32 @p1 $0x1;
	p0 =	seq.s32 s7, s2  }
0x1e: {  	s7 =	smul.u32 @!p0 $0xF7A, s2;
	p2 =	seq.s32 @!p0 s5, $0x0  }
0x1f: {  	s9 =	smul.u32 $0xF7A, s1;
	s8 =	simm.s32 @!p0 $0x1BF5;
	p2 =	por !p2, p0  }
0x20: {  	[sflag:s8] =	ssyncset.s32 @!p0 $0xFFFFF086;
	s6 =	sadd.s32 @!p0 s3, s7;
	s7 =	simm.s32 @!p0 $0x108  }
0x21: {  	s3 =	sadd.s32 s3, s9;
	s6 =	sadd.s32 @!p0 $0x88, s6;
	s7 =	simm.s32 @p2 $0x1082  }
0x22: {  	[simem:s7], [sflag:s8] =	dma.local @!p0 [hbm:s6], $0xF7A  }
0x23: {  	s9 =	sor.u32 $0xD0000000, s2;
	s6 =	simm.s32 $0x108;
	_ =	swait.ge @!p0 [sflag:s8], $0x0  }
0x24: {  	s3 =	sadd.s32 $0x88, s3;
	s6 =	simm.s32 @!p1 $0x1082;
	[sflag:s4] =	ssyncset.s32 $0xFFFFF086  }
0x25: {  	[simem:s6], [sflag:s4] =	dma.local [hbm:s3], $0xF7A  }
0x26: {  	[smem:$0x3F91] =	sst s1;
	(tag) =	ssettag s2;
	_ =	strace s9  }
0x27: {  	s1 =	sld [smem:$0x3FA1]  }
0x28: {  	s2 =	sld [smem:$0x3FA2]  }
0x29: {  	s4 =	sld [smem:$0x3FA4]  }
0x2a: {  	p0 =	seq.s32 s5, $0x0;
	s5 =	sld [smem:$0x3FA5]  }
0x2b: {  	s6 =	sld [smem:$0x3FA6]  }
0x2c: {  	s7 =	sld [smem:$0x3FA7]  }
0x2d: {  	s3 =	simm.s32 $0x108;
	s8 =	sld [smem:$0x3FA8]  }
0x2e: {  	s3 =	simm.s32 @!p0 $0x1082;
	s9 =	sld [smem:$0x3FA9]  }
0x2f: {  	lr =	sadd.s32 s0, s3;
	s0 =	sld [smem:$0x3FA0]  }
0x30: {  	s3 =	sld [smem:$0x3FA3]  }
0x31: {  	[smem:$0x3FAC] =	sst s10  }
0x32: {  	s10 =	sld [smem:$0x3FAA];
	_ =	sdelay $0x3  }
0x33: {  	p0 =	seq.s32 s10, $0x1;
	s10 =	sld [smem:$0x3FAC];
	_ =	sdelay $0x3  }
0x34: {  	[smem:$0x3FAC] =	sst s10  }
0x35: {  	s10 =	sld [smem:$0x3FAB];
	_ =	sdelay $0x3  }
0x36: {  	p1 =	seq.s32 s10, $0x1;
	s10 =	sld [smem:$0x3FAC];
	_ =	sdelay $0x3  }
0x37: {  	[smem:$0x3FAC] =	sst s10  }
0x38: {  	s10 =	sld [smem:$0x3FAD]  }
0x39: {  	_ = 	snop;
	(pc) =	sbr.ind lr, $3  }
0x3a: {  	_ = 	snop  }
0x3b: {  	_ = 	snop  }
0x3c: {  	p2 =	seq.s32 s10, $0x1;
	s10 =	sld [smem:$0x3FAC]  }
0x3d: {  	_ =	shalt  }
0x3e: {  	_ =	shalt  }
0x3f: {  	_ =	shalt  }
0x40: {  	_ =	shalt  }
0x41: {  	_ =	shalt  }
0x42: {  	_ =	shalt  }
0x43: {  	_ =	shalt  }
0x44: {  	_ =	shalt  }
0x45: {  	_ =	shalt  }
0x46: {  	_ =	shalt  }
0x47: {  	_ =	shalt  }
0x48: {  	_ =	shalt  }
0x49: {  	_ =	shalt  }
0x4a: {  	_ =	shalt  }
0x4b: {  	_ =	shalt  }
0x4c: {  	_ =	shalt  }
0x4d: {  	_ =	shalt  }
0x4e: {  	_ =	shalt  }
0x4f: {  	_ =	shalt  }
0x50: {  	_ =	shalt  }
0x51: {  	_ =	shalt  }
0x52: {  	_ =	shalt  }
0x53: {  	_ =	shalt  }
0x54: {  	_ =	shalt  }
0x55: {  	_ =	shalt  }
0x56: {  	_ =	shalt  }
0x57: {  	_ =	shalt  }
0x58: {  	_ =	shalt  }
0x59: {  	_ =	shalt  }
0x5a: {  	_ =	shalt  }
0x5b: {  	_ =	shalt  }
0x5c: {  	_ =	shalt  }
0x5d: {  	_ =	shalt  }
0x5e: {  	_ =	shalt  }
0x5f: {  	_ =	shalt  }
0x60: {  	_ =	shalt  }
0x61: {  	_ =	shalt  }
0x62: {  	_ =	shalt  }
0x63: {  	_ =	shalt  }
0x64: {  	_ =	shalt  }
0x65: {  	_ =	shalt  }
0x66: {  	_ =	shalt  }
0x67: {  	_ =	shalt  }
0x68: {  	_ =	shalt  }
0x69: {  	_ =	shalt  }
0x6a: {  	_ =	shalt  }
0x6b: {  	_ =	shalt  }
0x6c: {  	_ =	shalt  }
0x6d: {  	_ =	shalt  }
0x6e: {  	_ =	shalt  }
0x6f: {  	_ =	shalt  }
0x70: {  	_ =	shalt  }
0x71: {  	_ =	shalt  }
0x72: {  	_ =	shalt  }
0x73: {  	_ =	shalt  }
0x74: {  	_ =	shalt  }
0x75: {  	_ =	shalt  }
0x76: {  	_ =	shalt  }
0x77: {  	_ =	shalt  }
0x78: {  	_ =	shalt  }
0x79: {  	_ =	shalt  }
0x7a: {  	_ =	shalt  }
0x7b: {  	_ =	shalt  }
0x7c: {  	_ =	shalt  }
0x7d: {  	_ =	shalt  }
0x7e: {  	_ =	shalt  }
0x7f: {  	_ =	shalt  }
0x80: {  	_ =	shalt  }
0x81: {  	_ =	shalt  }
0x82: {  	_ =	shalt  }
0x83: {  	_ =	shalt  }
0x84: {  	_ =	shalt  }
0x85: {  	_ =	shalt  }
0x86: {  	_ =	shalt  }
0x87: {  	_ =	shalt  }
.Lfunc_end0:
.L_simem_size_0:
called_computation.1_lowered:
.L_overlay_start_0:
0x88: {  	s2 =	sld [smem:$0x3FD9]  }
0x89: {  	s3 =	sld [smem:$0x3FFE];
	_ =	sdelay $0x1  }
0x8a: {  	s1 =	srdreg.scid  }
0x8b: {  	s0 =	sand.u32 $0x1, s1  }
0x8c: {  	s17 =	sshll.u32 s0, $0xA;
	s2 =	sadd.s32 s3, s2  }
0x8d: {  	s2 =	sadd.s32 s2, s17  }
0x8e: {  	[smem:$0x3FB8] =	sst s2  }
0x8f: {  	_ = 	snop  }
0x90: {  	s2 =	sld [smem:$0x3FD0];
	(tm) =	ssettm $0x1  }
0x91: {  	s18 =	sld [smem:$0x3FFB];
	_ =	sdelay $0x3  }
0x92: {  	_ =	strace s18  }
0x93: {  	s3 =	sld [smem:$0x3FFC];
	_ =	sdelay $0x3  }
0x94: {  	_ =	strace s3  }
0x95: {  	s3 =	sld [smem:$0x3FFD];
	_ =	sdelay $0x3  }
0x96: {  	_ =	strace s3  }
0x97: {  	_ =	strace $0x8FFFFFFF  }
0x98: {  	s19 =	sld [smem:$0x3FDB];
	_ =	sdelay $0x1  }
0x99: {  	s4 =	simm.s32 $_scs_section_size  }
0x9a: {  	s5 =	simm.s32 $_size__tile_overlayer_lowered;
	s6 =	simm.s32 $_tile_overlayer_lowered  }
0x9b: {  	s22 =	simm.s32 $0x1BFF;
	s21 =	sshll.u32 s6, $0x1;
	s3 =	sadd.s32 s4, s19  }
0x9c: {  	s7 =	simm.s32 $0x0;
	s20 =	sshll.u32 s5, $0x1;
	s5 =	sadd.s32 s21, s3  }
0x9d: {  	[timem:s7], [sflag:s22] =	dma.local [hbm:s5], s20  }
0x9e: {  	_ =	swait.ge [sflag:s22], s20  }
0x9f: {  	s4 =	ssub.s32 $0x0, s20;
	[sflag:s22] =	ssyncset.done $0x0  }
0xa0: {  	[sflag:s22] =	ssyncadd.s32 s4;
	_ =	sdelay $0x1  }
0xa1: {  	s23 =	simm.s32 $0x1B8B  }
0xa2: {  	_ =	swait.ge [sflag:s23], $0x1  }
0xa3: {  	[sflag:s23] =	ssyncset.done $0x0  }
0xa4: {  	s25 =	simm.s32 $0x1B8E;
	s24 =	sld [smem:$0x3FFE];
	[sflag:s23] =	ssyncadd.s32 $0xFFFFFFFF  }
0xa5: {  	s26 =	simm.s32 $execute0_lowered;
	[smem:$0x3FD2] =	sst s25  }
0xa6: {  	s5 =	sshll.u32 s26, $0x1;
	_ =	strace $0x80000049;
	[dreg:$0x1] =	wrdreg $0xFFFFFFFF  }
0xa7: {  	s28 =	simm.s32 $_size_execute0_lowered;
	s3 =	sadd.s32 s3, s5;
	[dreg:$0x0] =	wrdreg $0x0  }
0xa8: {  	s5 =	sshll.u32 s28, $0x1;
	[dreg:$0x2] =	wrdreg s3  }
0xa9: {  	[dreg:$0x3] =	wrdreg s5  }
0xaa: {  	[dreg:$0x4] =	wrdreg $0xC0  }
0xab: {  	_ =	task [dreg:s7], $0x5FFFF  }
0xac: {  	[dreg:$0x1] =	wrdreg $0xFFFFFFFF  }
0xad: {  	[dreg:$0x0] =	wrdreg $0x60  }
0xae: {  	[dreg:$0x2] =	wrdreg s24  }
0xaf: {  	[dreg:$0x3] =	wrdreg s2  }
0xb0: {  	[dreg:$0x4] =	wrdreg $0x0  }
0xb1: {  	[dreg:$0x5] =	wrdreg $0x9  }
0xb2: {  	_ =	task.clear_ibuf [dreg:s7], $0x6FFFF;
	_ =	strace $0x90000049  }
0xb3: {  	s29 =	simm.s32 $0x9;
	_ =	strace $0x8000004B  }
0xb4: {  	_ =	swait.ge [sflag:s29], $0x1  }
0xb5: {  	[sflag:s29] =	ssyncadd.s32 $0xFFFFFFFF  }
0xb6: {  	_ =	strace $0x9000004B  }
0xb7: {  	_ =	sfence  }
0xb8: {  	s30 =	sld [smem:$0x0];
	_ =	sdelay $0x2  }
0xb9: {  	s31 =	sshll.u32 s1, $0xD;
	s1 =	sshrl.u32 s1, $0x2  }
0xba: {  	s3 =	sand.u32 $0x4000, s31;
	s1 =	sadd.s32 s1, s30  }
0xbb: {  	s0 =	sor.u32 s3, s0;
	s1 =	sshll.u32 s1, $0x11  }
0xbc: {  	s0 =	sor.u32 s1, s0  }
0xbd: {  	s0 =	sadd.s32 $0x8F2B, s0  }
0xbe: {  	[sflag:s0] =	ssyncadd.remote.s32 $0x1  }
0xbf: {  	_ =	sfence.sel $0xFFFF  }
0xc0: {  	[dreg:$0x0] =	wrdreg $0xFFFFFFFF;
	(pc) =	sbr.abs _section_cstart, $3  }
0xc1: {  	[dreg:$0x1] =	wrdreg $0xFFFFFFFF  }
0xc2: {  	_ =	task.clear_ibuf [dreg:s7], $0x2FFFF;
	_ =	strace $0x9FFFFFFF  }
0xc3: {  	(tm) =	ssettm $0x7FFFFFFF  }
tec
execute0_lowered:
.L_overlay_start_1:
0x0: {  	(tag) =	ssettag $0x1  }
0x1: {  	s0 =	rddreg [dreg:$0x0]  }
0x2: {  	s1 =	rddreg [dreg:$0x1]  }
0x3: {  	s2 =	rddreg [dreg:$0x2]  }
0x4: {  	s3 =	simm.s32 $0x0;
	s16 =	stileid.u32;
	s8 =	srdreg.scid  }
0x5: {  	s28 =	simm.s32 $0x80;
	s29 =	simm.s32 $0x160C0;
	s30 =	simm.s32 $0x1  }
0x6: {  	[smem:$0x7FF] =	sst s3;
	s14 =	sadd.s32 $0x30A00, s0;
	s15 =	sadd.s32 $0x2BA00, s0  }
0x7: {  	s4 =	sadd.s32 $0x35A00, s0;
	s5 =	sadd.s32 $0x4800, s0;
	s17 =	smul.u32 $0x2700, s16  }
0x8: {  	s6 =	sadd.s32 $0x38200, s0;
	s7 =	sadd.s32 $0x5F400, s0;
	s12 =	smul.u32 $0x4E000, s16  }
0x9: {  	s10 =	sand.u32 $0x1, s8;
	s31 =	sadd.s32 $0xAD800, s0;
	s19 =	smul.u32 $0x2800, s16  }
0xa: {  	s9 =	sadd.s32 $0xFBC00, s0;
	s20 =	smul.u32 $0x500, s16;
	s24 =	sadd.s32 $0xAD600, s0  }
0xb: {  	p1 =	sne.s32 s16, $0x0;
	p2 =	seq.s32 s16, $0x0;
	_ =	strace $0x8000004A  }
0xc: {  	s11 =	ssub.s32 $0x2, s10;
	p0 =	seq.s32 s10, $0x1;
	[dreg:$0x6] =	wrdreg s24  }
0xd: {  	[dreg:$0x4] =	wrdreg s31;
	s24 =	simm.s32 $0x2;
	s18 =	sadd.s32 s17, s0  }
0xe: {  	s13 =	sshrl.u32 s11, $0x1;
	s21 =	sshrl.u32 s19, $0x3;
	s8 =	sadd.s32 s31, s17  }
0xf: {  	s0 =	sadd.s32 $0xFBA00, s0;
	s26 =	sadd.s32 s9, s17;
	s31 =	sshll.u32 s16, $0x6  }
0x10: {  	s22 =	ssub.s32 s11, s13;
	s13 =	sshrl.u32 s12, $0x2;
	s11 =	sadd.s32 $0x138000, s2  }
0x11: {  	s19 =	sadd.s32 $0x280, s21;
	s12 =	sadd.s32 s14, s20;
	[dreg:$0x7] =	wrdreg s8  }
.Ltmp0:
0x12: {  	s23 =	sadd.s32 $0x86600, s18;
	[dreg:$0x9] =	wrdreg s0;
	(pc) =	sbr.rel .LBB2_1-.Ltmp0, $4  }
0x13: {  	s25 =	sadd.s32 $0xD4A00, s18;
	[dreg:$0xa] =	wrdreg s26;
	s26 =	simm.s32 $0x14CC0  }
0x14: {  	s10 =	sadd.s32 s13, s2;
	s13 =	sadd.s32 s15, s20;
	[dreg:$0x5] =	wrdreg s23  }
0x15: {  	s14 =	sadd.s32 s14, s19;
	s15 =	sadd.s32 s15, s19;
	[dreg:$0x8] =	wrdreg s25  }
0x16: {  	s22 =	smax.u32 s22, $0x1;
	s23 =	sor.u32 $0x1C02, s31;
	s25 =	simm.s32 $0x138C0  }
.LBB2_20:
0x17: {  	s0 =	sadd.s32 $0x27000, s0;
	s8 =	sshrl.u32 s11, $0x3  }
0x18: {  	[hbm:s0], [sflag:s23] =	dma.local [spmem:s8], $0x100  }
0x19: {  	_ =	swait.ge [sflag:s24], $0x100  }
0x1a: {  	[sflag:s24] =	ssyncset.done $0x0  }
0x1b: {  	[sflag:s24] =	ssyncadd.s32 $0xFFFFFF00  }
.LBB2_21:
0x1c: {  	s3 =	sadd.s32 $0x1, s3  }
0x1d: {  	p3 =	sne.s32 s3, s22  }
.Ltmp1:
0x1e: {  	_ = 	snop;
	(pc) =	sbr.rel @!p3 .LBB2_22-.Ltmp1, $1  }
0x1f: {  	_ =	sdelay $0x3  }
.LBB2_1:
.Ltmp2:
0x20: {  	s31 =	sshrl.u32 s10, $0x3;
	(pc) =	sbr.rel @!p0 .LBB2_2-.Ltmp2, $4  }
0x21: {  	[spmem:s31], [sflag:s23] =	dma.local [hbm:s4], $0x2700  }
0x22: {  	_ =	swait.ge [sflag:s24], $0x2700  }
0x23: {  	s0 =	sshrl.u32 @!p1 s11, $0x3;
	[sflag:s24] =	ssyncset.done $0x0  }
0x24: {  	s17 =	sshrl.u32 @p1 s10, $0x3;
	s16 =	sshrl.u32 @!p1 s10, $0x3;
	[sflag:s24] =	ssyncadd.s32 $0xFFFFD900  }
0x25: {  	[spmem:s0], [sflag:s23] =	dma.local @!p1 [hbm:s4], $0x180  }
0x26: {  	s8 =	simm.s32 @!p1 $0x2  }
0x27: {  	_ =	swait.ge @!p1 [sflag:s8], $0x180  }
0x28: {  	[sflag:s8] =	ssyncset.done @!p1 $0x0  }
0x29: {  	[sflag:s8] =	ssyncadd.s32 @!p1 $0xFFFFFE80  }
0x2a: {  	s19 =	simm.s32 $0x0;
	[bflag:$0x0] =	sbarrier.arrive $0xFFFF  }
0x2b: {  	[tilespmem:s25], [sflag:$0x2] =	stream.linear.gather [hbm4b:s12+s19], $0x1400, $0x38;
	[tilespmem:$0x1A0C0] =	vst v63  }
0x2c: {  	_ =	swait.ge [sflag:s24], $0x1400  }
0x2d: {  	[sflag:s24] =	ssyncset.done $0x0  }
0x2e: {  	[sflag:s24] =	ssyncadd.s32 $0xFFFFEC00  }
0x2f: {  	[tilespmem:s26], [sflag:$0x2] =	stream.linear.gather [hbm4b:s13+s19], $0x1400, $0x38;
	[tilespmem:$0x1A0C0] =	vst v63  }
0x30: {  	_ =	swait.ge [sflag:s24], $0x1400  }
0x31: {  	[sflag:s24] =	ssyncset.done $0x0  }
0x32: {  	s20 =	simm.s32 $0x138C0;
	[sflag:s24] =	ssyncadd.s32 $0xFFFFEC00  }
0x33: {  	[tilespmem:s29], [sflag:$0x1] =	stream.indirect.gather [hbm4b:s6+s28], $0x80, s20, s28, $0xb8;
	[tilespmem:$0x1A0C0] =	vst v63  }
0x34: {  	_ =	swait.ge [sflag:s30], $0x4000  }
0x35: {  	[sflag:s30] =	ssyncset.done $0x0  }
0x36: {  	s21 =	simm.s32 $0x14CC0;
	[sflag:s30] =	ssyncadd.s32 $0xFFFFC000  }
0x37: {  	[spmem:s2] =	stream.indirect.scatter.add.f32 [tilespmem:s29], [sflag:$0x2], $0x80, s21, s28, $0xb8;
	[tilespmem:$0x1A0C0] =	vst v63  }
0x38: {  	_ =	swait.ge [sflag:s24], $0x4000  }
0x39: {  	s18 =	simm.s32 $0x80;
	s19 =	simm.s32 $0x400;
	[sflag:s24] =	ssyncset.done $0x0  }
.LBB2_12:
0x3a: {  	s8 =	sadd.s32 $0x138C0, s18  }
0x3b: {  	[sflag:s24] =	ssyncadd.s32 $0xFFFFC000;
	s20 =	smov.u32 s19;
	s21 =	sadd.s32 $0x200, s19  }
0x3c: {  	[tilespmem:s29], [sflag:$0x1] =	stream.indirect.gather [hbm4b:s6+s28], $0x80, s8, s28, $0xb8;
	[tilespmem:$0x1A0C0] =	vst v63  }
0x3d: {  	p3 =	sne.s32 s19, $0x4E00;
	_ =	swait.ge [sflag:s30], $0x4000  }
.Ltmp3:
0x3e: {  	[sflag:s30] =	ssyncset.done $0x0;
	(pc) =	sbr.rel @p3 .LBB2_12-.Ltmp3, $4  }
0x3f: {  	s8 =	sadd.s32 $0x14CC0, s18;
	[sflag:s30] =	ssyncadd.s32 $0xFFFFC000  }
0x40: {  	[spmem:s2] =	stream.indirect.scatter.add.f32 [tilespmem:s29], [sflag:$0x2], $0x80, s8, s28, $0xb8;
	[tilespmem:$0x1A0C0] =	vst v63  }
0x41: {  	_ =	swait.ge [sflag:s24], $0x4000  }
0x42: {  	s18 =	sshra.s32 s20, $0x2;
	s19 =	smov.u32 s21;
	[sflag:s24] =	ssyncset.done $0x0  }
0x43: {  	s8 =	sadd.s32 $0x138C0, s18;
	[sflag:s24] =	ssyncadd.s32 $0xFFFFC000  }
0x44: {  	[tilespmem:s29], [sflag:$0x1] =	stream.indirect.gather [hbm4b:s6+s28], $0x80, s8, s28, $0xb8;
	[tilespmem:$0x1A0C0] =	vst v63  }
0x45: {  	_ =	swait.ge [sflag:s30], $0x4000  }
0x46: {  	[sflag:s30] =	ssyncset.done $0x0  }
0x47: {  	s18 =	sadd.s32 $0x14CC0, s18;
	[sflag:s30] =	ssyncadd.s32 $0xFFFFC000  }
0x48: {  	[spmem:s2] =	stream.indirect.scatter.add.f32 [tilespmem:s29], [sflag:$0x2], $0x80, s18, s28, $0xb8;
	[tilespmem:$0x1A0C0] =	vst v63  }
0x49: {  	_ =	swait.ge [sflag:s24], $0x4000  }
0x4a: {  	[sflag:s24] =	ssyncset.done $0x0  }
0x4b: {  	s19 =	simm.s32 $0x0;
	[sflag:s24] =	ssyncadd.s32 $0xFFFFC000  }
0x4c: {  	[tilespmem:s25], [sflag:$0x2] =	stream.linear.gather [hbm4b:s14+s19], $0x1400, $0x38;
	[tilespmem:$0x1A0C0] =	vst v63  }
0x4d: {  	_ =	swait.ge [sflag:s24], $0x1400  }
0x4e: {  	[sflag:s24] =	ssyncset.done $0x0  }
0x4f: {  	[sflag:s24] =	ssyncadd.s32 $0xFFFFEC00  }
0x50: {  	[tilespmem:s26], [sflag:$0x2] =	stream.linear.gather [hbm4b:s15+s19], $0x1400, $0x38;
	[tilespmem:$0x1A0C0] =	vst v63  }
0x51: {  	_ =	swait.ge [sflag:s24], $0x1400  }
0x52: {  	[sflag:s24] =	ssyncset.done $0x0  }
0x53: {  	s20 =	simm.s32 $0x138C0;
	[sflag:s24] =	ssyncadd.s32 $0xFFFFEC00  }
0x54: {  	[tilespmem:s29], [sflag:$0x1] =	stream.indirect.gather [hbm4b:s6+s28], $0x80, s20, s28, $0xb8;
	[tilespmem:$0x1A0C0] =	vst v63  }
0x55: {  	_ =	swait.ge [sflag:s30], $0x4000  }
0x56: {  	[sflag:s30] =	ssyncset.done $0x0  }
0x57: {  	s21 =	simm.s32 $0x14CC0;
	[sflag:s30] =	ssyncadd.s32 $0xFFFFC000  }
0x58: {  	[spmem:s2] =	stream.indirect.scatter.add.f32 [tilespmem:s29], [sflag:$0x2], $0x80, s21, s28, $0xb8;
	[tilespmem:$0x1A0C0] =	vst v63  }
0x59: {  	_ =	swait.ge [sflag:s24], $0x4000  }
0x5a: {  	s18 =	simm.s32 $0x80;
	s19 =	simm.s32 $0x400;
	[sflag:s24] =	ssyncset.done $0x0  }
.LBB2_14:
0x5b: {  	s8 =	sadd.s32 $0x138C0, s18  }
0x5c: {  	[sflag:s24] =	ssyncadd.s32 $0xFFFFC000;
	s20 =	smov.u32 s19;
	s21 =	sadd.s32 $0x200, s19  }
0x5d: {  	[tilespmem:s29], [sflag:$0x1] =	stream.indirect.gather [hbm4b:s6+s28], $0x80, s8, s28, $0xb8;
	[tilespmem:$0x1A0C0] =	vst v63  }
0x5e: {  	p3 =	sne.s32 s19, $0x4E00;
	_ =	swait.ge [sflag:s30], $0x4000  }
.Ltmp4:
0x5f: {  	[sflag:s30] =	ssyncset.done $0x0;
	(pc) =	sbr.rel @p3 .LBB2_14-.Ltmp4, $4  }
0x60: {  	s8 =	sadd.s32 $0x14CC0, s18;
	[sflag:s30] =	ssyncadd.s32 $0xFFFFC000  }
0x61: {  	[spmem:s2] =	stream.indirect.scatter.add.f32 [tilespmem:s29], [sflag:$0x2], $0x80, s8, s28, $0xb8;
	[tilespmem:$0x1A0C0] =	vst v63  }
0x62: {  	_ =	swait.ge [sflag:s24], $0x4000  }
0x63: {  	s18 =	sshra.s32 s20, $0x2;
	s19 =	smov.u32 s21;
	[sflag:s24] =	ssyncset.done $0x0  }
0x64: {  	s8 =	sadd.s32 $0x138C0, s18;
	[sflag:s24] =	ssyncadd.s32 $0xFFFFC000  }
0x65: {  	[tilespmem:s29], [sflag:$0x1] =	stream.indirect.gather [hbm4b:s6+s28], $0x80, s8, s28, $0xb8;
	[tilespmem:$0x1A0C0] =	vst v63  }
0x66: {  	_ =	swait.ge [sflag:s30], $0x4000  }
0x67: {  	[sflag:s30] =	ssyncset.done $0x0  }
0x68: {  	s21 =	sadd.s32 $0x14CC0, s18;
	[sflag:s30] =	ssyncadd.s32 $0xFFFFC000  }
0x69: {  	[spmem:s2] =	stream.indirect.scatter.add.f32 [tilespmem:s29], [sflag:$0x2], $0x80, s21, s28, $0xb8;
	[tilespmem:$0x1A0C0] =	vst v63  }
0x6a: {  	_ =	swait.ge [sflag:s24], $0x4000  }
0x6b: {  	[sflag:s24] =	ssyncset.done $0x0  }
0x6c: {  	[sflag:s24] =	ssyncadd.s32 $0xFFFFC000  }
0x6d: {  	[bflag:$0x0] =	sbarrier.arrive $0xFFFF  }
0x6e: {  	s18 =	rddreg [dreg:$0x8]  }
0x6f: {  	[hbm:s18], [sflag:s23] =	dma.local [spmem:s31], $0x2700  }
0x70: {  	_ =	swait.ge [sflag:s24], $0x2700  }
0x71: {  	[sflag:s24] =	ssyncset.done $0x0  }
0x72: {  	s8 =	simm.s32 @p1 $0x2;
	[sflag:s24] =	ssyncadd.s32 $0xFFFFD900  }
0x73: {  	[spmem:s17], [sflag:s23] =	dma.local @p1 [hbm:s4], $0x2700  }
0x74: {  	_ =	swait.ge @p1 [sflag:s8], $0x2700  }
0x75: {  	[sflag:s8] =	ssyncset.done @p1 $0x0  }
0x76: {  	[sflag:s8] =	ssyncadd.s32 @p1 $0xFFFFD900;
	s8 =	rddreg [dreg:$0x9]  }
0x77: {  	[hbm:s8], [sflag:s23] =	dma.local @!p1 [spmem:s0], $0x100  }
0x78: {  	s8 =	simm.s32 @!p1 $0x2  }
0x79: {  	_ =	swait.ge @!p1 [sflag:s8], $0x100  }
0x7a: {  	[sflag:s8] =	ssyncset.done @!p1 $0x0  }
0x7b: {  	[sflag:s8] =	ssyncadd.s32 @!p1 $0xFFFFFF00  }
0x7c: {  	[spmem:s16], [sflag:s23] =	dma.local @!p1 [hbm:s4], $0x2700  }
0x7d: {  	_ =	swait.ge @!p1 [sflag:s8], $0x2700  }
0x7e: {  	[sflag:s8] =	ssyncset.done @!p1 $0x0  }
0x7f: {  	[sflag:s8] =	ssyncadd.s32 @!p1 $0xFFFFD900  }
0x80: {  	[spmem:s0], [sflag:s23] =	dma.local @!p1 [hbm:s4], $0x180  }
0x81: {  	_ =	swait.ge @!p1 [sflag:s8], $0x180  }
0x82: {  	[sflag:s8] =	ssyncset.done @!p1 $0x0  }
0x83: {  	[sflag:s8] =	ssyncadd.s32 @!p1 $0xFFFFFE80  }
0x84: {  	s19 =	simm.s32 $0x0;
	[bflag:$0x0] =	sbarrier.arrive $0xFFFF  }
0x85: {  	[tilespmem:s25], [sflag:$0x2] =	stream.linear.gather [hbm4b:s12+s19], $0x1400, $0x38;
	[tilespmem:$0x1A0C0] =	vst v63  }
0x86: {  	_ =	swait.ge [sflag:s24], $0x1400  }
0x87: {  	[sflag:s24] =	ssyncset.done $0x0  }
0x88: {  	[sflag:s24] =	ssyncadd.s32 $0xFFFFEC00  }
0x89: {  	[tilespmem:s26], [sflag:$0x2] =	stream.linear.gather [hbm4b:s13+s19], $0x1400, $0x38;
	[tilespmem:$0x1A0C0] =	vst v63  }
0x8a: {  	_ =	swait.ge [sflag:s24], $0x1400  }
0x8b: {  	[sflag:s24] =	ssyncset.done $0x0  }
0x8c: {  	s20 =	simm.s32 $0x138C0;
	[sflag:s24] =	ssyncadd.s32 $0xFFFFEC00  }
0x8d: {  	[tilespmem:s29], [sflag:$0x1] =	stream.indirect.gather [hbm4b:s7+s28], $0x80, s20, s28, $0xb8;
	[tilespmem:$0x1A0C0] =	vst v63  }
0x8e: {  	_ =	swait.ge [sflag:s30], $0x4000  }
0x8f: {  	[sflag:s30] =	ssyncset.done $0x0  }
0x90: {  	s21 =	simm.s32 $0x14CC0;
	[sflag:s30] =	ssyncadd.s32 $0xFFFFC000  }
0x91: {  	[spmem:s2] =	stream.indirect.scatter.add.f32 [tilespmem:s29], [sflag:$0x2], $0x80, s21, s28, $0xb8;
	[tilespmem:$0x1A0C0] =	vst v63  }
0x92: {  	_ =	swait.ge [sflag:s24], $0x4000  }
0x93: {  	s16 =	simm.s32 $0x400;
	s0 =	simm.s32 $0x80;
	[sflag:s24] =	ssyncset.done $0x0  }
.LBB2_16:
0x94: {  	s8 =	sadd.s32 $0x138C0, s0  }
0x95: {  	[sflag:s24] =	ssyncadd.s32 $0xFFFFC000;
	s17 =	smov.u32 s16;
	s18 =	sadd.s32 $0x200, s16  }
0x96: {  	[tilespmem:s29], [sflag:$0x1] =	stream.indirect.gather [hbm4b:s7+s28], $0x80, s8, s28, $0xb8;
	[tilespmem:$0x1A0C0] =	vst v63  }
0x97: {  	p3 =	sne.s32 s16, $0x4E00;
	_ =	swait.ge [sflag:s30], $0x4000  }
.Ltmp5:
0x98: {  	[sflag:s30] =	ssyncset.done $0x0;
	(pc) =	sbr.rel @p3 .LBB2_16-.Ltmp5, $4  }
0x99: {  	s0 =	sadd.s32 $0x14CC0, s0;
	[sflag:s30] =	ssyncadd.s32 $0xFFFFC000  }
0x9a: {  	[spmem:s2] =	stream.indirect.scatter.add.f32 [tilespmem:s29], [sflag:$0x2], $0x80, s0, s28, $0xb8;
	[tilespmem:$0x1A0C0] =	vst v63  }
0x9b: {  	_ =	swait.ge [sflag:s24], $0x4000  }
0x9c: {  	s16 =	smov.u32 s18;
	s0 =	sshra.s32 s17, $0x2;
	[sflag:s24] =	ssyncset.done $0x0  }
0x9d: {  	s8 =	sadd.s32 $0x138C0, s0;
	[sflag:s24] =	ssyncadd.s32 $0xFFFFC000  }
0x9e: {  	[tilespmem:s29], [sflag:$0x1] =	stream.indirect.gather [hbm4b:s7+s28], $0x80, s8, s28, $0xb8;
	[tilespmem:$0x1A0C0] =	vst v63  }
0x9f: {  	_ =	swait.ge [sflag:s30], $0x4000  }
0xa0: {  	[sflag:s30] =	ssyncset.done $0x0  }
0xa1: {  	s18 =	sadd.s32 $0x14CC0, s0;
	[sflag:s30] =	ssyncadd.s32 $0xFFFFC000  }
0xa2: {  	[spmem:s2] =	stream.indirect.scatter.add.f32 [tilespmem:s29], [sflag:$0x2], $0x80, s18, s28, $0xb8;
	[tilespmem:$0x1A0C0] =	vst v63  }
0xa3: {  	_ =	swait.ge [sflag:s24], $0x4000  }
0xa4: {  	[sflag:s24] =	ssyncset.done $0x0  }
0xa5: {  	s19 =	simm.s32 $0x0;
	[sflag:s24] =	ssyncadd.s32 $0xFFFFC000  }
0xa6: {  	[tilespmem:s25], [sflag:$0x2] =	stream.linear.gather [hbm4b:s14+s19], $0x1400, $0x38;
	[tilespmem:$0x1A0C0] =	vst v63  }
0xa7: {  	_ =	swait.ge [sflag:s24], $0x1400  }
0xa8: {  	[sflag:s24] =	ssyncset.done $0x0  }
0xa9: {  	[sflag:s24] =	ssyncadd.s32 $0xFFFFEC00  }
0xaa: {  	[tilespmem:s26], [sflag:$0x2] =	stream.linear.gather [hbm4b:s15+s19], $0x1400, $0x38;
	[tilespmem:$0x1A0C0] =	vst v63  }
0xab: {  	_ =	swait.ge [sflag:s24], $0x1400  }
0xac: {  	[sflag:s24] =	ssyncset.done $0x0  }
0xad: {  	s20 =	simm.s32 $0x138C0;
	[sflag:s24] =	ssyncadd.s32 $0xFFFFEC00  }
0xae: {  	[tilespmem:s29], [sflag:$0x1] =	stream.indirect.gather [hbm4b:s7+s28], $0x80, s20, s28, $0xb8;
	[tilespmem:$0x1A0C0] =	vst v63  }
0xaf: {  	_ =	swait.ge [sflag:s30], $0x4000  }
0xb0: {  	[sflag:s30] =	ssyncset.done $0x0  }
0xb1: {  	s21 =	simm.s32 $0x14CC0;
	[sflag:s30] =	ssyncadd.s32 $0xFFFFC000  }
0xb2: {  	[spmem:s2] =	stream.indirect.scatter.add.f32 [tilespmem:s29], [sflag:$0x2], $0x80, s21, s28, $0xb8;
	[tilespmem:$0x1A0C0] =	vst v63  }
0xb3: {  	_ =	swait.ge [sflag:s24], $0x4000  }
0xb4: {  	s16 =	simm.s32 $0x400;
	s0 =	simm.s32 $0x80;
	[sflag:s24] =	ssyncset.done $0x0  }
.LBB2_18:
0xb5: {  	s8 =	sadd.s32 $0x138C0, s0  }
0xb6: {  	[sflag:s24] =	ssyncadd.s32 $0xFFFFC000;
	s17 =	smov.u32 s16;
	s18 =	sadd.s32 $0x200, s16  }
0xb7: {  	[tilespmem:s29], [sflag:$0x1] =	stream.indirect.gather [hbm4b:s7+s28], $0x80, s8, s28, $0xb8;
	[tilespmem:$0x1A0C0] =	vst v63  }
0xb8: {  	p3 =	sne.s32 s16, $0x4E00;
	_ =	swait.ge [sflag:s30], $0x4000  }
.Ltmp6:
0xb9: {  	[sflag:s30] =	ssyncset.done $0x0;
	(pc) =	sbr.rel @p3 .LBB2_18-.Ltmp6, $4  }
0xba: {  	s0 =	sadd.s32 $0x14CC0, s0;
	[sflag:s30] =	ssyncadd.s32 $0xFFFFC000  }
0xbb: {  	[spmem:s2] =	stream.indirect.scatter.add.f32 [tilespmem:s29], [sflag:$0x2], $0x80, s0, s28, $0xb8;
	[tilespmem:$0x1A0C0] =	vst v63  }
0xbc: {  	_ =	swait.ge [sflag:s24], $0x4000  }
0xbd: {  	s16 =	smov.u32 s18;
	s0 =	sshra.s32 s17, $0x2;
	[sflag:s24] =	ssyncset.done $0x0  }
0xbe: {  	s8 =	sadd.s32 $0x138C0, s0;
	[sflag:s24] =	ssyncadd.s32 $0xFFFFC000  }
0xbf: {  	[tilespmem:s29], [sflag:$0x1] =	stream.indirect.gather [hbm4b:s7+s28], $0x80, s8, s28, $0xb8;
	[tilespmem:$0x1A0C0] =	vst v63  }
0xc0: {  	_ =	swait.ge [sflag:s30], $0x4000  }
0xc1: {  	[sflag:s30] =	ssyncset.done $0x0  }
0xc2: {  	s20 =	sadd.s32 $0x14CC0, s0;
	[sflag:s30] =	ssyncadd.s32 $0xFFFFC000  }
0xc3: {  	[spmem:s2] =	stream.indirect.scatter.add.f32 [tilespmem:s29], [sflag:$0x2], $0x80, s20, s28, $0xb8;
	[tilespmem:$0x1A0C0] =	vst v63  }
0xc4: {  	_ =	swait.ge [sflag:s24], $0x4000  }
0xc5: {  	[sflag:s24] =	ssyncset.done $0x0  }
0xc6: {  	[sflag:s24] =	ssyncadd.s32 $0xFFFFC000  }
0xc7: {  	[bflag:$0x0] =	sbarrier.arrive $0xFFFF  }
0xc8: {  	s21 =	rddreg [dreg:$0xa]  }
0xc9: {  	[hbm:s21], [sflag:s23] =	dma.local [spmem:s31], $0x2700  }
.Ltmp7:
0xca: {  	_ = 	snop;
	(pc) =	sbr.rel @p1 .LBB2_21-.Ltmp7, $4  }
.Ltmp8:
0xcb: {  	_ = 	snop;
	(pc) =	sbr.rel @!p1 .LBB2_20-.Ltmp8, $4  }
0xcc: {  	_ =	swait.ge [sflag:s24], $0x2700  }
0xcd: {  	[sflag:s24] =	ssyncset.done $0x0  }
0xce: {  	s0 =	smov.u32 s9;
	[sflag:s24] =	ssyncadd.s32 $0xFFFFD900  }
0xcf: {  	_ = 	snop  }
.LBB2_2:
0xd0: {  	[spmem:s0], [sflag:s23] =	dma.local @!p1 [hbm:s4], $0x180  }
0xd1: {  	s18 =	simm.s32 @!p1 $0x2  }
0xd2: {  	_ =	swait.ge @!p1 [sflag:s18], $0x180  }
0xd3: {  	[sflag:s18] =	ssyncset.done @!p1 $0x0  }
0xd4: {  	[sflag:s18] =	ssyncadd.s32 @!p1 $0xFFFFFE80  }
0xd5: {  	s19 =	simm.s32 $0x0;
	[bflag:$0x0] =	sbarrier.arrive $0xFFFF  }
0xd6: {  	[tilespmem:s25], [sflag:$0x2] =	stream.linear.gather [hbm4b:s12+s19], $0x1400, $0x38;
	[tilespmem:$0x1A0C0] =	vst v63  }
0xd7: {  	_ =	swait.ge [sflag:s24], $0x1400  }
0xd8: {  	[sflag:s24] =	ssyncset.done $0x0  }
0xd9: {  	[sflag:s24] =	ssyncadd.s32 $0xFFFFEC00  }
0xda: {  	[tilespmem:s26], [sflag:$0x2] =	stream.linear.gather [hbm4b:s13+s19], $0x1400, $0x38;
	[tilespmem:$0x1A0C0] =	vst v63  }
0xdb: {  	_ =	swait.ge [sflag:s24], $0x1400  }
0xdc: {  	[sflag:s24] =	ssyncset.done $0x0  }
0xdd: {  	s20 =	simm.s32 $0x138C0;
	[sflag:s24] =	ssyncadd.s32 $0xFFFFEC00  }
0xde: {  	[tilespmem:s29], [sflag:$0x1] =	stream.indirect.gather [hbm4b:s1+s28], $0x80, s20, s28, $0xb8;
	[tilespmem:$0x1A0C0] =	vst v63  }
0xdf: {  	_ =	swait.ge [sflag:s30], $0x4000  }
0xe0: {  	[sflag:s30] =	ssyncset.done $0x0  }
0xe1: {  	s21 =	simm.s32 $0x14CC0;
	[sflag:s30] =	ssyncadd.s32 $0xFFFFC000  }
0xe2: {  	[spmem:s2] =	stream.indirect.scatter.add.f32 [tilespmem:s29], [sflag:$0x2], $0x80, s21, s28, $0xb8;
	[tilespmem:$0x1A0C0] =	vst v63  }
0xe3: {  	_ =	swait.ge [sflag:s24], $0x4000  }
0xe4: {  	s18 =	simm.s32 $0x80;
	s19 =	simm.s32 $0x400;
	[sflag:s24] =	ssyncset.done $0x0  }
.LBB2_3:
0xe5: {  	s20 =	sadd.s32 $0x138C0, s18  }
0xe6: {  	[sflag:s24] =	ssyncadd.s32 $0xFFFFC000;
	s21 =	smov.u32 s19;
	s8 =	sadd.s32 $0x200, s19  }
0xe7: {  	[tilespmem:s29], [sflag:$0x1] =	stream.indirect.gather [hbm4b:s1+s28], $0x80, s20, s28, $0xb8;
	[tilespmem:$0x1A0C0] =	vst v63  }
0xe8: {  	p3 =	sne.s32 s19, $0x4E00;
	_ =	swait.ge [sflag:s30], $0x4000  }
.Ltmp9:
0xe9: {  	[sflag:s30] =	ssyncset.done $0x0;
	(pc) =	sbr.rel @p3 .LBB2_3-.Ltmp9, $4  }
0xea: {  	s18 =	sadd.s32 $0x14CC0, s18;
	[sflag:s30] =	ssyncadd.s32 $0xFFFFC000  }
0xeb: {  	[spmem:s2] =	stream.indirect.scatter.add.f32 [tilespmem:s29], [sflag:$0x2], $0x80, s18, s28, $0xb8;
	[tilespmem:$0x1A0C0] =	vst v63  }
0xec: {  	_ =	swait.ge [sflag:s24], $0x4000  }
0xed: {  	s19 =	smov.u32 s8;
	s18 =	sshra.s32 s21, $0x2;
	[sflag:s24] =	ssyncset.done $0x0  }
0xee: {  	s8 =	sadd.s32 $0x138C0, s18;
	[sflag:s24] =	ssyncadd.s32 $0xFFFFC000  }
0xef: {  	[tilespmem:s29], [sflag:$0x1] =	stream.indirect.gather [hbm4b:s1+s28], $0x80, s8, s28, $0xb8;
	[tilespmem:$0x1A0C0] =	vst v63  }
0xf0: {  	_ =	swait.ge [sflag:s30], $0x4000  }
0xf1: {  	[sflag:s30] =	ssyncset.done $0x0  }
0xf2: {  	s18 =	sadd.s32 $0x14CC0, s18;
	[sflag:s30] =	ssyncadd.s32 $0xFFFFC000  }
0xf3: {  	[spmem:s2] =	stream.indirect.scatter.add.f32 [tilespmem:s29], [sflag:$0x2], $0x80, s18, s28, $0xb8;
	[tilespmem:$0x1A0C0] =	vst v63  }
0xf4: {  	_ =	swait.ge [sflag:s24], $0x4000  }
0xf5: {  	[sflag:s24] =	ssyncset.done $0x0  }
0xf6: {  	s19 =	simm.s32 $0x0;
	[sflag:s24] =	ssyncadd.s32 $0xFFFFC000  }
0xf7: {  	[tilespmem:s25], [sflag:$0x2] =	stream.linear.gather [hbm4b:s14+s19], $0x1400, $0x38;
	[tilespmem:$0x1A0C0] =	vst v63  }
0xf8: {  	_ =	swait.ge [sflag:s24], $0x1400  }
0xf9: {  	[sflag:s24] =	ssyncset.done $0x0  }
0xfa: {  	[sflag:s24] =	ssyncadd.s32 $0xFFFFEC00  }
0xfb: {  	[tilespmem:s26], [sflag:$0x2] =	stream.linear.gather [hbm4b:s15+s19], $0x1400, $0x38;
	[tilespmem:$0x1A0C0] =	vst v63  }
0xfc: {  	_ =	swait.ge [sflag:s24], $0x1400  }
0xfd: {  	[sflag:s24] =	ssyncset.done $0x0  }
0xfe: {  	s20 =	simm.s32 $0x138C0;
	[sflag:s24] =	ssyncadd.s32 $0xFFFFEC00  }
0xff: {  	[tilespmem:s29], [sflag:$0x1] =	stream.indirect.gather [hbm4b:s1+s28], $0x80, s20, s28, $0xb8;
	[tilespmem:$0x1A0C0] =	vst v63  }
0x100: {  	_ =	swait.ge [sflag:s30], $0x4000  }
0x101: {  	[sflag:s30] =	ssyncset.done $0x0  }
0x102: {  	s21 =	simm.s32 $0x14CC0;
	[sflag:s30] =	ssyncadd.s32 $0xFFFFC000  }
0x103: {  	[spmem:s2] =	stream.indirect.scatter.add.f32 [tilespmem:s29], [sflag:$0x2], $0x80, s21, s28, $0xb8;
	[tilespmem:$0x1A0C0] =	vst v63  }
0x104: {  	_ =	swait.ge [sflag:s24], $0x4000  }
0x105: {  	s18 =	simm.s32 $0x80;
	s19 =	simm.s32 $0x400;
	[sflag:s24] =	ssyncset.done $0x0  }
.LBB2_5:
0x106: {  	s8 =	sadd.s32 $0x138C0, s18  }
0x107: {  	[sflag:s24] =	ssyncadd.s32 $0xFFFFC000;
	s20 =	smov.u32 s19;
	s21 =	sadd.s32 $0x200, s19  }
0x108: {  	[tilespmem:s29], [sflag:$0x1] =	stream.indirect.gather [hbm4b:s1+s28], $0x80, s8, s28, $0xb8;
	[tilespmem:$0x1A0C0] =	vst v63  }
0x109: {  	p3 =	sne.s32 s19, $0x4E00;
	_ =	swait.ge [sflag:s30], $0x4000  }
.Ltmp10:
0x10a: {  	[sflag:s30] =	ssyncset.done $0x0;
	(pc) =	sbr.rel @p3 .LBB2_5-.Ltmp10, $4  }
0x10b: {  	s8 =	sadd.s32 $0x14CC0, s18;
	[sflag:s30] =	ssyncadd.s32 $0xFFFFC000  }
0x10c: {  	[spmem:s2] =	stream.indirect.scatter.add.f32 [tilespmem:s29], [sflag:$0x2], $0x80, s8, s28, $0xb8;
	[tilespmem:$0x1A0C0] =	vst v63  }
0x10d: {  	_ =	swait.ge [sflag:s24], $0x4000  }
0x10e: {  	s18 =	sshra.s32 s20, $0x2;
	s19 =	smov.u32 s21;
	[sflag:s24] =	ssyncset.done $0x0  }
0x10f: {  	s8 =	sadd.s32 $0x138C0, s18;
	[sflag:s24] =	ssyncadd.s32 $0xFFFFC000  }
0x110: {  	[tilespmem:s29], [sflag:$0x1] =	stream.indirect.gather [hbm4b:s1+s28], $0x80, s8, s28, $0xb8;
	[tilespmem:$0x1A0C0] =	vst v63  }
0x111: {  	_ =	swait.ge [sflag:s30], $0x4000  }
0x112: {  	[sflag:s30] =	ssyncset.done $0x0  }
0x113: {  	s21 =	sadd.s32 $0x14CC0, s18;
	[sflag:s30] =	ssyncadd.s32 $0xFFFFC000  }
0x114: {  	[spmem:s2] =	stream.indirect.scatter.add.f32 [tilespmem:s29], [sflag:$0x2], $0x80, s21, s28, $0xb8;
	[tilespmem:$0x1A0C0] =	vst v63  }
0x115: {  	_ =	swait.ge [sflag:s24], $0x4000  }
0x116: {  	[sflag:s24] =	ssyncset.done $0x0  }
0x117: {  	[sflag:s24] =	ssyncadd.s32 $0xFFFFC000  }
0x118: {  	[bflag:$0x0] =	sbarrier.arrive $0xFFFF  }
0x119: {  	s18 =	rddreg [dreg:$0x5]  }
0x11a: {  	[hbm:s18], [sflag:s23] =	dma.local [spmem:s31], $0x2700  }
0x11b: {  	_ =	swait.ge [sflag:s24], $0x2700  }
0x11c: {  	[sflag:s24] =	ssyncset.done $0x0  }
0x11d: {  	s8 =	simm.s32 @p1 $0x2;
	[sflag:s24] =	ssyncadd.s32 $0xFFFFD900  }
0x11e: {  	[spmem:s17], [sflag:s23] =	dma.local @p1 [hbm:s4], $0x2700  }
0x11f: {  	_ =	swait.ge @p1 [sflag:s8], $0x2700  }
0x120: {  	[sflag:s8] =	ssyncset.done @p1 $0x0  }
0x121: {  	[sflag:s8] =	ssyncadd.s32 @p1 $0xFFFFD900;
	s8 =	rddreg [dreg:$0x6]  }
0x122: {  	[hbm:s8], [sflag:s23] =	dma.local @!p1 [spmem:s0], $0x100  }
0x123: {  	s8 =	simm.s32 @!p1 $0x2  }
0x124: {  	_ =	swait.ge @!p1 [sflag:s8], $0x100  }
0x125: {  	[sflag:s8] =	ssyncset.done @!p1 $0x0  }
0x126: {  	[sflag:s8] =	ssyncadd.s32 @!p1 $0xFFFFFF00  }
0x127: {  	[spmem:s16], [sflag:s23] =	dma.local @!p1 [hbm:s4], $0x2700  }
0x128: {  	_ =	swait.ge @!p1 [sflag:s8], $0x2700  }
0x129: {  	[sflag:s8] =	ssyncset.done @!p1 $0x0  }
0x12a: {  	[sflag:s8] =	ssyncadd.s32 @!p1 $0xFFFFD900  }
0x12b: {  	[spmem:s0], [sflag:s23] =	dma.local @!p1 [hbm:s4], $0x180  }
0x12c: {  	_ =	swait.ge @!p1 [sflag:s8], $0x180  }
0x12d: {  	[sflag:s8] =	ssyncset.done @!p1 $0x0  }
0x12e: {  	[sflag:s8] =	ssyncadd.s32 @!p1 $0xFFFFFE80  }
0x12f: {  	s19 =	simm.s32 $0x0;
	[bflag:$0x0] =	sbarrier.arrive $0xFFFF  }
0x130: {  	[tilespmem:s25], [sflag:$0x2] =	stream.linear.gather [hbm4b:s12+s19], $0x1400, $0x38;
	[tilespmem:$0x1A0C0] =	vst v63  }
0x131: {  	_ =	swait.ge [sflag:s24], $0x1400  }
0x132: {  	[sflag:s24] =	ssyncset.done $0x0  }
0x133: {  	[sflag:s24] =	ssyncadd.s32 $0xFFFFEC00  }
0x134: {  	[tilespmem:s26], [sflag:$0x2] =	stream.linear.gather [hbm4b:s13+s19], $0x1400, $0x38;
	[tilespmem:$0x1A0C0] =	vst v63  }
0x135: {  	_ =	swait.ge [sflag:s24], $0x1400  }
0x136: {  	[sflag:s24] =	ssyncset.done $0x0  }
0x137: {  	s20 =	simm.s32 $0x138C0;
	[sflag:s24] =	ssyncadd.s32 $0xFFFFEC00  }
0x138: {  	[tilespmem:s29], [sflag:$0x1] =	stream.indirect.gather [hbm4b:s5+s28], $0x80, s20, s28, $0xb8;
	[tilespmem:$0x1A0C0] =	vst v63  }
0x139: {  	_ =	swait.ge [sflag:s30], $0x4000  }
0x13a: {  	[sflag:s30] =	ssyncset.done $0x0  }
0x13b: {  	s21 =	simm.s32 $0x14CC0;
	[sflag:s30] =	ssyncadd.s32 $0xFFFFC000  }
0x13c: {  	[spmem:s2] =	stream.indirect.scatter.add.f32 [tilespmem:s29], [sflag:$0x2], $0x80, s21, s28, $0xb8;
	[tilespmem:$0x1A0C0] =	vst v63  }
0x13d: {  	_ =	swait.ge [sflag:s24], $0x4000  }
0x13e: {  	s16 =	simm.s32 $0x400;
	s0 =	simm.s32 $0x80;
	[sflag:s24] =	ssyncset.done $0x0  }
.LBB2_7:
0x13f: {  	s8 =	sadd.s32 $0x138C0, s0  }
0x140: {  	[sflag:s24] =	ssyncadd.s32 $0xFFFFC000;
	s17 =	smov.u32 s16;
	s18 =	sadd.s32 $0x200, s16  }
0x141: {  	[tilespmem:s29], [sflag:$0x1] =	stream.indirect.gather [hbm4b:s5+s28], $0x80, s8, s28, $0xb8;
	[tilespmem:$0x1A0C0] =	vst v63  }
0x142: {  	p3 =	sne.s32 s16, $0x4E00;
	_ =	swait.ge [sflag:s30], $0x4000  }
.Ltmp11:
0x143: {  	[sflag:s30] =	ssyncset.done $0x0;
	(pc) =	sbr.rel @p3 .LBB2_7-.Ltmp11, $4  }
0x144: {  	s0 =	sadd.s32 $0x14CC0, s0;
	[sflag:s30] =	ssyncadd.s32 $0xFFFFC000  }
0x145: {  	[spmem:s2] =	stream.indirect.scatter.add.f32 [tilespmem:s29], [sflag:$0x2], $0x80, s0, s28, $0xb8;
	[tilespmem:$0x1A0C0] =	vst v63  }
0x146: {  	_ =	swait.ge [sflag:s24], $0x4000  }
0x147: {  	s16 =	smov.u32 s18;
	s0 =	sshra.s32 s17, $0x2;
	[sflag:s24] =	ssyncset.done $0x0  }
0x148: {  	s8 =	sadd.s32 $0x138C0, s0;
	[sflag:s24] =	ssyncadd.s32 $0xFFFFC000  }
0x149: {  	[tilespmem:s29], [sflag:$0x1] =	stream.indirect.gather [hbm4b:s5+s28], $0x80, s8, s28, $0xb8;
	[tilespmem:$0x1A0C0] =	vst v63  }
0x14a: {  	_ =	swait.ge [sflag:s30], $0x4000  }
0x14b: {  	[sflag:s30] =	ssyncset.done $0x0  }
0x14c: {  	s18 =	sadd.s32 $0x14CC0, s0;
	[sflag:s30] =	ssyncadd.s32 $0xFFFFC000  }
0x14d: {  	[spmem:s2] =	stream.indirect.scatter.add.f32 [tilespmem:s29], [sflag:$0x2], $0x80, s18, s28, $0xb8;
	[tilespmem:$0x1A0C0] =	vst v63  }
0x14e: {  	_ =	swait.ge [sflag:s24], $0x4000  }
0x14f: {  	[sflag:s24] =	ssyncset.done $0x0  }
0x150: {  	s19 =	simm.s32 $0x0;
	[sflag:s24] =	ssyncadd.s32 $0xFFFFC000  }
0x151: {  	[tilespmem:s25], [sflag:$0x2] =	stream.linear.gather [hbm4b:s14+s19], $0x1400, $0x38;
	[tilespmem:$0x1A0C0] =	vst v63  }
0x152: {  	_ =	swait.ge [sflag:s24], $0x1400  }
0x153: {  	[sflag:s24] =	ssyncset.done $0x0  }
0x154: {  	[sflag:s24] =	ssyncadd.s32 $0xFFFFEC00  }
0x155: {  	[tilespmem:s26], [sflag:$0x2] =	stream.linear.gather [hbm4b:s15+s19], $0x1400, $0x38;
	[tilespmem:$0x1A0C0] =	vst v63  }
0x156: {  	_ =	swait.ge [sflag:s24], $0x1400  }
0x157: {  	[sflag:s24] =	ssyncset.done $0x0  }
0x158: {  	s20 =	simm.s32 $0x138C0;
	[sflag:s24] =	ssyncadd.s32 $0xFFFFEC00  }
0x159: {  	[tilespmem:s29], [sflag:$0x1] =	stream.indirect.gather [hbm4b:s5+s28], $0x80, s20, s28, $0xb8;
	[tilespmem:$0x1A0C0] =	vst v63  }
0x15a: {  	_ =	swait.ge [sflag:s30], $0x4000  }
0x15b: {  	[sflag:s30] =	ssyncset.done $0x0  }
0x15c: {  	s21 =	simm.s32 $0x14CC0;
	[sflag:s30] =	ssyncadd.s32 $0xFFFFC000  }
0x15d: {  	[spmem:s2] =	stream.indirect.scatter.add.f32 [tilespmem:s29], [sflag:$0x2], $0x80, s21, s28, $0xb8;
	[tilespmem:$0x1A0C0] =	vst v63  }
0x15e: {  	_ =	swait.ge [sflag:s24], $0x4000  }
0x15f: {  	s16 =	simm.s32 $0x400;
	s0 =	simm.s32 $0x80;
	[sflag:s24] =	ssyncset.done $0x0  }
.LBB2_9:
0x160: {  	s8 =	sadd.s32 $0x138C0, s0  }
0x161: {  	[sflag:s24] =	ssyncadd.s32 $0xFFFFC000;
	s17 =	smov.u32 s16;
	s18 =	sadd.s32 $0x200, s16  }
0x162: {  	[tilespmem:s29], [sflag:$0x1] =	stream.indirect.gather [hbm4b:s5+s28], $0x80, s8, s28, $0xb8;
	[tilespmem:$0x1A0C0] =	vst v63  }
0x163: {  	p3 =	sne.s32 s16, $0x4E00;
	_ =	swait.ge [sflag:s30], $0x4000  }
.Ltmp12:
0x164: {  	[sflag:s30] =	ssyncset.done $0x0;
	(pc) =	sbr.rel @p3 .LBB2_9-.Ltmp12, $4  }
0x165: {  	s0 =	sadd.s32 $0x14CC0, s0;
	[sflag:s30] =	ssyncadd.s32 $0xFFFFC000  }
0x166: {  	[spmem:s2] =	stream.indirect.scatter.add.f32 [tilespmem:s29], [sflag:$0x2], $0x80, s0, s28, $0xb8;
	[tilespmem:$0x1A0C0] =	vst v63  }
0x167: {  	_ =	swait.ge [sflag:s24], $0x4000  }
0x168: {  	s16 =	smov.u32 s18;
	s0 =	sshra.s32 s17, $0x2;
	[sflag:s24] =	ssyncset.done $0x0  }
0x169: {  	s8 =	sadd.s32 $0x138C0, s0;
	[sflag:s24] =	ssyncadd.s32 $0xFFFFC000  }
0x16a: {  	[tilespmem:s29], [sflag:$0x1] =	stream.indirect.gather [hbm4b:s5+s28], $0x80, s8, s28, $0xb8;
	[tilespmem:$0x1A0C0] =	vst v63  }
0x16b: {  	_ =	swait.ge [sflag:s30], $0x4000  }
0x16c: {  	[sflag:s30] =	ssyncset.done $0x0  }
0x16d: {  	s20 =	sadd.s32 $0x14CC0, s0;
	[sflag:s30] =	ssyncadd.s32 $0xFFFFC000  }
0x16e: {  	[spmem:s2] =	stream.indirect.scatter.add.f32 [tilespmem:s29], [sflag:$0x2], $0x80, s20, s28, $0xb8;
	[tilespmem:$0x1A0C0] =	vst v63  }
0x16f: {  	_ =	swait.ge [sflag:s24], $0x4000  }
0x170: {  	[sflag:s24] =	ssyncset.done $0x0  }
0x171: {  	[sflag:s24] =	ssyncadd.s32 $0xFFFFC000  }
0x172: {  	[bflag:$0x0] =	sbarrier.arrive $0xFFFF  }
0x173: {  	s21 =	rddreg [dreg:$0x7]  }
0x174: {  	[hbm:s21], [sflag:s23] =	dma.local [spmem:s31], $0x2700  }
.Ltmp13:
0x175: {  	_ = 	snop;
	(pc) =	sbr.rel @!p2 .LBB2_21-.Ltmp13, $4  }
.Ltmp14:
0x176: {  	_ = 	snop;
	(pc) =	sbr.rel @p2 .LBB2_20-.Ltmp14, $4  }
0x177: {  	_ =	swait.ge [sflag:s24], $0x2700  }
0x178: {  	[sflag:s24] =	ssyncset.done $0x0  }
0x179: {  	s0 =	rddreg [dreg:$0x4];
	[sflag:s24] =	ssyncadd.s32 $0xFFFFD900  }
0x17a: {  	_ = 	snop  }
.LBB2_22:
0x17b: {  	_ =	sfence.sel $0x180000  }
0x17c: {  	[bflag:$0x0] =	sbarrier.arrive $0xFFFF  }
0x17d: {  	_ =	strace $0x9000004A  }
0x17e: {  	[bflag:$0x2] =	sbarrier.arrive $0xFFFF  }
0x17f: {  	s0 =	rddreg [dreg:$0x3]  }
0x180: {  	s0 =	sadd.s32 @!p1 $0x100000, s0  }
0x181: {  	[sflag:s0] =	ssyncadd.tile.s32 @!p1 $0x1;
	_ =	shalt  }
.Lfunc_end2:
_tile_overlayer_lowered:
.L_overlay_start_2:
0x182: {  	(tag) =	ssettag $0x2  }
0x183: {  	s0 =	rddreg [dreg:$0x0];
	s2 =	stileid.u32  }
0x184: {  	s1 =	rddreg [dreg:$0x1];
	p0 =	sne.s32 s2, $0x0  }
0x185: {  	s3 =	rddreg [dreg:$0x2];
	[bflag:$0x3] =	sbarrier.arrive $0xFFFF;
	s2 =	simm.s32 @!p0 $0x1C02  }
0x186: {  	[timem:s3], [sflag:s2] =	dma.local @!p0 [hbm:s0], s1  }
0x187: {  	s0 =	simm.s32 @!p0 $0x2  }
0x188: {  	_ =	swait.ge @!p0 [sflag:s0], s1  }
0x189: {  	s1 =	ssub.s32 @!p0 $0x0, s1;
	[sflag:s0] =	ssyncset.done @!p0 $0x0  }
0x18a: {  	[sflag:s0] =	ssyncadd.s32 @!p0 s1  }
0x18b: {  	[bflag:$0x3] =	sbarrier.arrive $0xFFFF  }
0x18c: {  	_ =	shalt  }

// kernel: kernel.14.cloned.1.call-start
scs
__scs_entry_jumppad:
0x0: {  	(pc) =	sbr.rel $0x88, $3  }
0x1: {  	(tag) =	ssettag $0x0;
	lr =	simm.s32 $0x1  }
0x2: {  	[smem:$0x3F91] =	sst lr;
	_ =	strace $0xD0000000  }
0x3: {  	_ = 	snop  }
0x4: {  	_ = 	snop  }
0x5: {  	_ = 	snop  }
0x6: {  	_ = 	snop  }
0x7: {  	_ = 	snop  }
__scs_overlays_trampoline_lowered:
0x8: {  	[smem:$0x3FA0] =	sst s0  }
0x9: {  	[smem:$0x3FA1] =	sst s1  }
0xa: {  	[smem:$0x3FA2] =	sst s2  }
0xb: {  	[smem:$0x3FA3] =	sst s3  }
0xc: {  	[smem:$0x3FA4] =	sst s4  }
0xd: {  	[smem:$0x3FA5] =	sst s5  }
0xe: {  	[smem:$0x3FA6] =	sst s6  }
0xf: {  	[smem:$0x3FA7] =	sst s7  }
0x10: {  	[smem:$0x3FA8] =	sst s8  }
0x11: {  	[smem:$0x3FA9] =	sst s9;
	s0 =	simm.s32 @!p0 $0x0  }
0x12: {  	s1 =	sld [smem:$0x3F8F];
	s0 =	simm.s32 @p0 $0x1  }
0x13: {  	[smem:$0x3FAA] =	sst s0;
	s0 =	simm.s32 @!p1 $0x0  }
0x14: {  	s2 =	sld [smem:$0x3F8E];
	s0 =	simm.s32 @p1 $0x1  }
0x15: {  	[smem:$0x3FAB] =	sst s0;
	s0 =	simm.s32 @!p2 $0x0  }
0x16: {  	s3 =	sld [smem:$0x3FDB];
	s0 =	simm.s32 @p2 $0x1  }
0x17: {  	s4 =	simm.s32 $0x1BF5;
	[smem:$0x3FAD] =	sst s0  }
0x18: {  	s0 =	sld [smem:$0x3F90];
	_ =	swait.ge [sflag:s4], $0x0  }
0x19: {  	s7 =	sld [smem:$0x3F91]  }
0x1a: {  	s8 =	sadd.s32 $0xFFFFE003, lr  }
0x1b: {  	s9 =	sadd.s32 $0xFFFFFEF7, lr;
	s5 =	simm.s32 $0xFFFFFFFF;
	p2 =	slt.u32 s8, $0xFFFFF086  }
0x1c: {  	p1 =	slt.u32 s9, $0xF7A;
	s5 =	simm.s32 @!p2 $0x0  }
0x1d: {  	s5 =	simm.s32 @p1 $0x1;
	p0 =	seq.s32 s7, s2  }
0x1e: {  	s7 =	smul.u32 @!p0 $0xF7A, s2;
	p2 =	seq.s32 @!p0 s5, $0x0  }
0x1f: {  	s9 =	smul.u32 $0xF7A, s1;
	s8 =	simm.s32 @!p0 $0x1BF5;
	p2 =	por !p2, p0  }
0x20: {  	[sflag:s8] =	ssyncset.s32 @!p0 $0xFFFFF086;
	s6 =	sadd.s32 @!p0 s3, s7;
	s7 =	simm.s32 @!p0 $0x108  }
0x21: {  	s3 =	sadd.s32 s3, s9;
	s6 =	sadd.s32 @!p0 $0x88, s6;
	s7 =	simm.s32 @p2 $0x1082  }
0x22: {  	[simem:s7], [sflag:s8] =	dma.local @!p0 [hbm:s6], $0xF7A  }
0x23: {  	s9 =	sor.u32 $0xD0000000, s2;
	s6 =	simm.s32 $0x108;
	_ =	swait.ge @!p0 [sflag:s8], $0x0  }
0x24: {  	s3 =	sadd.s32 $0x88, s3;
	s6 =	simm.s32 @!p1 $0x1082;
	[sflag:s4] =	ssyncset.s32 $0xFFFFF086  }
0x25: {  	[simem:s6], [sflag:s4] =	dma.local [hbm:s3], $0xF7A  }
0x26: {  	[smem:$0x3F91] =	sst s1;
	(tag) =	ssettag s2;
	_ =	strace s9  }
0x27: {  	s1 =	sld [smem:$0x3FA1]  }
0x28: {  	s2 =	sld [smem:$0x3FA2]  }
0x29: {  	s4 =	sld [smem:$0x3FA4]  }
0x2a: {  	p0 =	seq.s32 s5, $0x0;
	s5 =	sld [smem:$0x3FA5]  }
0x2b: {  	s6 =	sld [smem:$0x3FA6]  }
0x2c: {  	s7 =	sld [smem:$0x3FA7]  }
0x2d: {  	s3 =	simm.s32 $0x108;
	s8 =	sld [smem:$0x3FA8]  }
0x2e: {  	s3 =	simm.s32 @!p0 $0x1082;
	s9 =	sld [smem:$0x3FA9]  }
0x2f: {  	lr =	sadd.s32 s0, s3;
	s0 =	sld [smem:$0x3FA0]  }
0x30: {  	s3 =	sld [smem:$0x3FA3]  }
0x31: {  	[smem:$0x3FAC] =	sst s10  }
0x32: {  	s10 =	sld [smem:$0x3FAA];
	_ =	sdelay $0x3  }
0x33: {  	p0 =	seq.s32 s10, $0x1;
	s10 =	sld [smem:$0x3FAC];
	_ =	sdelay $0x3  }
0x34: {  	[smem:$0x3FAC] =	sst s10  }
0x35: {  	s10 =	sld [smem:$0x3FAB];
	_ =	sdelay $0x3  }
0x36: {  	p1 =	seq.s32 s10, $0x1;
	s10 =	sld [smem:$0x3FAC];
	_ =	sdelay $0x3  }
0x37: {  	[smem:$0x3FAC] =	sst s10  }
0x38: {  	s10 =	sld [smem:$0x3FAD]  }
0x39: {  	_ = 	snop;
	(pc) =	sbr.ind lr, $3  }
0x3a: {  	_ = 	snop  }
0x3b: {  	_ = 	snop  }
0x3c: {  	p2 =	seq.s32 s10, $0x1;
	s10 =	sld [smem:$0x3FAC]  }
0x3d: {  	_ =	shalt  }
0x3e: {  	_ =	shalt  }
0x3f: {  	_ =	shalt  }
0x40: {  	_ =	shalt  }
0x41: {  	_ =	shalt  }
0x42: {  	_ =	shalt  }
0x43: {  	_ =	shalt  }
0x44: {  	_ =	shalt  }
0x45: {  	_ =	shalt  }
0x46: {  	_ =	shalt  }
0x47: {  	_ =	shalt  }
0x48: {  	_ =	shalt  }
0x49: {  	_ =	shalt  }
0x4a: {  	_ =	shalt  }
0x4b: {  	_ =	shalt  }
0x4c: {  	_ =	shalt  }
0x4d: {  	_ =	shalt  }
0x4e: {  	_ =	shalt  }
0x4f: {  	_ =	shalt  }
0x50: {  	_ =	shalt  }
0x51: {  	_ =	shalt  }
0x52: {  	_ =	shalt  }
0x53: {  	_ =	shalt  }
0x54: {  	_ =	shalt  }
0x55: {  	_ =	shalt  }
0x56: {  	_ =	shalt  }
0x57: {  	_ =	shalt  }
0x58: {  	_ =	shalt  }
0x59: {  	_ =	shalt  }
0x5a: {  	_ =	shalt  }
0x5b: {  	_ =	shalt  }
0x5c: {  	_ =	shalt  }
0x5d: {  	_ =	shalt  }
0x5e: {  	_ =	shalt  }
0x5f: {  	_ =	shalt  }
0x60: {  	_ =	shalt  }
0x61: {  	_ =	shalt  }
0x62: {  	_ =	shalt  }
0x63: {  	_ =	shalt  }
0x64: {  	_ =	shalt  }
0x65: {  	_ =	shalt  }
0x66: {  	_ =	shalt  }
0x67: {  	_ =	shalt  }
0x68: {  	_ =	shalt  }
0x69: {  	_ =	shalt  }
0x6a: {  	_ =	shalt  }
0x6b: {  	_ =	shalt  }
0x6c: {  	_ =	shalt  }
0x6d: {  	_ =	shalt  }
0x6e: {  	_ =	shalt  }
0x6f: {  	_ =	shalt  }
0x70: {  	_ =	shalt  }
0x71: {  	_ =	shalt  }
0x72: {  	_ =	shalt  }
0x73: {  	_ =	shalt  }
0x74: {  	_ =	shalt  }
0x75: {  	_ =	shalt  }
0x76: {  	_ =	shalt  }
0x77: {  	_ =	shalt  }
0x78: {  	_ =	shalt  }
0x79: {  	_ =	shalt  }
0x7a: {  	_ =	shalt  }
0x7b: {  	_ =	shalt  }
0x7c: {  	_ =	shalt  }
0x7d: {  	_ =	shalt  }
0x7e: {  	_ =	shalt  }
0x7f: {  	_ =	shalt  }
0x80: {  	_ =	shalt  }
0x81: {  	_ =	shalt  }
0x82: {  	_ =	shalt  }
0x83: {  	_ =	shalt  }
0x84: {  	_ =	shalt  }
0x85: {  	_ =	shalt  }
0x86: {  	_ =	shalt  }
0x87: {  	_ =	shalt  }
.Lfunc_end0:
.L_simem_size_0:
called_computation.2_lowered:
.L_overlay_start_0:
0x88: {  	s2 =	sld [smem:$0x3FD9]  }
0x89: {  	s3 =	sld [smem:$0x3FFE];
	_ =	sdelay $0x1  }
0x8a: {  	s1 =	srdreg.scid  }
0x8b: {  	s0 =	sand.u32 $0x1, s1  }
0x8c: {  	s17 =	sshll.u32 s0, $0xA;
	s2 =	sadd.s32 s3, s2  }
0x8d: {  	s2 =	sadd.s32 s2, s17  }
0x8e: {  	[smem:$0x3FB8] =	sst s2  }
0x8f: {  	_ = 	snop  }
0x90: {  	s2 =	sld [smem:$0x3FD0];
	(tm) =	ssettm $0x1  }
0x91: {  	s18 =	sld [smem:$0x3FFB];
	_ =	sdelay $0x3  }
0x92: {  	_ =	strace s18  }
0x93: {  	s3 =	sld [smem:$0x3FFC];
	_ =	sdelay $0x3  }
0x94: {  	_ =	strace s3  }
0x95: {  	s3 =	sld [smem:$0x3FFD];
	_ =	sdelay $0x3  }
0x96: {  	_ =	strace s3  }
0x97: {  	_ =	strace $0x8FFFFFFF  }
0x98: {  	s19 =	sld [smem:$0x3FDB];
	_ =	sdelay $0x1  }
0x99: {  	s4 =	simm.s32 $_scs_section_size  }
0x9a: {  	s5 =	simm.s32 $_size__tile_overlayer_lowered;
	s6 =	simm.s32 $_tile_overlayer_lowered  }
0x9b: {  	s22 =	simm.s32 $0x1BFF;
	s21 =	sshll.u32 s6, $0x1;
	s3 =	sadd.s32 s4, s19  }
0x9c: {  	s7 =	simm.s32 $0x0;
	s20 =	sshll.u32 s5, $0x1;
	s5 =	sadd.s32 s21, s3  }
0x9d: {  	[timem:s7], [sflag:s22] =	dma.local [hbm:s5], s20  }
0x9e: {  	_ =	swait.ge [sflag:s22], s20  }
0x9f: {  	s4 =	ssub.s32 $0x0, s20;
	[sflag:s22] =	ssyncset.done $0x0  }
0xa0: {  	[sflag:s22] =	ssyncadd.s32 s4;
	_ =	sdelay $0x1  }
0xa1: {  	s23 =	simm.s32 $0x1B8B  }
0xa2: {  	_ =	swait.ge [sflag:s23], $0x1  }
0xa3: {  	[sflag:s23] =	ssyncset.done $0x0  }
0xa4: {  	s25 =	simm.s32 $0x1B8E;
	s24 =	sld [smem:$0x3FFE];
	[sflag:s23] =	ssyncadd.s32 $0xFFFFFFFF  }
0xa5: {  	s26 =	simm.s32 $execute0_lowered;
	[smem:$0x3FD2] =	sst s25  }
0xa6: {  	s5 =	sshll.u32 s26, $0x1;
	_ =	strace $0x8000004C;
	[dreg:$0x1] =	wrdreg $0xFFFFFFFF  }
0xa7: {  	s28 =	simm.s32 $_size_execute0_lowered;
	s3 =	sadd.s32 s3, s5;
	[dreg:$0x0] =	wrdreg $0x0  }
0xa8: {  	s5 =	sshll.u32 s28, $0x1;
	[dreg:$0x2] =	wrdreg s3  }
0xa9: {  	[dreg:$0x3] =	wrdreg s5  }
0xaa: {  	[dreg:$0x4] =	wrdreg $0xC0  }
0xab: {  	_ =	task [dreg:s7], $0x5FFFF  }
0xac: {  	[dreg:$0x1] =	wrdreg $0xFFFFFFFF  }
0xad: {  	[dreg:$0x0] =	wrdreg $0x60  }
0xae: {  	[dreg:$0x2] =	wrdreg s24  }
0xaf: {  	[dreg:$0x3] =	wrdreg s2  }
0xb0: {  	[dreg:$0x4] =	wrdreg $0x0  }
0xb1: {  	[dreg:$0x5] =	wrdreg $0x9  }
0xb2: {  	_ =	task.clear_ibuf [dreg:s7], $0x6FFFF;
	_ =	strace $0x9000004C  }
0xb3: {  	s29 =	simm.s32 $0x9;
	_ =	strace $0x8000004E  }
0xb4: {  	_ =	swait.ge [sflag:s29], $0x1  }
0xb5: {  	[sflag:s29] =	ssyncadd.s32 $0xFFFFFFFF  }
0xb6: {  	_ =	strace $0x9000004E  }
0xb7: {  	_ =	sfence  }
0xb8: {  	s30 =	sld [smem:$0x0];
	_ =	sdelay $0x2  }
0xb9: {  	s31 =	sshll.u32 s1, $0xD;
	s1 =	sshrl.u32 s1, $0x2  }
0xba: {  	s3 =	sand.u32 $0x4000, s31;
	s1 =	sadd.s32 s1, s30  }
0xbb: {  	s0 =	sor.u32 s3, s0;
	s1 =	sshll.u32 s1, $0x11  }
0xbc: {  	s0 =	sor.u32 s1, s0  }
0xbd: {  	s0 =	sadd.s32 $0x8F2B, s0  }
0xbe: {  	[sflag:s0] =	ssyncadd.remote.s32 $0x1  }
0xbf: {  	_ =	sfence.sel $0xFFFF  }
0xc0: {  	[dreg:$0x0] =	wrdreg $0xFFFFFFFF;
	(pc) =	sbr.abs _section_cstart, $3  }
0xc1: {  	[dreg:$0x1] =	wrdreg $0xFFFFFFFF  }
0xc2: {  	_ =	task.clear_ibuf [dreg:s7], $0x2FFFF;
	_ =	strace $0x9FFFFFFF  }
0xc3: {  	(tm) =	ssettm $0x7FFFFFFF  }
tec
execute0_lowered:
.L_overlay_start_1:
0x0: {  	(tag) =	ssettag $0x1  }
0x1: {  	s0 =	rddreg [dreg:$0x0]  }
0x2: {  	s1 =	rddreg [dreg:$0x1]  }
0x3: {  	s2 =	rddreg [dreg:$0x2]  }
0x4: {  	s3 =	simm.s32 $0x0;
	s16 =	stileid.u32;
	s8 =	srdreg.scid  }
0x5: {  	s28 =	simm.s32 $0x80;
	s29 =	simm.s32 $0x160C0;
	s30 =	simm.s32 $0x1  }
0x6: {  	[smem:$0x7FF] =	sst s3;
	s14 =	sadd.s32 $0x30A00, s0;
	s15 =	sadd.s32 $0x2BA00, s0  }
0x7: {  	s4 =	sadd.s32 $0x35A00, s0;
	s5 =	sadd.s32 $0x4800, s0;
	s17 =	smul.u32 $0x2700, s16  }
0x8: {  	s6 =	sadd.s32 $0x38200, s0;
	s7 =	sadd.s32 $0x5F400, s0;
	s12 =	smul.u32 $0x4E000, s16  }
0x9: {  	s10 =	sand.u32 $0x1, s8;
	s31 =	sadd.s32 $0xAD800, s0;
	s19 =	smul.u32 $0x2800, s16  }
0xa: {  	s9 =	sadd.s32 $0xFBC00, s0;
	s20 =	smul.u32 $0x500, s16;
	s24 =	sadd.s32 $0xAD600, s0  }
0xb: {  	p1 =	sne.s32 s16, $0x0;
	p2 =	seq.s32 s16, $0x0;
	_ =	strace $0x8000004D  }
0xc: {  	s11 =	ssub.s32 $0x2, s10;
	p0 =	seq.s32 s10, $0x1;
	[dreg:$0x6] =	wrdreg s24  }
0xd: {  	[dreg:$0x4] =	wrdreg s31;
	s24 =	simm.s32 $0x2;
	s18 =	sadd.s32 s17, s0  }
0xe: {  	s13 =	sshrl.u32 s11, $0x1;
	s21 =	sshrl.u32 s19, $0x3;
	s8 =	sadd.s32 s31, s17  }
0xf: {  	s0 =	sadd.s32 $0xFBA00, s0;
	s26 =	sadd.s32 s9, s17;
	s31 =	sshll.u32 s16, $0x6  }
0x10: {  	s22 =	ssub.s32 s11, s13;
	s13 =	sshrl.u32 s12, $0x2;
	s11 =	sadd.s32 $0x138000, s2  }
0x11: {  	s19 =	sadd.s32 $0x280, s21;
	s12 =	sadd.s32 s14, s20;
	[dreg:$0x7] =	wrdreg s8  }
.Ltmp0:
0x12: {  	s23 =	sadd.s32 $0x86600, s18;
	[dreg:$0x9] =	wrdreg s0;
	(pc) =	sbr.rel .LBB2_1-.Ltmp0, $4  }
0x13: {  	s25 =	sadd.s32 $0xD4A00, s18;
	[dreg:$0xa] =	wrdreg s26;
	s26 =	simm.s32 $0x14CC0  }
0x14: {  	s10 =	sadd.s32 s13, s2;
	s13 =	sadd.s32 s15, s20;
	[dreg:$0x5] =	wrdreg s23  }
0x15: {  	s14 =	sadd.s32 s14, s19;
	s15 =	sadd.s32 s15, s19;
	[dreg:$0x8] =	wrdreg s25  }
0x16: {  	s22 =	smax.u32 s22, $0x1;
	s23 =	sor.u32 $0x1C02, s31;
	s25 =	simm.s32 $0x138C0  }
.LBB2_20:
0x17: {  	s0 =	sadd.s32 $0x27000, s0;
	s8 =	sshrl.u32 s11, $0x3  }
0x18: {  	[hbm:s0], [sflag:s23] =	dma.local [spmem:s8], $0x100  }
0x19: {  	_ =	swait.ge [sflag:s24], $0x100  }
0x1a: {  	[sflag:s24] =	ssyncset.done $0x0  }
0x1b: {  	[sflag:s24] =	ssyncadd.s32 $0xFFFFFF00  }
.LBB2_21:
0x1c: {  	s3 =	sadd.s32 $0x1, s3  }
0x1d: {  	p3 =	sne.s32 s3, s22  }
.Ltmp1:
0x1e: {  	_ = 	snop;
	(pc) =	sbr.rel @!p3 .LBB2_22-.Ltmp1, $1  }
0x1f: {  	_ =	sdelay $0x3  }
.LBB2_1:
.Ltmp2:
0x20: {  	s31 =	sshrl.u32 s10, $0x3;
	(pc) =	sbr.rel @!p0 .LBB2_2-.Ltmp2, $4  }
0x21: {  	[spmem:s31], [sflag:s23] =	dma.local [hbm:s4], $0x2700  }
0x22: {  	_ =	swait.ge [sflag:s24], $0x2700  }
0x23: {  	s0 =	sshrl.u32 @!p1 s11, $0x3;
	[sflag:s24] =	ssyncset.done $0x0  }
0x24: {  	s17 =	sshrl.u32 @p1 s10, $0x3;
	s16 =	sshrl.u32 @!p1 s10, $0x3;
	[sflag:s24] =	ssyncadd.s32 $0xFFFFD900  }
0x25: {  	[spmem:s0], [sflag:s23] =	dma.local @!p1 [hbm:s4], $0x180  }
0x26: {  	s8 =	simm.s32 @!p1 $0x2  }
0x27: {  	_ =	swait.ge @!p1 [sflag:s8], $0x180  }
0x28: {  	[sflag:s8] =	ssyncset.done @!p1 $0x0  }
0x29: {  	[sflag:s8] =	ssyncadd.s32 @!p1 $0xFFFFFE80  }
0x2a: {  	s19 =	simm.s32 $0x0;
	[bflag:$0x0] =	sbarrier.arrive $0xFFFF  }
0x2b: {  	[tilespmem:s25], [sflag:$0x2] =	stream.linear.gather [hbm4b:s12+s19], $0x1400, $0x38;
	[tilespmem:$0x1A0C0] =	vst v63  }
0x2c: {  	_ =	swait.ge [sflag:s24], $0x1400  }
0x2d: {  	[sflag:s24] =	ssyncset.done $0x0  }
0x2e: {  	[sflag:s24] =	ssyncadd.s32 $0xFFFFEC00  }
0x2f: {  	[tilespmem:s26], [sflag:$0x2] =	stream.linear.gather [hbm4b:s13+s19], $0x1400, $0x38;
	[tilespmem:$0x1A0C0] =	vst v63  }
0x30: {  	_ =	swait.ge [sflag:s24], $0x1400  }
0x31: {  	[sflag:s24] =	ssyncset.done $0x0  }
0x32: {  	s20 =	simm.s32 $0x138C0;
	[sflag:s24] =	ssyncadd.s32 $0xFFFFEC00  }
0x33: {  	[tilespmem:s29], [sflag:$0x1] =	stream.indirect.gather [hbm4b:s6+s28], $0x80, s20, s28, $0xb8;
	[tilespmem:$0x1A0C0] =	vst v63  }
0x34: {  	_ =	swait.ge [sflag:s30], $0x4000  }
0x35: {  	[sflag:s30] =	ssyncset.done $0x0  }
0x36: {  	s21 =	simm.s32 $0x14CC0;
	[sflag:s30] =	ssyncadd.s32 $0xFFFFC000  }
0x37: {  	[spmem:s2] =	stream.indirect.scatter.add.f32 [tilespmem:s29], [sflag:$0x2], $0x80, s21, s28, $0xb8;
	[tilespmem:$0x1A0C0] =	vst v63  }
0x38: {  	_ =	swait.ge [sflag:s24], $0x4000  }
0x39: {  	s18 =	simm.s32 $0x80;
	s19 =	simm.s32 $0x400;
	[sflag:s24] =	ssyncset.done $0x0  }
.LBB2_12:
0x3a: {  	s8 =	sadd.s32 $0x138C0, s18  }
0x3b: {  	[sflag:s24] =	ssyncadd.s32 $0xFFFFC000;
	s20 =	smov.u32 s19;
	s21 =	sadd.s32 $0x200, s19  }
0x3c: {  	[tilespmem:s29], [sflag:$0x1] =	stream.indirect.gather [hbm4b:s6+s28], $0x80, s8, s28, $0xb8;
	[tilespmem:$0x1A0C0] =	vst v63  }
0x3d: {  	p3 =	sne.s32 s19, $0x4E00;
	_ =	swait.ge [sflag:s30], $0x4000  }
.Ltmp3:
0x3e: {  	[sflag:s30] =	ssyncset.done $0x0;
	(pc) =	sbr.rel @p3 .LBB2_12-.Ltmp3, $4  }
0x3f: {  	s8 =	sadd.s32 $0x14CC0, s18;
	[sflag:s30] =	ssyncadd.s32 $0xFFFFC000  }
0x40: {  	[spmem:s2] =	stream.indirect.scatter.add.f32 [tilespmem:s29], [sflag:$0x2], $0x80, s8, s28, $0xb8;
	[tilespmem:$0x1A0C0] =	vst v63  }
0x41: {  	_ =	swait.ge [sflag:s24], $0x4000  }
0x42: {  	s18 =	sshra.s32 s20, $0x2;
	s19 =	smov.u32 s21;
	[sflag:s24] =	ssyncset.done $0x0  }
0x43: {  	s8 =	sadd.s32 $0x138C0, s18;
	[sflag:s24] =	ssyncadd.s32 $0xFFFFC000  }
0x44: {  	[tilespmem:s29], [sflag:$0x1] =	stream.indirect.gather [hbm4b:s6+s28], $0x80, s8, s28, $0xb8;
	[tilespmem:$0x1A0C0] =	vst v63  }
0x45: {  	_ =	swait.ge [sflag:s30], $0x4000  }
0x46: {  	[sflag:s30] =	ssyncset.done $0x0  }
0x47: {  	s18 =	sadd.s32 $0x14CC0, s18;
	[sflag:s30] =	ssyncadd.s32 $0xFFFFC000  }
0x48: {  	[spmem:s2] =	stream.indirect.scatter.add.f32 [tilespmem:s29], [sflag:$0x2], $0x80, s18, s28, $0xb8;
	[tilespmem:$0x1A0C0] =	vst v63  }
0x49: {  	_ =	swait.ge [sflag:s24], $0x4000  }
0x4a: {  	[sflag:s24] =	ssyncset.done $0x0  }
0x4b: {  	s19 =	simm.s32 $0x0;
	[sflag:s24] =	ssyncadd.s32 $0xFFFFC000  }
0x4c: {  	[tilespmem:s25], [sflag:$0x2] =	stream.linear.gather [hbm4b:s14+s19], $0x1400, $0x38;
	[tilespmem:$0x1A0C0] =	vst v63  }
0x4d: {  	_ =	swait.ge [sflag:s24], $0x1400  }
0x4e: {  	[sflag:s24] =	ssyncset.done $0x0  }
0x4f: {  	[sflag:s24] =	ssyncadd.s32 $0xFFFFEC00  }
0x50: {  	[tilespmem:s26], [sflag:$0x2] =	stream.linear.gather [hbm4b:s15+s19], $0x1400, $0x38;
	[tilespmem:$0x1A0C0] =	vst v63  }
0x51: {  	_ =	swait.ge [sflag:s24], $0x1400  }
0x52: {  	[sflag:s24] =	ssyncset.done $0x0  }
0x53: {  	s20 =	simm.s32 $0x138C0;
	[sflag:s24] =	ssyncadd.s32 $0xFFFFEC00  }
0x54: {  	[tilespmem:s29], [sflag:$0x1] =	stream.indirect.gather [hbm4b:s6+s28], $0x80, s20, s28, $0xb8;
	[tilespmem:$0x1A0C0] =	vst v63  }
0x55: {  	_ =	swait.ge [sflag:s30], $0x4000  }
0x56: {  	[sflag:s30] =	ssyncset.done $0x0  }
0x57: {  	s21 =	simm.s32 $0x14CC0;
	[sflag:s30] =	ssyncadd.s32 $0xFFFFC000  }
0x58: {  	[spmem:s2] =	stream.indirect.scatter.add.f32 [tilespmem:s29], [sflag:$0x2], $0x80, s21, s28, $0xb8;
	[tilespmem:$0x1A0C0] =	vst v63  }
0x59: {  	_ =	swait.ge [sflag:s24], $0x4000  }
0x5a: {  	s18 =	simm.s32 $0x80;
	s19 =	simm.s32 $0x400;
	[sflag:s24] =	ssyncset.done $0x0  }
.LBB2_14:
0x5b: {  	s8 =	sadd.s32 $0x138C0, s18  }
0x5c: {  	[sflag:s24] =	ssyncadd.s32 $0xFFFFC000;
	s20 =	smov.u32 s19;
	s21 =	sadd.s32 $0x200, s19  }
0x5d: {  	[tilespmem:s29], [sflag:$0x1] =	stream.indirect.gather [hbm4b:s6+s28], $0x80, s8, s28, $0xb8;
	[tilespmem:$0x1A0C0] =	vst v63  }
0x5e: {  	p3 =	sne.s32 s19, $0x4E00;
	_ =	swait.ge [sflag:s30], $0x4000  }
.Ltmp4:
0x5f: {  	[sflag:s30] =	ssyncset.done $0x0;
	(pc) =	sbr.rel @p3 .LBB2_14-.Ltmp4, $4  }
0x60: {  	s8 =	sadd.s32 $0x14CC0, s18;
	[sflag:s30] =	ssyncadd.s32 $0xFFFFC000  }
0x61: {  	[spmem:s2] =	stream.indirect.scatter.add.f32 [tilespmem:s29], [sflag:$0x2], $0x80, s8, s28, $0xb8;
	[tilespmem:$0x1A0C0] =	vst v63  }
0x62: {  	_ =	swait.ge [sflag:s24], $0x4000  }
0x63: {  	s18 =	sshra.s32 s20, $0x2;
	s19 =	smov.u32 s21;
	[sflag:s24] =	ssyncset.done $0x0  }
0x64: {  	s8 =	sadd.s32 $0x138C0, s18;
	[sflag:s24] =	ssyncadd.s32 $0xFFFFC000  }
0x65: {  	[tilespmem:s29], [sflag:$0x1] =	stream.indirect.gather [hbm4b:s6+s28], $0x80, s8, s28, $0xb8;
	[tilespmem:$0x1A0C0] =	vst v63  }
0x66: {  	_ =	swait.ge [sflag:s30], $0x4000  }
0x67: {  	[sflag:s30] =	ssyncset.done $0x0  }
0x68: {  	s21 =	sadd.s32 $0x14CC0, s18;
	[sflag:s30] =	ssyncadd.s32 $0xFFFFC000  }
0x69: {  	[spmem:s2] =	stream.indirect.scatter.add.f32 [tilespmem:s29], [sflag:$0x2], $0x80, s21, s28, $0xb8;
	[tilespmem:$0x1A0C0] =	vst v63  }
0x6a: {  	_ =	swait.ge [sflag:s24], $0x4000  }
0x6b: {  	[sflag:s24] =	ssyncset.done $0x0  }
0x6c: {  	[sflag:s24] =	ssyncadd.s32 $0xFFFFC000  }
0x6d: {  	[bflag:$0x0] =	sbarrier.arrive $0xFFFF  }
0x6e: {  	s18 =	rddreg [dreg:$0x8]  }
0x6f: {  	[hbm:s18], [sflag:s23] =	dma.local [spmem:s31], $0x2700  }
0x70: {  	_ =	swait.ge [sflag:s24], $0x2700  }
0x71: {  	[sflag:s24] =	ssyncset.done $0x0  }
0x72: {  	s8 =	simm.s32 @p1 $0x2;
	[sflag:s24] =	ssyncadd.s32 $0xFFFFD900  }
0x73: {  	[spmem:s17], [sflag:s23] =	dma.local @p1 [hbm:s4], $0x2700  }
0x74: {  	_ =	swait.ge @p1 [sflag:s8], $0x2700  }
0x75: {  	[sflag:s8] =	ssyncset.done @p1 $0x0  }
0x76: {  	[sflag:s8] =	ssyncadd.s32 @p1 $0xFFFFD900;
	s8 =	rddreg [dreg:$0x9]  }
0x77: {  	[hbm:s8], [sflag:s23] =	dma.local @!p1 [spmem:s0], $0x100  }
0x78: {  	s8 =	simm.s32 @!p1 $0x2  }
0x79: {  	_ =	swait.ge @!p1 [sflag:s8], $0x100  }
0x7a: {  	[sflag:s8] =	ssyncset.done @!p1 $0x0  }
0x7b: {  	[sflag:s8] =	ssyncadd.s32 @!p1 $0xFFFFFF00  }
0x7c: {  	[spmem:s16], [sflag:s23] =	dma.local @!p1 [hbm:s4], $0x2700  }
0x7d: {  	_ =	swait.ge @!p1 [sflag:s8], $0x2700  }
0x7e: {  	[sflag:s8] =	ssyncset.done @!p1 $0x0  }
0x7f: {  	[sflag:s8] =	ssyncadd.s32 @!p1 $0xFFFFD900  }
0x80: {  	[spmem:s0], [sflag:s23] =	dma.local @!p1 [hbm:s4], $0x180  }
0x81: {  	_ =	swait.ge @!p1 [sflag:s8], $0x180  }
0x82: {  	[sflag:s8] =	ssyncset.done @!p1 $0x0  }
0x83: {  	[sflag:s8] =	ssyncadd.s32 @!p1 $0xFFFFFE80  }
0x84: {  	s19 =	simm.s32 $0x0;
	[bflag:$0x0] =	sbarrier.arrive $0xFFFF  }
0x85: {  	[tilespmem:s25], [sflag:$0x2] =	stream.linear.gather [hbm4b:s12+s19], $0x1400, $0x38;
	[tilespmem:$0x1A0C0] =	vst v63  }
0x86: {  	_ =	swait.ge [sflag:s24], $0x1400  }
0x87: {  	[sflag:s24] =	ssyncset.done $0x0  }
0x88: {  	[sflag:s24] =	ssyncadd.s32 $0xFFFFEC00  }
0x89: {  	[tilespmem:s26], [sflag:$0x2] =	stream.linear.gather [hbm4b:s13+s19], $0x1400, $0x38;
	[tilespmem:$0x1A0C0] =	vst v63  }
0x8a: {  	_ =	swait.ge [sflag:s24], $0x1400  }
0x8b: {  	[sflag:s24] =	ssyncset.done $0x0  }
0x8c: {  	s20 =	simm.s32 $0x138C0;
	[sflag:s24] =	ssyncadd.s32 $0xFFFFEC00  }
0x8d: {  	[tilespmem:s29], [sflag:$0x1] =	stream.indirect.gather [hbm4b:s7+s28], $0x80, s20, s28, $0xb8;
	[tilespmem:$0x1A0C0] =	vst v63  }
0x8e: {  	_ =	swait.ge [sflag:s30], $0x4000  }
0x8f: {  	[sflag:s30] =	ssyncset.done $0x0  }
0x90: {  	s21 =	simm.s32 $0x14CC0;
	[sflag:s30] =	ssyncadd.s32 $0xFFFFC000  }
0x91: {  	[spmem:s2] =	stream.indirect.scatter.add.f32 [tilespmem:s29], [sflag:$0x2], $0x80, s21, s28, $0xb8;
	[tilespmem:$0x1A0C0] =	vst v63  }
0x92: {  	_ =	swait.ge [sflag:s24], $0x4000  }
0x93: {  	s16 =	simm.s32 $0x400;
	s0 =	simm.s32 $0x80;
	[sflag:s24] =	ssyncset.done $0x0  }
.LBB2_16:
0x94: {  	s8 =	sadd.s32 $0x138C0, s0  }
0x95: {  	[sflag:s24] =	ssyncadd.s32 $0xFFFFC000;
	s17 =	smov.u32 s16;
	s18 =	sadd.s32 $0x200, s16  }
0x96: {  	[tilespmem:s29], [sflag:$0x1] =	stream.indirect.gather [hbm4b:s7+s28], $0x80, s8, s28, $0xb8;
	[tilespmem:$0x1A0C0] =	vst v63  }
0x97: {  	p3 =	sne.s32 s16, $0x4E00;
	_ =	swait.ge [sflag:s30], $0x4000  }
.Ltmp5:
0x98: {  	[sflag:s30] =	ssyncset.done $0x0;
	(pc) =	sbr.rel @p3 .LBB2_16-.Ltmp5, $4  }
0x99: {  	s0 =	sadd.s32 $0x14CC0, s0;
	[sflag:s30] =	ssyncadd.s32 $0xFFFFC000  }
0x9a: {  	[spmem:s2] =	stream.indirect.scatter.add.f32 [tilespmem:s29], [sflag:$0x2], $0x80, s0, s28, $0xb8;
	[tilespmem:$0x1A0C0] =	vst v63  }
0x9b: {  	_ =	swait.ge [sflag:s24], $0x4000  }
0x9c: {  	s16 =	smov.u32 s18;
	s0 =	sshra.s32 s17, $0x2;
	[sflag:s24] =	ssyncset.done $0x0  }
0x9d: {  	s8 =	sadd.s32 $0x138C0, s0;
	[sflag:s24] =	ssyncadd.s32 $0xFFFFC000  }
0x9e: {  	[tilespmem:s29], [sflag:$0x1] =	stream.indirect.gather [hbm4b:s7+s28], $0x80, s8, s28, $0xb8;
	[tilespmem:$0x1A0C0] =	vst v63  }
0x9f: {  	_ =	swait.ge [sflag:s30], $0x4000  }
0xa0: {  	[sflag:s30] =	ssyncset.done $0x0  }
0xa1: {  	s18 =	sadd.s32 $0x14CC0, s0;
	[sflag:s30] =	ssyncadd.s32 $0xFFFFC000  }
0xa2: {  	[spmem:s2] =	stream.indirect.scatter.add.f32 [tilespmem:s29], [sflag:$0x2], $0x80, s18, s28, $0xb8;
	[tilespmem:$0x1A0C0] =	vst v63  }
0xa3: {  	_ =	swait.ge [sflag:s24], $0x4000  }
0xa4: {  	[sflag:s24] =	ssyncset.done $0x0  }
0xa5: {  	s19 =	simm.s32 $0x0;
	[sflag:s24] =	ssyncadd.s32 $0xFFFFC000  }
0xa6: {  	[tilespmem:s25], [sflag:$0x2] =	stream.linear.gather [hbm4b:s14+s19], $0x1400, $0x38;
	[tilespmem:$0x1A0C0] =	vst v63  }
0xa7: {  	_ =	swait.ge [sflag:s24], $0x1400  }
0xa8: {  	[sflag:s24] =	ssyncset.done $0x0  }
0xa9: {  	[sflag:s24] =	ssyncadd.s32 $0xFFFFEC00  }
0xaa: {  	[tilespmem:s26], [sflag:$0x2] =	stream.linear.gather [hbm4b:s15+s19], $0x1400, $0x38;
	[tilespmem:$0x1A0C0] =	vst v63  }
0xab: {  	_ =	swait.ge [sflag:s24], $0x1400  }
0xac: {  	[sflag:s24] =	ssyncset.done $0x0  }
0xad: {  	s20 =	simm.s32 $0x138C0;
	[sflag:s24] =	ssyncadd.s32 $0xFFFFEC00  }
0xae: {  	[tilespmem:s29], [sflag:$0x1] =	stream.indirect.gather [hbm4b:s7+s28], $0x80, s20, s28, $0xb8;
	[tilespmem:$0x1A0C0] =	vst v63  }
0xaf: {  	_ =	swait.ge [sflag:s30], $0x4000  }
0xb0: {  	[sflag:s30] =	ssyncset.done $0x0  }
0xb1: {  	s21 =	simm.s32 $0x14CC0;
	[sflag:s30] =	ssyncadd.s32 $0xFFFFC000  }
0xb2: {  	[spmem:s2] =	stream.indirect.scatter.add.f32 [tilespmem:s29], [sflag:$0x2], $0x80, s21, s28, $0xb8;
	[tilespmem:$0x1A0C0] =	vst v63  }
0xb3: {  	_ =	swait.ge [sflag:s24], $0x4000  }
0xb4: {  	s16 =	simm.s32 $0x400;
	s0 =	simm.s32 $0x80;
	[sflag:s24] =	ssyncset.done $0x0  }
.LBB2_18:
0xb5: {  	s8 =	sadd.s32 $0x138C0, s0  }
0xb6: {  	[sflag:s24] =	ssyncadd.s32 $0xFFFFC000;
	s17 =	smov.u32 s16;
	s18 =	sadd.s32 $0x200, s16  }
0xb7: {  	[tilespmem:s29], [sflag:$0x1] =	stream.indirect.gather [hbm4b:s7+s28], $0x80, s8, s28, $0xb8;
	[tilespmem:$0x1A0C0] =	vst v63  }
0xb8: {  	p3 =	sne.s32 s16, $0x4E00;
	_ =	swait.ge [sflag:s30], $0x4000  }
.Ltmp6:
0xb9: {  	[sflag:s30] =	ssyncset.done $0x0;
	(pc) =	sbr.rel @p3 .LBB2_18-.Ltmp6, $4  }
0xba: {  	s0 =	sadd.s32 $0x14CC0, s0;
	[sflag:s30] =	ssyncadd.s32 $0xFFFFC000  }
0xbb: {  	[spmem:s2] =	stream.indirect.scatter.add.f32 [tilespmem:s29], [sflag:$0x2], $0x80, s0, s28, $0xb8;
	[tilespmem:$0x1A0C0] =	vst v63  }
0xbc: {  	_ =	swait.ge [sflag:s24], $0x4000  }
0xbd: {  	s16 =	smov.u32 s18;
	s0 =	sshra.s32 s17, $0x2;
	[sflag:s24] =	ssyncset.done $0x0  }
0xbe: {  	s8 =	sadd.s32 $0x138C0, s0;
	[sflag:s24] =	ssyncadd.s32 $0xFFFFC000  }
0xbf: {  	[tilespmem:s29], [sflag:$0x1] =	stream.indirect.gather [hbm4b:s7+s28], $0x80, s8, s28, $0xb8;
	[tilespmem:$0x1A0C0] =	vst v63  }
0xc0: {  	_ =	swait.ge [sflag:s30], $0x4000  }
0xc1: {  	[sflag:s30] =	ssyncset.done $0x0  }
0xc2: {  	s20 =	sadd.s32 $0x14CC0, s0;
	[sflag:s30] =	ssyncadd.s32 $0xFFFFC000  }
0xc3: {  	[spmem:s2] =	stream.indirect.scatter.add.f32 [tilespmem:s29], [sflag:$0x2], $0x80, s20, s28, $0xb8;
	[tilespmem:$0x1A0C0] =	vst v63  }
0xc4: {  	_ =	swait.ge [sflag:s24], $0x4000  }
0xc5: {  	[sflag:s24] =	ssyncset.done $0x0  }
0xc6: {  	[sflag:s24] =	ssyncadd.s32 $0xFFFFC000  }
0xc7: {  	[bflag:$0x0] =	sbarrier.arrive $0xFFFF  }
0xc8: {  	s21 =	rddreg [dreg:$0xa]  }
0xc9: {  	[hbm:s21], [sflag:s23] =	dma.local [spmem:s31], $0x2700  }
.Ltmp7:
0xca: {  	_ = 	snop;
	(pc) =	sbr.rel @p1 .LBB2_21-.Ltmp7, $4  }
.Ltmp8:
0xcb: {  	_ = 	snop;
	(pc) =	sbr.rel @!p1 .LBB2_20-.Ltmp8, $4  }
0xcc: {  	_ =	swait.ge [sflag:s24], $0x2700  }
0xcd: {  	[sflag:s24] =	ssyncset.done $0x0  }
0xce: {  	s0 =	smov.u32 s9;
	[sflag:s24] =	ssyncadd.s32 $0xFFFFD900  }
0xcf: {  	_ = 	snop  }
.LBB2_2:
0xd0: {  	[spmem:s0], [sflag:s23] =	dma.local @!p1 [hbm:s4], $0x180  }
0xd1: {  	s18 =	simm.s32 @!p1 $0x2  }
0xd2: {  	_ =	swait.ge @!p1 [sflag:s18], $0x180  }
0xd3: {  	[sflag:s18] =	ssyncset.done @!p1 $0x0  }
0xd4: {  	[sflag:s18] =	ssyncadd.s32 @!p1 $0xFFFFFE80  }
0xd5: {  	s19 =	simm.s32 $0x0;
	[bflag:$0x0] =	sbarrier.arrive $0xFFFF  }
0xd6: {  	[tilespmem:s25], [sflag:$0x2] =	stream.linear.gather [hbm4b:s12+s19], $0x1400, $0x38;
	[tilespmem:$0x1A0C0] =	vst v63  }
0xd7: {  	_ =	swait.ge [sflag:s24], $0x1400  }
0xd8: {  	[sflag:s24] =	ssyncset.done $0x0  }
0xd9: {  	[sflag:s24] =	ssyncadd.s32 $0xFFFFEC00  }
0xda: {  	[tilespmem:s26], [sflag:$0x2] =	stream.linear.gather [hbm4b:s13+s19], $0x1400, $0x38;
	[tilespmem:$0x1A0C0] =	vst v63  }
0xdb: {  	_ =	swait.ge [sflag:s24], $0x1400  }
0xdc: {  	[sflag:s24] =	ssyncset.done $0x0  }
0xdd: {  	s20 =	simm.s32 $0x138C0;
	[sflag:s24] =	ssyncadd.s32 $0xFFFFEC00  }
0xde: {  	[tilespmem:s29], [sflag:$0x1] =	stream.indirect.gather [hbm4b:s1+s28], $0x80, s20, s28, $0xb8;
	[tilespmem:$0x1A0C0] =	vst v63  }
0xdf: {  	_ =	swait.ge [sflag:s30], $0x4000  }
0xe0: {  	[sflag:s30] =	ssyncset.done $0x0  }
0xe1: {  	s21 =	simm.s32 $0x14CC0;
	[sflag:s30] =	ssyncadd.s32 $0xFFFFC000  }
0xe2: {  	[spmem:s2] =	stream.indirect.scatter.add.f32 [tilespmem:s29], [sflag:$0x2], $0x80, s21, s28, $0xb8;
	[tilespmem:$0x1A0C0] =	vst v63  }
0xe3: {  	_ =	swait.ge [sflag:s24], $0x4000  }
0xe4: {  	s18 =	simm.s32 $0x80;
	s19 =	simm.s32 $0x400;
	[sflag:s24] =	ssyncset.done $0x0  }
.LBB2_3:
0xe5: {  	s20 =	sadd.s32 $0x138C0, s18  }
0xe6: {  	[sflag:s24] =	ssyncadd.s32 $0xFFFFC000;
	s21 =	smov.u32 s19;
	s8 =	sadd.s32 $0x200, s19  }
0xe7: {  	[tilespmem:s29], [sflag:$0x1] =	stream.indirect.gather [hbm4b:s1+s28], $0x80, s20, s28, $0xb8;
	[tilespmem:$0x1A0C0] =	vst v63  }
0xe8: {  	p3 =	sne.s32 s19, $0x4E00;
	_ =	swait.ge [sflag:s30], $0x4000  }
.Ltmp9:
0xe9: {  	[sflag:s30] =	ssyncset.done $0x0;
	(pc) =	sbr.rel @p3 .LBB2_3-.Ltmp9, $4  }
0xea: {  	s18 =	sadd.s32 $0x14CC0, s18;
	[sflag:s30] =	ssyncadd.s32 $0xFFFFC000  }
0xeb: {  	[spmem:s2] =	stream.indirect.scatter.add.f32 [tilespmem:s29], [sflag:$0x2], $0x80, s18, s28, $0xb8;
	[tilespmem:$0x1A0C0] =	vst v63  }
0xec: {  	_ =	swait.ge [sflag:s24], $0x4000  }
0xed: {  	s19 =	smov.u32 s8;
	s18 =	sshra.s32 s21, $0x2;
	[sflag:s24] =	ssyncset.done $0x0  }
0xee: {  	s8 =	sadd.s32 $0x138C0, s18;
	[sflag:s24] =	ssyncadd.s32 $0xFFFFC000  }
0xef: {  	[tilespmem:s29], [sflag:$0x1] =	stream.indirect.gather [hbm4b:s1+s28], $0x80, s8, s28, $0xb8;
	[tilespmem:$0x1A0C0] =	vst v63  }
0xf0: {  	_ =	swait.ge [sflag:s30], $0x4000  }
0xf1: {  	[sflag:s30] =	ssyncset.done $0x0  }
0xf2: {  	s18 =	sadd.s32 $0x14CC0, s18;
	[sflag:s30] =	ssyncadd.s32 $0xFFFFC000  }
0xf3: {  	[spmem:s2] =	stream.indirect.scatter.add.f32 [tilespmem:s29], [sflag:$0x2], $0x80, s18, s28, $0xb8;
	[tilespmem:$0x1A0C0] =	vst v63  }
0xf4: {  	_ =	swait.ge [sflag:s24], $0x4000  }
0xf5: {  	[sflag:s24] =	ssyncset.done $0x0  }
0xf6: {  	s19 =	simm.s32 $0x0;
	[sflag:s24] =	ssyncadd.s32 $0xFFFFC000  }
0xf7: {  	[tilespmem:s25], [sflag:$0x2] =	stream.linear.gather [hbm4b:s14+s19], $0x1400, $0x38;
	[tilespmem:$0x1A0C0] =	vst v63  }
0xf8: {  	_ =	swait.ge [sflag:s24], $0x1400  }
0xf9: {  	[sflag:s24] =	ssyncset.done $0x0  }
0xfa: {  	[sflag:s24] =	ssyncadd.s32 $0xFFFFEC00  }
0xfb: {  	[tilespmem:s26], [sflag:$0x2] =	stream.linear.gather [hbm4b:s15+s19], $0x1400, $0x38;
	[tilespmem:$0x1A0C0] =	vst v63  }
0xfc: {  	_ =	swait.ge [sflag:s24], $0x1400  }
0xfd: {  	[sflag:s24] =	ssyncset.done $0x0  }
0xfe: {  	s20 =	simm.s32 $0x138C0;
	[sflag:s24] =	ssyncadd.s32 $0xFFFFEC00  }
0xff: {  	[tilespmem:s29], [sflag:$0x1] =	stream.indirect.gather [hbm4b:s1+s28], $0x80, s20, s28, $0xb8;
	[tilespmem:$0x1A0C0] =	vst v63  }
0x100: {  	_ =	swait.ge [sflag:s30], $0x4000  }
0x101: {  	[sflag:s30] =	ssyncset.done $0x0  }
0x102: {  	s21 =	simm.s32 $0x14CC0;
	[sflag:s30] =	ssyncadd.s32 $0xFFFFC000  }
0x103: {  	[spmem:s2] =	stream.indirect.scatter.add.f32 [tilespmem:s29], [sflag:$0x2], $0x80, s21, s28, $0xb8;
	[tilespmem:$0x1A0C0] =	vst v63  }
0x104: {  	_ =	swait.ge [sflag:s24], $0x4000  }
0x105: {  	s18 =	simm.s32 $0x80;
	s19 =	simm.s32 $0x400;
	[sflag:s24] =	ssyncset.done $0x0  }
.LBB2_5:
0x106: {  	s8 =	sadd.s32 $0x138C0, s18  }
0x107: {  	[sflag:s24] =	ssyncadd.s32 $0xFFFFC000;
	s20 =	smov.u32 s19;
	s21 =	sadd.s32 $0x200, s19  }
0x108: {  	[tilespmem:s29], [sflag:$0x1] =	stream.indirect.gather [hbm4b:s1+s28], $0x80, s8, s28, $0xb8;
	[tilespmem:$0x1A0C0] =	vst v63  }
0x109: {  	p3 =	sne.s32 s19, $0x4E00;
	_ =	swait.ge [sflag:s30], $0x4000  }
.Ltmp10:
0x10a: {  	[sflag:s30] =	ssyncset.done $0x0;
	(pc) =	sbr.rel @p3 .LBB2_5-.Ltmp10, $4  }
0x10b: {  	s8 =	sadd.s32 $0x14CC0, s18;
	[sflag:s30] =	ssyncadd.s32 $0xFFFFC000  }
0x10c: {  	[spmem:s2] =	stream.indirect.scatter.add.f32 [tilespmem:s29], [sflag:$0x2], $0x80, s8, s28, $0xb8;
	[tilespmem:$0x1A0C0] =	vst v63  }
0x10d: {  	_ =	swait.ge [sflag:s24], $0x4000  }
0x10e: {  	s18 =	sshra.s32 s20, $0x2;
	s19 =	smov.u32 s21;
	[sflag:s24] =	ssyncset.done $0x0  }
0x10f: {  	s8 =	sadd.s32 $0x138C0, s18;
	[sflag:s24] =	ssyncadd.s32 $0xFFFFC000  }
0x110: {  	[tilespmem:s29], [sflag:$0x1] =	stream.indirect.gather [hbm4b:s1+s28], $0x80, s8, s28, $0xb8;
	[tilespmem:$0x1A0C0] =	vst v63  }
0x111: {  	_ =	swait.ge [sflag:s30], $0x4000  }
0x112: {  	[sflag:s30] =	ssyncset.done $0x0  }
0x113: {  	s21 =	sadd.s32 $0x14CC0, s18;
	[sflag:s30] =	ssyncadd.s32 $0xFFFFC000  }
0x114: {  	[spmem:s2] =	stream.indirect.scatter.add.f32 [tilespmem:s29], [sflag:$0x2], $0x80, s21, s28, $0xb8;
	[tilespmem:$0x1A0C0] =	vst v63  }
0x115: {  	_ =	swait.ge [sflag:s24], $0x4000  }
0x116: {  	[sflag:s24] =	ssyncset.done $0x0  }
0x117: {  	[sflag:s24] =	ssyncadd.s32 $0xFFFFC000  }
0x118: {  	[bflag:$0x0] =	sbarrier.arrive $0xFFFF  }
0x119: {  	s18 =	rddreg [dreg:$0x5]  }
0x11a: {  	[hbm:s18], [sflag:s23] =	dma.local [spmem:s31], $0x2700  }
0x11b: {  	_ =	swait.ge [sflag:s24], $0x2700  }
0x11c: {  	[sflag:s24] =	ssyncset.done $0x0  }
0x11d: {  	s8 =	simm.s32 @p1 $0x2;
	[sflag:s24] =	ssyncadd.s32 $0xFFFFD900  }
0x11e: {  	[spmem:s17], [sflag:s23] =	dma.local @p1 [hbm:s4], $0x2700  }
0x11f: {  	_ =	swait.ge @p1 [sflag:s8], $0x2700  }
0x120: {  	[sflag:s8] =	ssyncset.done @p1 $0x0  }
0x121: {  	[sflag:s8] =	ssyncadd.s32 @p1 $0xFFFFD900;
	s8 =	rddreg [dreg:$0x6]  }
0x122: {  	[hbm:s8], [sflag:s23] =	dma.local @!p1 [spmem:s0], $0x100  }
0x123: {  	s8 =	simm.s32 @!p1 $0x2  }
0x124: {  	_ =	swait.ge @!p1 [sflag:s8], $0x100  }
0x125: {  	[sflag:s8] =	ssyncset.done @!p1 $0x0  }
0x126: {  	[sflag:s8] =	ssyncadd.s32 @!p1 $0xFFFFFF00  }
0x127: {  	[spmem:s16], [sflag:s23] =	dma.local @!p1 [hbm:s4], $0x2700  }
0x128: {  	_ =	swait.ge @!p1 [sflag:s8], $0x2700  }
0x129: {  	[sflag:s8] =	ssyncset.done @!p1 $0x0  }
0x12a: {  	[sflag:s8] =	ssyncadd.s32 @!p1 $0xFFFFD900  }
0x12b: {  	[spmem:s0], [sflag:s23] =	dma.local @!p1 [hbm:s4], $0x180  }
0x12c: {  	_ =	swait.ge @!p1 [sflag:s8], $0x180  }
0x12d: {  	[sflag:s8] =	ssyncset.done @!p1 $0x0  }
0x12e: {  	[sflag:s8] =	ssyncadd.s32 @!p1 $0xFFFFFE80  }
0x12f: {  	s19 =	simm.s32 $0x0;
	[bflag:$0x0] =	sbarrier.arrive $0xFFFF  }
0x130: {  	[tilespmem:s25], [sflag:$0x2] =	stream.linear.gather [hbm4b:s12+s19], $0x1400, $0x38;
	[tilespmem:$0x1A0C0] =	vst v63  }
0x131: {  	_ =	swait.ge [sflag:s24], $0x1400  }
0x132: {  	[sflag:s24] =	ssyncset.done $0x0  }
0x133: {  	[sflag:s24] =	ssyncadd.s32 $0xFFFFEC00  }
0x134: {  	[tilespmem:s26], [sflag:$0x2] =	stream.linear.gather [hbm4b:s13+s19], $0x1400, $0x38;
	[tilespmem:$0x1A0C0] =	vst v63  }
0x135: {  	_ =	swait.ge [sflag:s24], $0x1400  }
0x136: {  	[sflag:s24] =	ssyncset.done $0x0  }
0x137: {  	s20 =	simm.s32 $0x138C0;
	[sflag:s24] =	ssyncadd.s32 $0xFFFFEC00  }
0x138: {  	[tilespmem:s29], [sflag:$0x1] =	stream.indirect.gather [hbm4b:s5+s28], $0x80, s20, s28, $0xb8;
	[tilespmem:$0x1A0C0] =	vst v63  }
0x139: {  	_ =	swait.ge [sflag:s30], $0x4000  }
0x13a: {  	[sflag:s30] =	ssyncset.done $0x0  }
0x13b: {  	s21 =	simm.s32 $0x14CC0;
	[sflag:s30] =	ssyncadd.s32 $0xFFFFC000  }
0x13c: {  	[spmem:s2] =	stream.indirect.scatter.add.f32 [tilespmem:s29], [sflag:$0x2], $0x80, s21, s28, $0xb8;
	[tilespmem:$0x1A0C0] =	vst v63  }
0x13d: {  	_ =	swait.ge [sflag:s24], $0x4000  }
0x13e: {  	s16 =	simm.s32 $0x400;
	s0 =	simm.s32 $0x80;
	[sflag:s24] =	ssyncset.done $0x0  }
.LBB2_7:
0x13f: {  	s8 =	sadd.s32 $0x138C0, s0  }
0x140: {  	[sflag:s24] =	ssyncadd.s32 $0xFFFFC000;
	s17 =	smov.u32 s16;
	s18 =	sadd.s32 $0x200, s16  }
0x141: {  	[tilespmem:s29], [sflag:$0x1] =	stream.indirect.gather [hbm4b:s5+s28], $0x80, s8, s28, $0xb8;
	[tilespmem:$0x1A0C0] =	vst v63  }
0x142: {  	p3 =	sne.s32 s16, $0x4E00;
	_ =	swait.ge [sflag:s30], $0x4000  }
.Ltmp11:
0x143: {  	[sflag:s30] =	ssyncset.done $0x0;
	(pc) =	sbr.rel @p3 .LBB2_7-.Ltmp11, $4  }
0x144: {  	s0 =	sadd.s32 $0x14CC0, s0;
	[sflag:s30] =	ssyncadd.s32 $0xFFFFC000  }
0x145: {  	[spmem:s2] =	stream.indirect.scatter.add.f32 [tilespmem:s29], [sflag:$0x2], $0x80, s0, s28, $0xb8;
	[tilespmem:$0x1A0C0] =	vst v63  }
0x146: {  	_ =	swait.ge [sflag:s24], $0x4000  }
0x147: {  	s16 =	smov.u32 s18;
	s0 =	sshra.s32 s17, $0x2;
	[sflag:s24] =	ssyncset.done $0x0  }
0x148: {  	s8 =	sadd.s32 $0x138C0, s0;
	[sflag:s24] =	ssyncadd.s32 $0xFFFFC000  }
0x149: {  	[tilespmem:s29], [sflag:$0x1] =	stream.indirect.gather [hbm4b:s5+s28], $0x80, s8, s28, $0xb8;
	[tilespmem:$0x1A0C0] =	vst v63  }
0x14a: {  	_ =	swait.ge [sflag:s30], $0x4000  }
0x14b: {  	[sflag:s30] =	ssyncset.done $0x0  }
0x14c: {  	s18 =	sadd.s32 $0x14CC0, s0;
	[sflag:s30] =	ssyncadd.s32 $0xFFFFC000  }
0x14d: {  	[spmem:s2] =	stream.indirect.scatter.add.f32 [tilespmem:s29], [sflag:$0x2], $0x80, s18, s28, $0xb8;
	[tilespmem:$0x1A0C0] =	vst v63  }
0x14e: {  	_ =	swait.ge [sflag:s24], $0x4000  }
0x14f: {  	[sflag:s24] =	ssyncset.done $0x0  }
0x150: {  	s19 =	simm.s32 $0x0;
	[sflag:s24] =	ssyncadd.s32 $0xFFFFC000  }
0x151: {  	[tilespmem:s25], [sflag:$0x2] =	stream.linear.gather [hbm4b:s14+s19], $0x1400, $0x38;
	[tilespmem:$0x1A0C0] =	vst v63  }
0x152: {  	_ =	swait.ge [sflag:s24], $0x1400  }
0x153: {  	[sflag:s24] =	ssyncset.done $0x0  }
0x154: {  	[sflag:s24] =	ssyncadd.s32 $0xFFFFEC00  }
0x155: {  	[tilespmem:s26], [sflag:$0x2] =	stream.linear.gather [hbm4b:s15+s19], $0x1400, $0x38;
	[tilespmem:$0x1A0C0] =	vst v63  }
0x156: {  	_ =	swait.ge [sflag:s24], $0x1400  }
0x157: {  	[sflag:s24] =	ssyncset.done $0x0  }
0x158: {  	s20 =	simm.s32 $0x138C0;
	[sflag:s24] =	ssyncadd.s32 $0xFFFFEC00  }
0x159: {  	[tilespmem:s29], [sflag:$0x1] =	stream.indirect.gather [hbm4b:s5+s28], $0x80, s20, s28, $0xb8;
	[tilespmem:$0x1A0C0] =	vst v63  }
0x15a: {  	_ =	swait.ge [sflag:s30], $0x4000  }
0x15b: {  	[sflag:s30] =	ssyncset.done $0x0  }
0x15c: {  	s21 =	simm.s32 $0x14CC0;
	[sflag:s30] =	ssyncadd.s32 $0xFFFFC000  }
0x15d: {  	[spmem:s2] =	stream.indirect.scatter.add.f32 [tilespmem:s29], [sflag:$0x2], $0x80, s21, s28, $0xb8;
	[tilespmem:$0x1A0C0] =	vst v63  }
0x15e: {  	_ =	swait.ge [sflag:s24], $0x4000  }
0x15f: {  	s16 =	simm.s32 $0x400;
	s0 =	simm.s32 $0x80;
	[sflag:s24] =	ssyncset.done $0x0  }
.LBB2_9:
0x160: {  	s8 =	sadd.s32 $0x138C0, s0  }
0x161: {  	[sflag:s24] =	ssyncadd.s32 $0xFFFFC000;
	s17 =	smov.u32 s16;
	s18 =	sadd.s32 $0x200, s16  }
0x162: {  	[tilespmem:s29], [sflag:$0x1] =	stream.indirect.gather [hbm4b:s5+s28], $0x80, s8, s28, $0xb8;
	[tilespmem:$0x1A0C0] =	vst v63  }
0x163: {  	p3 =	sne.s32 s16, $0x4E00;
	_ =	swait.ge [sflag:s30], $0x4000  }
.Ltmp12:
0x164: {  	[sflag:s30] =	ssyncset.done $0x0;
	(pc) =	sbr.rel @p3 .LBB2_9-.Ltmp12, $4  }
0x165: {  	s0 =	sadd.s32 $0x14CC0, s0;
	[sflag:s30] =	ssyncadd.s32 $0xFFFFC000  }
0x166: {  	[spmem:s2] =	stream.indirect.scatter.add.f32 [tilespmem:s29], [sflag:$0x2], $0x80, s0, s28, $0xb8;
	[tilespmem:$0x1A0C0] =	vst v63  }
0x167: {  	_ =	swait.ge [sflag:s24], $0x4000  }
0x168: {  	s16 =	smov.u32 s18;
	s0 =	sshra.s32 s17, $0x2;
	[sflag:s24] =	ssyncset.done $0x0  }
0x169: {  	s8 =	sadd.s32 $0x138C0, s0;
	[sflag:s24] =	ssyncadd.s32 $0xFFFFC000  }
0x16a: {  	[tilespmem:s29], [sflag:$0x1] =	stream.indirect.gather [hbm4b:s5+s28], $0x80, s8, s28, $0xb8;
	[tilespmem:$0x1A0C0] =	vst v63  }
0x16b: {  	_ =	swait.ge [sflag:s30], $0x4000  }
0x16c: {  	[sflag:s30] =	ssyncset.done $0x0  }
0x16d: {  	s20 =	sadd.s32 $0x14CC0, s0;
	[sflag:s30] =	ssyncadd.s32 $0xFFFFC000  }
0x16e: {  	[spmem:s2] =	stream.indirect.scatter.add.f32 [tilespmem:s29], [sflag:$0x2], $0x80, s20, s28, $0xb8;
	[tilespmem:$0x1A0C0] =	vst v63  }
0x16f: {  	_ =	swait.ge [sflag:s24], $0x4000  }
0x170: {  	[sflag:s24] =	ssyncset.done $0x0  }
0x171: {  	[sflag:s24] =	ssyncadd.s32 $0xFFFFC000  }
0x172: {  	[bflag:$0x0] =	sbarrier.arrive $0xFFFF  }
0x173: {  	s21 =	rddreg [dreg:$0x7]  }
0x174: {  	[hbm:s21], [sflag:s23] =	dma.local [spmem:s31], $0x2700  }
.Ltmp13:
0x175: {  	_ = 	snop;
	(pc) =	sbr.rel @!p2 .LBB2_21-.Ltmp13, $4  }
.Ltmp14:
0x176: {  	_ = 	snop;
	(pc) =	sbr.rel @p2 .LBB2_20-.Ltmp14, $4  }
0x177: {  	_ =	swait.ge [sflag:s24], $0x2700  }
0x178: {  	[sflag:s24] =	ssyncset.done $0x0  }
0x179: {  	s0 =	rddreg [dreg:$0x4];
	[sflag:s24] =	ssyncadd.s32 $0xFFFFD900  }
0x17a: {  	_ = 	snop  }
.LBB2_22:
0x17b: {  	_ =	sfence.sel $0x180000  }
0x17c: {  	[bflag:$0x0] =	sbarrier.arrive $0xFFFF  }
0x17d: {  	_ =	strace $0x9000004D  }
0x17e: {  	[bflag:$0x2] =	sbarrier.arrive $0xFFFF  }
0x17f: {  	s0 =	rddreg [dreg:$0x3]  }
0x180: {  	s0 =	sadd.s32 @!p1 $0x100000, s0  }
0x181: {  	[sflag:s0] =	ssyncadd.tile.s32 @!p1 $0x1;
	_ =	shalt  }
.Lfunc_end2:
_tile_overlayer_lowered:
.L_overlay_start_2:
0x182: {  	(tag) =	ssettag $0x2  }
0x183: {  	s0 =	rddreg [dreg:$0x0];
	s2 =	stileid.u32  }
0x184: {  	s1 =	rddreg [dreg:$0x1];
	p0 =	sne.s32 s2, $0x0  }
0x185: {  	s3 =	rddreg [dreg:$0x2];
	[bflag:$0x3] =	sbarrier.arrive $0xFFFF;
	s2 =	simm.s32 @!p0 $0x1C02  }
0x186: {  	[timem:s3], [sflag:s2] =	dma.local @!p0 [hbm:s0], s1  }
0x187: {  	s0 =	simm.s32 @!p0 $0x2  }
0x188: {  	_ =	swait.ge @!p0 [sflag:s0], s1  }
0x189: {  	s1 =	ssub.s32 @!p0 $0x0, s1;
	[sflag:s0] =	ssyncset.done @!p0 $0x0  }
0x18a: {  	[sflag:s0] =	ssyncadd.s32 @!p0 s1  }
0x18b: {  	[bflag:$0x3] =	sbarrier.arrive $0xFFFF  }
0x18c: {  	_ =	shalt  }

// kernel: kernel.8.cloned.1.call-start
scs
__scs_entry_jumppad:
0x0: {  	(pc) =	sbr.rel $0x88, $3  }
0x1: {  	(tag) =	ssettag $0x0;
	lr =	simm.s32 $0x1  }
0x2: {  	[smem:$0x3F91] =	sst lr;
	_ =	strace $0xD0000000  }
0x3: {  	_ = 	snop  }
0x4: {  	_ = 	snop  }
0x5: {  	_ = 	snop  }
0x6: {  	_ = 	snop  }
0x7: {  	_ = 	snop  }
__scs_overlays_trampoline_lowered:
0x8: {  	[smem:$0x3FA0] =	sst s0  }
0x9: {  	[smem:$0x3FA1] =	sst s1  }
0xa: {  	[smem:$0x3FA2] =	sst s2  }
0xb: {  	[smem:$0x3FA3] =	sst s3  }
0xc: {  	[smem:$0x3FA4] =	sst s4  }
0xd: {  	[smem:$0x3FA5] =	sst s5  }
0xe: {  	[smem:$0x3FA6] =	sst s6  }
0xf: {  	[smem:$0x3FA7] =	sst s7  }
0x10: {  	[smem:$0x3FA8] =	sst s8  }
0x11: {  	[smem:$0x3FA9] =	sst s9;
	s0 =	simm.s32 @!p0 $0x0  }
0x12: {  	s1 =	sld [smem:$0x3F8F];
	s0 =	simm.s32 @p0 $0x1  }
0x13: {  	[smem:$0x3FAA] =	sst s0;
	s0 =	simm.s32 @!p1 $0x0  }
0x14: {  	s2 =	sld [smem:$0x3F8E];
	s0 =	simm.s32 @p1 $0x1  }
0x15: {  	[smem:$0x3FAB] =	sst s0;
	s0 =	simm.s32 @!p2 $0x0  }
0x16: {  	s3 =	sld [smem:$0x3FDB];
	s0 =	simm.s32 @p2 $0x1  }
0x17: {  	s4 =	simm.s32 $0x1BF5;
	[smem:$0x3FAD] =	sst s0  }
0x18: {  	s0 =	sld [smem:$0x3F90];
	_ =	swait.ge [sflag:s4], $0x0  }
0x19: {  	s7 =	sld [smem:$0x3F91]  }
0x1a: {  	s8 =	sadd.s32 $0xFFFFE003, lr  }
0x1b: {  	s9 =	sadd.s32 $0xFFFFFEF7, lr;
	s5 =	simm.s32 $0xFFFFFFFF;
	p2 =	slt.u32 s8, $0xFFFFF086  }
0x1c: {  	p1 =	slt.u32 s9, $0xF7A;
	s5 =	simm.s32 @!p2 $0x0  }
0x1d: {  	s5 =	simm.s32 @p1 $0x1;
	p0 =	seq.s32 s7, s2  }
0x1e: {  	s7 =	smul.u32 @!p0 $0xF7A, s2;
	p2 =	seq.s32 @!p0 s5, $0x0  }
0x1f: {  	s9 =	smul.u32 $0xF7A, s1;
	s8 =	simm.s32 @!p0 $0x1BF5;
	p2 =	por !p2, p0  }
0x20: {  	[sflag:s8] =	ssyncset.s32 @!p0 $0xFFFFF086;
	s6 =	sadd.s32 @!p0 s3, s7;
	s7 =	simm.s32 @!p0 $0x108  }
0x21: {  	s3 =	sadd.s32 s3, s9;
	s6 =	sadd.s32 @!p0 $0x88, s6;
	s7 =	simm.s32 @p2 $0x1082  }
0x22: {  	[simem:s7], [sflag:s8] =	dma.local @!p0 [hbm:s6], $0xF7A  }
0x23: {  	s9 =	sor.u32 $0xD0000000, s2;
	s6 =	simm.s32 $0x108;
	_ =	swait.ge @!p0 [sflag:s8], $0x0  }
0x24: {  	s3 =	sadd.s32 $0x88, s3;
	s6 =	simm.s32 @!p1 $0x1082;
	[sflag:s4] =	ssyncset.s32 $0xFFFFF086  }
0x25: {  	[simem:s6], [sflag:s4] =	dma.local [hbm:s3], $0xF7A  }
0x26: {  	[smem:$0x3F91] =	sst s1;
	(tag) =	ssettag s2;
	_ =	strace s9  }
0x27: {  	s1 =	sld [smem:$0x3FA1]  }
0x28: {  	s2 =	sld [smem:$0x3FA2]  }
0x29: {  	s4 =	sld [smem:$0x3FA4]  }
0x2a: {  	p0 =	seq.s32 s5, $0x0;
	s5 =	sld [smem:$0x3FA5]  }
0x2b: {  	s6 =	sld [smem:$0x3FA6]  }
0x2c: {  	s7 =	sld [smem:$0x3FA7]  }
0x2d: {  	s3 =	simm.s32 $0x108;
	s8 =	sld [smem:$0x3FA8]  }
0x2e: {  	s3 =	simm.s32 @!p0 $0x1082;
	s9 =	sld [smem:$0x3FA9]  }
0x2f: {  	lr =	sadd.s32 s0, s3;
	s0 =	sld [smem:$0x3FA0]  }
0x30: {  	s3 =	sld [smem:$0x3FA3]  }
0x31: {  	[smem:$0x3FAC] =	sst s10  }
0x32: {  	s10 =	sld [smem:$0x3FAA];
	_ =	sdelay $0x3  }
0x33: {  	p0 =	seq.s32 s10, $0x1;
	s10 =	sld [smem:$0x3FAC];
	_ =	sdelay $0x3  }
0x34: {  	[smem:$0x3FAC] =	sst s10  }
0x35: {  	s10 =	sld [smem:$0x3FAB];
	_ =	sdelay $0x3  }
0x36: {  	p1 =	seq.s32 s10, $0x1;
	s10 =	sld [smem:$0x3FAC];
	_ =	sdelay $0x3  }
0x37: {  	[smem:$0x3FAC] =	sst s10  }
0x38: {  	s10 =	sld [smem:$0x3FAD]  }
0x39: {  	_ = 	snop;
	(pc) =	sbr.ind lr, $3  }
0x3a: {  	_ = 	snop  }
0x3b: {  	_ = 	snop  }
0x3c: {  	p2 =	seq.s32 s10, $0x1;
	s10 =	sld [smem:$0x3FAC]  }
0x3d: {  	_ =	shalt  }
0x3e: {  	_ =	shalt  }
0x3f: {  	_ =	shalt  }
0x40: {  	_ =	shalt  }
0x41: {  	_ =	shalt  }
0x42: {  	_ =	shalt  }
0x43: {  	_ =	shalt  }
0x44: {  	_ =	shalt  }
0x45: {  	_ =	shalt  }
0x46: {  	_ =	shalt  }
0x47: {  	_ =	shalt  }
0x48: {  	_ =	shalt  }
0x49: {  	_ =	shalt  }
0x4a: {  	_ =	shalt  }
0x4b: {  	_ =	shalt  }
0x4c: {  	_ =	shalt  }
0x4d: {  	_ =	shalt  }
0x4e: {  	_ =	shalt  }
0x4f: {  	_ =	shalt  }
0x50: {  	_ =	shalt  }
0x51: {  	_ =	shalt  }
0x52: {  	_ =	shalt  }
0x53: {  	_ =	shalt  }
0x54: {  	_ =	shalt  }
0x55: {  	_ =	shalt  }
0x56: {  	_ =	shalt  }
0x57: {  	_ =	shalt  }
0x58: {  	_ =	shalt  }
0x59: {  	_ =	shalt  }
0x5a: {  	_ =	shalt  }
0x5b: {  	_ =	shalt  }
0x5c: {  	_ =	shalt  }
0x5d: {  	_ =	shalt  }
0x5e: {  	_ =	shalt  }
0x5f: {  	_ =	shalt  }
0x60: {  	_ =	shalt  }
0x61: {  	_ =	shalt  }
0x62: {  	_ =	shalt  }
0x63: {  	_ =	shalt  }
0x64: {  	_ =	shalt  }
0x65: {  	_ =	shalt  }
0x66: {  	_ =	shalt  }
0x67: {  	_ =	shalt  }
0x68: {  	_ =	shalt  }
0x69: {  	_ =	shalt  }
0x6a: {  	_ =	shalt  }
0x6b: {  	_ =	shalt  }
0x6c: {  	_ =	shalt  }
0x6d: {  	_ =	shalt  }
0x6e: {  	_ =	shalt  }
0x6f: {  	_ =	shalt  }
0x70: {  	_ =	shalt  }
0x71: {  	_ =	shalt  }
0x72: {  	_ =	shalt  }
0x73: {  	_ =	shalt  }
0x74: {  	_ =	shalt  }
0x75: {  	_ =	shalt  }
0x76: {  	_ =	shalt  }
0x77: {  	_ =	shalt  }
0x78: {  	_ =	shalt  }
0x79: {  	_ =	shalt  }
0x7a: {  	_ =	shalt  }
0x7b: {  	_ =	shalt  }
0x7c: {  	_ =	shalt  }
0x7d: {  	_ =	shalt  }
0x7e: {  	_ =	shalt  }
0x7f: {  	_ =	shalt  }
0x80: {  	_ =	shalt  }
0x81: {  	_ =	shalt  }
0x82: {  	_ =	shalt  }
0x83: {  	_ =	shalt  }
0x84: {  	_ =	shalt  }
0x85: {  	_ =	shalt  }
0x86: {  	_ =	shalt  }
0x87: {  	_ =	shalt  }
.Lfunc_end0:
.L_simem_size_0:
called_computation_lowered:
.L_overlay_start_0:
0x88: {  	s2 =	sld [smem:$0x3FD9]  }
0x89: {  	s3 =	sld [smem:$0x3FFE];
	_ =	sdelay $0x1  }
0x8a: {  	s1 =	srdreg.scid  }
0x8b: {  	s0 =	sand.u32 $0x1, s1  }
0x8c: {  	s17 =	sshll.u32 s0, $0xA;
	s2 =	sadd.s32 s3, s2  }
0x8d: {  	s2 =	sadd.s32 s2, s17  }
0x8e: {  	[smem:$0x3FB8] =	sst s2  }
0x8f: {  	_ = 	snop  }
0x90: {  	s2 =	sld [smem:$0x3FD0];
	(tm) =	ssettm $0x1  }
0x91: {  	s18 =	sld [smem:$0x3FFB];
	_ =	sdelay $0x3  }
0x92: {  	_ =	strace s18  }
0x93: {  	s3 =	sld [smem:$0x3FFC];
	_ =	sdelay $0x3  }
0x94: {  	_ =	strace s3  }
0x95: {  	s3 =	sld [smem:$0x3FFD];
	_ =	sdelay $0x3  }
0x96: {  	_ =	strace s3  }
0x97: {  	_ =	strace $0x8FFFFFFF  }
0x98: {  	s19 =	sld [smem:$0x3FDB];
	_ =	sdelay $0x1  }
0x99: {  	s4 =	simm.s32 $_scs_section_size  }
0x9a: {  	s5 =	simm.s32 $_size__tile_overlayer_lowered;
	s6 =	simm.s32 $_tile_overlayer_lowered  }
0x9b: {  	s22 =	simm.s32 $0x1BFF;
	s21 =	sshll.u32 s6, $0x1;
	s3 =	sadd.s32 s4, s19  }
0x9c: {  	s7 =	simm.s32 $0x0;
	s20 =	sshll.u32 s5, $0x1;
	s5 =	sadd.s32 s21, s3  }
0x9d: {  	[timem:s7], [sflag:s22] =	dma.local [hbm:s5], s20  }
0x9e: {  	_ =	swait.ge [sflag:s22], s20  }
0x9f: {  	s4 =	ssub.s32 $0x0, s20;
	[sflag:s22] =	ssyncset.done $0x0  }
0xa0: {  	[sflag:s22] =	ssyncadd.s32 s4;
	_ =	sdelay $0x1  }
0xa1: {  	s23 =	simm.s32 $0x1B8B  }
0xa2: {  	_ =	swait.ge [sflag:s23], $0x1  }
0xa3: {  	[sflag:s23] =	ssyncset.done $0x0  }
0xa4: {  	s25 =	simm.s32 $0x1B8E;
	s24 =	sld [smem:$0x3FFE];
	[sflag:s23] =	ssyncadd.s32 $0xFFFFFFFF  }
0xa5: {  	s26 =	simm.s32 $execute0_lowered;
	[smem:$0x3FD2] =	sst s25  }
0xa6: {  	s5 =	sshll.u32 s26, $0x1;
	_ =	strace $0x80000046;
	[dreg:$0x1] =	wrdreg $0xFFFFFFFF  }
0xa7: {  	s28 =	simm.s32 $_size_execute0_lowered;
	s3 =	sadd.s32 s3, s5;
	[dreg:$0x0] =	wrdreg $0x0  }
0xa8: {  	s5 =	sshll.u32 s28, $0x1;
	[dreg:$0x2] =	wrdreg s3  }
0xa9: {  	[dreg:$0x3] =	wrdreg s5  }
0xaa: {  	[dreg:$0x4] =	wrdreg $0xC0  }
0xab: {  	_ =	task [dreg:s7], $0x5FFFF  }
0xac: {  	[dreg:$0x1] =	wrdreg $0xFFFFFFFF  }
0xad: {  	[dreg:$0x0] =	wrdreg $0x60  }
0xae: {  	[dreg:$0x2] =	wrdreg s24  }
0xaf: {  	[dreg:$0x3] =	wrdreg s2  }
0xb0: {  	[dreg:$0x4] =	wrdreg $0x0  }
0xb1: {  	[dreg:$0x5] =	wrdreg $0x9  }
0xb2: {  	_ =	task.clear_ibuf [dreg:s7], $0x6FFFF;
	_ =	strace $0x90000046  }
0xb3: {  	s29 =	simm.s32 $0x9;
	_ =	strace $0x80000048  }
0xb4: {  	_ =	swait.ge [sflag:s29], $0x1  }
0xb5: {  	[sflag:s29] =	ssyncadd.s32 $0xFFFFFFFF  }
0xb6: {  	_ =	strace $0x90000048  }
0xb7: {  	_ =	sfence  }
0xb8: {  	s30 =	sld [smem:$0x0];
	_ =	sdelay $0x2  }
0xb9: {  	s31 =	sshll.u32 s1, $0xD;
	s1 =	sshrl.u32 s1, $0x2  }
0xba: {  	s3 =	sand.u32 $0x4000, s31;
	s1 =	sadd.s32 s1, s30  }
0xbb: {  	s0 =	sor.u32 s3, s0;
	s1 =	sshll.u32 s1, $0x11  }
0xbc: {  	s0 =	sor.u32 s1, s0  }
0xbd: {  	s0 =	sadd.s32 $0x8F2B, s0  }
0xbe: {  	[sflag:s0] =	ssyncadd.remote.s32 $0x1  }
0xbf: {  	_ =	sfence.sel $0xFFFF  }
0xc0: {  	[dreg:$0x0] =	wrdreg $0xFFFFFFFF;
	(pc) =	sbr.abs _section_cstart, $3  }
0xc1: {  	[dreg:$0x1] =	wrdreg $0xFFFFFFFF  }
0xc2: {  	_ =	task.clear_ibuf [dreg:s7], $0x2FFFF;
	_ =	strace $0x9FFFFFFF  }
0xc3: {  	(tm) =	ssettm $0x7FFFFFFF  }
tec
execute0_lowered:
.L_overlay_start_1:
0x0: {  	(tag) =	ssettag $0x1  }
0x1: {  	s7 =	rddreg [dreg:$0x0]  }
0x2: {  	s1 =	rddreg [dreg:$0x1]  }
0x3: {  	s2 =	rddreg [dreg:$0x2]  }
0x4: {  	s0 =	rddreg [dreg:$0x3]  }
0x5: {  	s3 =	simm.s32 $0x0;
	s5 =	srdreg.scid;
	s25 =	stileid.u32  }
0x6: {  	s18 =	simm.s32 $0x2;
	s20 =	simm.s32 $0x138C0;
	s21 =	simm.s32 $0x14CC0  }
0x7: {  	s22 =	simm.s32 $0x80;
	s23 =	simm.s32 $0x160C0;
	s24 =	simm.s32 $0x1  }
0x8: {  	[smem:$0x7FF] =	sst s3;
	s11 =	sadd.s32 $0x30A00, s7;
	s13 =	smul.u32 $0x4E000, s25  }
0x9: {  	s12 =	sadd.s32 $0x2BA00, s7;
	s4 =	sadd.s32 $0x35A00, s7;
	s28 =	smul.u32 $0x2800, s25  }
0xa: {  	s8 =	sand.u32 $0x1, s5;
	s5 =	sadd.s32 $0x4800, s7;
	s30 =	smul.u32 $0x500, s25  }
0xb: {  	s6 =	sadd.s32 $0x38200, s7;
	s7 =	sadd.s32 $0x5F400, s7;
	s14 =	smul.u32 $0x2700, s25  }
0xc: {  	s16 =	sshll.u32 s25, $0x6;
	p1 =	sne.s32 s25, $0x0;
	p2 =	seq.s32 s25, $0x0  }
0xd: {  	_ =	strace $0x80000047;
	s9 =	ssub.s32 $0x2, s8;
	p0 =	seq.s32 s8, $0x1  }
0xe: {  	s8 =	sadd.s32 $0x138000, s2;
	s16 =	sor.u32 $0x1C02, s16;
	s10 =	sshrl.u32 s9, $0x1  }
.Ltmp0:
0xf: {  	s29 =	sshrl.u32 s13, $0x2;
	s31 =	sshrl.u32 s28, $0x3;
	(pc) =	sbr.rel .LBB2_1-.Ltmp0, $4  }
0x10: {  	s19 =	sshrl.u32 @!p1 s8, $0x3;
	s15 =	ssub.s32 s9, s10;
	s17 =	sadd.s32 s29, s2  }
0x11: {  	s9 =	sadd.s32 s11, s30;
	s13 =	sadd.s32 $0x280, s31;
	s10 =	sadd.s32 s12, s30  }
0x12: {  	s11 =	sadd.s32 s11, s13;
	s12 =	sadd.s32 s12, s13;
	s13 =	sadd.s32 s6, s14  }
0x13: {  	s14 =	sadd.s32 s7, s14;
	s15 =	smax.u32 s15, $0x1;
	s17 =	sshrl.u32 s17, $0x3  }
.LBB2_12:
0x14: {  	s25 =	sadd.s32 $0x27000, s25;
	s26 =	sshrl.u32 s8, $0x3  }
0x15: {  	[hbm:s25], [sflag:s16] =	dma.local [spmem:s26], $0x100  }
0x16: {  	_ =	swait.ge [sflag:s18], $0x100  }
0x17: {  	[sflag:s18] =	ssyncset.done $0x0  }
0x18: {  	[sflag:s18] =	ssyncadd.s32 $0xFFFFFF00  }
.LBB2_13:
0x19: {  	s3 =	sadd.s32 $0x1, s3  }
0x1a: {  	p3 =	sne.s32 s3, s15  }
.Ltmp1:
0x1b: {  	_ = 	snop;
	(pc) =	sbr.rel @!p3 .LBB2_14-.Ltmp1, $1  }
0x1c: {  	_ =	sdelay $0x3  }
.LBB2_1:
.Ltmp2:
0x1d: {  	(pc) =	sbr.rel @!p0 .LBB2_2-.Ltmp2, $4  }
0x1e: {  	[spmem:s17], [sflag:s16] =	dma.local [hbm:s4], $0x2700  }
0x1f: {  	_ =	swait.ge [sflag:s18], $0x2700  }
0x20: {  	[sflag:s18] =	ssyncset.done $0x0  }
0x21: {  	[sflag:s18] =	ssyncadd.s32 $0xFFFFD900  }
0x22: {  	[spmem:s19], [sflag:s16] =	dma.local @!p1 [hbm:s4], $0x180  }
0x23: {  	s25 =	simm.s32 @!p1 $0x2  }
0x24: {  	_ =	swait.ge @!p1 [sflag:s25], $0x180  }
0x25: {  	[sflag:s25] =	ssyncset.done @!p1 $0x0  }
0x26: {  	[sflag:s25] =	ssyncadd.s32 @!p1 $0xFFFFFE80  }
0x27: {  	s29 =	simm.s32 $0x0;
	[bflag:$0x0] =	sbarrier.arrive $0xFFFF  }
0x28: {  	[tilespmem:s20], [sflag:$0x2] =	stream.linear.gather [hbm4b:s9+s29], $0x1400, $0x38;
	[tilespmem:$0x1A0C0] =	vst v63  }
0x29: {  	_ =	swait.ge [sflag:s18], $0x1400  }
0x2a: {  	[sflag:s18] =	ssyncset.done $0x0  }
0x2b: {  	[sflag:s18] =	ssyncadd.s32 $0xFFFFEC00  }
0x2c: {  	[tilespmem:s21], [sflag:$0x2] =	stream.linear.gather [hbm4b:s10+s29], $0x1400, $0x38;
	[tilespmem:$0x1A0C0] =	vst v63  }
0x2d: {  	_ =	swait.ge [sflag:s18], $0x1400  }
0x2e: {  	[sflag:s18] =	ssyncset.done $0x0  }
0x2f: {  	s30 =	simm.s32 $0x138C0;
	[sflag:s18] =	ssyncadd.s32 $0xFFFFEC00  }
0x30: {  	[tilespmem:s23], [sflag:$0x1] =	stream.indirect.gather [hbm4b:s1+s22], $0x80, s30, s22, $0xb8;
	[tilespmem:$0x1A0C0] =	vst v63  }
0x31: {  	_ =	swait.ge [sflag:s24], $0x4000  }
0x32: {  	[sflag:s24] =	ssyncset.done $0x0  }
0x33: {  	s31 =	simm.s32 $0x14CC0;
	[sflag:s24] =	ssyncadd.s32 $0xFFFFC000  }
0x34: {  	[spmem:s2] =	stream.indirect.scatter.add.f32 [tilespmem:s23], [sflag:$0x2], $0x80, s31, s22, $0xb8;
	[tilespmem:$0x1A0C0] =	vst v63  }
0x35: {  	_ =	swait.ge [sflag:s18], $0x4000  }
0x36: {  	s26 =	simm.s32 $0x400;
	s25 =	simm.s32 $0x80;
	[sflag:s18] =	ssyncset.done $0x0  }
.LBB2_8:
0x37: {  	s28 =	sadd.s32 $0x138C0, s25  }
0x38: {  	[sflag:s18] =	ssyncadd.s32 $0xFFFFC000;
	s29 =	smov.u32 s26;
	s30 =	sadd.s32 $0x200, s26  }
0x39: {  	[tilespmem:s23], [sflag:$0x1] =	stream.indirect.gather [hbm4b:s1+s22], $0x80, s28, s22, $0xb8;
	[tilespmem:$0x1A0C0] =	vst v63  }
0x3a: {  	p3 =	sne.s32 s26, $0x4E00;
	_ =	swait.ge [sflag:s24], $0x4000  }
.Ltmp3:
0x3b: {  	[sflag:s24] =	ssyncset.done $0x0;
	(pc) =	sbr.rel @p3 .LBB2_8-.Ltmp3, $4  }
0x3c: {  	s25 =	sadd.s32 $0x14CC0, s25;
	[sflag:s24] =	ssyncadd.s32 $0xFFFFC000  }
0x3d: {  	[spmem:s2] =	stream.indirect.scatter.add.f32 [tilespmem:s23], [sflag:$0x2], $0x80, s25, s22, $0xb8;
	[tilespmem:$0x1A0C0] =	vst v63  }
0x3e: {  	_ =	swait.ge [sflag:s18], $0x4000  }
0x3f: {  	s26 =	smov.u32 s30;
	s25 =	sshra.s32 s29, $0x2;
	[sflag:s18] =	ssyncset.done $0x0  }
0x40: {  	s26 =	sadd.s32 $0x138C0, s25;
	[sflag:s18] =	ssyncadd.s32 $0xFFFFC000  }
0x41: {  	[tilespmem:s23], [sflag:$0x1] =	stream.indirect.gather [hbm4b:s1+s22], $0x80, s26, s22, $0xb8;
	[tilespmem:$0x1A0C0] =	vst v63  }
0x42: {  	_ =	swait.ge [sflag:s24], $0x4000  }
0x43: {  	[sflag:s24] =	ssyncset.done $0x0  }
0x44: {  	s28 =	sadd.s32 $0x14CC0, s25;
	[sflag:s24] =	ssyncadd.s32 $0xFFFFC000  }
0x45: {  	[spmem:s2] =	stream.indirect.scatter.add.f32 [tilespmem:s23], [sflag:$0x2], $0x80, s28, s22, $0xb8;
	[tilespmem:$0x1A0C0] =	vst v63  }
0x46: {  	_ =	swait.ge [sflag:s18], $0x4000  }
0x47: {  	[sflag:s18] =	ssyncset.done $0x0  }
0x48: {  	s29 =	simm.s32 $0x0;
	[sflag:s18] =	ssyncadd.s32 $0xFFFFC000  }
0x49: {  	[tilespmem:s20], [sflag:$0x2] =	stream.linear.gather [hbm4b:s11+s29], $0x1400, $0x38;
	[tilespmem:$0x1A0C0] =	vst v63  }
0x4a: {  	_ =	swait.ge [sflag:s18], $0x1400  }
0x4b: {  	[sflag:s18] =	ssyncset.done $0x0  }
0x4c: {  	[sflag:s18] =	ssyncadd.s32 $0xFFFFEC00  }
0x4d: {  	[tilespmem:s21], [sflag:$0x2] =	stream.linear.gather [hbm4b:s12+s29], $0x1400, $0x38;
	[tilespmem:$0x1A0C0] =	vst v63  }
0x4e: {  	_ =	swait.ge [sflag:s18], $0x1400  }
0x4f: {  	[sflag:s18] =	ssyncset.done $0x0  }
0x50: {  	s30 =	simm.s32 $0x138C0;
	[sflag:s18] =	ssyncadd.s32 $0xFFFFEC00  }
0x51: {  	[tilespmem:s23], [sflag:$0x1] =	stream.indirect.gather [hbm4b:s1+s22], $0x80, s30, s22, $0xb8;
	[tilespmem:$0x1A0C0] =	vst v63  }
0x52: {  	_ =	swait.ge [sflag:s24], $0x4000  }
0x53: {  	[sflag:s24] =	ssyncset.done $0x0  }
0x54: {  	s31 =	simm.s32 $0x14CC0;
	[sflag:s24] =	ssyncadd.s32 $0xFFFFC000  }
0x55: {  	[spmem:s2] =	stream.indirect.scatter.add.f32 [tilespmem:s23], [sflag:$0x2], $0x80, s31, s22, $0xb8;
	[tilespmem:$0x1A0C0] =	vst v63  }
0x56: {  	_ =	swait.ge [sflag:s18], $0x4000  }
0x57: {  	s25 =	simm.s32 $0x80;
	s26 =	simm.s32 $0x400;
	[sflag:s18] =	ssyncset.done $0x0  }
.LBB2_10:
0x58: {  	s28 =	sadd.s32 $0x138C0, s25  }
0x59: {  	[sflag:s18] =	ssyncadd.s32 $0xFFFFC000;
	s29 =	smov.u32 s26;
	s30 =	sadd.s32 $0x200, s26  }
0x5a: {  	[tilespmem:s23], [sflag:$0x1] =	stream.indirect.gather [hbm4b:s1+s22], $0x80, s28, s22, $0xb8;
	[tilespmem:$0x1A0C0] =	vst v63  }
0x5b: {  	p3 =	sne.s32 s26, $0x4E00;
	_ =	swait.ge [sflag:s24], $0x4000  }
.Ltmp4:
0x5c: {  	[sflag:s24] =	ssyncset.done $0x0;
	(pc) =	sbr.rel @p3 .LBB2_10-.Ltmp4, $4  }
0x5d: {  	s25 =	sadd.s32 $0x14CC0, s25;
	[sflag:s24] =	ssyncadd.s32 $0xFFFFC000  }
0x5e: {  	[spmem:s2] =	stream.indirect.scatter.add.f32 [tilespmem:s23], [sflag:$0x2], $0x80, s25, s22, $0xb8;
	[tilespmem:$0x1A0C0] =	vst v63  }
0x5f: {  	_ =	swait.ge [sflag:s18], $0x4000  }
0x60: {  	s26 =	smov.u32 s30;
	s25 =	sshra.s32 s29, $0x2;
	[sflag:s18] =	ssyncset.done $0x0  }
0x61: {  	s26 =	sadd.s32 $0x138C0, s25;
	[sflag:s18] =	ssyncadd.s32 $0xFFFFC000  }
0x62: {  	[tilespmem:s23], [sflag:$0x1] =	stream.indirect.gather [hbm4b:s1+s22], $0x80, s26, s22, $0xb8;
	[tilespmem:$0x1A0C0] =	vst v63  }
0x63: {  	_ =	swait.ge [sflag:s24], $0x4000  }
0x64: {  	[sflag:s24] =	ssyncset.done $0x0  }
0x65: {  	s31 =	sadd.s32 $0x14CC0, s25;
	[sflag:s24] =	ssyncadd.s32 $0xFFFFC000  }
0x66: {  	[spmem:s2] =	stream.indirect.scatter.add.f32 [tilespmem:s23], [sflag:$0x2], $0x80, s31, s22, $0xb8;
	[tilespmem:$0x1A0C0] =	vst v63  }
0x67: {  	_ =	swait.ge [sflag:s18], $0x4000  }
0x68: {  	[sflag:s18] =	ssyncset.done $0x0  }
0x69: {  	[sflag:s18] =	ssyncadd.s32 $0xFFFFC000  }
0x6a: {  	[bflag:$0x0] =	sbarrier.arrive $0xFFFF  }
0x6b: {  	[hbm:s14], [sflag:s16] =	dma.local [spmem:s17], $0x2700  }
.Ltmp5:
0x6c: {  	_ = 	snop;
	(pc) =	sbr.rel @p1 .LBB2_13-.Ltmp5, $4  }
.Ltmp6:
0x6d: {  	_ = 	snop;
	(pc) =	sbr.rel @!p1 .LBB2_12-.Ltmp6, $4  }
0x6e: {  	_ =	swait.ge [sflag:s18], $0x2700  }
0x6f: {  	[sflag:s18] =	ssyncset.done $0x0  }
0x70: {  	s25 =	smov.u32 s7;
	[sflag:s18] =	ssyncadd.s32 $0xFFFFD900  }
0x71: {  	_ = 	snop  }
.LBB2_2:
0x72: {  	[spmem:s19], [sflag:s16] =	dma.local @!p1 [hbm:s4], $0x180  }
0x73: {  	s25 =	simm.s32 @!p1 $0x2  }
0x74: {  	_ =	swait.ge @!p1 [sflag:s25], $0x180  }
0x75: {  	[sflag:s25] =	ssyncset.done @!p1 $0x0  }
0x76: {  	[sflag:s25] =	ssyncadd.s32 @!p1 $0xFFFFFE80  }
0x77: {  	s29 =	simm.s32 $0x0;
	[bflag:$0x0] =	sbarrier.arrive $0xFFFF  }
0x78: {  	[tilespmem:s20], [sflag:$0x2] =	stream.linear.gather [hbm4b:s9+s29], $0x1400, $0x38;
	[tilespmem:$0x1A0C0] =	vst v63  }
0x79: {  	_ =	swait.ge [sflag:s18], $0x1400  }
0x7a: {  	[sflag:s18] =	ssyncset.done $0x0  }
0x7b: {  	[sflag:s18] =	ssyncadd.s32 $0xFFFFEC00  }
0x7c: {  	[tilespmem:s21], [sflag:$0x2] =	stream.linear.gather [hbm4b:s10+s29], $0x1400, $0x38;
	[tilespmem:$0x1A0C0] =	vst v63  }
0x7d: {  	_ =	swait.ge [sflag:s18], $0x1400  }
0x7e: {  	[sflag:s18] =	ssyncset.done $0x0  }
0x7f: {  	s30 =	simm.s32 $0x138C0;
	[sflag:s18] =	ssyncadd.s32 $0xFFFFEC00  }
0x80: {  	[tilespmem:s23], [sflag:$0x1] =	stream.indirect.gather [hbm4b:s5+s22], $0x80, s30, s22, $0xb8;
	[tilespmem:$0x1A0C0] =	vst v63  }
0x81: {  	_ =	swait.ge [sflag:s24], $0x4000  }
0x82: {  	[sflag:s24] =	ssyncset.done $0x0  }
0x83: {  	s31 =	simm.s32 $0x14CC0;
	[sflag:s24] =	ssyncadd.s32 $0xFFFFC000  }
0x84: {  	[spmem:s2] =	stream.indirect.scatter.add.f32 [tilespmem:s23], [sflag:$0x2], $0x80, s31, s22, $0xb8;
	[tilespmem:$0x1A0C0] =	vst v63  }
0x85: {  	_ =	swait.ge [sflag:s18], $0x4000  }
0x86: {  	s26 =	simm.s32 $0x400;
	s25 =	simm.s32 $0x80;
	[sflag:s18] =	ssyncset.done $0x0  }
.LBB2_3:
0x87: {  	s28 =	sadd.s32 $0x138C0, s25  }
0x88: {  	[sflag:s18] =	ssyncadd.s32 $0xFFFFC000;
	s29 =	smov.u32 s26;
	s30 =	sadd.s32 $0x200, s26  }
0x89: {  	[tilespmem:s23], [sflag:$0x1] =	stream.indirect.gather [hbm4b:s5+s22], $0x80, s28, s22, $0xb8;
	[tilespmem:$0x1A0C0] =	vst v63  }
0x8a: {  	p3 =	sne.s32 s26, $0x4E00;
	_ =	swait.ge [sflag:s24], $0x4000  }
.Ltmp7:
0x8b: {  	[sflag:s24] =	ssyncset.done $0x0;
	(pc) =	sbr.rel @p3 .LBB2_3-.Ltmp7, $4  }
0x8c: {  	s25 =	sadd.s32 $0x14CC0, s25;
	[sflag:s24] =	ssyncadd.s32 $0xFFFFC000  }
0x8d: {  	[spmem:s2] =	stream.indirect.scatter.add.f32 [tilespmem:s23], [sflag:$0x2], $0x80, s25, s22, $0xb8;
	[tilespmem:$0x1A0C0] =	vst v63  }
0x8e: {  	_ =	swait.ge [sflag:s18], $0x4000  }
0x8f: {  	s26 =	smov.u32 s30;
	s25 =	sshra.s32 s29, $0x2;
	[sflag:s18] =	ssyncset.done $0x0  }
0x90: {  	s26 =	sadd.s32 $0x138C0, s25;
	[sflag:s18] =	ssyncadd.s32 $0xFFFFC000  }
0x91: {  	[tilespmem:s23], [sflag:$0x1] =	stream.indirect.gather [hbm4b:s5+s22], $0x80, s26, s22, $0xb8;
	[tilespmem:$0x1A0C0] =	vst v63  }
0x92: {  	_ =	swait.ge [sflag:s24], $0x4000  }
0x93: {  	[sflag:s24] =	ssyncset.done $0x0  }
0x94: {  	s28 =	sadd.s32 $0x14CC0, s25;
	[sflag:s24] =	ssyncadd.s32 $0xFFFFC000  }
0x95: {  	[spmem:s2] =	stream.indirect.scatter.add.f32 [tilespmem:s23], [sflag:$0x2], $0x80, s28, s22, $0xb8;
	[tilespmem:$0x1A0C0] =	vst v63  }
0x96: {  	_ =	swait.ge [sflag:s18], $0x4000  }
0x97: {  	[sflag:s18] =	ssyncset.done $0x0  }
0x98: {  	s29 =	simm.s32 $0x0;
	[sflag:s18] =	ssyncadd.s32 $0xFFFFC000  }
0x99: {  	[tilespmem:s20], [sflag:$0x2] =	stream.linear.gather [hbm4b:s11+s29], $0x1400, $0x38;
	[tilespmem:$0x1A0C0] =	vst v63  }
0x9a: {  	_ =	swait.ge [sflag:s18], $0x1400  }
0x9b: {  	[sflag:s18] =	ssyncset.done $0x0  }
0x9c: {  	[sflag:s18] =	ssyncadd.s32 $0xFFFFEC00  }
0x9d: {  	[tilespmem:s21], [sflag:$0x2] =	stream.linear.gather [hbm4b:s12+s29], $0x1400, $0x38;
	[tilespmem:$0x1A0C0] =	vst v63  }
0x9e: {  	_ =	swait.ge [sflag:s18], $0x1400  }
0x9f: {  	[sflag:s18] =	ssyncset.done $0x0  }
0xa0: {  	s30 =	simm.s32 $0x138C0;
	[sflag:s18] =	ssyncadd.s32 $0xFFFFEC00  }
0xa1: {  	[tilespmem:s23], [sflag:$0x1] =	stream.indirect.gather [hbm4b:s5+s22], $0x80, s30, s22, $0xb8;
	[tilespmem:$0x1A0C0] =	vst v63  }
0xa2: {  	_ =	swait.ge [sflag:s24], $0x4000  }
0xa3: {  	[sflag:s24] =	ssyncset.done $0x0  }
0xa4: {  	s31 =	simm.s32 $0x14CC0;
	[sflag:s24] =	ssyncadd.s32 $0xFFFFC000  }
0xa5: {  	[spmem:s2] =	stream.indirect.scatter.add.f32 [tilespmem:s23], [sflag:$0x2], $0x80, s31, s22, $0xb8;
	[tilespmem:$0x1A0C0] =	vst v63  }
0xa6: {  	_ =	swait.ge [sflag:s18], $0x4000  }
0xa7: {  	s25 =	simm.s32 $0x80;
	s26 =	simm.s32 $0x400;
	[sflag:s18] =	ssyncset.done $0x0  }
.LBB2_5:
0xa8: {  	s28 =	sadd.s32 $0x138C0, s25  }
0xa9: {  	[sflag:s18] =	ssyncadd.s32 $0xFFFFC000;
	s29 =	smov.u32 s26;
	s30 =	sadd.s32 $0x200, s26  }
0xaa: {  	[tilespmem:s23], [sflag:$0x1] =	stream.indirect.gather [hbm4b:s5+s22], $0x80, s28, s22, $0xb8;
	[tilespmem:$0x1A0C0] =	vst v63  }
0xab: {  	p3 =	sne.s32 s26, $0x4E00;
	_ =	swait.ge [sflag:s24], $0x4000  }
.Ltmp8:
0xac: {  	[sflag:s24] =	ssyncset.done $0x0;
	(pc) =	sbr.rel @p3 .LBB2_5-.Ltmp8, $4  }
0xad: {  	s25 =	sadd.s32 $0x14CC0, s25;
	[sflag:s24] =	ssyncadd.s32 $0xFFFFC000  }
0xae: {  	[spmem:s2] =	stream.indirect.scatter.add.f32 [tilespmem:s23], [sflag:$0x2], $0x80, s25, s22, $0xb8;
	[tilespmem:$0x1A0C0] =	vst v63  }
0xaf: {  	_ =	swait.ge [sflag:s18], $0x4000  }
0xb0: {  	s26 =	smov.u32 s30;
	s25 =	sshra.s32 s29, $0x2;
	[sflag:s18] =	ssyncset.done $0x0  }
0xb1: {  	s26 =	sadd.s32 $0x138C0, s25;
	[sflag:s18] =	ssyncadd.s32 $0xFFFFC000  }
0xb2: {  	[tilespmem:s23], [sflag:$0x1] =	stream.indirect.gather [hbm4b:s5+s22], $0x80, s26, s22, $0xb8;
	[tilespmem:$0x1A0C0] =	vst v63  }
0xb3: {  	_ =	swait.ge [sflag:s24], $0x4000  }
0xb4: {  	[sflag:s24] =	ssyncset.done $0x0  }
0xb5: {  	s31 =	sadd.s32 $0x14CC0, s25;
	[sflag:s24] =	ssyncadd.s32 $0xFFFFC000  }
0xb6: {  	[spmem:s2] =	stream.indirect.scatter.add.f32 [tilespmem:s23], [sflag:$0x2], $0x80, s31, s22, $0xb8;
	[tilespmem:$0x1A0C0] =	vst v63  }
0xb7: {  	_ =	swait.ge [sflag:s18], $0x4000  }
0xb8: {  	[sflag:s18] =	ssyncset.done $0x0  }
0xb9: {  	[sflag:s18] =	ssyncadd.s32 $0xFFFFC000  }
0xba: {  	[bflag:$0x0] =	sbarrier.arrive $0xFFFF  }
0xbb: {  	[hbm:s13], [sflag:s16] =	dma.local [spmem:s17], $0x2700  }
.Ltmp9:
0xbc: {  	_ = 	snop;
	(pc) =	sbr.rel @!p2 .LBB2_13-.Ltmp9, $4  }
.Ltmp10:
0xbd: {  	_ = 	snop;
	(pc) =	sbr.rel @p2 .LBB2_12-.Ltmp10, $4  }
0xbe: {  	_ =	swait.ge [sflag:s18], $0x2700  }
0xbf: {  	[sflag:s18] =	ssyncset.done $0x0  }
0xc0: {  	s25 =	smov.u32 s6;
	[sflag:s18] =	ssyncadd.s32 $0xFFFFD900  }
0xc1: {  	_ = 	snop  }
.LBB2_14:
0xc2: {  	_ =	sfence.sel $0x180000  }
0xc3: {  	[bflag:$0x0] =	sbarrier.arrive $0xFFFF  }
0xc4: {  	_ =	strace $0x90000047  }
0xc5: {  	s0 =	sadd.s32 @!p1 $0x100000, s0;
	[bflag:$0x2] =	sbarrier.arrive $0xFFFF  }
0xc6: {  	[sflag:s0] =	ssyncadd.tile.s32 @!p1 $0x1;
	_ =	shalt  }
.Lfunc_end2:
_tile_overlayer_lowered:
.L_overlay_start_2:
0xc7: {  	(tag) =	ssettag $0x2  }
0xc8: {  	s0 =	rddreg [dreg:$0x0];
	s2 =	stileid.u32  }
0xc9: {  	s1 =	rddreg [dreg:$0x1];
	p0 =	sne.s32 s2, $0x0  }
0xca: {  	s3 =	rddreg [dreg:$0x2];
	[bflag:$0x3] =	sbarrier.arrive $0xFFFF;
	s2 =	simm.s32 @!p0 $0x1C02  }
0xcb: {  	[timem:s3], [sflag:s2] =	dma.local @!p0 [hbm:s0], s1  }
0xcc: {  	s0 =	simm.s32 @!p0 $0x2  }
0xcd: {  	_ =	swait.ge @!p0 [sflag:s0], s1  }
0xce: {  	s1 =	ssub.s32 @!p0 $0x0, s1;
	[sflag:s0] =	ssyncset.done @!p0 $0x0  }
0xcf: {  	[sflag:s0] =	ssyncadd.s32 @!p0 s1  }
0xd0: {  	[bflag:$0x3] =	sbarrier.arrive $0xFFFF  }
0xd1: {  	_ =	shalt  }

</sc_bundles>
